<compile_context>
chip_gen: v7x
topology: tpu7x:2x2x1
jax: 0.10.2.dev20260603
libtpu: 0.0.44.dev20260713+nightly
codegen_flags: <defaults>
</compile_context>

<pallas_src>
import functools

import jax
import jax.numpy as jnp
from jax import lax
from jax.experimental import pallas as pl
from jax.experimental.pallas import tpu as pltpu
from jax.experimental.pallas import tpu_sc as plsc

B = 16384
EMB = 64
NW = 32
BPW = B // NW
CHUNK = 128
NCH = BPW // CHUNK

WAVE = 16
NWAVE = BPW // WAVE

_SMALL = ((2, 2), (5, 5), (3, 3), (4, 4), (4, 4), (4, 4))

BLK = 2048


def _gather0_body(idx0, t0, g0, iv0, st, ov, sem):
    c = lax.axis_index("c")
    s = lax.axis_index("s")
    wid = s * 2 + c
    base = wid * BPW
    pltpu.sync_copy(idx0.at[pl.ds(wid * NCH, NCH)], iv0)

    def issue(w, buf):
        b0 = w * WAVE
        kv = iv0[b0 // CHUNK, pl.ds(b0 % CHUNK, 16)]
        cps = []
        for u in range(WAVE):
            k = kv[u]
            cs = pl.multiple_of((k >> 3) << 3, 8)
            cps.append(
                pltpu.async_copy(t0.at[pl.ds(cs, 8), :], st.at[buf, u], sem))
        return kv, cps

    def extract(w, buf, kv, cps):
        b0 = w * WAVE
        for cp in cps:
            cp.wait()
        for u in range(WAVE):
            r = kv[u] & 7
            for q in range(4):
                ov[b0 + u, pl.ds(q * 16, 16)] = st[buf, u, r, pl.ds(q * 16, 16)]

    def pair(i, carry):
        kva, cpa = issue(2 * i, 0)
        kvb, cpb = issue(2 * i + 1, 1)
        extract(2 * i, 0, kva, cpa)
        extract(2 * i + 1, 1, kvb, cpb)
        return carry

    lax.fori_loop(0, NWAVE // 2, pair, 0)
    pltpu.sync_copy(ov, g0.at[pl.ds(base, BPW)])


@functools.lru_cache(maxsize=1)
def _gather0():
    return pl.kernel(
        _gather0_body,
        mesh=plsc.VectorSubcoreMesh(core_axis_name="c", subcore_axis_name="s"),
        out_type=jax.ShapeDtypeStruct((B, EMB), jnp.float32),
        scratch_types=[
            pltpu.VMEM((NCH, CHUNK), jnp.int32),
            pltpu.VMEM((2, WAVE, 8, EMB), jnp.float32),
            pltpu.VMEM((BPW, EMB), jnp.float32),
            pltpu.SemaphoreType.DMA,
        ],
        compiler_params=pltpu.CompilerParams(use_tc_tiling_on_sc=True),
    )


def _gather12_body(idx1, idx2, t1, t2, g1, g2, iv1, iv2, rv1, rv2, sem):
    c = lax.axis_index("c")
    s = lax.axis_index("s")
    wid = s * 2 + c
    base = wid * BPW
    for ih, iv in ((idx1, iv1), (idx2, iv2)):
        pltpu.sync_copy(ih.at[pl.ds(wid * NCH, NCH)], iv)
    cps = []
    for iv, t, rv in ((iv1, t1, rv1), (iv2, t2, rv2)):
        for j in range(NCH):
            cps.append(
                pltpu.async_copy(t.at[iv.at[j]],
                                 rv.at[pl.ds(j * CHUNK, CHUNK)], sem))
    for cp in cps:
        cp.wait()
    for rv, g in ((rv1, g1), (rv2, g2)):
        pltpu.sync_copy(rv, g.at[pl.ds(base, BPW)])


@functools.lru_cache(maxsize=1)
def _gather12():
    return pl.kernel(
        _gather12_body,
        mesh=plsc.VectorSubcoreMesh(core_axis_name="c", subcore_axis_name="s"),
        out_type=[jax.ShapeDtypeStruct((B, EMB), jnp.float32)] * 2,
        scratch_types=[
            pltpu.VMEM((NCH, CHUNK), jnp.int32),
            pltpu.VMEM((NCH, CHUNK), jnp.int32),
            pltpu.VMEM((BPW, EMB), jnp.float32),
            pltpu.VMEM((BPW, EMB), jnp.float32),
            pltpu.SemaphoreType.DMA,
        ],
        compiler_params=pltpu.CompilerParams(use_tc_tiling_on_sc=False),
    )


def _mlp_body(x_ref, g0_ref, g1_ref, g2_ref, t3, t4, t5, t6, t7, t8,
              w1_ref, b1_ref, w2_ref, b2_ref, out_ref):
    f32 = jnp.float32
    x = x_ref[...]
    acc = jnp.dot(g0_ref[...], w1_ref[0:64, :], preferred_element_type=f32)
    acc += jnp.dot(g1_ref[...], w1_ref[64:128, :], preferred_element_type=f32)
    acc += jnp.dot(g2_ref[...], w1_ref[128:192, :], preferred_element_type=f32)
    off = 192
    for k, t_ref in enumerate((t3, t4, t5, t6, t7, t8)):
        vocab, d = _SMALL[k]
        idx = x[:, 3 + k].astype(jnp.int32)
        oh = (idx[:, None] == lax.broadcasted_iota(jnp.int32, (BLK, vocab), 1)
              ).astype(f32)
        m = jnp.dot(t_ref[...], w1_ref[off:off + d, :], preferred_element_type=f32)
        acc += jnp.dot(oh, m, preferred_element_type=f32)
        off += d
    acc += x[:, 9:10] * w1_ref[214:215, :]
    acc += b1_ref[...]
    h = jnp.maximum(acc, 0.0)
    z = jnp.dot(h, w2_ref[...], preferred_element_type=f32) + b2_ref[...]
    out_ref[...] = jax.nn.sigmoid(z[:, 0])


def _mlp(x, g0, g1, g2, small_tables, W1, b1, W2, b2):
    full2 = lambda shape: pl.BlockSpec(shape, lambda i: (0, 0))
    in_specs = [
        pl.BlockSpec((BLK, 10), lambda i: (i, 0)),
        pl.BlockSpec((BLK, EMB), lambda i: (i, 0)),
        pl.BlockSpec((BLK, EMB), lambda i: (i, 0)),
        pl.BlockSpec((BLK, EMB), lambda i: (i, 0)),
    ]
    in_specs += [full2(t.shape) for t in small_tables]
    in_specs += [full2(W1.shape), full2((1, 64)), full2(W2.shape), full2((1, 1))]
    return pl.pallas_call(
        _mlp_body,
        grid=(B // BLK,),
        in_specs=in_specs,
        out_specs=pl.BlockSpec((BLK,), lambda i: (i,)),
        out_shape=jax.ShapeDtypeStruct((B,), jnp.float32),
    )(x, g0, g1, g2, *small_tables, W1, b1.reshape(1, 64), W2, b2.reshape(1, 1))


def kernel(x, table0, table1, table2, table3, table4, table5, table6,
           table7, table8, W1, b1, W2, b2):
    idx = x[:, :3].astype(jnp.int32)
    i0 = idx[:, 0].reshape(NW * NCH, CHUNK)
    i1 = idx[:, 1].reshape(NW * NCH, CHUNK)
    i2 = idx[:, 2].reshape(NW * NCH, CHUNK)
    g0 = _gather0()(i0, table0)
    g1, g2 = _gather12()(i1, i2, table1, table2)
    return _mlp(x, g0, g1, g2,
                (table3, table4, table5, table6, table7, table8),
                W1, b1, W2, b2)

# --- scband reference (transcript-rebuilt; emitter-appended) ---
"""Pipeline reference for scband-deep-rec-model-30013231464854 (READ-ONLY COPY).

The authoritative reference and input builder live on the scoring server;
editing this copy changes nothing except your own understanding.
"""

import jax, jax.numpy as jnp
import numpy as np

B = 16384
EMB = 64
VOCABS = [1000000, 100000, 1000, 2, 5, 3, 4, 4, 4]
DIMS = [EMB, EMB, EMB, 2, 5, 3, 4, 4, 4]
IN_DIM = sum(DIMS) + 1  # 215


def setup_inputs(seed: int = 0) -> dict:
    key = jax.random.key(seed)
    ks = jax.random.split(key, 24)
    # build the packed feature tensor: 9 index columns (in-range per table) + 1 float time column
    cols = [jax.random.randint(ks[i], (B,), 0, VOCABS[i]).astype(jnp.float32) for i in range(9)]
    time_col = jax.random.uniform(ks[9], (B,), dtype=jnp.float32)
    x = jnp.stack(cols + [time_col], axis=1)
    inp = {"x": x}
    for i in range(9):
        inp[f"table{i}"] = jax.random.normal(ks[10 + i], (VOCABS[i], DIMS[i]), dtype=jnp.float32) * 0.05
    inp["W1"] = jax.random.normal(ks[20], (IN_DIM, 64), dtype=jnp.float32) * 0.05
    inp["b1"] = jnp.zeros((64,), dtype=jnp.float32)
    inp["W2"] = jax.random.normal(ks[21], (64, 1), dtype=jnp.float32) * 0.05
    inp["b2"] = jnp.zeros((1,), dtype=jnp.float32)
    return inp


def reference(x, table0, table1, table2, table3, table4, table5, table6, table7, table8, W1, b1, W2, b2):
    tables = [table0, table1, table2, table3, table4, table5, table6, table7, table8]
    idx = x[:, :9].astype(jnp.int32)
    vecs = [jnp.take(tables[i], idx[:, i], axis=0) for i in range(9)]
    time_col = x[:, 9:10]
    h = jnp.concatenate(vecs + [time_col], axis=-1)
    h = jax.nn.relu(h @ W1 + b1)
    out = jax.nn.sigmoid(h @ W2 + b2)
    return out.squeeze(-1)

if __name__ == "__main__":
    import jax
    _d = setup_inputs()
    print(jax.jit(kernel)(*tuple(_d.values())))

</pallas_src>

<mosaic_0001>
#map = affine_map<(d0, d1) -> (0, 0)>
module attributes {stable_mosaic.version = 14 : i64} {
  func.func @_gather0_body(%arg0: i32, %arg1: i32, %arg2: memref<128x128xi32, #tpu.memory_space<hbm>>, %arg3: memref<1000000x64xf32, #tpu.memory_space<hbm>>, %arg4: memref<16384x64xf32, #tpu.memory_space<hbm>>, %arg5: memref<4x128xi32, #tpu.memory_space<vmem>>, %arg6: memref<2x16x8x64xf32, #tpu.memory_space<vmem>>, %arg7: memref<512x64xf32, #tpu.memory_space<vmem>>, %arg8: memref<!tpu.dma_semaphore, #tpu.memory_space<semaphore_mem>>) attributes {dimension_semantics = [#tpu.dimension_semantics<core_parallel>, #tpu.dimension_semantics<subcore_parallel>], iteration_bounds = array<i64: 2, 16>, scalar_prefetch = 0 : i64, scratch_operands = 4 : i64, tpu.core_type = #tpu.core_type<sc_vector_subcore>, window_params = [{transform_indices = #map}, {transform_indices = #map}, {transform_indices = #map}]} {
    %mul3A = arith.constant 2 : i32
    %mul3A_0 = arith.muli %arg1, %mul3A : i32
    %add3A = arith.addi %mul3A_0, %arg0 : i32
    %mul3A_1 = arith.constant 512 : i32
    %mul3A_2 = arith.muli %add3A, %mul3A_1 : i32
    %mul3A_3 = arith.constant 4 : i32
    %mul3A_4 = arith.muli %add3A, %mul3A_3 : i32
    "tpu.region"() ({
      %run_scoped3A = tpu.sem_alloc : memref<!tpu.dma_semaphore, #tpu.memory_space<semaphore_mem>>
      %dma_start3A = arith.constant 0 : i32
      %dma_start3A_10 = tpu.memref_slice %arg2[%mul3A_4, %dma_start3A] : memref<128x128xi32, #tpu.memory_space<hbm>> -> memref<4x128xi32, #tpu.memory_space<hbm>>
      %dma_start3A_11 = arith.constant 0 : i32
      %dma_start3A_12 = tpu.memref_slice %arg2[%mul3A_4, %dma_start3A_11] : memref<128x128xi32, #tpu.memory_space<hbm>> -> memref<4x128xi32, #tpu.memory_space<hbm>>
      tpu.enqueue_dma source(%dma_start3A_12 : memref<4x128xi32, #tpu.memory_space<hbm>>) target(%arg5 : memref<4x128xi32, #tpu.memory_space<vmem>>) target_semaphore(%run_scoped3A : memref<!tpu.dma_semaphore, #tpu.memory_space<semaphore_mem>>)
      %dma_wait3A = arith.constant 0 : i32
      %dma_wait3A_13 = tpu.memref_slice %arg2[%mul3A_4, %dma_wait3A] : memref<128x128xi32, #tpu.memory_space<hbm>> -> memref<4x128xi32, #tpu.memory_space<hbm>>
      %dma_wait3A_14 = arith.constant 0 : i32
      %dma_wait3A_15 = tpu.memref_slice %arg2[%mul3A_4, %dma_wait3A_14] : memref<128x128xi32, #tpu.memory_space<hbm>> -> memref<4x128xi32, #tpu.memory_space<hbm>>
      tpu.wait_dma2 semaphore(%run_scoped3A : memref<!tpu.dma_semaphore, #tpu.memory_space<semaphore_mem>>) src(%dma_wait3A_15 : memref<4x128xi32, #tpu.memory_space<hbm>>) dst(%arg5 : memref<4x128xi32, #tpu.memory_space<vmem>>)
      tpu.yield
    }) : () -> ()
    %scan3A = arith.constant 0 : i32
    %scan3A_5 = arith.constant 0 : i32
    %scan3A_6 = arith.constant 16 : i32
    %scan3A_7 = arith.addi %scan3A_5, %scan3A_6 : i32
    %scan3A_8 = arith.constant 1 : i32
    scf.for %scan3A_10 = %scan3A_5 to %scan3A_7 step %scan3A_8  : i32 {
      %mul3A_11 = arith.constant 2 : i32
      %mul3A_12 = arith.muli %mul3A_11, %scan3A_10 : i32
      %mul3A_13 = arith.constant 16 : i32
      %mul3A_14 = arith.muli %mul3A_12, %mul3A_13 : i32
      %jit3A = arith.constant 128 : i32
      %div3A = arith.divsi %mul3A_14, %jit3A : i32
      %sign3A = arith.constant 0 : i32
      %sign3A_15 = arith.cmpi sgt, %mul3A_14, %sign3A : i32
      %sign3A_16 = arith.extui %sign3A_15 : i1 to i32
      %sign3A_17 = arith.constant 0 : i32
      %sign3A_18 = arith.cmpi slt, %mul3A_14, %sign3A_17 : i32
      %sign3A_19 = arith.extui %sign3A_18 : i1 to i32
      %sign3A_20 = arith.subi %sign3A_16, %sign3A_19 : i32
      %sign3A_21 = arith.constant 0 : i32
      %sign3A_22 = arith.cmpi sgt, %jit3A, %sign3A_21 : i32
      %sign3A_23 = arith.extui %sign3A_22 : i1 to i32
      %sign3A_24 = arith.constant 0 : i32
      %sign3A_25 = arith.cmpi slt, %jit3A, %sign3A_24 : i32
      %sign3A_26 = arith.extui %sign3A_25 : i1 to i32
      %sign3A_27 = arith.subi %sign3A_23, %sign3A_26 : i32
      %ne3A = arith.cmpi ne, %sign3A_20, %sign3A_27 : i32
      %rem3A = arith.remsi %mul3A_14, %jit3A : i32
      %ne3A_28 = arith.constant 0 : i32
      %ne3A_29 = arith.cmpi ne, %rem3A, %ne3A_28 : i32
      %and3A = arith.andi %ne3A, %ne3A_29 : i1
      %sub3A = arith.constant 1 : i32
      %sub3A_30 = arith.subi %div3A, %sub3A : i32
      %select_n3A = arith.select %and3A, %sub3A_30, %div3A : i32
      %jit3A_31 = arith.constant 128 : i32
      %eq3A = arith.constant 0 : i32
      %eq3A_32 = arith.cmpi eq, %jit3A_31, %eq3A : i32
      %jit3A_33 = arith.constant 1 : i32
      %select_n3A_34 = arith.select %eq3A_32, %jit3A_33, %jit3A_31 : i32
      %rem3A_35 = arith.remsi %mul3A_14, %select_n3A_34 : i32
      %ne3A_36 = arith.constant 0 : i32
      %ne3A_37 = arith.cmpi ne, %rem3A_35, %ne3A_36 : i32
      %lt3A = arith.constant 0 : i32
      %lt3A_38 = arith.cmpi slt, %rem3A_35, %lt3A : i32
      %lt3A_39 = arith.constant 0 : i32
      %lt3A_40 = arith.cmpi slt, %select_n3A_34, %lt3A_39 : i32
      %ne3A_41 = arith.xori %lt3A_38, %lt3A_40 : i1
      %and3A_42 = arith.andi %ne3A_41, %ne3A_37 : i1
      %add3A_43 = arith.addi %rem3A_35, %select_n3A_34 : i32
      %select_n3A_44 = arith.select %and3A_42, %add3A_43, %rem3A_35 : i32
      %get3A = arith.index_cast %select_n3A : i32 to index
      %get3A_45 = arith.index_cast %select_n3A_44 : i32 to index
      %get3A_46 = tpu.vector_load %arg5[%get3A, %get3A_45] {strides = array<i32>} : memref<4x128xi32, #tpu.memory_space<vmem>>, vector<1x16xi32>,
      %get3A_47 = vector.shape_cast %get3A_46 : vector<1x16xi32> to vector<16xi32>
      %slice3A = vector.extract_strided_slice %get3A_47 {offsets = [0], sizes = [1], strides = [1]} : vector<16xi32> to vector<1xi32>
      %squeeze3A = vector.extract %slice3A[0] : i32 from vector<1xi32>
      %shift_right_arithmetic3A = arith.constant 3 : i32
      %shift_right_arithmetic3A_48 = arith.shrsi %squeeze3A, %shift_right_arithmetic3A : i32
      %shift_left3A = arith.constant 3 : i32
      %shift_left3A_49 = arith.shli %shift_right_arithmetic3A_48, %shift_left3A : i32
      %multiple_of3A = tpu.assume_multiple %shift_left3A_49, 8 : i32
      %dma_start3A = arith.constant 0 : i32
      %dma_start3A_50 = arith.constant 0 : i32
      %dma_start3A_51 = arith.constant 0 : i32
      %dma_start3A_52 = arith.constant 0 : i32
      %dma_start3A_53 = tpu.memref_slice %arg6[%dma_start3A, %dma_start3A_50, %dma_start3A_51, %dma_start3A_52] : memref<2x16x8x64xf32, #tpu.memory_space<vmem>> -> memref<1x1x8x64xf32, #tpu.memory_space<vmem>>
      %dma_start3A_54 = tpu.memref_squeeze %dma_start3A_53 : memref<1x1x8x64xf32, #tpu.memory_space<vmem>> -> memref<8x64xf32, #tpu.memory_space<vmem>>
      %dma_start3A_55 = arith.constant 0 : i32
      %dma_start3A_56 = tpu.memref_slice %arg3[%multiple_of3A, %dma_start3A_55] : memref<1000000x64xf32, #tpu.memory_space<hbm>> -> memref<8x64xf32, #tpu.memory_space<hbm>>
      %dma_start3A_57 = arith.constant 0 : i32
      %dma_start3A_58 = arith.constant 0 : i32
      %dma_start3A_59 = tpu.memref_slice %arg6[%dma_start3A, %dma_start3A_50, %dma_start3A_57, %dma_start3A_58] : memref<2x16x8x64xf32, #tpu.memory_space<vmem>> -> memref<1x1x8x64xf32, #tpu.memory_space<vmem>>
      %dma_start3A_60 = tpu.memref_squeeze %dma_start3A_59 : memref<1x1x8x64xf32, #tpu.memory_space<vmem>> -> memref<8x64xf32, #tpu.memory_space<vmem>>
      %dma_start3A_61 = arith.constant 0 : i32
      %dma_start3A_62 = tpu.memref_slice %arg3[%multiple_of3A, %dma_start3A_61] : memref<1000000x64xf32, #tpu.memory_space<hbm>> -> memref<8x64xf32, #tpu.memory_space<hbm>>
      tpu.enqueue_dma source(%dma_start3A_62 : memref<8x64xf32, #tpu.memory_space<hbm>>) target(%dma_start3A_60 : memref<8x64xf32, #tpu.memory_space<vmem>>) target_semaphore(%arg8 : memref<!tpu.dma_semaphore, #tpu.memory_space<semaphore_mem>>)
      %slice3A_63 = vector.extract_strided_slice %get3A_47 {offsets = [1], sizes = [1], strides = [1]} : vector<16xi32> to vector<1xi32>
      %squeeze3A_64 = vector.extract %slice3A_63[0] : i32 from vector<1xi32>
      %shift_right_arithmetic3A_65 = arith.constant 3 : i32
      %shift_right_arithmetic3A_66 = arith.shrsi %squeeze3A_64, %shift_right_arithmetic3A_65 : i32
      %shift_left3A_67 = arith.constant 3 : i32
      %shift_left3A_68 = arith.shli %shift_right_arithmetic3A_66, %shift_left3A_67 : i32
      %multiple_of3A_69 = tpu.assume_multiple %shift_left3A_68, 8 : i32
      %dma_start3A_70 = arith.constant 0 : i32
      %dma_start3A_71 = arith.constant 1 : i32
      %dma_start3A_72 = arith.constant 0 : i32
      %dma_start3A_73 = arith.constant 0 : i32
      %dma_start3A_74 = tpu.memref_slice %arg6[%dma_start3A_70, %dma_start3A_71, %dma_start3A_72, %dma_start3A_73] : memref<2x16x8x64xf32, #tpu.memory_space<vmem>> -> memref<1x1x8x64xf32, #tpu.memory_space<vmem>>
      %dma_start3A_75 = tpu.memref_squeeze %dma_start3A_74 : memref<1x1x8x64xf32, #tpu.memory_space<vmem>> -> memref<8x64xf32, #tpu.memory_space<vmem>>
      %dma_start3A_76 = arith.constant 0 : i32
      %dma_start3A_77 = tpu.memref_slice %arg3[%multiple_of3A_69, %dma_start3A_76] : memref<1000000x64xf32, #tpu.memory_space<hbm>> -> memref<8x64xf32, #tpu.memory_space<hbm>>
      %dma_start3A_78 = arith.constant 0 : i32
      %dma_start3A_79 = arith.constant 0 : i32
      %dma_start3A_80 = tpu.memref_slice %arg6[%dma_start3A_70, %dma_start3A_71, %dma_start3A_78, %dma_start3A_79] : memref<2x16x8x64xf32, #tpu.memory_space<vmem>> -> memref<1x1x8x64xf32, #tpu.memory_space<vmem>>
      %dma_start3A_81 = tpu.memref_squeeze %dma_start3A_80 : memref<1x1x8x64xf32, #tpu.memory_space<vmem>> -> memref<8x64xf32, #tpu.memory_space<vmem>>
      %dma_start3A_82 = arith.constant 0 : i32
      %dma_start3A_83 = tpu.memref_slice %arg3[%multiple_of3A_69, %dma_start3A_82] : memref<1000000x64xf32, #tpu.memory_space<hbm>> -> memref<8x64xf32, #tpu.memory_space<hbm>>
      tpu.enqueue_dma source(%dma_start3A_83 : memref<8x64xf32, #tpu.memory_space<hbm>>) target(%dma_start3A_81 : memref<8x64xf32, #tpu.memory_space<vmem>>) target_semaphore(%arg8 : memref<!tpu.dma_semaphore, #tpu.memory_space<semaphore_mem>>)
      %slice3A_84 = vector.extract_strided_slice %get3A_47 {offsets = [2], sizes = [1], strides = [1]} : vector<16xi32> to vector<1xi32>
      %squeeze3A_85 = vector.extract %slice3A_84[0] : i32 from vector<1xi32>
      %shift_right_arithmetic3A_86 = arith.constant 3 : i32
      %shift_right_arithmetic3A_87 = arith.shrsi %squeeze3A_85, %shift_right_arithmetic3A_86 : i32
      %shift_left3A_88 = arith.constant 3 : i32
      %shift_left3A_89 = arith.shli %shift_right_arithmetic3A_87, %shift_left3A_88 : i32
      %multiple_of3A_90 = tpu.assume_multiple %shift_left3A_89, 8 : i32
      %dma_start3A_91 = arith.constant 0 : i32
      %dma_start3A_92 = arith.constant 2 : i32
      %dma_start3A_93 = arith.constant 0 : i32
      %dma_start3A_94 = arith.constant 0 : i32
      %dma_start3A_95 = tpu.memref_slice %arg6[%dma_start3A_91, %dma_start3A_92, %dma_start3A_93, %dma_start3A_94] : memref<2x16x8x64xf32, #tpu.memory_space<vmem>> -> memref<1x1x8x64xf32, #tpu.memory_space<vmem>>
      %dma_start3A_96 = tpu.memref_squeeze %dma_start3A_95 : memref<1x1x8x64xf32, #tpu.memory_space<vmem>> -> memref<8x64xf32, #tpu.memory_space<vmem>>
      %dma_start3A_97 = arith.constant 0 : i32
      %dma_start3A_98 = tpu.memref_slice %arg3[%multiple_of3A_90, %dma_start3A_97] : memref<1000000x64xf32, #tpu.memory_space<hbm>> -> memref<8x64xf32, #tpu.memory_space<hbm>>
      %dma_start3A_99 = arith.constant 0 : i32
      %dma_start3A_100 = arith.constant 0 : i32
      %dma_start3A_101 = tpu.memref_slice %arg6[%dma_start3A_91, %dma_start3A_92, %dma_start3A_99, %dma_start3A_100] : memref<2x16x8x64xf32, #tpu.memory_space<vmem>> -> memref<1x1x8x64xf32, #tpu.memory_space<vmem>>
      %dma_start3A_102 = tpu.memref_squeeze %dma_start3A_101 : memref<1x1x8x64xf32, #tpu.memory_space<vmem>> -> memref<8x64xf32, #tpu.memory_space<vmem>>
      %dma_start3A_103 = arith.constant 0 : i32
      %dma_start3A_104 = tpu.memref_slice %arg3[%multiple_of3A_90, %dma_start3A_103] : memref<1000000x64xf32, #tpu.memory_space<hbm>> -> memref<8x64xf32, #tpu.memory_space<hbm>>
      tpu.enqueue_dma source(%dma_start3A_104 : memref<8x64xf32, #tpu.memory_space<hbm>>) target(%dma_start3A_102 : memref<8x64xf32, #tpu.memory_space<vmem>>) target_semaphore(%arg8 : memref<!tpu.dma_semaphore, #tpu.memory_space<semaphore_mem>>)
      %slice3A_105 = vector.extract_strided_slice %get3A_47 {offsets = [3], sizes = [1], strides = [1]} : vector<16xi32> to vector<1xi32>
      %squeeze3A_106 = vector.extract %slice3A_105[0] : i32 from vector<1xi32>
      %shift_right_arithmetic3A_107 = arith.constant 3 : i32
      %shift_right_arithmetic3A_108 = arith.shrsi %squeeze3A_106, %shift_right_arithmetic3A_107 : i32
      %shift_left3A_109 = arith.constant 3 : i32
      %shift_left3A_110 = arith.shli %shift_right_arithmetic3A_108, %shift_left3A_109 : i32
      %multiple_of3A_111 = tpu.assume_multiple %shift_left3A_110, 8 : i32
      %dma_start3A_112 = arith.constant 0 : i32
      %dma_start3A_113 = arith.constant 3 : i32
      %dma_start3A_114 = arith.constant 0 : i32
      %dma_start3A_115 = arith.constant 0 : i32
      %dma_start3A_116 = tpu.memref_slice %arg6[%dma_start3A_112, %dma_start3A_113, %dma_start3A_114, %dma_start3A_115] : memref<2x16x8x64xf32, #tpu.memory_space<vmem>> -> memref<1x1x8x64xf32, #tpu.memory_space<vmem>>
      %dma_start3A_117 = tpu.memref_squeeze %dma_start3A_116 : memref<1x1x8x64xf32, #tpu.memory_space<vmem>> -> memref<8x64xf32, #tpu.memory_space<vmem>>
      %dma_start3A_118 = arith.constant 0 : i32
      %dma_start3A_119 = tpu.memref_slice %arg3[%multiple_of3A_111, %dma_start3A_118] : memref<1000000x64xf32, #tpu.memory_space<hbm>> -> memref<8x64xf32, #tpu.memory_space<hbm>>
      %dma_start3A_120 = arith.constant 0 : i32
      %dma_start3A_121 = arith.constant 0 : i32
      %dma_start3A_122 = tpu.memref_slice %arg6[%dma_start3A_112, %dma_start3A_113, %dma_start3A_120, %dma_start3A_121] : memref<2x16x8x64xf32, #tpu.memory_space<vmem>> -> memref<1x1x8x64xf32, #tpu.memory_space<vmem>>
      %dma_start3A_123 = tpu.memref_squeeze %dma_start3A_122 : memref<1x1x8x64xf32, #tpu.memory_space<vmem>> -> memref<8x64xf32, #tpu.memory_space<vmem>>
      %dma_start3A_124 = arith.constant 0 : i32
      %dma_start3A_125 = tpu.memref_slice %arg3[%multiple_of3A_111, %dma_start3A_124] : memref<1000000x64xf32, #tpu.memory_space<hbm>> -> memref<8x64xf32, #tpu.memory_space<hbm>>
      tpu.enqueue_dma source(%dma_start3A_125 : memref<8x64xf32, #tpu.memory_space<hbm>>) target(%dma_start3A_123 : memref<8x64xf32, #tpu.memory_space<vmem>>) target_semaphore(%arg8 : memref<!tpu.dma_semaphore, #tpu.memory_space<semaphore_mem>>)
      %slice3A_126 = vector.extract_strided_slice %get3A_47 {offsets = [4], sizes = [1], strides = [1]} : vector<16xi32> to vector<1xi32>
      %squeeze3A_127 = vector.extract %slice3A_126[0] : i32 from vector<1xi32>
      %shift_right_arithmetic3A_128 = arith.constant 3 : i32
      %shift_right_arithmetic3A_129 = arith.shrsi %squeeze3A_127, %shift_right_arithmetic3A_128 : i32
      %shift_left3A_130 = arith.constant 3 : i32
      %shift_left3A_131 = arith.shli %shift_right_arithmetic3A_129, %shift_left3A_130 : i32
      %multiple_of3A_132 = tpu.assume_multiple %shift_left3A_131, 8 : i32
      %dma_start3A_133 = arith.constant 0 : i32
      %dma_start3A_134 = arith.constant 4 : i32
      %dma_start3A_135 = arith.constant 0 : i32
      %dma_start3A_136 = arith.constant 0 : i32
      %dma_start3A_137 = tpu.memref_slice %arg6[%dma_start3A_133, %dma_start3A_134, %dma_start3A_135, %dma_start3A_136] : memref<2x16x8x64xf32, #tpu.memory_space<vmem>> -> memref<1x1x8x64xf32, #tpu.memory_space<vmem>>
      %dma_start3A_138 = tpu.memref_squeeze %dma_start3A_137 : memref<1x1x8x64xf32, #tpu.memory_space<vmem>> -> memref<8x64xf32, #tpu.memory_space<vmem>>
      %dma_start3A_139 = arith.constant 0 : i32
      %dma_start3A_140 = tpu.memref_slice %arg3[%multiple_of3A_132, %dma_start3A_139] : memref<1000000x64xf32, #tpu.memory_space<hbm>> -> memref<8x64xf32, #tpu.memory_space<hbm>>
      %dma_start3A_141 = arith.constant 0 : i32
      %dma_start3A_142 = arith.constant 0 : i32
      %dma_start3A_143 = tpu.memref_slice %arg6[%dma_start3A_133, %dma_start3A_134, %dma_start3A_141, %dma_start3A_142] : memref<2x16x8x64xf32, #tpu.memory_space<vmem>> -> memref<1x1x8x64xf32, #tpu.memory_space<vmem>>
      %dma_start3A_144 = tpu.memref_squeeze %dma_start3A_143 : memref<1x1x8x64xf32, #tpu.memory_space<vmem>> -> memref<8x64xf32, #tpu.memory_space<vmem>>
      %dma_start3A_145 = arith.constant 0 : i32
      %dma_start3A_146 = tpu.memref_slice %arg3[%multiple_of3A_132, %dma_start3A_145] : memref<1000000x64xf32, #tpu.memory_space<hbm>> -> memref<8x64xf32, #tpu.memory_space<hbm>>
      tpu.enqueue_dma source(%dma_start3A_146 : memref<8x64xf32, #tpu.memory_space<hbm>>) target(%dma_start3A_144 : memref<8x64xf32, #tpu.memory_space<vmem>>) target_semaphore(%arg8 : memref<!tpu.dma_semaphore, #tpu.memory_space<semaphore_mem>>)
      %slice3A_147 = vector.extract_strided_slice %get3A_47 {offsets = [5], sizes = [1], strides = [1]} : vector<16xi32> to vector<1xi32>
      %squeeze3A_148 = vector.extract %slice3A_147[0] : i32 from vector<1xi32>
      %shift_right_arithmetic3A_149 = arith.constant 3 : i32
      %shift_right_arithmetic3A_150 = arith.shrsi %squeeze3A_148, %shift_right_arithmetic3A_149 : i32
      %shift_left3A_151 = arith.constant 3 : i32
      %shift_left3A_152 = arith.shli %shift_right_arithmetic3A_150, %shift_left3A_151 : i32
      %multiple_of3A_153 = tpu.assume_multiple %shift_left3A_152, 8 : i32
      %dma_start3A_154 = arith.constant 0 : i32
      %dma_start3A_155 = arith.constant 5 : i32
      %dma_start3A_156 = arith.constant 0 : i32
      %dma_start3A_157 = arith.constant 0 : i32
      %dma_start3A_158 = tpu.memref_slice %arg6[%dma_start3A_154, %dma_start3A_155, %dma_start3A_156, %dma_start3A_157] : memref<2x16x8x64xf32, #tpu.memory_space<vmem>> -> memref<1x1x8x64xf32, #tpu.memory_space<vmem>>
      %dma_start3A_159 = tpu.memref_squeeze %dma_start3A_158 : memref<1x1x8x64xf32, #tpu.memory_space<vmem>> -> memref<8x64xf32, #tpu.memory_space<vmem>>
      %dma_start3A_160 = arith.constant 0 : i32
      %dma_start3A_161 = tpu.memref_slice %arg3[%multiple_of3A_153, %dma_start3A_160] : memref<1000000x64xf32, #tpu.memory_space<hbm>> -> memref<8x64xf32, #tpu.memory_space<hbm>>
      %dma_start3A_162 = arith.constant 0 : i32
      %dma_start3A_163 = arith.constant 0 : i32
      %dma_start3A_164 = tpu.memref_slice %arg6[%dma_start3A_154, %dma_start3A_155, %dma_start3A_162, %dma_start3A_163] : memref<2x16x8x64xf32, #tpu.memory_space<vmem>> -> memref<1x1x8x64xf32, #tpu.memory_space<vmem>>
      %dma_start3A_165 = tpu.memref_squeeze %dma_start3A_164 : memref<1x1x8x64xf32, #tpu.memory_space<vmem>> -> memref<8x64xf32, #tpu.memory_space<vmem>>
      %dma_start3A_166 = arith.constant 0 : i32
      %dma_start3A_167 = tpu.memref_slice %arg3[%multiple_of3A_153, %dma_start3A_166] : memref<1000000x64xf32, #tpu.memory_space<hbm>> -> memref<8x64xf32, #tpu.memory_space<hbm>>
      tpu.enqueue_dma source(%dma_start3A_167 : memref<8x64xf32, #tpu.memory_space<hbm>>) target(%dma_start3A_165 : memref<8x64xf32, #tpu.memory_space<vmem>>) target_semaphore(%arg8 : memref<!tpu.dma_semaphore, #tpu.memory_space<semaphore_mem>>)
      %slice3A_168 = vector.extract_strided_slice %get3A_47 {offsets = [6], sizes = [1], strides = [1]} : vector<16xi32> to vector<1xi32>
      %squeeze3A_169 = vector.extract %slice3A_168[0] : i32 from vector<1xi32>
      %shift_right_arithmetic3A_170 = arith.constant 3 : i32
      %shift_right_arithmetic3A_171 = arith.shrsi %squeeze3A_169, %shift_right_arithmetic3A_170 : i32
      %shift_left3A_172 = arith.constant 3 : i32
      %shift_left3A_173 = arith.shli %shift_right_arithmetic3A_171, %shift_left3A_172 : i32
      %multiple_of3A_174 = tpu.assume_multiple %shift_left3A_173, 8 : i32
      %dma_start3A_175 = arith.constant 0 : i32
      %dma_start3A_176 = arith.constant 6 : i32
      %dma_start3A_177 = arith.constant 0 : i32
      %dma_start3A_178 = arith.constant 0 : i32
      %dma_start3A_179 = tpu.memref_slice %arg6[%dma_start3A_175, %dma_start3A_176, %dma_start3A_177, %dma_start3A_178] : memref<2x16x8x64xf32, #tpu.memory_space<vmem>> -> memref<1x1x8x64xf32, #tpu.memory_space<vmem>>
      %dma_start3A_180 = tpu.memref_squeeze %dma_start3A_179 : memref<1x1x8x64xf32, #tpu.memory_space<vmem>> -> memref<8x64xf32, #tpu.memory_space<vmem>>
      %dma_start3A_181 = arith.constant 0 : i32
      %dma_start3A_182 = tpu.memref_slice %arg3[%multiple_of3A_174, %dma_start3A_181] : memref<1000000x64xf32, #tpu.memory_space<hbm>> -> memref<8x64xf32, #tpu.memory_space<hbm>>
      %dma_start3A_183 = arith.constant 0 : i32
      %dma_start3A_184 = arith.constant 0 : i32
      %dma_start3A_185 = tpu.memref_slice %arg6[%dma_start3A_175, %dma_start3A_176, %dma_start3A_183, %dma_start3A_184] : memref<2x16x8x64xf32, #tpu.memory_space<vmem>> -> memref<1x1x8x64xf32, #tpu.memory_space<vmem>>
      %dma_start3A_186 = tpu.memref_squeeze %dma_start3A_185 : memref<1x1x8x64xf32, #tpu.memory_space<vmem>> -> memref<8x64xf32, #tpu.memory_space<vmem>>
      %dma_start3A_187 = arith.constant 0 : i32
      %dma_start3A_188 = tpu.memref_slice %arg3[%multiple_of3A_174, %dma_start3A_187] : memref<1000000x64xf32, #tpu.memory_space<hbm>> -> memref<8x64xf32, #tpu.memory_space<hbm>>
      tpu.enqueue_dma source(%dma_start3A_188 : memref<8x64xf32, #tpu.memory_space<hbm>>) target(%dma_start3A_186 : memref<8x64xf32, #tpu.memory_space<vmem>>) target_semaphore(%arg8 : memref<!tpu.dma_semaphore, #tpu.memory_space<semaphore_mem>>)
      %slice3A_189 = vector.extract_strided_slice %get3A_47 {offsets = [7], sizes = [1], strides = [1]} : vector<16xi32> to vector<1xi32>
      %squeeze3A_190 = vector.extract %slice3A_189[0] : i32 from vector<1xi32>
      %shift_right_arithmetic3A_191 = arith.constant 3 : i32
      %shift_right_arithmetic3A_192 = arith.shrsi %squeeze3A_190, %shift_right_arithmetic3A_191 : i32
      %shift_left3A_193 = arith.constant 3 : i32
      %shift_left3A_194 = arith.shli %shift_right_arithmetic3A_192, %shift_left3A_193 : i32
      %multiple_of3A_195 = tpu.assume_multiple %shift_left3A_194, 8 : i32
      %dma_start3A_196 = arith.constant 0 : i32
      %dma_start3A_197 = arith.constant 7 : i32
      %dma_start3A_198 = arith.constant 0 : i32
      %dma_start3A_199 = arith.constant 0 : i32
      %dma_start3A_200 = tpu.memref_slice %arg6[%dma_start3A_196, %dma_start3A_197, %dma_start3A_198, %dma_start3A_199] : memref<2x16x8x64xf32, #tpu.memory_space<vmem>> -> memref<1x1x8x64xf32, #tpu.memory_space<vmem>>
      %dma_start3A_201 = tpu.memref_squeeze %dma_start3A_200 : memref<1x1x8x64xf32, #tpu.memory_space<vmem>> -> memref<8x64xf32, #tpu.memory_space<vmem>>
      %dma_start3A_202 = arith.constant 0 : i32
      %dma_start3A_203 = tpu.memref_slice %arg3[%multiple_of3A_195, %dma_start3A_202] : memref<1000000x64xf32, #tpu.memory_space<hbm>> -> memref<8x64xf32, #tpu.memory_space<hbm>>
      %dma_start3A_204 = arith.constant 0 : i32
      %dma_start3A_205 = arith.constant 0 : i32
      %dma_start3A_206 = tpu.memref_slice %arg6[%dma_start3A_196, %dma_start3A_197, %dma_start3A_204, %dma_start3A_205] : memref<2x16x8x64xf32, #tpu.memory_space<vmem>> -> memref<1x1x8x64xf32, #tpu.memory_space<vmem>>
      %dma_start3A_207 = tpu.memref_squeeze %dma_start3A_206 : memref<1x1x8x64xf32, #tpu.memory_space<vmem>> -> memref<8x64xf32, #tpu.memory_space<vmem>>
      %dma_start3A_208 = arith.constant 0 : i32
      %dma_start3A_209 = tpu.memref_slice %arg3[%multiple_of3A_195, %dma_start3A_208] : memref<1000000x64xf32, #tpu.memory_space<hbm>> -> memref<8x64xf32, #tpu.memory_space<hbm>>
      tpu.enqueue_dma source(%dma_start3A_209 : memref<8x64xf32, #tpu.memory_space<hbm>>) target(%dma_start3A_207 : memref<8x64xf32, #tpu.memory_space<vmem>>) target_semaphore(%arg8 : memref<!tpu.dma_semaphore, #tpu.memory_space<semaphore_mem>>)
      %slice3A_210 = vector.extract_strided_slice %get3A_47 {offsets = [8], sizes = [1], strides = [1]} : vector<16xi32> to vector<1xi32>
      %squeeze3A_211 = vector.extract %slice3A_210[0] : i32 from vector<1xi32>
      %shift_right_arithmetic3A_212 = arith.constant 3 : i32
      %shift_right_arithmetic3A_213 = arith.shrsi %squeeze3A_211, %shift_right_arithmetic3A_212 : i32
      %shift_left3A_214 = arith.constant 3 : i32
      %shift_left3A_215 = arith.shli %shift_right_arithmetic3A_213, %shift_left3A_214 : i32
      %multiple_of3A_216 = tpu.assume_multiple %shift_left3A_215, 8 : i32
      %dma_start3A_217 = arith.constant 0 : i32
      %dma_start3A_218 = arith.constant 8 : i32
      %dma_start3A_219 = arith.constant 0 : i32
      %dma_start3A_220 = arith.constant 0 : i32
      %dma_start3A_221 = tpu.memref_slice %arg6[%dma_start3A_217, %dma_start3A_218, %dma_start3A_219, %dma_start3A_220] : memref<2x16x8x64xf32, #tpu.memory_space<vmem>> -> memref<1x1x8x64xf32, #tpu.memory_space<vmem>>
      %dma_start3A_222 = tpu.memref_squeeze %dma_start3A_221 : memref<1x1x8x64xf32, #tpu.memory_space<vmem>> -> memref<8x64xf32, #tpu.memory_space<vmem>>
      %dma_start3A_223 = arith.constant 0 : i32
      %dma_start3A_224 = tpu.memref_slice %arg3[%multiple_of3A_216, %dma_start3A_223] : memref<1000000x64xf32, #tpu.memory_space<hbm>> -> memref<8x64xf32, #tpu.memory_space<hbm>>
      %dma_start3A_225 = arith.constant 0 : i32
      %dma_start3A_226 = arith.constant 0 : i32
      %dma_start3A_227 = tpu.memref_slice %arg6[%dma_start3A_217, %dma_start3A_218, %dma_start3A_225, %dma_start3A_226] : memref<2x16x8x64xf32, #tpu.memory_space<vmem>> -> memref<1x1x8x64xf32, #tpu.memory_space<vmem>>
      %dma_start3A_228 = tpu.memref_squeeze %dma_start3A_227 : memref<1x1x8x64xf32, #tpu.memory_space<vmem>> -> memref<8x64xf32, #tpu.memory_space<vmem>>
      %dma_start3A_229 = arith.constant 0 : i32
      %dma_start3A_230 = tpu.memref_slice %arg3[%multiple_of3A_216, %dma_start3A_229] : memref<1000000x64xf32, #tpu.memory_space<hbm>> -> memref<8x64xf32, #tpu.memory_space<hbm>>
      tpu.enqueue_dma source(%dma_start3A_230 : memref<8x64xf32, #tpu.memory_space<hbm>>) target(%dma_start3A_228 : memref<8x64xf32, #tpu.memory_space<vmem>>) target_semaphore(%arg8 : memref<!tpu.dma_semaphore, #tpu.memory_space<semaphore_mem>>)
      %slice3A_231 = vector.extract_strided_slice %get3A_47 {offsets = [9], sizes = [1], strides = [1]} : vector<16xi32> to vector<1xi32>
      %squeeze3A_232 = vector.extract %slice3A_231[0] : i32 from vector<1xi32>
      %shift_right_arithmetic3A_233 = arith.constant 3 : i32
      %shift_right_arithmetic3A_234 = arith.shrsi %squeeze3A_232, %shift_right_arithmetic3A_233 : i32
      %shift_left3A_235 = arith.constant 3 : i32
      %shift_left3A_236 = arith.shli %shift_right_arithmetic3A_234, %shift_left3A_235 : i32
      %multiple_of3A_237 = tpu.assume_multiple %shift_left3A_236, 8 : i32
      %dma_start3A_238 = arith.constant 0 : i32
      %dma_start3A_239 = arith.constant 9 : i32
      %dma_start3A_240 = arith.constant 0 : i32
      %dma_start3A_241 = arith.constant 0 : i32
      %dma_start3A_242 = tpu.memref_slice %arg6[%dma_start3A_238, %dma_start3A_239, %dma_start3A_240, %dma_start3A_241] : memref<2x16x8x64xf32, #tpu.memory_space<vmem>> -> memref<1x1x8x64xf32, #tpu.memory_space<vmem>>
      %dma_start3A_243 = tpu.memref_squeeze %dma_start3A_242 : memref<1x1x8x64xf32, #tpu.memory_space<vmem>> -> memref<8x64xf32, #tpu.memory_space<vmem>>
      %dma_start3A_244 = arith.constant 0 : i32
      %dma_start3A_245 = tpu.memref_slice %arg3[%multiple_of3A_237, %dma_start3A_244] : memref<1000000x64xf32, #tpu.memory_space<hbm>> -> memref<8x64xf32, #tpu.memory_space<hbm>>
      %dma_start3A_246 = arith.constant 0 : i32
      %dma_start3A_247 = arith.constant 0 : i32
      %dma_start3A_248 = tpu.memref_slice %arg6[%dma_start3A_238, %dma_start3A_239, %dma_start3A_246, %dma_start3A_247] : memref<2x16x8x64xf32, #tpu.memory_space<vmem>> -> memref<1x1x8x64xf32, #tpu.memory_space<vmem>>
      %dma_start3A_249 = tpu.memref_squeeze %dma_start3A_248 : memref<1x1x8x64xf32, #tpu.memory_space<vmem>> -> memref<8x64xf32, #tpu.memory_space<vmem>>
      %dma_start3A_250 = arith.constant 0 : i32
      %dma_start3A_251 = tpu.memref_slice %arg3[%multiple_of3A_237, %dma_start3A_250] : memref<1000000x64xf32, #tpu.memory_space<hbm>> -> memref<8x64xf32, #tpu.memory_space<hbm>>
      tpu.enqueue_dma source(%dma_start3A_251 : memref<8x64xf32, #tpu.memory_space<hbm>>) target(%dma_start3A_249 : memref<8x64xf32, #tpu.memory_space<vmem>>) target_semaphore(%arg8 : memref<!tpu.dma_semaphore, #tpu.memory_space<semaphore_mem>>)
      %slice3A_252 = vector.extract_strided_slice %get3A_47 {offsets = [10], sizes = [1], strides = [1]} : vector<16xi32> to vector<1xi32>
      %squeeze3A_253 = vector.extract %slice3A_252[0] : i32 from vector<1xi32>
      %shift_right_arithmetic3A_254 = arith.constant 3 : i32
      %shift_right_arithmetic3A_255 = arith.shrsi %squeeze3A_253, %shift_right_arithmetic3A_254 : i32
      %shift_left3A_256 = arith.constant 3 : i32
      %shift_left3A_257 = arith.shli %shift_right_arithmetic3A_255, %shift_left3A_256 : i32
      %multiple_of3A_258 = tpu.assume_multiple %shift_left3A_257, 8 : i32
      %dma_start3A_259 = arith.constant 0 : i32
      %dma_start3A_260 = arith.constant 10 : i32
      %dma_start3A_261 = arith.constant 0 : i32
      %dma_start3A_262 = arith.constant 0 : i32
      %dma_start3A_263 = tpu.memref_slice %arg6[%dma_start3A_259, %dma_start3A_260, %dma_start3A_261, %dma_start3A_262] : memref<2x16x8x64xf32, #tpu.memory_space<vmem>> -> memref<1x1x8x64xf32, #tpu.memory_space<vmem>>
      %dma_start3A_264 = tpu.memref_squeeze %dma_start3A_263 : memref<1x1x8x64xf32, #tpu.memory_space<vmem>> -> memref<8x64xf32, #tpu.memory_space<vmem>>
      %dma_start3A_265 = arith.constant 0 : i32
      %dma_start3A_266 = tpu.memref_slice %arg3[%multiple_of3A_258, %dma_start3A_265] : memref<1000000x64xf32, #tpu.memory_space<hbm>> -> memref<8x64xf32, #tpu.memory_space<hbm>>
      %dma_start3A_267 = arith.constant 0 : i32
      %dma_start3A_268 = arith.constant 0 : i32
      %dma_start3A_269 = tpu.memref_slice %arg6[%dma_start3A_259, %dma_start3A_260, %dma_start3A_267, %dma_start3A_268] : memref<2x16x8x64xf32, #tpu.memory_space<vmem>> -> memref<1x1x8x64xf32, #tpu.memory_space<vmem>>
      %dma_start3A_270 = tpu.memref_squeeze %dma_start3A_269 : memref<1x1x8x64xf32, #tpu.memory_space<vmem>> -> memref<8x64xf32, #tpu.memory_space<vmem>>
      %dma_start3A_271 = arith.constant 0 : i32
      %dma_start3A_272 = tpu.memref_slice %arg3[%multiple_of3A_258, %dma_start3A_271] : memref<1000000x64xf32, #tpu.memory_space<hbm>> -> memref<8x64xf32, #tpu.memory_space<hbm>>
      tpu.enqueue_dma source(%dma_start3A_272 : memref<8x64xf32, #tpu.memory_space<hbm>>) target(%dma_start3A_270 : memref<8x64xf32, #tpu.memory_space<vmem>>) target_semaphore(%arg8 : memref<!tpu.dma_semaphore, #tpu.memory_space<semaphore_mem>>)
      %slice3A_273 = vector.extract_strided_slice %get3A_47 {offsets = [11], sizes = [1], strides = [1]} : vector<16xi32> to vector<1xi32>
      %squeeze3A_274 = vector.extract %slice3A_273[0] : i32 from vector<1xi32>
      %shift_right_arithmetic3A_275 = arith.constant 3 : i32
      %shift_right_arithmetic3A_276 = arith.shrsi %squeeze3A_274, %shift_right_arithmetic3A_275 : i32
      %shift_left3A_277 = arith.constant 3 : i32
      %shift_left3A_278 = arith.shli %shift_right_arithmetic3A_276, %shift_left3A_277 : i32
      %multiple_of3A_279 = tpu.assume_multiple %shift_left3A_278, 8 : i32
      %dma_start3A_280 = arith.constant 0 : i32
      %dma_start3A_281 = arith.constant 11 : i32
      %dma_start3A_282 = arith.constant 0 : i32
      %dma_start3A_283 = arith.constant 0 : i32
      %dma_start3A_284 = tpu.memref_slice %arg6[%dma_start3A_280, %dma_start3A_281, %dma_start3A_282, %dma_start3A_283] : memref<2x16x8x64xf32, #tpu.memory_space<vmem>> -> memref<1x1x8x64xf32, #tpu.memory_space<vmem>>
      %dma_start3A_285 = tpu.memref_squeeze %dma_start3A_284 : memref<1x1x8x64xf32, #tpu.memory_space<vmem>> -> memref<8x64xf32, #tpu.memory_space<vmem>>
      %dma_start3A_286 = arith.constant 0 : i32
      %dma_start3A_287 = tpu.memref_slice %arg3[%multiple_of3A_279, %dma_start3A_286] : memref<1000000x64xf32, #tpu.memory_space<hbm>> -> memref<8x64xf32, #tpu.memory_space<hbm>>
      %dma_start3A_288 = arith.constant 0 : i32
      %dma_start3A_289 = arith.constant 0 : i32
      %dma_start3A_290 = tpu.memref_slice %arg6[%dma_start3A_280, %dma_start3A_281, %dma_start3A_288, %dma_start3A_289] : memref<2x16x8x64xf32, #tpu.memory_space<vmem>> -> memref<1x1x8x64xf32, #tpu.memory_space<vmem>>
      %dma_start3A_291 = tpu.memref_squeeze %dma_start3A_290 : memref<1x1x8x64xf32, #tpu.memory_space<vmem>> -> memref<8x64xf32, #tpu.memory_space<vmem>>
      %dma_start3A_292 = arith.constant 0 : i32
      %dma_start3A_293 = tpu.memref_slice %arg3[%multiple_of3A_279, %dma_start3A_292] : memref<1000000x64xf32, #tpu.memory_space<hbm>> -> memref<8x64xf32, #tpu.memory_space<hbm>>
      tpu.enqueue_dma source(%dma_start3A_293 : memref<8x64xf32, #tpu.memory_space<hbm>>) target(%dma_start3A_291 : memref<8x64xf32, #tpu.memory_space<vmem>>) target_semaphore(%arg8 : memref<!tpu.dma_semaphore, #tpu.memory_space<semaphore_mem>>)
      %slice3A_294 = vector.extract_strided_slice %get3A_47 {offsets = [12], sizes = [1], strides = [1]} : vector<16xi32> to vector<1xi32>
      %squeeze3A_295 = vector.extract %slice3A_294[0] : i32 from vector<1xi32>
      %shift_right_arithmetic3A_296 = arith.constant 3 : i32
      %shift_right_arithmetic3A_297 = arith.shrsi %squeeze3A_295, %shift_right_arithmetic3A_296 : i32
      %shift_left3A_298 = arith.constant 3 : i32
      %shift_left3A_299 = arith.shli %shift_right_arithmetic3A_297, %shift_left3A_298 : i32
      %multiple_of3A_300 = tpu.assume_multiple %shift_left3A_299, 8 : i32
      %dma_start3A_301 = arith.constant 0 : i32
      %dma_start3A_302 = arith.constant 12 : i32
      %dma_start3A_303 = arith.constant 0 : i32
      %dma_start3A_304 = arith.constant 0 : i32
      %dma_start3A_305 = tpu.memref_slice %arg6[%dma_start3A_301, %dma_start3A_302, %dma_start3A_303, %dma_start3A_304] : memref<2x16x8x64xf32, #tpu.memory_space<vmem>> -> memref<1x1x8x64xf32, #tpu.memory_space<vmem>>
      %dma_start3A_306 = tpu.memref_squeeze %dma_start3A_305 : memref<1x1x8x64xf32, #tpu.memory_space<vmem>> -> memref<8x64xf32, #tpu.memory_space<vmem>>
      %dma_start3A_307 = arith.constant 0 : i32
      %dma_start3A_308 = tpu.memref_slice %arg3[%multiple_of3A_300, %dma_start3A_307] : memref<1000000x64xf32, #tpu.memory_space<hbm>> -> memref<8x64xf32, #tpu.memory_space<hbm>>
      %dma_start3A_309 = arith.constant 0 : i32
      %dma_start3A_310 = arith.constant 0 : i32
      %dma_start3A_311 = tpu.memref_slice %arg6[%dma_start3A_301, %dma_start3A_302, %dma_start3A_309, %dma_start3A_310] : memref<2x16x8x64xf32, #tpu.memory_space<vmem>> -> memref<1x1x8x64xf32, #tpu.memory_space<vmem>>
      %dma_start3A_312 = tpu.memref_squeeze %dma_start3A_311 : memref<1x1x8x64xf32, #tpu.memory_space<vmem>> -> memref<8x64xf32, #tpu.memory_space<vmem>>
      %dma_start3A_313 = arith.constant 0 : i32
      %dma_start3A_314 = tpu.memref_slice %arg3[%multiple_of3A_300, %dma_start3A_313] : memref<1000000x64xf32, #tpu.memory_space<hbm>> -> memref<8x64xf32, #tpu.memory_space<hbm>>
      tpu.enqueue_dma source(%dma_start3A_314 : memref<8x64xf32, #tpu.memory_space<hbm>>) target(%dma_start3A_312 : memref<8x64xf32, #tpu.memory_space<vmem>>) target_semaphore(%arg8 : memref<!tpu.dma_semaphore, #tpu.memory_space<semaphore_mem>>)
      %slice3A_315 = vector.extract_strided_slice %get3A_47 {offsets = [13], sizes = [1], strides = [1]} : vector<16xi32> to vector<1xi32>
      %squeeze3A_316 = vector.extract %slice3A_315[0] : i32 from vector<1xi32>
      %shift_right_arithmetic3A_317 = arith.constant 3 : i32
      %shift_right_arithmetic3A_318 = arith.shrsi %squeeze3A_316, %shift_right_arithmetic3A_317 : i32
      %shift_left3A_319 = arith.constant 3 : i32
      %shift_left3A_320 = arith.shli %shift_right_arithmetic3A_318, %shift_left3A_319 : i32
      %multiple_of3A_321 = tpu.assume_multiple %shift_left3A_320, 8 : i32
      %dma_start3A_322 = arith.constant 0 : i32
      %dma_start3A_323 = arith.constant 13 : i32
      %dma_start3A_324 = arith.constant 0 : i32
      %dma_start3A_325 = arith.constant 0 : i32
      %dma_start3A_326 = tpu.memref_slice %arg6[%dma_start3A_322, %dma_start3A_323, %dma_start3A_324, %dma_start3A_325] : memref<2x16x8x64xf32, #tpu.memory_space<vmem>> -> memref<1x1x8x64xf32, #tpu.memory_space<vmem>>
      %dma_start3A_327 = tpu.memref_squeeze %dma_start3A_326 : memref<1x1x8x64xf32, #tpu.memory_space<vmem>> -> memref<8x64xf32, #tpu.memory_space<vmem>>
      %dma_start3A_328 = arith.constant 0 : i32
      %dma_start3A_329 = tpu.memref_slice %arg3[%multiple_of3A_321, %dma_start3A_328] : memref<1000000x64xf32, #tpu.memory_space<hbm>> -> memref<8x64xf32, #tpu.memory_space<hbm>>
      %dma_start3A_330 = arith.constant 0 : i32
      %dma_start3A_331 = arith.constant 0 : i32
      %dma_start3A_332 = tpu.memref_slice %arg6[%dma_start3A_322, %dma_start3A_323, %dma_start3A_330, %dma_start3A_331] : memref<2x16x8x64xf32, #tpu.memory_space<vmem>> -> memref<1x1x8x64xf32, #tpu.memory_space<vmem>>
      %dma_start3A_333 = tpu.memref_squeeze %dma_start3A_332 : memref<1x1x8x64xf32, #tpu.memory_space<vmem>> -> memref<8x64xf32, #tpu.memory_space<vmem>>
      %dma_start3A_334 = arith.constant 0 : i32
      %dma_start3A_335 = tpu.memref_slice %arg3[%multiple_of3A_321, %dma_start3A_334] : memref<1000000x64xf32, #tpu.memory_space<hbm>> -> memref<8x64xf32, #tpu.memory_space<hbm>>
      tpu.enqueue_dma source(%dma_start3A_335 : memref<8x64xf32, #tpu.memory_space<hbm>>) target(%dma_start3A_333 : memref<8x64xf32, #tpu.memory_space<vmem>>) target_semaphore(%arg8 : memref<!tpu.dma_semaphore, #tpu.memory_space<semaphore_mem>>)
      %slice3A_336 = vector.extract_strided_slice %get3A_47 {offsets = [14], sizes = [1], strides = [1]} : vector<16xi32> to vector<1xi32>
      %squeeze3A_337 = vector.extract %slice3A_336[0] : i32 from vector<1xi32>
      %shift_right_arithmetic3A_338 = arith.constant 3 : i32
      %shift_right_arithmetic3A_339 = arith.shrsi %squeeze3A_337, %shift_right_arithmetic3A_338 : i32
      %shift_left3A_340 = arith.constant 3 : i32
      %shift_left3A_341 = arith.shli %shift_right_arithmetic3A_339, %shift_left3A_340 : i32
      %multiple_of3A_342 = tpu.assume_multiple %shift_left3A_341, 8 : i32
      %dma_start3A_343 = arith.constant 0 : i32
      %dma_start3A_344 = arith.constant 14 : i32
      %dma_start3A_345 = arith.constant 0 : i32
      %dma_start3A_346 = arith.constant 0 : i32
      %dma_start3A_347 = tpu.memref_slice %arg6[%dma_start3A_343, %dma_start3A_344, %dma_start3A_345, %dma_start3A_346] : memref<2x16x8x64xf32, #tpu.memory_space<vmem>> -> memref<1x1x8x64xf32, #tpu.memory_space<vmem>>
      %dma_start3A_348 = tpu.memref_squeeze %dma_start3A_347 : memref<1x1x8x64xf32, #tpu.memory_space<vmem>> -> memref<8x64xf32, #tpu.memory_space<vmem>>
      %dma_start3A_349 = arith.constant 0 : i32
      %dma_start3A_350 = tpu.memref_slice %arg3[%multiple_of3A_342, %dma_start3A_349] : memref<1000000x64xf32, #tpu.memory_space<hbm>> -> memref<8x64xf32, #tpu.memory_space<hbm>>
      %dma_start3A_351 = arith.constant 0 : i32
      %dma_start3A_352 = arith.constant 0 : i32
      %dma_start3A_353 = tpu.memref_slice %arg6[%dma_start3A_343, %dma_start3A_344, %dma_start3A_351, %dma_start3A_352] : memref<2x16x8x64xf32, #tpu.memory_space<vmem>> -> memref<1x1x8x64xf32, #tpu.memory_space<vmem>>
      %dma_start3A_354 = tpu.memref_squeeze %dma_start3A_353 : memref<1x1x8x64xf32, #tpu.memory_space<vmem>> -> memref<8x64xf32, #tpu.memory_space<vmem>>
      %dma_start3A_355 = arith.constant 0 : i32
      %dma_start3A_356 = tpu.memref_slice %arg3[%multiple_of3A_342, %dma_start3A_355] : memref<1000000x64xf32, #tpu.memory_space<hbm>> -> memref<8x64xf32, #tpu.memory_space<hbm>>
      tpu.enqueue_dma source(%dma_start3A_356 : memref<8x64xf32, #tpu.memory_space<hbm>>) target(%dma_start3A_354 : memref<8x64xf32, #tpu.memory_space<vmem>>) target_semaphore(%arg8 : memref<!tpu.dma_semaphore, #tpu.memory_space<semaphore_mem>>)
      %slice3A_357 = vector.extract_strided_slice %get3A_47 {offsets = [15], sizes = [1], strides = [1]} : vector<16xi32> to vector<1xi32>
      %squeeze3A_358 = vector.extract %slice3A_357[0] : i32 from vector<1xi32>
      %shift_right_arithmetic3A_359 = arith.constant 3 : i32
      %shift_right_arithmetic3A_360 = arith.shrsi %squeeze3A_358, %shift_right_arithmetic3A_359 : i32
      %shift_left3A_361 = arith.constant 3 : i32
      %shift_left3A_362 = arith.shli %shift_right_arithmetic3A_360, %shift_left3A_361 : i32
      %multiple_of3A_363 = tpu.assume_multiple %shift_left3A_362, 8 : i32
      %dma_start3A_364 = arith.constant 0 : i32
      %dma_start3A_365 = arith.constant 15 : i32
      %dma_start3A_366 = arith.constant 0 : i32
      %dma_start3A_367 = arith.constant 0 : i32
      %dma_start3A_368 = tpu.memref_slice %arg6[%dma_start3A_364, %dma_start3A_365, %dma_start3A_366, %dma_start3A_367] : memref<2x16x8x64xf32, #tpu.memory_space<vmem>> -> memref<1x1x8x64xf32, #tpu.memory_space<vmem>>
      %dma_start3A_369 = tpu.memref_squeeze %dma_start3A_368 : memref<1x1x8x64xf32, #tpu.memory_space<vmem>> -> memref<8x64xf32, #tpu.memory_space<vmem>>
      %dma_start3A_370 = arith.constant 0 : i32
      %dma_start3A_371 = tpu.memref_slice %arg3[%multiple_of3A_363, %dma_start3A_370] : memref<1000000x64xf32, #tpu.memory_space<hbm>> -> memref<8x64xf32, #tpu.memory_space<hbm>>
      %dma_start3A_372 = arith.constant 0 : i32
      %dma_start3A_373 = arith.constant 0 : i32
      %dma_start3A_374 = tpu.memref_slice %arg6[%dma_start3A_364, %dma_start3A_365, %dma_start3A_372, %dma_start3A_373] : memref<2x16x8x64xf32, #tpu.memory_space<vmem>> -> memref<1x1x8x64xf32, #tpu.memory_space<vmem>>
      %dma_start3A_375 = tpu.memref_squeeze %dma_start3A_374 : memref<1x1x8x64xf32, #tpu.memory_space<vmem>> -> memref<8x64xf32, #tpu.memory_space<vmem>>
      %dma_start3A_376 = arith.constant 0 : i32
      %dma_start3A_377 = tpu.memref_slice %arg3[%multiple_of3A_363, %dma_start3A_376] : memref<1000000x64xf32, #tpu.memory_space<hbm>> -> memref<8x64xf32, #tpu.memory_space<hbm>>
      tpu.enqueue_dma source(%dma_start3A_377 : memref<8x64xf32, #tpu.memory_space<hbm>>) target(%dma_start3A_375 : memref<8x64xf32, #tpu.memory_space<vmem>>) target_semaphore(%arg8 : memref<!tpu.dma_semaphore, #tpu.memory_space<semaphore_mem>>)
      %mul3A_378 = arith.constant 2 : i32
      %mul3A_379 = arith.muli %mul3A_378, %scan3A_10 : i32
      %add3A_380 = arith.constant 1 : i32
      %add3A_381 = arith.addi %mul3A_379, %add3A_380 : i32
      %mul3A_382 = arith.constant 16 : i32
      %mul3A_383 = arith.muli %add3A_381, %mul3A_382 : i32
      %jit3A_384 = arith.constant 128 : i32
      %div3A_385 = arith.divsi %mul3A_383, %jit3A_384 : i32
      %sign3A_386 = arith.constant 0 : i32
      %sign3A_387 = arith.cmpi sgt, %mul3A_383, %sign3A_386 : i32
      %sign3A_388 = arith.extui %sign3A_387 : i1 to i32
      %sign3A_389 = arith.constant 0 : i32
      %sign3A_390 = arith.cmpi slt, %mul3A_383, %sign3A_389 : i32
      %sign3A_391 = arith.extui %sign3A_390 : i1 to i32
      %sign3A_392 = arith.subi %sign3A_388, %sign3A_391 : i32
      %sign3A_393 = arith.constant 0 : i32
      %sign3A_394 = arith.cmpi sgt, %jit3A_384, %sign3A_393 : i32
      %sign3A_395 = arith.extui %sign3A_394 : i1 to i32
      %sign3A_396 = arith.constant 0 : i32
      %sign3A_397 = arith.cmpi slt, %jit3A_384, %sign3A_396 : i32
      %sign3A_398 = arith.extui %sign3A_397 : i1 to i32
      %sign3A_399 = arith.subi %sign3A_395, %sign3A_398 : i32
      %ne3A_400 = arith.cmpi ne, %sign3A_392, %sign3A_399 : i32
      %rem3A_401 = arith.remsi %mul3A_383, %jit3A_384 : i32
      %ne3A_402 = arith.constant 0 : i32
      %ne3A_403 = arith.cmpi ne, %rem3A_401, %ne3A_402 : i32
      %and3A_404 = arith.andi %ne3A_400, %ne3A_403 : i1
      %sub3A_405 = arith.constant 1 : i32
      %sub3A_406 = arith.subi %div3A_385, %sub3A_405 : i32
      %select_n3A_407 = arith.select %and3A_404, %sub3A_406, %div3A_385 : i32
      %jit3A_408 = arith.constant 128 : i32
      %eq3A_409 = arith.constant 0 : i32
      %eq3A_410 = arith.cmpi eq, %jit3A_408, %eq3A_409 : i32
      %jit3A_411 = arith.constant 1 : i32
      %select_n3A_412 = arith.select %eq3A_410, %jit3A_411, %jit3A_408 : i32
      %rem3A_413 = arith.remsi %mul3A_383, %select_n3A_412 : i32
      %ne3A_414 = arith.constant 0 : i32
      %ne3A_415 = arith.cmpi ne, %rem3A_413, %ne3A_414 : i32
      %lt3A_416 = arith.constant 0 : i32
      %lt3A_417 = arith.cmpi slt, %rem3A_413, %lt3A_416 : i32
      %lt3A_418 = arith.constant 0 : i32
      %lt3A_419 = arith.cmpi slt, %select_n3A_412, %lt3A_418 : i32
      %ne3A_420 = arith.xori %lt3A_417, %lt3A_419 : i1
      %and3A_421 = arith.andi %ne3A_420, %ne3A_415 : i1
      %add3A_422 = arith.addi %rem3A_413, %select_n3A_412 : i32
      %select_n3A_423 = arith.select %and3A_421, %add3A_422, %rem3A_413 : i32
      %get3A_424 = arith.index_cast %select_n3A_407 : i32 to index
      %get3A_425 = arith.index_cast %select_n3A_423 : i32 to index
      %get3A_426 = tpu.vector_load %arg5[%get3A_424, %get3A_425] {strides = array<i32>} : memref<4x128xi32, #tpu.memory_space<vmem>>, vector<1x16xi32>,
      %get3A_427 = vector.shape_cast %get3A_426 : vector<1x16xi32> to vector<16xi32>
      %slice3A_428 = vector.extract_strided_slice %get3A_427 {offsets = [0], sizes = [1], strides = [1]} : vector<16xi32> to vector<1xi32>
      %squeeze3A_429 = vector.extract %slice3A_428[0] : i32 from vector<1xi32>
      %shift_right_arithmetic3A_430 = arith.constant 3 : i32
      %shift_right_arithmetic3A_431 = arith.shrsi %squeeze3A_429, %shift_right_arithmetic3A_430 : i32
      %shift_left3A_432 = arith.constant 3 : i32
      %shift_left3A_433 = arith.shli %shift_right_arithmetic3A_431, %shift_left3A_432 : i32
      %multiple_of3A_434 = tpu.assume_multiple %shift_left3A_433, 8 : i32
      %dma_start3A_435 = arith.constant 1 : i32
      %dma_start3A_436 = arith.constant 0 : i32
      %dma_start3A_437 = arith.constant 0 : i32
      %dma_start3A_438 = arith.constant 0 : i32
      %dma_start3A_439 = tpu.memref_slice %arg6[%dma_start3A_435, %dma_start3A_436, %dma_start3A_437, %dma_start3A_438] : memref<2x16x8x64xf32, #tpu.memory_space<vmem>> -> memref<1x1x8x64xf32, #tpu.memory_space<vmem>>
      %dma_start3A_440 = tpu.memref_squeeze %dma_start3A_439 : memref<1x1x8x64xf32, #tpu.memory_space<vmem>> -> memref<8x64xf32, #tpu.memory_space<vmem>>
      %dma_start3A_441 = arith.constant 0 : i32
      %dma_start3A_442 = tpu.memref_slice %arg3[%multiple_of3A_434, %dma_start3A_441] : memref<1000000x64xf32, #tpu.memory_space<hbm>> -> memref<8x64xf32, #tpu.memory_space<hbm>>
      %dma_start3A_443 = arith.constant 0 : i32
      %dma_start3A_444 = arith.constant 0 : i32
      %dma_start3A_445 = tpu.memref_slice %arg6[%dma_start3A_435, %dma_start3A_436, %dma_start3A_443, %dma_start3A_444] : memref<2x16x8x64xf32, #tpu.memory_space<vmem>> -> memref<1x1x8x64xf32, #tpu.memory_space<vmem>>
      %dma_start3A_446 = tpu.memref_squeeze %dma_start3A_445 : memref<1x1x8x64xf32, #tpu.memory_space<vmem>> -> memref<8x64xf32, #tpu.memory_space<vmem>>
      %dma_start3A_447 = arith.constant 0 : i32
      %dma_start3A_448 = tpu.memref_slice %arg3[%multiple_of3A_434, %dma_start3A_447] : memref<1000000x64xf32, #tpu.memory_space<hbm>> -> memref<8x64xf32, #tpu.memory_space<hbm>>
      tpu.enqueue_dma source(%dma_start3A_448 : memref<8x64xf32, #tpu.memory_space<hbm>>) target(%dma_start3A_446 : memref<8x64xf32, #tpu.memory_space<vmem>>) target_semaphore(%arg8 : memref<!tpu.dma_semaphore, #tpu.memory_space<semaphore_mem>>)
      %slice3A_449 = vector.extract_strided_slice %get3A_427 {offsets = [1], sizes = [1], strides = [1]} : vector<16xi32> to vector<1xi32>
      %squeeze3A_450 = vector.extract %slice3A_449[0] : i32 from vector<1xi32>
      %shift_right_arithmetic3A_451 = arith.constant 3 : i32
      %shift_right_arithmetic3A_452 = arith.shrsi %squeeze3A_450, %shift_right_arithmetic3A_451 : i32
      %shift_left3A_453 = arith.constant 3 : i32
      %shift_left3A_454 = arith.shli %shift_right_arithmetic3A_452, %shift_left3A_453 : i32
      %multiple_of3A_455 = tpu.assume_multiple %shift_left3A_454, 8 : i32
      %dma_start3A_456 = arith.constant 1 : i32
      %dma_start3A_457 = arith.constant 1 : i32
      %dma_start3A_458 = arith.constant 0 : i32
      %dma_start3A_459 = arith.constant 0 : i32
      %dma_start3A_460 = tpu.memref_slice %arg6[%dma_start3A_456, %dma_start3A_457, %dma_start3A_458, %dma_start3A_459] : memref<2x16x8x64xf32, #tpu.memory_space<vmem>> -> memref<1x1x8x64xf32, #tpu.memory_space<vmem>>
      %dma_start3A_461 = tpu.memref_squeeze %dma_start3A_460 : memref<1x1x8x64xf32, #tpu.memory_space<vmem>> -> memref<8x64xf32, #tpu.memory_space<vmem>>
      %dma_start3A_462 = arith.constant 0 : i32
      %dma_start3A_463 = tpu.memref_slice %arg3[%multiple_of3A_455, %dma_start3A_462] : memref<1000000x64xf32, #tpu.memory_space<hbm>> -> memref<8x64xf32, #tpu.memory_space<hbm>>
      %dma_start3A_464 = arith.constant 0 : i32
      %dma_start3A_465 = arith.constant 0 : i32
      %dma_start3A_466 = tpu.memref_slice %arg6[%dma_start3A_456, %dma_start3A_457, %dma_start3A_464, %dma_start3A_465] : memref<2x16x8x64xf32, #tpu.memory_space<vmem>> -> memref<1x1x8x64xf32, #tpu.memory_space<vmem>>
      %dma_start3A_467 = tpu.memref_squeeze %dma_start3A_466 : memref<1x1x8x64xf32, #tpu.memory_space<vmem>> -> memref<8x64xf32, #tpu.memory_space<vmem>>
      %dma_start3A_468 = arith.constant 0 : i32
      %dma_start3A_469 = tpu.memref_slice %arg3[%multiple_of3A_455, %dma_start3A_468] : memref<1000000x64xf32, #tpu.memory_space<hbm>> -> memref<8x64xf32, #tpu.memory_space<hbm>>
      tpu.enqueue_dma source(%dma_start3A_469 : memref<8x64xf32, #tpu.memory_space<hbm>>) target(%dma_start3A_467 : memref<8x64xf32, #tpu.memory_space<vmem>>) target_semaphore(%arg8 : memref<!tpu.dma_semaphore, #tpu.memory_space<semaphore_mem>>)
      %slice3A_470 = vector.extract_strided_slice %get3A_427 {offsets = [2], sizes = [1], strides = [1]} : vector<16xi32> to vector<1xi32>
      %squeeze3A_471 = vector.extract %slice3A_470[0] : i32 from vector<1xi32>
      %shift_right_arithmetic3A_472 = arith.constant 3 : i32
      %shift_right_arithmetic3A_473 = arith.shrsi %squeeze3A_471, %shift_right_arithmetic3A_472 : i32
      %shift_left3A_474 = arith.constant 3 : i32
      %shift_left3A_475 = arith.shli %shift_right_arithmetic3A_473, %shift_left3A_474 : i32
      %multiple_of3A_476 = tpu.assume_multiple %shift_left3A_475, 8 : i32
      %dma_start3A_477 = arith.constant 1 : i32
      %dma_start3A_478 = arith.constant 2 : i32
      %dma_start3A_479 = arith.constant 0 : i32
      %dma_start3A_480 = arith.constant 0 : i32
      %dma_start3A_481 = tpu.memref_slice %arg6[%dma_start3A_477, %dma_start3A_478, %dma_start3A_479, %dma_start3A_480] : memref<2x16x8x64xf32, #tpu.memory_space<vmem>> -> memref<1x1x8x64xf32, #tpu.memory_space<vmem>>
      %dma_start3A_482 = tpu.memref_squeeze %dma_start3A_481 : memref<1x1x8x64xf32, #tpu.memory_space<vmem>> -> memref<8x64xf32, #tpu.memory_space<vmem>>
      %dma_start3A_483 = arith.constant 0 : i32
      %dma_start3A_484 = tpu.memref_slice %arg3[%multiple_of3A_476, %dma_start3A_483] : memref<1000000x64xf32, #tpu.memory_space<hbm>> -> memref<8x64xf32, #tpu.memory_space<hbm>>
      %dma_start3A_485 = arith.constant 0 : i32
      %dma_start3A_486 = arith.constant 0 : i32
      %dma_start3A_487 = tpu.memref_slice %arg6[%dma_start3A_477, %dma_start3A_478, %dma_start3A_485, %dma_start3A_486] : memref<2x16x8x64xf32, #tpu.memory_space<vmem>> -> memref<1x1x8x64xf32, #tpu.memory_space<vmem>>
      %dma_start3A_488 = tpu.memref_squeeze %dma_start3A_487 : memref<1x1x8x64xf32, #tpu.memory_space<vmem>> -> memref<8x64xf32, #tpu.memory_space<vmem>>
      %dma_start3A_489 = arith.constant 0 : i32
      %dma_start3A_490 = tpu.memref_slice %arg3[%multiple_of3A_476, %dma_start3A_489] : memref<1000000x64xf32, #tpu.memory_space<hbm>> -> memref<8x64xf32, #tpu.memory_space<hbm>>
      tpu.enqueue_dma source(%dma_start3A_490 : memref<8x64xf32, #tpu.memory_space<hbm>>) target(%dma_start3A_488 : memref<8x64xf32, #tpu.memory_space<vmem>>) target_semaphore(%arg8 : memref<!tpu.dma_semaphore, #tpu.memory_space<semaphore_mem>>)
      %slice3A_491 = vector.extract_strided_slice %get3A_427 {offsets = [3], sizes = [1], strides = [1]} : vector<16xi32> to vector<1xi32>
      %squeeze3A_492 = vector.extract %slice3A_491[0] : i32 from vector<1xi32>
      %shift_right_arithmetic3A_493 = arith.constant 3 : i32
      %shift_right_arithmetic3A_494 = arith.shrsi %squeeze3A_492, %shift_right_arithmetic3A_493 : i32
      %shift_left3A_495 = arith.constant 3 : i32
      %shift_left3A_496 = arith.shli %shift_right_arithmetic3A_494, %shift_left3A_495 : i32
      %multiple_of3A_497 = tpu.assume_multiple %shift_left3A_496, 8 : i32
      %dma_start3A_498 = arith.constant 1 : i32
      %dma_start3A_499 = arith.constant 3 : i32
      %dma_start3A_500 = arith.constant 0 : i32
      %dma_start3A_501 = arith.constant 0 : i32
      %dma_start3A_502 = tpu.memref_slice %arg6[%dma_start3A_498, %dma_start3A_499, %dma_start3A_500, %dma_start3A_501] : memref<2x16x8x64xf32, #tpu.memory_space<vmem>> -> memref<1x1x8x64xf32, #tpu.memory_space<vmem>>
      %dma_start3A_503 = tpu.memref_squeeze %dma_start3A_502 : memref<1x1x8x64xf32, #tpu.memory_space<vmem>> -> memref<8x64xf32, #tpu.memory_space<vmem>>
      %dma_start3A_504 = arith.constant 0 : i32
      %dma_start3A_505 = tpu.memref_slice %arg3[%multiple_of3A_497, %dma_start3A_504] : memref<1000000x64xf32, #tpu.memory_space<hbm>> -> memref<8x64xf32, #tpu.memory_space<hbm>>
      %dma_start3A_506 = arith.constant 0 : i32
      %dma_start3A_507 = arith.constant 0 : i32
      %dma_start3A_508 = tpu.memref_slice %arg6[%dma_start3A_498, %dma_start3A_499, %dma_start3A_506, %dma_start3A_507] : memref<2x16x8x64xf32, #tpu.memory_space<vmem>> -> memref<1x1x8x64xf32, #tpu.memory_space<vmem>>
      %dma_start3A_509 = tpu.memref_squeeze %dma_start3A_508 : memref<1x1x8x64xf32, #tpu.memory_space<vmem>> -> memref<8x64xf32, #tpu.memory_space<vmem>>
      %dma_start3A_510 = arith.constant 0 : i32
      %dma_start3A_511 = tpu.memref_slice %arg3[%multiple_of3A_497, %dma_start3A_510] : memref<1000000x64xf32, #tpu.memory_space<hbm>> -> memref<8x64xf32, #tpu.memory_space<hbm>>
      tpu.enqueue_dma source(%dma_start3A_511 : memref<8x64xf32, #tpu.memory_space<hbm>>) target(%dma_start3A_509 : memref<8x64xf32, #tpu.memory_space<vmem>>) target_semaphore(%arg8 : memref<!tpu.dma_semaphore, #tpu.memory_space<semaphore_mem>>)
      %slice3A_512 = vector.extract_strided_slice %get3A_427 {offsets = [4], sizes = [1], strides = [1]} : vector<16xi32> to vector<1xi32>
      %squeeze3A_513 = vector.extract %slice3A_512[0] : i32 from vector<1xi32>
      %shift_right_arithmetic3A_514 = arith.constant 3 : i32
      %shift_right_arithmetic3A_515 = arith.shrsi %squeeze3A_513, %shift_right_arithmetic3A_514 : i32
      %shift_left3A_516 = arith.constant 3 : i32
      %shift_left3A_517 = arith.shli %shift_right_arithmetic3A_515, %shift_left3A_516 : i32
      %multiple_of3A_518 = tpu.assume_multiple %shift_left3A_517, 8 : i32
      %dma_start3A_519 = arith.constant 1 : i32
      %dma_start3A_520 = arith.constant 4 : i32
      %dma_start3A_521 = arith.constant 0 : i32
      %dma_start3A_522 = arith.constant 0 : i32
      %dma_start3A_523 = tpu.memref_slice %arg6[%dma_start3A_519, %dma_start3A_520, %dma_start3A_521, %dma_start3A_522] : memref<2x16x8x64xf32, #tpu.memory_space<vmem>> -> memref<1x1x8x64xf32, #tpu.memory_space<vmem>>
      %dma_start3A_524 = tpu.memref_squeeze %dma_start3A_523 : memref<1x1x8x64xf32, #tpu.memory_space<vmem>> -> memref<8x64xf32, #tpu.memory_space<vmem>>
      %dma_start3A_525 = arith.constant 0 : i32
      %dma_start3A_526 = tpu.memref_slice %arg3[%multiple_of3A_518, %dma_start3A_525] : memref<1000000x64xf32, #tpu.memory_space<hbm>> -> memref<8x64xf32, #tpu.memory_space<hbm>>
      %dma_start3A_527 = arith.constant 0 : i32
      %dma_start3A_528 = arith.constant 0 : i32
      %dma_start3A_529 = tpu.memref_slice %arg6[%dma_start3A_519, %dma_start3A_520, %dma_start3A_527, %dma_start3A_528] : memref<2x16x8x64xf32, #tpu.memory_space<vmem>> -> memref<1x1x8x64xf32, #tpu.memory_space<vmem>>
      %dma_start3A_530 = tpu.memref_squeeze %dma_start3A_529 : memref<1x1x8x64xf32, #tpu.memory_space<vmem>> -> memref<8x64xf32, #tpu.memory_space<vmem>>
      %dma_start3A_531 = arith.constant 0 : i32
      %dma_start3A_532 = tpu.memref_slice %arg3[%multiple_of3A_518, %dma_start3A_531] : memref<1000000x64xf32, #tpu.memory_space<hbm>> -> memref<8x64xf32, #tpu.memory_space<hbm>>
      tpu.enqueue_dma source(%dma_start3A_532 : memref<8x64xf32, #tpu.memory_space<hbm>>) target(%dma_start3A_530 : memref<8x64xf32, #tpu.memory_space<vmem>>) target_semaphore(%arg8 : memref<!tpu.dma_semaphore, #tpu.memory_space<semaphore_mem>>)
      %slice3A_533 = vector.extract_strided_slice %get3A_427 {offsets = [5], sizes = [1], strides = [1]} : vector<16xi32> to vector<1xi32>
      %squeeze3A_534 = vector.extract %slice3A_533[0] : i32 from vector<1xi32>
      %shift_right_arithmetic3A_535 = arith.constant 3 : i32
      %shift_right_arithmetic3A_536 = arith.shrsi %squeeze3A_534, %shift_right_arithmetic3A_535 : i32
      %shift_left3A_537 = arith.constant 3 : i32
      %shift_left3A_538 = arith.shli %shift_right_arithmetic3A_536, %shift_left3A_537 : i32
      %multiple_of3A_539 = tpu.assume_multiple %shift_left3A_538, 8 : i32
      %dma_start3A_540 = arith.constant 1 : i32
      %dma_start3A_541 = arith.constant 5 : i32
      %dma_start3A_542 = arith.constant 0 : i32
      %dma_start3A_543 = arith.constant 0 : i32
      %dma_start3A_544 = tpu.memref_slice %arg6[%dma_start3A_540, %dma_start3A_541, %dma_start3A_542, %dma_start3A_543] : memref<2x16x8x64xf32, #tpu.memory_space<vmem>> -> memref<1x1x8x64xf32, #tpu.memory_space<vmem>>
      %dma_start3A_545 = tpu.memref_squeeze %dma_start3A_544 : memref<1x1x8x64xf32, #tpu.memory_space<vmem>> -> memref<8x64xf32, #tpu.memory_space<vmem>>
      %dma_start3A_546 = arith.constant 0 : i32
      %dma_start3A_547 = tpu.memref_slice %arg3[%multiple_of3A_539, %dma_start3A_546] : memref<1000000x64xf32, #tpu.memory_space<hbm>> -> memref<8x64xf32, #tpu.memory_space<hbm>>
      %dma_start3A_548 = arith.constant 0 : i32
      %dma_start3A_549 = arith.constant 0 : i32
      %dma_start3A_550 = tpu.memref_slice %arg6[%dma_start3A_540, %dma_start3A_541, %dma_start3A_548, %dma_start3A_549] : memref<2x16x8x64xf32, #tpu.memory_space<vmem>> -> memref<1x1x8x64xf32, #tpu.memory_space<vmem>>
      %dma_start3A_551 = tpu.memref_squeeze %dma_start3A_550 : memref<1x1x8x64xf32, #tpu.memory_space<vmem>> -> memref<8x64xf32, #tpu.memory_space<vmem>>
      %dma_start3A_552 = arith.constant 0 : i32
      %dma_start3A_553 = tpu.memref_slice %arg3[%multiple_of3A_539, %dma_start3A_552] : memref<1000000x64xf32, #tpu.memory_space<hbm>> -> memref<8x64xf32, #tpu.memory_space<hbm>>
      tpu.enqueue_dma source(%dma_start3A_553 : memref<8x64xf32, #tpu.memory_space<hbm>>) target(%dma_start3A_551 : memref<8x64xf32, #tpu.memory_space<vmem>>) target_semaphore(%arg8 : memref<!tpu.dma_semaphore, #tpu.memory_space<semaphore_mem>>)
      %slice3A_554 = vector.extract_strided_slice %get3A_427 {offsets = [6], sizes = [1], strides = [1]} : vector<16xi32> to vector<1xi32>
      %squeeze3A_555 = vector.extract %slice3A_554[0] : i32 from vector<1xi32>
      %shift_right_arithmetic3A_556 = arith.constant 3 : i32
      %shift_right_arithmetic3A_557 = arith.shrsi %squeeze3A_555, %shift_right_arithmetic3A_556 : i32
      %shift_left3A_558 = arith.constant 3 : i32
      %shift_left3A_559 = arith.shli %shift_right_arithmetic3A_557, %shift_left3A_558 : i32
      %multiple_of3A_560 = tpu.assume_multiple %shift_left3A_559, 8 : i32
      %dma_start3A_561 = arith.constant 1 : i32
      %dma_start3A_562 = arith.constant 6 : i32
      %dma_start3A_563 = arith.constant 0 : i32
      %dma_start3A_564 = arith.constant 0 : i32
      %dma_start3A_565 = tpu.memref_slice %arg6[%dma_start3A_561, %dma_start3A_562, %dma_start3A_563, %dma_start3A_564] : memref<2x16x8x64xf32, #tpu.memory_space<vmem>> -> memref<1x1x8x64xf32, #tpu.memory_space<vmem>>
      %dma_start3A_566 = tpu.memref_squeeze %dma_start3A_565 : memref<1x1x8x64xf32, #tpu.memory_space<vmem>> -> memref<8x64xf32, #tpu.memory_space<vmem>>
      %dma_start3A_567 = arith.constant 0 : i32
      %dma_start3A_568 = tpu.memref_slice %arg3[%multiple_of3A_560, %dma_start3A_567] : memref<1000000x64xf32, #tpu.memory_space<hbm>> -> memref<8x64xf32, #tpu.memory_space<hbm>>
      %dma_start3A_569 = arith.constant 0 : i32
      %dma_start3A_570 = arith.constant 0 : i32
      %dma_start3A_571 = tpu.memref_slice %arg6[%dma_start3A_561, %dma_start3A_562, %dma_start3A_569, %dma_start3A_570] : memref<2x16x8x64xf32, #tpu.memory_space<vmem>> -> memref<1x1x8x64xf32, #tpu.memory_space<vmem>>
      %dma_start3A_572 = tpu.memref_squeeze %dma_start3A_571 : memref<1x1x8x64xf32, #tpu.memory_space<vmem>> -> memref<8x64xf32, #tpu.memory_space<vmem>>
      %dma_start3A_573 = arith.constant 0 : i32
      %dma_start3A_574 = tpu.memref_slice %arg3[%multiple_of3A_560, %dma_start3A_573] : memref<1000000x64xf32, #tpu.memory_space<hbm>> -> memref<8x64xf32, #tpu.memory_space<hbm>>
      tpu.enqueue_dma source(%dma_start3A_574 : memref<8x64xf32, #tpu.memory_space<hbm>>) target(%dma_start3A_572 : memref<8x64xf32, #tpu.memory_space<vmem>>) target_semaphore(%arg8 : memref<!tpu.dma_semaphore, #tpu.memory_space<semaphore_mem>>)
      %slice3A_575 = vector.extract_strided_slice %get3A_427 {offsets = [7], sizes = [1], strides = [1]} : vector<16xi32> to vector<1xi32>
      %squeeze3A_576 = vector.extract %slice3A_575[0] : i32 from vector<1xi32>
      %shift_right_arithmetic3A_577 = arith.constant 3 : i32
      %shift_right_arithmetic3A_578 = arith.shrsi %squeeze3A_576, %shift_right_arithmetic3A_577 : i32
      %shift_left3A_579 = arith.constant 3 : i32
      %shift_left3A_580 = arith.shli %shift_right_arithmetic3A_578, %shift_left3A_579 : i32
      %multiple_of3A_581 = tpu.assume_multiple %shift_left3A_580, 8 : i32
      %dma_start3A_582 = arith.constant 1 : i32
      %dma_start3A_583 = arith.constant 7 : i32
      %dma_start3A_584 = arith.constant 0 : i32
      %dma_start3A_585 = arith.constant 0 : i32
      %dma_start3A_586 = tpu.memref_slice %arg6[%dma_start3A_582, %dma_start3A_583, %dma_start3A_584, %dma_start3A_585] : memref<2x16x8x64xf32, #tpu.memory_space<vmem>> -> memref<1x1x8x64xf32, #tpu.memory_space<vmem>>
      %dma_start3A_587 = tpu.memref_squeeze %dma_start3A_586 : memref<1x1x8x64xf32, #tpu.memory_space<vmem>> -> memref<8x64xf32, #tpu.memory_space<vmem>>
      %dma_start3A_588 = arith.constant 0 : i32
      %dma_start3A_589 = tpu.memref_slice %arg3[%multiple_of3A_581, %dma_start3A_588] : memref<1000000x64xf32, #tpu.memory_space<hbm>> -> memref<8x64xf32, #tpu.memory_space<hbm>>
      %dma_start3A_590 = arith.constant 0 : i32
      %dma_start3A_591 = arith.constant 0 : i32
      %dma_start3A_592 = tpu.memref_slice %arg6[%dma_start3A_582, %dma_start3A_583, %dma_start3A_590, %dma_start3A_591] : memref<2x16x8x64xf32, #tpu.memory_space<vmem>> -> memref<1x1x8x64xf32, #tpu.memory_space<vmem>>
      %dma_start3A_593 = tpu.memref_squeeze %dma_start3A_592 : memref<1x1x8x64xf32, #tpu.memory_space<vmem>> -> memref<8x64xf32, #tpu.memory_space<vmem>>
      %dma_start3A_594 = arith.constant 0 : i32
      %dma_start3A_595 = tpu.memref_slice %arg3[%multiple_of3A_581, %dma_start3A_594] : memref<1000000x64xf32, #tpu.memory_space<hbm>> -> memref<8x64xf32, #tpu.memory_space<hbm>>
      tpu.enqueue_dma source(%dma_start3A_595 : memref<8x64xf32, #tpu.memory_space<hbm>>) target(%dma_start3A_593 : memref<8x64xf32, #tpu.memory_space<vmem>>) target_semaphore(%arg8 : memref<!tpu.dma_semaphore, #tpu.memory_space<semaphore_mem>>)
      %slice3A_596 = vector.extract_strided_slice %get3A_427 {offsets = [8], sizes = [1], strides = [1]} : vector<16xi32> to vector<1xi32>
      %squeeze3A_597 = vector.extract %slice3A_596[0] : i32 from vector<1xi32>
      %shift_right_arithmetic3A_598 = arith.constant 3 : i32
      %shift_right_arithmetic3A_599 = arith.shrsi %squeeze3A_597, %shift_right_arithmetic3A_598 : i32
      %shift_left3A_600 = arith.constant 3 : i32
      %shift_left3A_601 = arith.shli %shift_right_arithmetic3A_599, %shift_left3A_600 : i32
      %multiple_of3A_602 = tpu.assume_multiple %shift_left3A_601, 8 : i32
      %dma_start3A_603 = arith.constant 1 : i32
      %dma_start3A_604 = arith.constant 8 : i32
      %dma_start3A_605 = arith.constant 0 : i32
      %dma_start3A_606 = arith.constant 0 : i32
      %dma_start3A_607 = tpu.memref_slice %arg6[%dma_start3A_603, %dma_start3A_604, %dma_start3A_605, %dma_start3A_606] : memref<2x16x8x64xf32, #tpu.memory_space<vmem>> -> memref<1x1x8x64xf32, #tpu.memory_space<vmem>>
      %dma_start3A_608 = tpu.memref_squeeze %dma_start3A_607 : memref<1x1x8x64xf32, #tpu.memory_space<vmem>> -> memref<8x64xf32, #tpu.memory_space<vmem>>
      %dma_start3A_609 = arith.constant 0 : i32
      %dma_start3A_610 = tpu.memref_slice %arg3[%multiple_of3A_602, %dma_start3A_609] : memref<1000000x64xf32, #tpu.memory_space<hbm>> -> memref<8x64xf32, #tpu.memory_space<hbm>>
      %dma_start3A_611 = arith.constant 0 : i32
      %dma_start3A_612 = arith.constant 0 : i32
      %dma_start3A_613 = tpu.memref_slice %arg6[%dma_start3A_603, %dma_start3A_604, %dma_start3A_611, %dma_start3A_612] : memref<2x16x8x64xf32, #tpu.memory_space<vmem>> -> memref<1x1x8x64xf32, #tpu.memory_space<vmem>>
      %dma_start3A_614 = tpu.memref_squeeze %dma_start3A_613 : memref<1x1x8x64xf32, #tpu.memory_space<vmem>> -> memref<8x64xf32, #tpu.memory_space<vmem>>
      %dma_start3A_615 = arith.constant 0 : i32
      %dma_start3A_616 = tpu.memref_slice %arg3[%multiple_of3A_602, %dma_start3A_615] : memref<1000000x64xf32, #tpu.memory_space<hbm>> -> memref<8x64xf32, #tpu.memory_space<hbm>>
      tpu.enqueue_dma source(%dma_start3A_616 : memref<8x64xf32, #tpu.memory_space<hbm>>) target(%dma_start3A_614 : memref<8x64xf32, #tpu.memory_space<vmem>>) target_semaphore(%arg8 : memref<!tpu.dma_semaphore, #tpu.memory_space<semaphore_mem>>)
      %slice3A_617 = vector.extract_strided_slice %get3A_427 {offsets = [9], sizes = [1], strides = [1]} : vector<16xi32> to vector<1xi32>
      %squeeze3A_618 = vector.extract %slice3A_617[0] : i32 from vector<1xi32>
      %shift_right_arithmetic3A_619 = arith.constant 3 : i32
      %shift_right_arithmetic3A_620 = arith.shrsi %squeeze3A_618, %shift_right_arithmetic3A_619 : i32
      %shift_left3A_621 = arith.constant 3 : i32
      %shift_left3A_622 = arith.shli %shift_right_arithmetic3A_620, %shift_left3A_621 : i32
      %multiple_of3A_623 = tpu.assume_multiple %shift_left3A_622, 8 : i32
      %dma_start3A_624 = arith.constant 1 : i32
      %dma_start3A_625 = arith.constant 9 : i32
      %dma_start3A_626 = arith.constant 0 : i32
      %dma_start3A_627 = arith.constant 0 : i32
      %dma_start3A_628 = tpu.memref_slice %arg6[%dma_start3A_624, %dma_start3A_625, %dma_start3A_626, %dma_start3A_627] : memref<2x16x8x64xf32, #tpu.memory_space<vmem>> -> memref<1x1x8x64xf32, #tpu.memory_space<vmem>>
      %dma_start3A_629 = tpu.memref_squeeze %dma_start3A_628 : memref<1x1x8x64xf32, #tpu.memory_space<vmem>> -> memref<8x64xf32, #tpu.memory_space<vmem>>
      %dma_start3A_630 = arith.constant 0 : i32
      %dma_start3A_631 = tpu.memref_slice %arg3[%multiple_of3A_623, %dma_start3A_630] : memref<1000000x64xf32, #tpu.memory_space<hbm>> -> memref<8x64xf32, #tpu.memory_space<hbm>>
      %dma_start3A_632 = arith.constant 0 : i32
      %dma_start3A_633 = arith.constant 0 : i32
      %dma_start3A_634 = tpu.memref_slice %arg6[%dma_start3A_624, %dma_start3A_625, %dma_start3A_632, %dma_start3A_633] : memref<2x16x8x64xf32, #tpu.memory_space<vmem>> -> memref<1x1x8x64xf32, #tpu.memory_space<vmem>>
      %dma_start3A_635 = tpu.memref_squeeze %dma_start3A_634 : memref<1x1x8x64xf32, #tpu.memory_space<vmem>> -> memref<8x64xf32, #tpu.memory_space<vmem>>
      %dma_start3A_636 = arith.constant 0 : i32
      %dma_start3A_637 = tpu.memref_slice %arg3[%multiple_of3A_623, %dma_start3A_636] : memref<1000000x64xf32, #tpu.memory_space<hbm>> -> memref<8x64xf32, #tpu.memory_space<hbm>>
      tpu.enqueue_dma source(%dma_start3A_637 : memref<8x64xf32, #tpu.memory_space<hbm>>) target(%dma_start3A_635 : memref<8x64xf32, #tpu.memory_space<vmem>>) target_semaphore(%arg8 : memref<!tpu.dma_semaphore, #tpu.memory_space<semaphore_mem>>)
      %slice3A_638 = vector.extract_strided_slice %get3A_427 {offsets = [10], sizes = [1], strides = [1]} : vector<16xi32> to vector<1xi32>
      %squeeze3A_639 = vector.extract %slice3A_638[0] : i32 from vector<1xi32>
      %shift_right_arithmetic3A_640 = arith.constant 3 : i32
      %shift_right_arithmetic3A_641 = arith.shrsi %squeeze3A_639, %shift_right_arithmetic3A_640 : i32
      %shift_left3A_642 = arith.constant 3 : i32
      %shift_left3A_643 = arith.shli %shift_right_arithmetic3A_641, %shift_left3A_642 : i32
      %multiple_of3A_644 = tpu.assume_multiple %shift_left3A_643, 8 : i32
      %dma_start3A_645 = arith.constant 1 : i32
      %dma_start3A_646 = arith.constant 10 : i32
      %dma_start3A_647 = arith.constant 0 : i32
      %dma_start3A_648 = arith.constant 0 : i32
      %dma_start3A_649 = tpu.memref_slice %arg6[%dma_start3A_645, %dma_start3A_646, %dma_start3A_647, %dma_start3A_648] : memref<2x16x8x64xf32, #tpu.memory_space<vmem>> -> memref<1x1x8x64xf32, #tpu.memory_space<vmem>>
      %dma_start3A_650 = tpu.memref_squeeze %dma_start3A_649 : memref<1x1x8x64xf32, #tpu.memory_space<vmem>> -> memref<8x64xf32, #tpu.memory_space<vmem>>
      %dma_start3A_651 = arith.constant 0 : i32
      %dma_start3A_652 = tpu.memref_slice %arg3[%multiple_of3A_644, %dma_start3A_651] : memref<1000000x64xf32, #tpu.memory_space<hbm>> -> memref<8x64xf32, #tpu.memory_space<hbm>>
      %dma_start3A_653 = arith.constant 0 : i32
      %dma_start3A_654 = arith.constant 0 : i32
      %dma_start3A_655 = tpu.memref_slice %arg6[%dma_start3A_645, %dma_start3A_646, %dma_start3A_653, %dma_start3A_654] : memref<2x16x8x64xf32, #tpu.memory_space<vmem>> -> memref<1x1x8x64xf32, #tpu.memory_space<vmem>>
      %dma_start3A_656 = tpu.memref_squeeze %dma_start3A_655 : memref<1x1x8x64xf32, #tpu.memory_space<vmem>> -> memref<8x64xf32, #tpu.memory_space<vmem>>
      %dma_start3A_657 = arith.constant 0 : i32
      %dma_start3A_658 = tpu.memref_slice %arg3[%multiple_of3A_644, %dma_start3A_657] : memref<1000000x64xf32, #tpu.memory_space<hbm>> -> memref<8x64xf32, #tpu.memory_space<hbm>>
      tpu.enqueue_dma source(%dma_start3A_658 : memref<8x64xf32, #tpu.memory_space<hbm>>) target(%dma_start3A_656 : memref<8x64xf32, #tpu.memory_space<vmem>>) target_semaphore(%arg8 : memref<!tpu.dma_semaphore, #tpu.memory_space<semaphore_mem>>)
      %slice3A_659 = vector.extract_strided_slice %get3A_427 {offsets = [11], sizes = [1], strides = [1]} : vector<16xi32> to vector<1xi32>
      %squeeze3A_660 = vector.extract %slice3A_659[0] : i32 from vector<1xi32>
      %shift_right_arithmetic3A_661 = arith.constant 3 : i32
      %shift_right_arithmetic3A_662 = arith.shrsi %squeeze3A_660, %shift_right_arithmetic3A_661 : i32
      %shift_left3A_663 = arith.constant 3 : i32
      %shift_left3A_664 = arith.shli %shift_right_arithmetic3A_662, %shift_left3A_663 : i32
      %multiple_of3A_665 = tpu.assume_multiple %shift_left3A_664, 8 : i32
      %dma_start3A_666 = arith.constant 1 : i32
      %dma_start3A_667 = arith.constant 11 : i32
      %dma_start3A_668 = arith.constant 0 : i32
      %dma_start3A_669 = arith.constant 0 : i32
      %dma_start3A_670 = tpu.memref_slice %arg6[%dma_start3A_666, %dma_start3A_667, %dma_start3A_668, %dma_start3A_669] : memref<2x16x8x64xf32, #tpu.memory_space<vmem>> -> memref<1x1x8x64xf32, #tpu.memory_space<vmem>>
      %dma_start3A_671 = tpu.memref_squeeze %dma_start3A_670 : memref<1x1x8x64xf32, #tpu.memory_space<vmem>> -> memref<8x64xf32, #tpu.memory_space<vmem>>
      %dma_start3A_672 = arith.constant 0 : i32
      %dma_start3A_673 = tpu.memref_slice %arg3[%multiple_of3A_665, %dma_start3A_672] : memref<1000000x64xf32, #tpu.memory_space<hbm>> -> memref<8x64xf32, #tpu.memory_space<hbm>>
      %dma_start3A_674 = arith.constant 0 : i32
      %dma_start3A_675 = arith.constant 0 : i32
      %dma_start3A_676 = tpu.memref_slice %arg6[%dma_start3A_666, %dma_start3A_667, %dma_start3A_674, %dma_start3A_675] : memref<2x16x8x64xf32, #tpu.memory_space<vmem>> -> memref<1x1x8x64xf32, #tpu.memory_space<vmem>>
      %dma_start3A_677 = tpu.memref_squeeze %dma_start3A_676 : memref<1x1x8x64xf32, #tpu.memory_space<vmem>> -> memref<8x64xf32, #tpu.memory_space<vmem>>
      %dma_start3A_678 = arith.constant 0 : i32
      %dma_start3A_679 = tpu.memref_slice %arg3[%multiple_of3A_665, %dma_start3A_678] : memref<1000000x64xf32, #tpu.memory_space<hbm>> -> memref<8x64xf32, #tpu.memory_space<hbm>>
      tpu.enqueue_dma source(%dma_start3A_679 : memref<8x64xf32, #tpu.memory_space<hbm>>) target(%dma_start3A_677 : memref<8x64xf32, #tpu.memory_space<vmem>>) target_semaphore(%arg8 : memref<!tpu.dma_semaphore, #tpu.memory_space<semaphore_mem>>)
      %slice3A_680 = vector.extract_strided_slice %get3A_427 {offsets = [12], sizes = [1], strides = [1]} : vector<16xi32> to vector<1xi32>
      %squeeze3A_681 = vector.extract %slice3A_680[0] : i32 from vector<1xi32>
      %shift_right_arithmetic3A_682 = arith.constant 3 : i32
      %shift_right_arithmetic3A_683 = arith.shrsi %squeeze3A_681, %shift_right_arithmetic3A_682 : i32
      %shift_left3A_684 = arith.constant 3 : i32
      %shift_left3A_685 = arith.shli %shift_right_arithmetic3A_683, %shift_left3A_684 : i32
      %multiple_of3A_686 = tpu.assume_multiple %shift_left3A_685, 8 : i32
      %dma_start3A_687 = arith.constant 1 : i32
      %dma_start3A_688 = arith.constant 12 : i32
      %dma_start3A_689 = arith.constant 0 : i32
      %dma_start3A_690 = arith.constant 0 : i32
      %dma_start3A_691 = tpu.memref_slice %arg6[%dma_start3A_687, %dma_start3A_688, %dma_start3A_689, %dma_start3A_690] : memref<2x16x8x64xf32, #tpu.memory_space<vmem>> -> memref<1x1x8x64xf32, #tpu.memory_space<vmem>>
      %dma_start3A_692 = tpu.memref_squeeze %dma_start3A_691 : memref<1x1x8x64xf32, #tpu.memory_space<vmem>> -> memref<8x64xf32, #tpu.memory_space<vmem>>
      %dma_start3A_693 = arith.constant 0 : i32
      %dma_start3A_694 = tpu.memref_slice %arg3[%multiple_of3A_686, %dma_start3A_693] : memref<1000000x64xf32, #tpu.memory_space<hbm>> -> memref<8x64xf32, #tpu.memory_space<hbm>>
      %dma_start3A_695 = arith.constant 0 : i32
      %dma_start3A_696 = arith.constant 0 : i32
      %dma_start3A_697 = tpu.memref_slice %arg6[%dma_start3A_687, %dma_start3A_688, %dma_start3A_695, %dma_start3A_696] : memref<2x16x8x64xf32, #tpu.memory_space<vmem>> -> memref<1x1x8x64xf32, #tpu.memory_space<vmem>>
      %dma_start3A_698 = tpu.memref_squeeze %dma_start3A_697 : memref<1x1x8x64xf32, #tpu.memory_space<vmem>> -> memref<8x64xf32, #tpu.memory_space<vmem>>
      %dma_start3A_699 = arith.constant 0 : i32
      %dma_start3A_700 = tpu.memref_slice %arg3[%multiple_of3A_686, %dma_start3A_699] : memref<1000000x64xf32, #tpu.memory_space<hbm>> -> memref<8x64xf32, #tpu.memory_space<hbm>>
      tpu.enqueue_dma source(%dma_start3A_700 : memref<8x64xf32, #tpu.memory_space<hbm>>) target(%dma_start3A_698 : memref<8x64xf32, #tpu.memory_space<vmem>>) target_semaphore(%arg8 : memref<!tpu.dma_semaphore, #tpu.memory_space<semaphore_mem>>)
      %slice3A_701 = vector.extract_strided_slice %get3A_427 {offsets = [13], sizes = [1], strides = [1]} : vector<16xi32> to vector<1xi32>
      %squeeze3A_702 = vector.extract %slice3A_701[0] : i32 from vector<1xi32>
      %shift_right_arithmetic3A_703 = arith.constant 3 : i32
      %shift_right_arithmetic3A_704 = arith.shrsi %squeeze3A_702, %shift_right_arithmetic3A_703 : i32
      %shift_left3A_705 = arith.constant 3 : i32
      %shift_left3A_706 = arith.shli %shift_right_arithmetic3A_704, %shift_left3A_705 : i32
      %multiple_of3A_707 = tpu.assume_multiple %shift_left3A_706, 8 : i32
      %dma_start3A_708 = arith.constant 1 : i32
      %dma_start3A_709 = arith.constant 13 : i32
      %dma_start3A_710 = arith.constant 0 : i32
      %dma_start3A_711 = arith.constant 0 : i32
      %dma_start3A_712 = tpu.memref_slice %arg6[%dma_start3A_708, %dma_start3A_709, %dma_start3A_710, %dma_start3A_711] : memref<2x16x8x64xf32, #tpu.memory_space<vmem>> -> memref<1x1x8x64xf32, #tpu.memory_space<vmem>>
      %dma_start3A_713 = tpu.memref_squeeze %dma_start3A_712 : memref<1x1x8x64xf32, #tpu.memory_space<vmem>> -> memref<8x64xf32, #tpu.memory_space<vmem>>
      %dma_start3A_714 = arith.constant 0 : i32
      %dma_start3A_715 = tpu.memref_slice %arg3[%multiple_of3A_707, %dma_start3A_714] : memref<1000000x64xf32, #tpu.memory_space<hbm>> -> memref<8x64xf32, #tpu.memory_space<hbm>>
      %dma_start3A_716 = arith.constant 0 : i32
      %dma_start3A_717 = arith.constant 0 : i32
      %dma_start3A_718 = tpu.memref_slice %arg6[%dma_start3A_708, %dma_start3A_709, %dma_start3A_716, %dma_start3A_717] : memref<2x16x8x64xf32, #tpu.memory_space<vmem>> -> memref<1x1x8x64xf32, #tpu.memory_space<vmem>>
      %dma_start3A_719 = tpu.memref_squeeze %dma_start3A_718 : memref<1x1x8x64xf32, #tpu.memory_space<vmem>> -> memref<8x64xf32, #tpu.memory_space<vmem>>
      %dma_start3A_720 = arith.constant 0 : i32
      %dma_start3A_721 = tpu.memref_slice %arg3[%multiple_of3A_707, %dma_start3A_720] : memref<1000000x64xf32, #tpu.memory_space<hbm>> -> memref<8x64xf32, #tpu.memory_space<hbm>>
      tpu.enqueue_dma source(%dma_start3A_721 : memref<8x64xf32, #tpu.memory_space<hbm>>) target(%dma_start3A_719 : memref<8x64xf32, #tpu.memory_space<vmem>>) target_semaphore(%arg8 : memref<!tpu.dma_semaphore, #tpu.memory_space<semaphore_mem>>)
      %slice3A_722 = vector.extract_strided_slice %get3A_427 {offsets = [14], sizes = [1], strides = [1]} : vector<16xi32> to vector<1xi32>
      %squeeze3A_723 = vector.extract %slice3A_722[0] : i32 from vector<1xi32>
      %shift_right_arithmetic3A_724 = arith.constant 3 : i32
      %shift_right_arithmetic3A_725 = arith.shrsi %squeeze3A_723, %shift_right_arithmetic3A_724 : i32
      %shift_left3A_726 = arith.constant 3 : i32
      %shift_left3A_727 = arith.shli %shift_right_arithmetic3A_725, %shift_left3A_726 : i32
      %multiple_of3A_728 = tpu.assume_multiple %shift_left3A_727, 8 : i32
      %dma_start3A_729 = arith.constant 1 : i32
      %dma_start3A_730 = arith.constant 14 : i32
      %dma_start3A_731 = arith.constant 0 : i32
      %dma_start3A_732 = arith.constant 0 : i32
      %dma_start3A_733 = tpu.memref_slice %arg6[%dma_start3A_729, %dma_start3A_730, %dma_start3A_731, %dma_start3A_732] : memref<2x16x8x64xf32, #tpu.memory_space<vmem>> -> memref<1x1x8x64xf32, #tpu.memory_space<vmem>>
      %dma_start3A_734 = tpu.memref_squeeze %dma_start3A_733 : memref<1x1x8x64xf32, #tpu.memory_space<vmem>> -> memref<8x64xf32, #tpu.memory_space<vmem>>
      %dma_start3A_735 = arith.constant 0 : i32
      %dma_start3A_736 = tpu.memref_slice %arg3[%multiple_of3A_728, %dma_start3A_735] : memref<1000000x64xf32, #tpu.memory_space<hbm>> -> memref<8x64xf32, #tpu.memory_space<hbm>>
      %dma_start3A_737 = arith.constant 0 : i32
      %dma_start3A_738 = arith.constant 0 : i32
      %dma_start3A_739 = tpu.memref_slice %arg6[%dma_start3A_729, %dma_start3A_730, %dma_start3A_737, %dma_start3A_738] : memref<2x16x8x64xf32, #tpu.memory_space<vmem>> -> memref<1x1x8x64xf32, #tpu.memory_space<vmem>>
      %dma_start3A_740 = tpu.memref_squeeze %dma_start3A_739 : memref<1x1x8x64xf32, #tpu.memory_space<vmem>> -> memref<8x64xf32, #tpu.memory_space<vmem>>
      %dma_start3A_741 = arith.constant 0 : i32
      %dma_start3A_742 = tpu.memref_slice %arg3[%multiple_of3A_728, %dma_start3A_741] : memref<1000000x64xf32, #tpu.memory_space<hbm>> -> memref<8x64xf32, #tpu.memory_space<hbm>>
      tpu.enqueue_dma source(%dma_start3A_742 : memref<8x64xf32, #tpu.memory_space<hbm>>) target(%dma_start3A_740 : memref<8x64xf32, #tpu.memory_space<vmem>>) target_semaphore(%arg8 : memref<!tpu.dma_semaphore, #tpu.memory_space<semaphore_mem>>)
      %slice3A_743 = vector.extract_strided_slice %get3A_427 {offsets = [15], sizes = [1], strides = [1]} : vector<16xi32> to vector<1xi32>
      %squeeze3A_744 = vector.extract %slice3A_743[0] : i32 from vector<1xi32>
      %shift_right_arithmetic3A_745 = arith.constant 3 : i32
      %shift_right_arithmetic3A_746 = arith.shrsi %squeeze3A_744, %shift_right_arithmetic3A_745 : i32
      %shift_left3A_747 = arith.constant 3 : i32
      %shift_left3A_748 = arith.shli %shift_right_arithmetic3A_746, %shift_left3A_747 : i32
      %multiple_of3A_749 = tpu.assume_multiple %shift_left3A_748, 8 : i32
      %dma_start3A_750 = arith.constant 1 : i32
      %dma_start3A_751 = arith.constant 15 : i32
      %dma_start3A_752 = arith.constant 0 : i32
      %dma_start3A_753 = arith.constant 0 : i32
      %dma_start3A_754 = tpu.memref_slice %arg6[%dma_start3A_750, %dma_start3A_751, %dma_start3A_752, %dma_start3A_753] : memref<2x16x8x64xf32, #tpu.memory_space<vmem>> -> memref<1x1x8x64xf32, #tpu.memory_space<vmem>>
      %dma_start3A_755 = tpu.memref_squeeze %dma_start3A_754 : memref<1x1x8x64xf32, #tpu.memory_space<vmem>> -> memref<8x64xf32, #tpu.memory_space<vmem>>
      %dma_start3A_756 = arith.constant 0 : i32
      %dma_start3A_757 = tpu.memref_slice %arg3[%multiple_of3A_749, %dma_start3A_756] : memref<1000000x64xf32, #tpu.memory_space<hbm>> -> memref<8x64xf32, #tpu.memory_space<hbm>>
      %dma_start3A_758 = arith.constant 0 : i32
      %dma_start3A_759 = arith.constant 0 : i32
      %dma_start3A_760 = tpu.memref_slice %arg6[%dma_start3A_750, %dma_start3A_751, %dma_start3A_758, %dma_start3A_759] : memref<2x16x8x64xf32, #tpu.memory_space<vmem>> -> memref<1x1x8x64xf32, #tpu.memory_space<vmem>>
      %dma_start3A_761 = tpu.memref_squeeze %dma_start3A_760 : memref<1x1x8x64xf32, #tpu.memory_space<vmem>> -> memref<8x64xf32, #tpu.memory_space<vmem>>
      %dma_start3A_762 = arith.constant 0 : i32
      %dma_start3A_763 = tpu.memref_slice %arg3[%multiple_of3A_749, %dma_start3A_762] : memref<1000000x64xf32, #tpu.memory_space<hbm>> -> memref<8x64xf32, #tpu.memory_space<hbm>>
      tpu.enqueue_dma source(%dma_start3A_763 : memref<8x64xf32, #tpu.memory_space<hbm>>) target(%dma_start3A_761 : memref<8x64xf32, #tpu.memory_space<vmem>>) target_semaphore(%arg8 : memref<!tpu.dma_semaphore, #tpu.memory_space<semaphore_mem>>)
      %mul3A_764 = arith.constant 2 : i32
      %mul3A_765 = arith.muli %mul3A_764, %scan3A_10 : i32
      %mul3A_766 = arith.constant 16 : i32
      %mul3A_767 = arith.muli %mul3A_765, %mul3A_766 : i32
      %dma_wait3A = arith.constant 0 : i32
      %dma_wait3A_768 = arith.constant 0 : i32
      %dma_wait3A_769 = arith.constant 0 : i32
      %dma_wait3A_770 = arith.constant 0 : i32
      %dma_wait3A_771 = tpu.memref_slice %arg6[%dma_wait3A, %dma_wait3A_768, %dma_wait3A_769, %dma_wait3A_770] : memref<2x16x8x64xf32, #tpu.memory_space<vmem>> -> memref<1x1x8x64xf32, #tpu.memory_space<vmem>>
      %dma_wait3A_772 = tpu.memref_squeeze %dma_wait3A_771 : memref<1x1x8x64xf32, #tpu.memory_space<vmem>> -> memref<8x64xf32, #tpu.memory_space<vmem>>
      %dma_wait3A_773 = arith.constant 0 : i32
      %dma_wait3A_774 = tpu.memref_slice %arg3[%multiple_of3A, %dma_wait3A_773] : memref<1000000x64xf32, #tpu.memory_space<hbm>> -> memref<8x64xf32, #tpu.memory_space<hbm>>
      %dma_wait3A_775 = arith.constant 0 : i32
      %dma_wait3A_776 = arith.constant 0 : i32
      %dma_wait3A_777 = tpu.memref_slice %arg6[%dma_wait3A, %dma_wait3A_768, %dma_wait3A_775, %dma_wait3A_776] : memref<2x16x8x64xf32, #tpu.memory_space<vmem>> -> memref<1x1x8x64xf32, #tpu.memory_space<vmem>>
      %dma_wait3A_778 = tpu.memref_squeeze %dma_wait3A_777 : memref<1x1x8x64xf32, #tpu.memory_space<vmem>> -> memref<8x64xf32, #tpu.memory_space<vmem>>
      %dma_wait3A_779 = arith.constant 0 : i32
      %dma_wait3A_780 = tpu.memref_slice %arg3[%multiple_of3A, %dma_wait3A_779] : memref<1000000x64xf32, #tpu.memory_space<hbm>> -> memref<8x64xf32, #tpu.memory_space<hbm>>
      tpu.wait_dma2 semaphore(%arg8 : memref<!tpu.dma_semaphore, #tpu.memory_space<semaphore_mem>>) src(%dma_wait3A_780 : memref<8x64xf32, #tpu.memory_space<hbm>>) dst(%dma_wait3A_778 : memref<8x64xf32, #tpu.memory_space<vmem>>)
      %dma_wait3A_781 = arith.constant 0 : i32
      %dma_wait3A_782 = arith.constant 1 : i32
      %dma_wait3A_783 = arith.constant 0 : i32
      %dma_wait3A_784 = arith.constant 0 : i32
      %dma_wait3A_785 = tpu.memref_slice %arg6[%dma_wait3A_781, %dma_wait3A_782, %dma_wait3A_783, %dma_wait3A_784] : memref<2x16x8x64xf32, #tpu.memory_space<vmem>> -> memref<1x1x8x64xf32, #tpu.memory_space<vmem>>
      %dma_wait3A_786 = tpu.memref_squeeze %dma_wait3A_785 : memref<1x1x8x64xf32, #tpu.memory_space<vmem>> -> memref<8x64xf32, #tpu.memory_space<vmem>>
      %dma_wait3A_787 = arith.constant 0 : i32
      %dma_wait3A_788 = tpu.memref_slice %arg3[%multiple_of3A_69, %dma_wait3A_787] : memref<1000000x64xf32, #tpu.memory_space<hbm>> -> memref<8x64xf32, #tpu.memory_space<hbm>>
      %dma_wait3A_789 = arith.constant 0 : i32
      %dma_wait3A_790 = arith.constant 0 : i32
      %dma_wait3A_791 = tpu.memref_slice %arg6[%dma_wait3A_781, %dma_wait3A_782, %dma_wait3A_789, %dma_wait3A_790] : memref<2x16x8x64xf32, #tpu.memory_space<vmem>> -> memref<1x1x8x64xf32, #tpu.memory_space<vmem>>
      %dma_wait3A_792 = tpu.memref_squeeze %dma_wait3A_791 : memref<1x1x8x64xf32, #tpu.memory_space<vmem>> -> memref<8x64xf32, #tpu.memory_space<vmem>>
      %dma_wait3A_793 = arith.constant 0 : i32
      %dma_wait3A_794 = tpu.memref_slice %arg3[%multiple_of3A_69, %dma_wait3A_793] : memref<1000000x64xf32, #tpu.memory_space<hbm>> -> memref<8x64xf32, #tpu.memory_space<hbm>>
      tpu.wait_dma2 semaphore(%arg8 : memref<!tpu.dma_semaphore, #tpu.memory_space<semaphore_mem>>) src(%dma_wait3A_794 : memref<8x64xf32, #tpu.memory_space<hbm>>) dst(%dma_wait3A_792 : memref<8x64xf32, #tpu.memory_space<vmem>>)
      %dma_wait3A_795 = arith.constant 0 : i32
      %dma_wait3A_796 = arith.constant 2 : i32
      %dma_wait3A_797 = arith.constant 0 : i32
      %dma_wait3A_798 = arith.constant 0 : i32
      %dma_wait3A_799 = tpu.memref_slice %arg6[%dma_wait3A_795, %dma_wait3A_796, %dma_wait3A_797, %dma_wait3A_798] : memref<2x16x8x64xf32, #tpu.memory_space<vmem>> -> memref<1x1x8x64xf32, #tpu.memory_space<vmem>>
      %dma_wait3A_800 = tpu.memref_squeeze %dma_wait3A_799 : memref<1x1x8x64xf32, #tpu.memory_space<vmem>> -> memref<8x64xf32, #tpu.memory_space<vmem>>
      %dma_wait3A_801 = arith.constant 0 : i32
      %dma_wait3A_802 = tpu.memref_slice %arg3[%multiple_of3A_90, %dma_wait3A_801] : memref<1000000x64xf32, #tpu.memory_space<hbm>> -> memref<8x64xf32, #tpu.memory_space<hbm>>
      %dma_wait3A_803 = arith.constant 0 : i32
      %dma_wait3A_804 = arith.constant 0 : i32
      %dma_wait3A_805 = tpu.memref_slice %arg6[%dma_wait3A_795, %dma_wait3A_796, %dma_wait3A_803, %dma_wait3A_804] : memref<2x16x8x64xf32, #tpu.memory_space<vmem>> -> memref<1x1x8x64xf32, #tpu.memory_space<vmem>>
      %dma_wait3A_806 = tpu.memref_squeeze %dma_wait3A_805 : memref<1x1x8x64xf32, #tpu.memory_space<vmem>> -> memref<8x64xf32, #tpu.memory_space<vmem>>
      %dma_wait3A_807 = arith.constant 0 : i32
      %dma_wait3A_808 = tpu.memref_slice %arg3[%multiple_of3A_90, %dma_wait3A_807] : memref<1000000x64xf32, #tpu.memory_space<hbm>> -> memref<8x64xf32, #tpu.memory_space<hbm>>
      tpu.wait_dma2 semaphore(%arg8 : memref<!tpu.dma_semaphore, #tpu.memory_space<semaphore_mem>>) src(%dma_wait3A_808 : memref<8x64xf32, #tpu.memory_space<hbm>>) dst(%dma_wait3A_806 : memref<8x64xf32, #tpu.memory_space<vmem>>)
      %dma_wait3A_809 = arith.constant 0 : i32
      %dma_wait3A_810 = arith.constant 3 : i32
      %dma_wait3A_811 = arith.constant 0 : i32
      %dma_wait3A_812 = arith.constant 0 : i32
      %dma_wait3A_813 = tpu.memref_slice %arg6[%dma_wait3A_809, %dma_wait3A_810, %dma_wait3A_811, %dma_wait3A_812] : memref<2x16x8x64xf32, #tpu.memory_space<vmem>> -> memref<1x1x8x64xf32, #tpu.memory_space<vmem>>
      %dma_wait3A_814 = tpu.memref_squeeze %dma_wait3A_813 : memref<1x1x8x64xf32, #tpu.memory_space<vmem>> -> memref<8x64xf32, #tpu.memory_space<vmem>>
      %dma_wait3A_815 = arith.constant 0 : i32
      %dma_wait3A_816 = tpu.memref_slice %arg3[%multiple_of3A_111, %dma_wait3A_815] : memref<1000000x64xf32, #tpu.memory_space<hbm>> -> memref<8x64xf32, #tpu.memory_space<hbm>>
      %dma_wait3A_817 = arith.constant 0 : i32
      %dma_wait3A_818 = arith.constant 0 : i32
      %dma_wait3A_819 = tpu.memref_slice %arg6[%dma_wait3A_809, %dma_wait3A_810, %dma_wait3A_817, %dma_wait3A_818] : memref<2x16x8x64xf32, #tpu.memory_space<vmem>> -> memref<1x1x8x64xf32, #tpu.memory_space<vmem>>
      %dma_wait3A_820 = tpu.memref_squeeze %dma_wait3A_819 : memref<1x1x8x64xf32, #tpu.memory_space<vmem>> -> memref<8x64xf32, #tpu.memory_space<vmem>>
      %dma_wait3A_821 = arith.constant 0 : i32
      %dma_wait3A_822 = tpu.memref_slice %arg3[%multiple_of3A_111, %dma_wait3A_821] : memref<1000000x64xf32, #tpu.memory_space<hbm>> -> memref<8x64xf32, #tpu.memory_space<hbm>>
      tpu.wait_dma2 semaphore(%arg8 : memref<!tpu.dma_semaphore, #tpu.memory_space<semaphore_mem>>) src(%dma_wait3A_822 : memref<8x64xf32, #tpu.memory_space<hbm>>) dst(%dma_wait3A_820 : memref<8x64xf32, #tpu.memory_space<vmem>>)
      %dma_wait3A_823 = arith.constant 0 : i32
      %dma_wait3A_824 = arith.constant 4 : i32
      %dma_wait3A_825 = arith.constant 0 : i32
      %dma_wait3A_826 = arith.constant 0 : i32
      %dma_wait3A_827 = tpu.memref_slice %arg6[%dma_wait3A_823, %dma_wait3A_824, %dma_wait3A_825, %dma_wait3A_826] : memref<2x16x8x64xf32, #tpu.memory_space<vmem>> -> memref<1x1x8x64xf32, #tpu.memory_space<vmem>>
      %dma_wait3A_828 = tpu.memref_squeeze %dma_wait3A_827 : memref<1x1x8x64xf32, #tpu.memory_space<vmem>> -> memref<8x64xf32, #tpu.memory_space<vmem>>
      %dma_wait3A_829 = arith.constant 0 : i32
      %dma_wait3A_830 = tpu.memref_slice %arg3[%multiple_of3A_132, %dma_wait3A_829] : memref<1000000x64xf32, #tpu.memory_space<hbm>> -> memref<8x64xf32, #tpu.memory_space<hbm>>
      %dma_wait3A_831 = arith.constant 0 : i32
      %dma_wait3A_832 = arith.constant 0 : i32
      %dma_wait3A_833 = tpu.memref_slice %arg6[%dma_wait3A_823, %dma_wait3A_824, %dma_wait3A_831, %dma_wait3A_832] : memref<2x16x8x64xf32, #tpu.memory_space<vmem>> -> memref<1x1x8x64xf32, #tpu.memory_space<vmem>>
      %dma_wait3A_834 = tpu.memref_squeeze %dma_wait3A_833 : memref<1x1x8x64xf32, #tpu.memory_space<vmem>> -> memref<8x64xf32, #tpu.memory_space<vmem>>
      %dma_wait3A_835 = arith.constant 0 : i32
      %dma_wait3A_836 = tpu.memref_slice %arg3[%multiple_of3A_132, %dma_wait3A_835] : memref<1000000x64xf32, #tpu.memory_space<hbm>> -> memref<8x64xf32, #tpu.memory_space<hbm>>
      tpu.wait_dma2 semaphore(%arg8 : memref<!tpu.dma_semaphore, #tpu.memory_space<semaphore_mem>>) src(%dma_wait3A_836 : memref<8x64xf32, #tpu.memory_space<hbm>>) dst(%dma_wait3A_834 : memref<8x64xf32, #tpu.memory_space<vmem>>)
      %dma_wait3A_837 = arith.constant 0 : i32
      %dma_wait3A_838 = arith.constant 5 : i32
      %dma_wait3A_839 = arith.constant 0 : i32
      %dma_wait3A_840 = arith.constant 0 : i32
      %dma_wait3A_841 = tpu.memref_slice %arg6[%dma_wait3A_837, %dma_wait3A_838, %dma_wait3A_839, %dma_wait3A_840] : memref<2x16x8x64xf32, #tpu.memory_space<vmem>> -> memref<1x1x8x64xf32, #tpu.memory_space<vmem>>
      %dma_wait3A_842 = tpu.memref_squeeze %dma_wait3A_841 : memref<1x1x8x64xf32, #tpu.memory_space<vmem>> -> memref<8x64xf32, #tpu.memory_space<vmem>>
      %dma_wait3A_843 = arith.constant 0 : i32
      %dma_wait3A_844 = tpu.memref_slice %arg3[%multiple_of3A_153, %dma_wait3A_843] : memref<1000000x64xf32, #tpu.memory_space<hbm>> -> memref<8x64xf32, #tpu.memory_space<hbm>>
      %dma_wait3A_845 = arith.constant 0 : i32
      %dma_wait3A_846 = arith.constant 0 : i32
      %dma_wait3A_847 = tpu.memref_slice %arg6[%dma_wait3A_837, %dma_wait3A_838, %dma_wait3A_845, %dma_wait3A_846] : memref<2x16x8x64xf32, #tpu.memory_space<vmem>> -> memref<1x1x8x64xf32, #tpu.memory_space<vmem>>
      %dma_wait3A_848 = tpu.memref_squeeze %dma_wait3A_847 : memref<1x1x8x64xf32, #tpu.memory_space<vmem>> -> memref<8x64xf32, #tpu.memory_space<vmem>>
      %dma_wait3A_849 = arith.constant 0 : i32
      %dma_wait3A_850 = tpu.memref_slice %arg3[%multiple_of3A_153, %dma_wait3A_849] : memref<1000000x64xf32, #tpu.memory_space<hbm>> -> memref<8x64xf32, #tpu.memory_space<hbm>>
      tpu.wait_dma2 semaphore(%arg8 : memref<!tpu.dma_semaphore, #tpu.memory_space<semaphore_mem>>) src(%dma_wait3A_850 : memref<8x64xf32, #tpu.memory_space<hbm>>) dst(%dma_wait3A_848 : memref<8x64xf32, #tpu.memory_space<vmem>>)
      %dma_wait3A_851 = arith.constant 0 : i32
      %dma_wait3A_852 = arith.constant 6 : i32
      %dma_wait3A_853 = arith.constant 0 : i32
      %dma_wait3A_854 = arith.constant 0 : i32
      %dma_wait3A_855 = tpu.memref_slice %arg6[%dma_wait3A_851, %dma_wait3A_852, %dma_wait3A_853, %dma_wait3A_854] : memref<2x16x8x64xf32, #tpu.memory_space<vmem>> -> memref<1x1x8x64xf32, #tpu.memory_space<vmem>>
      %dma_wait3A_856 = tpu.memref_squeeze %dma_wait3A_855 : memref<1x1x8x64xf32, #tpu.memory_space<vmem>> -> memref<8x64xf32, #tpu.memory_space<vmem>>
      %dma_wait3A_857 = arith.constant 0 : i32
      %dma_wait3A_858 = tpu.memref_slice %arg3[%multiple_of3A_174, %dma_wait3A_857] : memref<1000000x64xf32, #tpu.memory_space<hbm>> -> memref<8x64xf32, #tpu.memory_space<hbm>>
      %dma_wait3A_859 = arith.constant 0 : i32
      %dma_wait3A_860 = arith.constant 0 : i32
      %dma_wait3A_861 = tpu.memref_slice %arg6[%dma_wait3A_851, %dma_wait3A_852, %dma_wait3A_859, %dma_wait3A_860] : memref<2x16x8x64xf32, #tpu.memory_space<vmem>> -> memref<1x1x8x64xf32, #tpu.memory_space<vmem>>
      %dma_wait3A_862 = tpu.memref_squeeze %dma_wait3A_861 : memref<1x1x8x64xf32, #tpu.memory_space<vmem>> -> memref<8x64xf32, #tpu.memory_space<vmem>>
      %dma_wait3A_863 = arith.constant 0 : i32
      %dma_wait3A_864 = tpu.memref_slice %arg3[%multiple_of3A_174, %dma_wait3A_863] : memref<1000000x64xf32, #tpu.memory_space<hbm>> -> memref<8x64xf32, #tpu.memory_space<hbm>>
      tpu.wait_dma2 semaphore(%arg8 : memref<!tpu.dma_semaphore, #tpu.memory_space<semaphore_mem>>) src(%dma_wait3A_864 : memref<8x64xf32, #tpu.memory_space<hbm>>) dst(%dma_wait3A_862 : memref<8x64xf32, #tpu.memory_space<vmem>>)
      %dma_wait3A_865 = arith.constant 0 : i32
      %dma_wait3A_866 = arith.constant 7 : i32
      %dma_wait3A_867 = arith.constant 0 : i32
      %dma_wait3A_868 = arith.constant 0 : i32
      %dma_wait3A_869 = tpu.memref_slice %arg6[%dma_wait3A_865, %dma_wait3A_866, %dma_wait3A_867, %dma_wait3A_868] : memref<2x16x8x64xf32, #tpu.memory_space<vmem>> -> memref<1x1x8x64xf32, #tpu.memory_space<vmem>>
      %dma_wait3A_870 = tpu.memref_squeeze %dma_wait3A_869 : memref<1x1x8x64xf32, #tpu.memory_space<vmem>> -> memref<8x64xf32, #tpu.memory_space<vmem>>
      %dma_wait3A_871 = arith.constant 0 : i32
      %dma_wait3A_872 = tpu.memref_slice %arg3[%multiple_of3A_195, %dma_wait3A_871] : memref<1000000x64xf32, #tpu.memory_space<hbm>> -> memref<8x64xf32, #tpu.memory_space<hbm>>
      %dma_wait3A_873 = arith.constant 0 : i32
      %dma_wait3A_874 = arith.constant 0 : i32
      %dma_wait3A_875 = tpu.memref_slice %arg6[%dma_wait3A_865, %dma_wait3A_866, %dma_wait3A_873, %dma_wait3A_874] : memref<2x16x8x64xf32, #tpu.memory_space<vmem>> -> memref<1x1x8x64xf32, #tpu.memory_space<vmem>>
      %dma_wait3A_876 = tpu.memref_squeeze %dma_wait3A_875 : memref<1x1x8x64xf32, #tpu.memory_space<vmem>> -> memref<8x64xf32, #tpu.memory_space<vmem>>
      %dma_wait3A_877 = arith.constant 0 : i32
      %dma_wait3A_878 = tpu.memref_slice %arg3[%multiple_of3A_195, %dma_wait3A_877] : memref<1000000x64xf32, #tpu.memory_space<hbm>> -> memref<8x64xf32, #tpu.memory_space<hbm>>
      tpu.wait_dma2 semaphore(%arg8 : memref<!tpu.dma_semaphore, #tpu.memory_space<semaphore_mem>>) src(%dma_wait3A_878 : memref<8x64xf32, #tpu.memory_space<hbm>>) dst(%dma_wait3A_876 : memref<8x64xf32, #tpu.memory_space<vmem>>)
      %dma_wait3A_879 = arith.constant 0 : i32
      %dma_wait3A_880 = arith.constant 8 : i32
      %dma_wait3A_881 = arith.constant 0 : i32
      %dma_wait3A_882 = arith.constant 0 : i32
      %dma_wait3A_883 = tpu.memref_slice %arg6[%dma_wait3A_879, %dma_wait3A_880, %dma_wait3A_881, %dma_wait3A_882] : memref<2x16x8x64xf32, #tpu.memory_space<vmem>> -> memref<1x1x8x64xf32, #tpu.memory_space<vmem>>
      %dma_wait3A_884 = tpu.memref_squeeze %dma_wait3A_883 : memref<1x1x8x64xf32, #tpu.memory_space<vmem>> -> memref<8x64xf32, #tpu.memory_space<vmem>>
      %dma_wait3A_885 = arith.constant 0 : i32
      %dma_wait3A_886 = tpu.memref_slice %arg3[%multiple_of3A_216, %dma_wait3A_885] : memref<1000000x64xf32, #tpu.memory_space<hbm>> -> memref<8x64xf32, #tpu.memory_space<hbm>>
      %dma_wait3A_887 = arith.constant 0 : i32
      %dma_wait3A_888 = arith.constant 0 : i32
      %dma_wait3A_889 = tpu.memref_slice %arg6[%dma_wait3A_879, %dma_wait3A_880, %dma_wait3A_887, %dma_wait3A_888] : memref<2x16x8x64xf32, #tpu.memory_space<vmem>> -> memref<1x1x8x64xf32, #tpu.memory_space<vmem>>
      %dma_wait3A_890 = tpu.memref_squeeze %dma_wait3A_889 : memref<1x1x8x64xf32, #tpu.memory_space<vmem>> -> memref<8x64xf32, #tpu.memory_space<vmem>>
      %dma_wait3A_891 = arith.constant 0 : i32
      %dma_wait3A_892 = tpu.memref_slice %arg3[%multiple_of3A_216, %dma_wait3A_891] : memref<1000000x64xf32, #tpu.memory_space<hbm>> -> memref<8x64xf32, #tpu.memory_space<hbm>>
      tpu.wait_dma2 semaphore(%arg8 : memref<!tpu.dma_semaphore, #tpu.memory_space<semaphore_mem>>) src(%dma_wait3A_892 : memref<8x64xf32, #tpu.memory_space<hbm>>) dst(%dma_wait3A_890 : memref<8x64xf32, #tpu.memory_space<vmem>>)
      %dma_wait3A_893 = arith.constant 0 : i32
      %dma_wait3A_894 = arith.constant 9 : i32
      %dma_wait3A_895 = arith.constant 0 : i32
      %dma_wait3A_896 = arith.constant 0 : i32
      %dma_wait3A_897 = tpu.memref_slice %arg6[%dma_wait3A_893, %dma_wait3A_894, %dma_wait3A_895, %dma_wait3A_896] : memref<2x16x8x64xf32, #tpu.memory_space<vmem>> -> memref<1x1x8x64xf32, #tpu.memory_space<vmem>>
      %dma_wait3A_898 = tpu.memref_squeeze %dma_wait3A_897 : memref<1x1x8x64xf32, #tpu.memory_space<vmem>> -> memref<8x64xf32, #tpu.memory_space<vmem>>
      %dma_wait3A_899 = arith.constant 0 : i32
      %dma_wait3A_900 = tpu.memref_slice %arg3[%multiple_of3A_237, %dma_wait3A_899] : memref<1000000x64xf32, #tpu.memory_space<hbm>> -> memref<8x64xf32, #tpu.memory_space<hbm>>
      %dma_wait3A_901 = arith.constant 0 : i32
      %dma_wait3A_902 = arith.constant 0 : i32
      %dma_wait3A_903 = tpu.memref_slice %arg6[%dma_wait3A_893, %dma_wait3A_894, %dma_wait3A_901, %dma_wait3A_902] : memref<2x16x8x64xf32, #tpu.memory_space<vmem>> -> memref<1x1x8x64xf32, #tpu.memory_space<vmem>>
      %dma_wait3A_904 = tpu.memref_squeeze %dma_wait3A_903 : memref<1x1x8x64xf32, #tpu.memory_space<vmem>> -> memref<8x64xf32, #tpu.memory_space<vmem>>
      %dma_wait3A_905 = arith.constant 0 : i32
      %dma_wait3A_906 = tpu.memref_slice %arg3[%multiple_of3A_237, %dma_wait3A_905] : memref<1000000x64xf32, #tpu.memory_space<hbm>> -> memref<8x64xf32, #tpu.memory_space<hbm>>
      tpu.wait_dma2 semaphore(%arg8 : memref<!tpu.dma_semaphore, #tpu.memory_space<semaphore_mem>>) src(%dma_wait3A_906 : memref<8x64xf32, #tpu.memory_space<hbm>>) dst(%dma_wait3A_904 : memref<8x64xf32, #tpu.memory_space<vmem>>)
      %dma_wait3A_907 = arith.constant 0 : i32
      %dma_wait3A_908 = arith.constant 10 : i32
      %dma_wait3A_909 = arith.constant 0 : i32
      %dma_wait3A_910 = arith.constant 0 : i32
      %dma_wait3A_911 = tpu.memref_slice %arg6[%dma_wait3A_907, %dma_wait3A_908, %dma_wait3A_909, %dma_wait3A_910] : memref<2x16x8x64xf32, #tpu.memory_space<vmem>> -> memref<1x1x8x64xf32, #tpu.memory_space<vmem>>
      %dma_wait3A_912 = tpu.memref_squeeze %dma_wait3A_911 : memref<1x1x8x64xf32, #tpu.memory_space<vmem>> -> memref<8x64xf32, #tpu.memory_space<vmem>>
      %dma_wait3A_913 = arith.constant 0 : i32
      %dma_wait3A_914 = tpu.memref_slice %arg3[%multiple_of3A_258, %dma_wait3A_913] : memref<1000000x64xf32, #tpu.memory_space<hbm>> -> memref<8x64xf32, #tpu.memory_space<hbm>>
      %dma_wait3A_915 = arith.constant 0 : i32
      %dma_wait3A_916 = arith.constant 0 : i32
      %dma_wait3A_917 = tpu.memref_slice %arg6[%dma_wait3A_907, %dma_wait3A_908, %dma_wait3A_915, %dma_wait3A_916] : memref<2x16x8x64xf32, #tpu.memory_space<vmem>> -> memref<1x1x8x64xf32, #tpu.memory_space<vmem>>
      %dma_wait3A_918 = tpu.memref_squeeze %dma_wait3A_917 : memref<1x1x8x64xf32, #tpu.memory_space<vmem>> -> memref<8x64xf32, #tpu.memory_space<vmem>>
      %dma_wait3A_919 = arith.constant 0 : i32
      %dma_wait3A_920 = tpu.memref_slice %arg3[%multiple_of3A_258, %dma_wait3A_919] : memref<1000000x64xf32, #tpu.memory_space<hbm>> -> memref<8x64xf32, #tpu.memory_space<hbm>>
      tpu.wait_dma2 semaphore(%arg8 : memref<!tpu.dma_semaphore, #tpu.memory_space<semaphore_mem>>) src(%dma_wait3A_920 : memref<8x64xf32, #tpu.memory_space<hbm>>) dst(%dma_wait3A_918 : memref<8x64xf32, #tpu.memory_space<vmem>>)
      %dma_wait3A_921 = arith.constant 0 : i32
      %dma_wait3A_922 = arith.constant 11 : i32
      %dma_wait3A_923 = arith.constant 0 : i32
      %dma_wait3A_924 = arith.constant 0 : i32
      %dma_wait3A_925 = tpu.memref_slice %arg6[%dma_wait3A_921, %dma_wait3A_922, %dma_wait3A_923, %dma_wait3A_924] : memref<2x16x8x64xf32, #tpu.memory_space<vmem>> -> memref<1x1x8x64xf32, #tpu.memory_space<vmem>>
      %dma_wait3A_926 = tpu.memref_squeeze %dma_wait3A_925 : memref<1x1x8x64xf32, #tpu.memory_space<vmem>> -> memref<8x64xf32, #tpu.memory_space<vmem>>
      %dma_wait3A_927 = arith.constant 0 : i32
      %dma_wait3A_928 = tpu.memref_slice %arg3[%multiple_of3A_279, %dma_wait3A_927] : memref<1000000x64xf32, #tpu.memory_space<hbm>> -> memref<8x64xf32, #tpu.memory_space<hbm>>
      %dma_wait3A_929 = arith.constant 0 : i32
      %dma_wait3A_930 = arith.constant 0 : i32
      %dma_wait3A_931 = tpu.memref_slice %arg6[%dma_wait3A_921, %dma_wait3A_922, %dma_wait3A_929, %dma_wait3A_930] : memref<2x16x8x64xf32, #tpu.memory_space<vmem>> -> memref<1x1x8x64xf32, #tpu.memory_space<vmem>>
      %dma_wait3A_932 = tpu.memref_squeeze %dma_wait3A_931 : memref<1x1x8x64xf32, #tpu.memory_space<vmem>> -> memref<8x64xf32, #tpu.memory_space<vmem>>
      %dma_wait3A_933 = arith.constant 0 : i32
      %dma_wait3A_934 = tpu.memref_slice %arg3[%multiple_of3A_279, %dma_wait3A_933] : memref<1000000x64xf32, #tpu.memory_space<hbm>> -> memref<8x64xf32, #tpu.memory_space<hbm>>
      tpu.wait_dma2 semaphore(%arg8 : memref<!tpu.dma_semaphore, #tpu.memory_space<semaphore_mem>>) src(%dma_wait3A_934 : memref<8x64xf32, #tpu.memory_space<hbm>>) dst(%dma_wait3A_932 : memref<8x64xf32, #tpu.memory_space<vmem>>)
      %dma_wait3A_935 = arith.constant 0 : i32
      %dma_wait3A_936 = arith.constant 12 : i32
      %dma_wait3A_937 = arith.constant 0 : i32
      %dma_wait3A_938 = arith.constant 0 : i32
      %dma_wait3A_939 = tpu.memref_slice %arg6[%dma_wait3A_935, %dma_wait3A_936, %dma_wait3A_937, %dma_wait3A_938] : memref<2x16x8x64xf32, #tpu.memory_space<vmem>> -> memref<1x1x8x64xf32, #tpu.memory_space<vmem>>
      %dma_wait3A_940 = tpu.memref_squeeze %dma_wait3A_939 : memref<1x1x8x64xf32, #tpu.memory_space<vmem>> -> memref<8x64xf32, #tpu.memory_space<vmem>>
      %dma_wait3A_941 = arith.constant 0 : i32
      %dma_wait3A_942 = tpu.memref_slice %arg3[%multiple_of3A_300, %dma_wait3A_941] : memref<1000000x64xf32, #tpu.memory_space<hbm>> -> memref<8x64xf32, #tpu.memory_space<hbm>>
      %dma_wait3A_943 = arith.constant 0 : i32
      %dma_wait3A_944 = arith.constant 0 : i32
      %dma_wait3A_945 = tpu.memref_slice %arg6[%dma_wait3A_935, %dma_wait3A_936, %dma_wait3A_943, %dma_wait3A_944] : memref<2x16x8x64xf32, #tpu.memory_space<vmem>> -> memref<1x1x8x64xf32, #tpu.memory_space<vmem>>
      %dma_wait3A_946 = tpu.memref_squeeze %dma_wait3A_945 : memref<1x1x8x64xf32, #tpu.memory_space<vmem>> -> memref<8x64xf32, #tpu.memory_space<vmem>>
      %dma_wait3A_947 = arith.constant 0 : i32
      %dma_wait3A_948 = tpu.memref_slice %arg3[%multiple_of3A_300, %dma_wait3A_947] : memref<1000000x64xf32, #tpu.memory_space<hbm>> -> memref<8x64xf32, #tpu.memory_space<hbm>>
      tpu.wait_dma2 semaphore(%arg8 : memref<!tpu.dma_semaphore, #tpu.memory_space<semaphore_mem>>) src(%dma_wait3A_948 : memref<8x64xf32, #tpu.memory_space<hbm>>) dst(%dma_wait3A_946 : memref<8x64xf32, #tpu.memory_space<vmem>>)
      %dma_wait3A_949 = arith.constant 0 : i32
      %dma_wait3A_950 = arith.constant 13 : i32
      %dma_wait3A_951 = arith.constant 0 : i32
      %dma_wait3A_952 = arith.constant 0 : i32
      %dma_wait3A_953 = tpu.memref_slice %arg6[%dma_wait3A_949, %dma_wait3A_950, %dma_wait3A_951, %dma_wait3A_952] : memref<2x16x8x64xf32, #tpu.memory_space<vmem>> -> memref<1x1x8x64xf32, #tpu.memory_space<vmem>>
      %dma_wait3A_954 = tpu.memref_squeeze %dma_wait3A_953 : memref<1x1x8x64xf32, #tpu.memory_space<vmem>> -> memref<8x64xf32, #tpu.memory_space<vmem>>
      %dma_wait3A_955 = arith.constant 0 : i32
      %dma_wait3A_956 = tpu.memref_slice %arg3[%multiple_of3A_321, %dma_wait3A_955] : memref<1000000x64xf32, #tpu.memory_space<hbm>> -> memref<8x64xf32, #tpu.memory_space<hbm>>
      %dma_wait3A_957 = arith.constant 0 : i32
      %dma_wait3A_958 = arith.constant 0 : i32
      %dma_wait3A_959 = tpu.memref_slice %arg6[%dma_wait3A_949, %dma_wait3A_950, %dma_wait3A_957, %dma_wait3A_958] : memref<2x16x8x64xf32, #tpu.memory_space<vmem>> -> memref<1x1x8x64xf32, #tpu.memory_space<vmem>>
      %dma_wait3A_960 = tpu.memref_squeeze %dma_wait3A_959 : memref<1x1x8x64xf32, #tpu.memory_space<vmem>> -> memref<8x64xf32, #tpu.memory_space<vmem>>
      %dma_wait3A_961 = arith.constant 0 : i32
      %dma_wait3A_962 = tpu.memref_slice %arg3[%multiple_of3A_321, %dma_wait3A_961] : memref<1000000x64xf32, #tpu.memory_space<hbm>> -> memref<8x64xf32, #tpu.memory_space<hbm>>
      tpu.wait_dma2 semaphore(%arg8 : memref<!tpu.dma_semaphore, #tpu.memory_space<semaphore_mem>>) src(%dma_wait3A_962 : memref<8x64xf32, #tpu.memory_space<hbm>>) dst(%dma_wait3A_960 : memref<8x64xf32, #tpu.memory_space<vmem>>)
      %dma_wait3A_963 = arith.constant 0 : i32
      %dma_wait3A_964 = arith.constant 14 : i32
      %dma_wait3A_965 = arith.constant 0 : i32
      %dma_wait3A_966 = arith.constant 0 : i32
      %dma_wait3A_967 = tpu.memref_slice %arg6[%dma_wait3A_963, %dma_wait3A_964, %dma_wait3A_965, %dma_wait3A_966] : memref<2x16x8x64xf32, #tpu.memory_space<vmem>> -> memref<1x1x8x64xf32, #tpu.memory_space<vmem>>
      %dma_wait3A_968 = tpu.memref_squeeze %dma_wait3A_967 : memref<1x1x8x64xf32, #tpu.memory_space<vmem>> -> memref<8x64xf32, #tpu.memory_space<vmem>>
      %dma_wait3A_969 = arith.constant 0 : i32
      %dma_wait3A_970 = tpu.memref_slice %arg3[%multiple_of3A_342, %dma_wait3A_969] : memref<1000000x64xf32, #tpu.memory_space<hbm>> -> memref<8x64xf32, #tpu.memory_space<hbm>>
      %dma_wait3A_971 = arith.constant 0 : i32
      %dma_wait3A_972 = arith.constant 0 : i32
      %dma_wait3A_973 = tpu.memref_slice %arg6[%dma_wait3A_963, %dma_wait3A_964, %dma_wait3A_971, %dma_wait3A_972] : memref<2x16x8x64xf32, #tpu.memory_space<vmem>> -> memref<1x1x8x64xf32, #tpu.memory_space<vmem>>
      %dma_wait3A_974 = tpu.memref_squeeze %dma_wait3A_973 : memref<1x1x8x64xf32, #tpu.memory_space<vmem>> -> memref<8x64xf32, #tpu.memory_space<vmem>>
      %dma_wait3A_975 = arith.constant 0 : i32
      %dma_wait3A_976 = tpu.memref_slice %arg3[%multiple_of3A_342, %dma_wait3A_975] : memref<1000000x64xf32, #tpu.memory_space<hbm>> -> memref<8x64xf32, #tpu.memory_space<hbm>>
      tpu.wait_dma2 semaphore(%arg8 : memref<!tpu.dma_semaphore, #tpu.memory_space<semaphore_mem>>) src(%dma_wait3A_976 : memref<8x64xf32, #tpu.memory_space<hbm>>) dst(%dma_wait3A_974 : memref<8x64xf32, #tpu.memory_space<vmem>>)
      %dma_wait3A_977 = arith.constant 0 : i32
      %dma_wait3A_978 = arith.constant 15 : i32
      %dma_wait3A_979 = arith.constant 0 : i32
      %dma_wait3A_980 = arith.constant 0 : i32
      %dma_wait3A_981 = tpu.memref_slice %arg6[%dma_wait3A_977, %dma_wait3A_978, %dma_wait3A_979, %dma_wait3A_980] : memref<2x16x8x64xf32, #tpu.memory_space<vmem>> -> memref<1x1x8x64xf32, #tpu.memory_space<vmem>>
      %dma_wait3A_982 = tpu.memref_squeeze %dma_wait3A_981 : memref<1x1x8x64xf32, #tpu.memory_space<vmem>> -> memref<8x64xf32, #tpu.memory_space<vmem>>
      %dma_wait3A_983 = arith.constant 0 : i32
      %dma_wait3A_984 = tpu.memref_slice %arg3[%multiple_of3A_363, %dma_wait3A_983] : memref<1000000x64xf32, #tpu.memory_space<hbm>> -> memref<8x64xf32, #tpu.memory_space<hbm>>
      %dma_wait3A_985 = arith.constant 0 : i32
      %dma_wait3A_986 = arith.constant 0 : i32
      %dma_wait3A_987 = tpu.memref_slice %arg6[%dma_wait3A_977, %dma_wait3A_978, %dma_wait3A_985, %dma_wait3A_986] : memref<2x16x8x64xf32, #tpu.memory_space<vmem>> -> memref<1x1x8x64xf32, #tpu.memory_space<vmem>>
      %dma_wait3A_988 = tpu.memref_squeeze %dma_wait3A_987 : memref<1x1x8x64xf32, #tpu.memory_space<vmem>> -> memref<8x64xf32, #tpu.memory_space<vmem>>
      %dma_wait3A_989 = arith.constant 0 : i32
      %dma_wait3A_990 = tpu.memref_slice %arg3[%multiple_of3A_363, %dma_wait3A_989] : memref<1000000x64xf32, #tpu.memory_space<hbm>> -> memref<8x64xf32, #tpu.memory_space<hbm>>
      tpu.wait_dma2 semaphore(%arg8 : memref<!tpu.dma_semaphore, #tpu.memory_space<semaphore_mem>>) src(%dma_wait3A_990 : memref<8x64xf32, #tpu.memory_space<hbm>>) dst(%dma_wait3A_988 : memref<8x64xf32, #tpu.memory_space<vmem>>)
      %slice3A_991 = vector.extract_strided_slice %get3A_47 {offsets = [0], sizes = [1], strides = [1]} : vector<16xi32> to vector<1xi32>
      %squeeze3A_992 = vector.extract %slice3A_991[0] : i32 from vector<1xi32>
      %and3A_993 = arith.constant 7 : i32
      %and3A_994 = arith.andi %squeeze3A_992, %and3A_993 : i32
      %get3A_995 = arith.constant 0 : i32
      %get3A_996 = arith.constant 0 : i32
      %get3A_997 = arith.index_cast %get3A_995 : i32 to index
      %get3A_998 = arith.index_cast %get3A_996 : i32 to index
      %get3A_999 = arith.index_cast %and3A_994 : i32 to index
      %get3A_1000 = arith.constant 0 : index
      %get3A_1001 = tpu.vector_load %arg6[%get3A_997, %get3A_998, %get3A_999, %get3A_1000] {strides = array<i32>} : memref<2x16x8x64xf32, #tpu.memory_space<vmem>>, vector<1x1x1x16xf32>,
      %get3A_1002 = vector.shape_cast %get3A_1001 : vector<1x1x1x16xf32> to vector<16xf32>
      %add3A_1003 = arith.constant 0 : i32
      %add3A_1004 = arith.addi %mul3A_767, %add3A_1003 : i32
      %swap3A = arith.index_cast %add3A_1004 : i32 to index
      %swap3A_1005 = arith.constant 0 : index
      %swap3A_1006 = tpu.vector_load %arg7[%swap3A, %swap3A_1005] {strides = array<i32>} : memref<512x64xf32, #tpu.memory_space<vmem>>, vector<1x16xf32>,
      %swap3A_1007 = vector.shape_cast %swap3A_1006 : vector<1x16xf32> to vector<16xf32>
      %swap3A_1008 = vector.shape_cast %get3A_1002 : vector<16xf32> to vector<1x16xf32>
      tpu.vector_store %arg7[%swap3A, %swap3A_1005], %swap3A_1008 {strides = array<i32>} : memref<512x64xf32, #tpu.memory_space<vmem>>, vector<1x16xf32>,
      %get3A_1009 = arith.constant 0 : i32
      %get3A_1010 = arith.constant 0 : i32
      %get3A_1011 = arith.index_cast %get3A_1009 : i32 to index
      %get3A_1012 = arith.index_cast %get3A_1010 : i32 to index
      %get3A_1013 = arith.index_cast %and3A_994 : i32 to index
      %get3A_1014 = arith.constant 16 : index
      %get3A_1015 = tpu.vector_load %arg6[%get3A_1011, %get3A_1012, %get3A_1013, %get3A_1014] {strides = array<i32>} : memref<2x16x8x64xf32, #tpu.memory_space<vmem>>, vector<1x1x1x16xf32>,
      %get3A_1016 = vector.shape_cast %get3A_1015 : vector<1x1x1x16xf32> to vector<16xf32>
      %add3A_1017 = arith.constant 0 : i32
      %add3A_1018 = arith.addi %mul3A_767, %add3A_1017 : i32
      %swap3A_1019 = arith.index_cast %add3A_1018 : i32 to index
      %swap3A_1020 = arith.constant 16 : index
      %swap3A_1021 = tpu.vector_load %arg7[%swap3A_1019, %swap3A_1020] {strides = array<i32>} : memref<512x64xf32, #tpu.memory_space<vmem>>, vector<1x16xf32>,
      %swap3A_1022 = vector.shape_cast %swap3A_1021 : vector<1x16xf32> to vector<16xf32>
      %swap3A_1023 = vector.shape_cast %get3A_1016 : vector<16xf32> to vector<1x16xf32>
      tpu.vector_store %arg7[%swap3A_1019, %swap3A_1020], %swap3A_1023 {strides = array<i32>} : memref<512x64xf32, #tpu.memory_space<vmem>>, vector<1x16xf32>,
      %get3A_1024 = arith.constant 0 : i32
      %get3A_1025 = arith.constant 0 : i32
      %get3A_1026 = arith.index_cast %get3A_1024 : i32 to index
      %get3A_1027 = arith.index_cast %get3A_1025 : i32 to index
      %get3A_1028 = arith.index_cast %and3A_994 : i32 to index
      %get3A_1029 = arith.constant 32 : index
      %get3A_1030 = tpu.vector_load %arg6[%get3A_1026, %get3A_1027, %get3A_1028, %get3A_1029] {strides = array<i32>} : memref<2x16x8x64xf32, #tpu.memory_space<vmem>>, vector<1x1x1x16xf32>,
      %get3A_1031 = vector.shape_cast %get3A_1030 : vector<1x1x1x16xf32> to vector<16xf32>
      %add3A_1032 = arith.constant 0 : i32
      %add3A_1033 = arith.addi %mul3A_767, %add3A_1032 : i32
      %swap3A_1034 = arith.index_cast %add3A_1033 : i32 to index
      %swap3A_1035 = arith.constant 32 : index
      %swap3A_1036 = tpu.vector_load %arg7[%swap3A_1034, %swap3A_1035] {strides = array<i32>} : memref<512x64xf32, #tpu.memory_space<vmem>>, vector<1x16xf32>,
      %swap3A_1037 = vector.shape_cast %swap3A_1036 : vector<1x16xf32> to vector<16xf32>
      %swap3A_1038 = vector.shape_cast %get3A_1031 : vector<16xf32> to vector<1x16xf32>
      tpu.vector_store %arg7[%swap3A_1034, %swap3A_1035], %swap3A_1038 {strides = array<i32>} : memref<512x64xf32, #tpu.memory_space<vmem>>, vector<1x16xf32>,
      %get3A_1039 = arith.constant 0 : i32
      %get3A_1040 = arith.constant 0 : i32
      %get3A_1041 = arith.index_cast %get3A_1039 : i32 to index
      %get3A_1042 = arith.index_cast %get3A_1040 : i32 to index
      %get3A_1043 = arith.index_cast %and3A_994 : i32 to index
      %get3A_1044 = arith.constant 48 : index
      %get3A_1045 = tpu.vector_load %arg6[%get3A_1041, %get3A_1042, %get3A_1043, %get3A_1044] {strides = array<i32>} : memref<2x16x8x64xf32, #tpu.memory_space<vmem>>, vector<1x1x1x16xf32>,
      %get3A_1046 = vector.shape_cast %get3A_1045 : vector<1x1x1x16xf32> to vector<16xf32>
      %add3A_1047 = arith.constant 0 : i32
      %add3A_1048 = arith.addi %mul3A_767, %add3A_1047 : i32
      %swap3A_1049 = arith.index_cast %add3A_1048 : i32 to index
      %swap3A_1050 = arith.constant 48 : index
      %swap3A_1051 = tpu.vector_load %arg7[%swap3A_1049, %swap3A_1050] {strides = array<i32>} : memref<512x64xf32, #tpu.memory_space<vmem>>, vector<1x16xf32>,
      %swap3A_1052 = vector.shape_cast %swap3A_1051 : vector<1x16xf32> to vector<16xf32>
      %swap3A_1053 = vector.shape_cast %get3A_1046 : vector<16xf32> to vector<1x16xf32>
      tpu.vector_store %arg7[%swap3A_1049, %swap3A_1050], %swap3A_1053 {strides = array<i32>} : memref<512x64xf32, #tpu.memory_space<vmem>>, vector<1x16xf32>,
      %slice3A_1054 = vector.extract_strided_slice %get3A_47 {offsets = [1], sizes = [1], strides = [1]} : vector<16xi32> to vector<1xi32>
      %squeeze3A_1055 = vector.extract %slice3A_1054[0] : i32 from vector<1xi32>
      %and3A_1056 = arith.constant 7 : i32
      %and3A_1057 = arith.andi %squeeze3A_1055, %and3A_1056 : i32
      %get3A_1058 = arith.constant 0 : i32
      %get3A_1059 = arith.constant 1 : i32
      %get3A_1060 = arith.index_cast %get3A_1058 : i32 to index
      %get3A_1061 = arith.index_cast %get3A_1059 : i32 to index
      %get3A_1062 = arith.index_cast %and3A_1057 : i32 to index
      %get3A_1063 = arith.constant 0 : index
      %get3A_1064 = tpu.vector_load %arg6[%get3A_1060, %get3A_1061, %get3A_1062, %get3A_1063] {strides = array<i32>} : memref<2x16x8x64xf32, #tpu.memory_space<vmem>>, vector<1x1x1x16xf32>,
      %get3A_1065 = vector.shape_cast %get3A_1064 : vector<1x1x1x16xf32> to vector<16xf32>
      %add3A_1066 = arith.constant 1 : i32
      %add3A_1067 = arith.addi %mul3A_767, %add3A_1066 : i32
      %swap3A_1068 = arith.index_cast %add3A_1067 : i32 to index
      %swap3A_1069 = arith.constant 0 : index
      %swap3A_1070 = tpu.vector_load %arg7[%swap3A_1068, %swap3A_1069] {strides = array<i32>} : memref<512x64xf32, #tpu.memory_space<vmem>>, vector<1x16xf32>,
      %swap3A_1071 = vector.shape_cast %swap3A_1070 : vector<1x16xf32> to vector<16xf32>
      %swap3A_1072 = vector.shape_cast %get3A_1065 : vector<16xf32> to vector<1x16xf32>
      tpu.vector_store %arg7[%swap3A_1068, %swap3A_1069], %swap3A_1072 {strides = array<i32>} : memref<512x64xf32, #tpu.memory_space<vmem>>, vector<1x16xf32>,
      %get3A_1073 = arith.constant 0 : i32
      %get3A_1074 = arith.constant 1 : i32
      %get3A_1075 = arith.index_cast %get3A_1073 : i32 to index
      %get3A_1076 = arith.index_cast %get3A_1074 : i32 to index
      %get3A_1077 = arith.index_cast %and3A_1057 : i32 to index
      %get3A_1078 = arith.constant 16 : index
      %get3A_1079 = tpu.vector_load %arg6[%get3A_1075, %get3A_1076, %get3A_1077, %get3A_1078] {strides = array<i32>} : memref<2x16x8x64xf32, #tpu.memory_space<vmem>>, vector<1x1x1x16xf32>,
      %get3A_1080 = vector.shape_cast %get3A_1079 : vector<1x1x1x16xf32> to vector<16xf32>
      %add3A_1081 = arith.constant 1 : i32
      %add3A_1082 = arith.addi %mul3A_767, %add3A_1081 : i32
      %swap3A_1083 = arith.index_cast %add3A_1082 : i32 to index
      %swap3A_1084 = arith.constant 16 : index
      %swap3A_1085 = tpu.vector_load %arg7[%swap3A_1083, %swap3A_1084] {strides = array<i32>} : memref<512x64xf32, #tpu.memory_space<vmem>>, vector<1x16xf32>,
      %swap3A_1086 = vector.shape_cast %swap3A_1085 : vector<1x16xf32> to vector<16xf32>
      %swap3A_1087 = vector.shape_cast %get3A_1080 : vector<16xf32> to vector<1x16xf32>
      tpu.vector_store %arg7[%swap3A_1083, %swap3A_1084], %swap3A_1087 {strides = array<i32>} : memref<512x64xf32, #tpu.memory_space<vmem>>, vector<1x16xf32>,
      %get3A_1088 = arith.constant 0 : i32
      %get3A_1089 = arith.constant 1 : i32
      %get3A_1090 = arith.index_cast %get3A_1088 : i32 to index
      %get3A_1091 = arith.index_cast %get3A_1089 : i32 to index
      %get3A_1092 = arith.index_cast %and3A_1057 : i32 to index
      %get3A_1093 = arith.constant 32 : index
      %get3A_1094 = tpu.vector_load %arg6[%get3A_1090, %get3A_1091, %get3A_1092, %get3A_1093] {strides = array<i32>} : memref<2x16x8x64xf32, #tpu.memory_space<vmem>>, vector<1x1x1x16xf32>,
      %get3A_1095 = vector.shape_cast %get3A_1094 : vector<1x1x1x16xf32> to vector<16xf32>
      %add3A_1096 = arith.constant 1 : i32
      %add3A_1097 = arith.addi %mul3A_767, %add3A_1096 : i32
      %swap3A_1098 = arith.index_cast %add3A_1097 : i32 to index
      %swap3A_1099 = arith.constant 32 : index
      %swap3A_1100 = tpu.vector_load %arg7[%swap3A_1098, %swap3A_1099] {strides = array<i32>} : memref<512x64xf32, #tpu.memory_space<vmem>>, vector<1x16xf32>,
      %swap3A_1101 = vector.shape_cast %swap3A_1100 : vector<1x16xf32> to vector<16xf32>
      %swap3A_1102 = vector.shape_cast %get3A_1095 : vector<16xf32> to vector<1x16xf32>
      tpu.vector_store %arg7[%swap3A_1098, %swap3A_1099], %swap3A_1102 {strides = array<i32>} : memref<512x64xf32, #tpu.memory_space<vmem>>, vector<1x16xf32>,
      %get3A_1103 = arith.constant 0 : i32
      %get3A_1104 = arith.constant 1 : i32
      %get3A_1105 = arith.index_cast %get3A_1103 : i32 to index
      %get3A_1106 = arith.index_cast %get3A_1104 : i32 to index
      %get3A_1107 = arith.index_cast %and3A_1057 : i32 to index
      %get3A_1108 = arith.constant 48 : index
      %get3A_1109 = tpu.vector_load %arg6[%get3A_1105, %get3A_1106, %get3A_1107, %get3A_1108] {strides = array<i32>} : memref<2x16x8x64xf32, #tpu.memory_space<vmem>>, vector<1x1x1x16xf32>,
      %get3A_1110 = vector.shape_cast %get3A_1109 : vector<1x1x1x16xf32> to vector<16xf32>
      %add3A_1111 = arith.constant 1 : i32
      %add3A_1112 = arith.addi %mul3A_767, %add3A_1111 : i32
      %swap3A_1113 = arith.index_cast %add3A_1112 : i32 to index
      %swap3A_1114 = arith.constant 48 : index
      %swap3A_1115 = tpu.vector_load %arg7[%swap3A_1113, %swap3A_1114] {strides = array<i32>} : memref<512x64xf32, #tpu.memory_space<vmem>>, vector<1x16xf32>,
      %swap3A_1116 = vector.shape_cast %swap3A_1115 : vector<1x16xf32> to vector<16xf32>
      %swap3A_1117 = vector.shape_cast %get3A_1110 : vector<16xf32> to vector<1x16xf32>
      tpu.vector_store %arg7[%swap3A_1113, %swap3A_1114], %swap3A_1117 {strides = array<i32>} : memref<512x64xf32, #tpu.memory_space<vmem>>, vector<1x16xf32>,
      %slice3A_1118 = vector.extract_strided_slice %get3A_47 {offsets = [2], sizes = [1], strides = [1]} : vector<16xi32> to vector<1xi32>
      %squeeze3A_1119 = vector.extract %slice3A_1118[0] : i32 from vector<1xi32>
      %and3A_1120 = arith.constant 7 : i32
      %and3A_1121 = arith.andi %squeeze3A_1119, %and3A_1120 : i32
      %get3A_1122 = arith.constant 0 : i32
      %get3A_1123 = arith.constant 2 : i32
      %get3A_1124 = arith.index_cast %get3A_1122 : i32 to index
      %get3A_1125 = arith.index_cast %get3A_1123 : i32 to index
      %get3A_1126 = arith.index_cast %and3A_1121 : i32 to index
      %get3A_1127 = arith.constant 0 : index
      %get3A_1128 = tpu.vector_load %arg6[%get3A_1124, %get3A_1125, %get3A_1126, %get3A_1127] {strides = array<i32>} : memref<2x16x8x64xf32, #tpu.memory_space<vmem>>, vector<1x1x1x16xf32>,
      %get3A_1129 = vector.shape_cast %get3A_1128 : vector<1x1x1x16xf32> to vector<16xf32>
      %add3A_1130 = arith.constant 2 : i32
      %add3A_1131 = arith.addi %mul3A_767, %add3A_1130 : i32
      %swap3A_1132 = arith.index_cast %add3A_1131 : i32 to index
      %swap3A_1133 = arith.constant 0 : index
      %swap3A_1134 = tpu.vector_load %arg7[%swap3A_1132, %swap3A_1133] {strides = array<i32>} : memref<512x64xf32, #tpu.memory_space<vmem>>, vector<1x16xf32>,
      %swap3A_1135 = vector.shape_cast %swap3A_1134 : vector<1x16xf32> to vector<16xf32>
      %swap3A_1136 = vector.shape_cast %get3A_1129 : vector<16xf32> to vector<1x16xf32>
      tpu.vector_store %arg7[%swap3A_1132, %swap3A_1133], %swap3A_1136 {strides = array<i32>} : memref<512x64xf32, #tpu.memory_space<vmem>>, vector<1x16xf32>,
      %get3A_1137 = arith.constant 0 : i32
      %get3A_1138 = arith.constant 2 : i32
      %get3A_1139 = arith.index_cast %get3A_1137 : i32 to index
      %get3A_1140 = arith.index_cast %get3A_1138 : i32 to index
      %get3A_1141 = arith.index_cast %and3A_1121 : i32 to index
      %get3A_1142 = arith.constant 16 : index
      %get3A_1143 = tpu.vector_load %arg6[%get3A_1139, %get3A_1140, %get3A_1141, %get3A_1142] {strides = array<i32>} : memref<2x16x8x64xf32, #tpu.memory_space<vmem>>, vector<1x1x1x16xf32>,
      %get3A_1144 = vector.shape_cast %get3A_1143 : vector<1x1x1x16xf32> to vector<16xf32>
      %add3A_1145 = arith.constant 2 : i32
      %add3A_1146 = arith.addi %mul3A_767, %add3A_1145 : i32
      %swap3A_1147 = arith.index_cast %add3A_1146 : i32 to index
      %swap3A_1148 = arith.constant 16 : index
      %swap3A_1149 = tpu.vector_load %arg7[%swap3A_1147, %swap3A_1148] {strides = array<i32>} : memref<512x64xf32, #tpu.memory_space<vmem>>, vector<1x16xf32>,
      %swap3A_1150 = vector.shape_cast %swap3A_1149 : vector<1x16xf32> to vector<16xf32>
      %swap3A_1151 = vector.shape_cast %get3A_1144 : vector<16xf32> to vector<1x16xf32>
      tpu.vector_store %arg7[%swap3A_1147, %swap3A_1148], %swap3A_1151 {strides = array<i32>} : memref<512x64xf32, #tpu.memory_space<vmem>>, vector<1x16xf32>,
      %get3A_1152 = arith.constant 0 : i32
      %get3A_1153 = arith.constant 2 : i32
      %get3A_1154 = arith.index_cast %get3A_1152 : i32 to index
      %get3A_1155 = arith.index_cast %get3A_1153 : i32 to index
      %get3A_1156 = arith.index_cast %and3A_1121 : i32 to index
      %get3A_1157 = arith.constant 32 : index
      %get3A_1158 = tpu.vector_load %arg6[%get3A_1154, %get3A_1155, %get3A_1156, %get3A_1157] {strides = array<i32>} : memref<2x16x8x64xf32, #tpu.memory_space<vmem>>, vector<1x1x1x16xf32>,
      %get3A_1159 = vector.shape_cast %get3A_1158 : vector<1x1x1x16xf32> to vector<16xf32>
      %add3A_1160 = arith.constant 2 : i32
      %add3A_1161 = arith.addi %mul3A_767, %add3A_1160 : i32
      %swap3A_1162 = arith.index_cast %add3A_1161 : i32 to index
      %swap3A_1163 = arith.constant 32 : index
      %swap3A_1164 = tpu.vector_load %arg7[%swap3A_1162, %swap3A_1163] {strides = array<i32>} : memref<512x64xf32, #tpu.memory_space<vmem>>, vector<1x16xf32>,
      %swap3A_1165 = vector.shape_cast %swap3A_1164 : vector<1x16xf32> to vector<16xf32>
      %swap3A_1166 = vector.shape_cast %get3A_1159 : vector<16xf32> to vector<1x16xf32>
      tpu.vector_store %arg7[%swap3A_1162, %swap3A_1163], %swap3A_1166 {strides = array<i32>} : memref<512x64xf32, #tpu.memory_space<vmem>>, vector<1x16xf32>,
      %get3A_1167 = arith.constant 0 : i32
      %get3A_1168 = arith.constant 2 : i32
      %get3A_1169 = arith.index_cast %get3A_1167 : i32 to index
      %get3A_1170 = arith.index_cast %get3A_1168 : i32 to index
      %get3A_1171 = arith.index_cast %and3A_1121 : i32 to index
      %get3A_1172 = arith.constant 48 : index
      %get3A_1173 = tpu.vector_load %arg6[%get3A_1169, %get3A_1170, %get3A_1171, %get3A_1172] {strides = array<i32>} : memref<2x16x8x64xf32, #tpu.memory_space<vmem>>, vector<1x1x1x16xf32>,
      %get3A_1174 = vector.shape_cast %get3A_1173 : vector<1x1x1x16xf32> to vector<16xf32>
      %add3A_1175 = arith.constant 2 : i32
      %add3A_1176 = arith.addi %mul3A_767, %add3A_1175 : i32
      %swap3A_1177 = arith.index_cast %add3A_1176 : i32 to index
      %swap3A_1178 = arith.constant 48 : index
      %swap3A_1179 = tpu.vector_load %arg7[%swap3A_1177, %swap3A_1178] {strides = array<i32>} : memref<512x64xf32, #tpu.memory_space<vmem>>, vector<1x16xf32>,
      %swap3A_1180 = vector.shape_cast %swap3A_1179 : vector<1x16xf32> to vector<16xf32>
      %swap3A_1181 = vector.shape_cast %get3A_1174 : vector<16xf32> to vector<1x16xf32>
      tpu.vector_store %arg7[%swap3A_1177, %swap3A_1178], %swap3A_1181 {strides = array<i32>} : memref<512x64xf32, #tpu.memory_space<vmem>>, vector<1x16xf32>,
      %slice3A_1182 = vector.extract_strided_slice %get3A_47 {offsets = [3], sizes = [1], strides = [1]} : vector<16xi32> to vector<1xi32>
      %squeeze3A_1183 = vector.extract %slice3A_1182[0] : i32 from vector<1xi32>
      %and3A_1184 = arith.constant 7 : i32
      %and3A_1185 = arith.andi %squeeze3A_1183, %and3A_1184 : i32
      %get3A_1186 = arith.constant 0 : i32
      %get3A_1187 = arith.constant 3 : i32
      %get3A_1188 = arith.index_cast %get3A_1186 : i32 to index
      %get3A_1189 = arith.index_cast %get3A_1187 : i32 to index
      %get3A_1190 = arith.index_cast %and3A_1185 : i32 to index
      %get3A_1191 = arith.constant 0 : index
      %get3A_1192 = tpu.vector_load %arg6[%get3A_1188, %get3A_1189, %get3A_1190, %get3A_1191] {strides = array<i32>} : memref<2x16x8x64xf32, #tpu.memory_space<vmem>>, vector<1x1x1x16xf32>,
      %get3A_1193 = vector.shape_cast %get3A_1192 : vector<1x1x1x16xf32> to vector<16xf32>
      %add3A_1194 = arith.constant 3 : i32
      %add3A_1195 = arith.addi %mul3A_767, %add3A_1194 : i32
      %swap3A_1196 = arith.index_cast %add3A_1195 : i32 to index
      %swap3A_1197 = arith.constant 0 : index
      %swap3A_1198 = tpu.vector_load %arg7[%swap3A_1196, %swap3A_1197] {strides = array<i32>} : memref<512x64xf32, #tpu.memory_space<vmem>>, vector<1x16xf32>,
      %swap3A_1199 = vector.shape_cast %swap3A_1198 : vector<1x16xf32> to vector<16xf32>
      %swap3A_1200 = vector.shape_cast %get3A_1193 : vector<16xf32> to vector<1x16xf32>
      tpu.vector_store %arg7[%swap3A_1196, %swap3A_1197], %swap3A_1200 {strides = array<i32>} : memref<512x64xf32, #tpu.memory_space<vmem>>, vector<1x16xf32>,
      %get3A_1201 = arith.constant 0 : i32
      %get3A_1202 = arith.constant 3 : i32
      %get3A_1203 = arith.index_cast %get3A_1201 : i32 to index
      %get3A_1204 = arith.index_cast %get3A_1202 : i32 to index
      %get3A_1205 = arith.index_cast %and3A_1185 : i32 to index
      %get3A_1206 = arith.constant 16 : index
      %get3A_1207 = tpu.vector_load %arg6[%get3A_1203, %get3A_1204, %get3A_1205, %get3A_1206] {strides = array<i32>} : memref<2x16x8x64xf32, #tpu.memory_space<vmem>>, vector<1x1x1x16xf32>,
      %get3A_1208 = vector.shape_cast %get3A_1207 : vector<1x1x1x16xf32> to vector<16xf32>
      %add3A_1209 = arith.constant 3 : i32
      %add3A_1210 = arith.addi %mul3A_767, %add3A_1209 : i32
      %swap3A_1211 = arith.index_cast %add3A_1210 : i32 to index
      %swap3A_1212 = arith.constant 16 : index
      %swap3A_1213 = tpu.vector_load %arg7[%swap3A_1211, %swap3A_1212] {strides = array<i32>} : memref<512x64xf32, #tpu.memory_space<vmem>>, vector<1x16xf32>,
      %swap3A_1214 = vector.shape_cast %swap3A_1213 : vector<1x16xf32> to vector<16xf32>
      %swap3A_1215 = vector.shape_cast %get3A_1208 : vector<16xf32> to vector<1x16xf32>
      tpu.vector_store %arg7[%swap3A_1211, %swap3A_1212], %swap3A_1215 {strides = array<i32>} : memref<512x64xf32, #tpu.memory_space<vmem>>, vector<1x16xf32>,
      %get3A_1216 = arith.constant 0 : i32
      %get3A_1217 = arith.constant 3 : i32
      %get3A_1218 = arith.index_cast %get3A_1216 : i32 to index
      %get3A_1219 = arith.index_cast %get3A_1217 : i32 to index
      %get3A_1220 = arith.index_cast %and3A_1185 : i32 to index
      %get3A_1221 = arith.constant 32 : index
      %get3A_1222 = tpu.vector_load %arg6[%get3A_1218, %get3A_1219, %get3A_1220, %get3A_1221] {strides = array<i32>} : memref<2x16x8x64xf32, #tpu.memory_space<vmem>>, vector<1x1x1x16xf32>,
      %get3A_1223 = vector.shape_cast %get3A_1222 : vector<1x1x1x16xf32> to vector<16xf32>
      %add3A_1224 = arith.constant 3 : i32
      %add3A_1225 = arith.addi %mul3A_767, %add3A_1224 : i32
      %swap3A_1226 = arith.index_cast %add3A_1225 : i32 to index
      %swap3A_1227 = arith.constant 32 : index
      %swap3A_1228 = tpu.vector_load %arg7[%swap3A_1226, %swap3A_1227] {strides = array<i32>} : memref<512x64xf32, #tpu.memory_space<vmem>>, vector<1x16xf32>,
      %swap3A_1229 = vector.shape_cast %swap3A_1228 : vector<1x16xf32> to vector<16xf32>
      %swap3A_1230 = vector.shape_cast %get3A_1223 : vector<16xf32> to vector<1x16xf32>
      tpu.vector_store %arg7[%swap3A_1226, %swap3A_1227], %swap3A_1230 {strides = array<i32>} : memref<512x64xf32, #tpu.memory_space<vmem>>, vector<1x16xf32>,
      %get3A_1231 = arith.constant 0 : i32
      %get3A_1232 = arith.constant 3 : i32
      %get3A_1233 = arith.index_cast %get3A_1231 : i32 to index
      %get3A_1234 = arith.index_cast %get3A_1232 : i32 to index
      %get3A_1235 = arith.index_cast %and3A_1185 : i32 to index
      %get3A_1236 = arith.constant 48 : index
      %get3A_1237 = tpu.vector_load %arg6[%get3A_1233, %get3A_1234, %get3A_1235, %get3A_1236] {strides = array<i32>} : memref<2x16x8x64xf32, #tpu.memory_space<vmem>>, vector<1x1x1x16xf32>,
      %get3A_1238 = vector.shape_cast %get3A_1237 : vector<1x1x1x16xf32> to vector<16xf32>
      %add3A_1239 = arith.constant 3 : i32
      %add3A_1240 = arith.addi %mul3A_767, %add3A_1239 : i32
      %swap3A_1241 = arith.index_cast %add3A_1240 : i32 to index
      %swap3A_1242 = arith.constant 48 : index
      %swap3A_1243 = tpu.vector_load %arg7[%swap3A_1241, %swap3A_1242] {strides = array<i32>} : memref<512x64xf32, #tpu.memory_space<vmem>>, vector<1x16xf32>,
      %swap3A_1244 = vector.shape_cast %swap3A_1243 : vector<1x16xf32> to vector<16xf32>
      %swap3A_1245 = vector.shape_cast %get3A_1238 : vector<16xf32> to vector<1x16xf32>
      tpu.vector_store %arg7[%swap3A_1241, %swap3A_1242], %swap3A_1245 {strides = array<i32>} : memref<512x64xf32, #tpu.memory_space<vmem>>, vector<1x16xf32>,
      %slice3A_1246 = vector.extract_strided_slice %get3A_47 {offsets = [4], sizes = [1], strides = [1]} : vector<16xi32> to vector<1xi32>
      %squeeze3A_1247 = vector.extract %slice3A_1246[0] : i32 from vector<1xi32>
      %and3A_1248 = arith.constant 7 : i32
      %and3A_1249 = arith.andi %squeeze3A_1247, %and3A_1248 : i32
      %get3A_1250 = arith.constant 0 : i32
      %get3A_1251 = arith.constant 4 : i32
      %get3A_1252 = arith.index_cast %get3A_1250 : i32 to index
      %get3A_1253 = arith.index_cast %get3A_1251 : i32 to index
      %get3A_1254 = arith.index_cast %and3A_1249 : i32 to index
      %get3A_1255 = arith.constant 0 : index
      %get3A_1256 = tpu.vector_load %arg6[%get3A_1252, %get3A_1253, %get3A_1254, %get3A_1255] {strides = array<i32>} : memref<2x16x8x64xf32, #tpu.memory_space<vmem>>, vector<1x1x1x16xf32>,
      %get3A_1257 = vector.shape_cast %get3A_1256 : vector<1x1x1x16xf32> to vector<16xf32>
      %add3A_1258 = arith.constant 4 : i32
      %add3A_1259 = arith.addi %mul3A_767, %add3A_1258 : i32
      %swap3A_1260 = arith.index_cast %add3A_1259 : i32 to index
      %swap3A_1261 = arith.constant 0 : index
      %swap3A_1262 = tpu.vector_load %arg7[%swap3A_1260, %swap3A_1261] {strides = array<i32>} : memref<512x64xf32, #tpu.memory_space<vmem>>, vector<1x16xf32>,
      %swap3A_1263 = vector.shape_cast %swap3A_1262 : vector<1x16xf32> to vector<16xf32>
      %swap3A_1264 = vector.shape_cast %get3A_1257 : vector<16xf32> to vector<1x16xf32>
      tpu.vector_store %arg7[%swap3A_1260, %swap3A_1261], %swap3A_1264 {strides = array<i32>} : memref<512x64xf32, #tpu.memory_space<vmem>>, vector<1x16xf32>,
      %get3A_1265 = arith.constant 0 : i32
      %get3A_1266 = arith.constant 4 : i32
      %get3A_1267 = arith.index_cast %get3A_1265 : i32 to index
      %get3A_1268 = arith.index_cast %get3A_1266 : i32 to index
      %get3A_1269 = arith.index_cast %and3A_1249 : i32 to index
      %get3A_1270 = arith.constant 16 : index
      %get3A_1271 = tpu.vector_load %arg6[%get3A_1267, %get3A_1268, %get3A_1269, %get3A_1270] {strides = array<i32>} : memref<2x16x8x64xf32, #tpu.memory_space<vmem>>, vector<1x1x1x16xf32>,
      %get3A_1272 = vector.shape_cast %get3A_1271 : vector<1x1x1x16xf32> to vector<16xf32>
      %add3A_1273 = arith.constant 4 : i32
      %add3A_1274 = arith.addi %mul3A_767, %add3A_1273 : i32
      %swap3A_1275 = arith.index_cast %add3A_1274 : i32 to index
      %swap3A_1276 = arith.constant 16 : index
      %swap3A_1277 = tpu.vector_load %arg7[%swap3A_1275, %swap3A_1276] {strides = array<i32>} : memref<512x64xf32, #tpu.memory_space<vmem>>, vector<1x16xf32>,
      %swap3A_1278 = vector.shape_cast %swap3A_1277 : vector<1x16xf32> to vector<16xf32>
      %swap3A_1279 = vector.shape_cast %get3A_1272 : vector<16xf32> to vector<1x16xf32>
      tpu.vector_store %arg7[%swap3A_1275, %swap3A_1276], %swap3A_1279 {strides = array<i32>} : memref<512x64xf32, #tpu.memory_space<vmem>>, vector<1x16xf32>,
      %get3A_1280 = arith.constant 0 : i32
      %get3A_1281 = arith.constant 4 : i32
      %get3A_1282 = arith.index_cast %get3A_1280 : i32 to index
      %get3A_1283 = arith.index_cast %get3A_1281 : i32 to index
      %get3A_1284 = arith.index_cast %and3A_1249 : i32 to index
      %get3A_1285 = arith.constant 32 : index
      %get3A_1286 = tpu.vector_load %arg6[%get3A_1282, %get3A_1283, %get3A_1284, %get3A_1285] {strides = array<i32>} : memref<2x16x8x64xf32, #tpu.memory_space<vmem>>, vector<1x1x1x16xf32>,
      %get3A_1287 = vector.shape_cast %get3A_1286 : vector<1x1x1x16xf32> to vector<16xf32>
      %add3A_1288 = arith.constant 4 : i32
      %add3A_1289 = arith.addi %mul3A_767, %add3A_1288 : i32
      %swap3A_1290 = arith.index_cast %add3A_1289 : i32 to index
      %swap3A_1291 = arith.constant 32 : index
      %swap3A_1292 = tpu.vector_load %arg7[%swap3A_1290, %swap3A_1291] {strides = array<i32>} : memref<512x64xf32, #tpu.memory_space<vmem>>, vector<1x16xf32>,
      %swap3A_1293 = vector.shape_cast %swap3A_1292 : vector<1x16xf32> to vector<16xf32>
      %swap3A_1294 = vector.shape_cast %get3A_1287 : vector<16xf32> to vector<1x16xf32>
      tpu.vector_store %arg7[%swap3A_1290, %swap3A_1291], %swap3A_1294 {strides = array<i32>} : memref<512x64xf32, #tpu.memory_space<vmem>>, vector<1x16xf32>,
      %get3A_1295 = arith.constant 0 : i32
      %get3A_1296 = arith.constant 4 : i32
      %get3A_1297 = arith.index_cast %get3A_1295 : i32 to index
      %get3A_1298 = arith.index_cast %get3A_1296 : i32 to index
      %get3A_1299 = arith.index_cast %and3A_1249 : i32 to index
      %get3A_1300 = arith.constant 48 : index
      %get3A_1301 = tpu.vector_load %arg6[%get3A_1297, %get3A_1298, %get3A_1299, %get3A_1300] {strides = array<i32>} : memref<2x16x8x64xf32, #tpu.memory_space<vmem>>, vector<1x1x1x16xf32>,
      %get3A_1302 = vector.shape_cast %get3A_1301 : vector<1x1x1x16xf32> to vector<16xf32>
      %add3A_1303 = arith.constant 4 : i32
      %add3A_1304 = arith.addi %mul3A_767, %add3A_1303 : i32
      %swap3A_1305 = arith.index_cast %add3A_1304 : i32 to index
      %swap3A_1306 = arith.constant 48 : index
      %swap3A_1307 = tpu.vector_load %arg7[%swap3A_1305, %swap3A_1306] {strides = array<i32>} : memref<512x64xf32, #tpu.memory_space<vmem>>, vector<1x16xf32>,
      %swap3A_1308 = vector.shape_cast %swap3A_1307 : vector<1x16xf32> to vector<16xf32>
      %swap3A_1309 = vector.shape_cast %get3A_1302 : vector<16xf32> to vector<1x16xf32>
      tpu.vector_store %arg7[%swap3A_1305, %swap3A_1306], %swap3A_1309 {strides = array<i32>} : memref<512x64xf32, #tpu.memory_space<vmem>>, vector<1x16xf32>,
      %slice3A_1310 = vector.extract_strided_slice %get3A_47 {offsets = [5], sizes = [1], strides = [1]} : vector<16xi32> to vector<1xi32>
      %squeeze3A_1311 = vector.extract %slice3A_1310[0] : i32 from vector<1xi32>
      %and3A_1312 = arith.constant 7 : i32
      %and3A_1313 = arith.andi %squeeze3A_1311, %and3A_1312 : i32
      %get3A_1314 = arith.constant 0 : i32
      %get3A_1315 = arith.constant 5 : i32
      %get3A_1316 = arith.index_cast %get3A_1314 : i32 to index
      %get3A_1317 = arith.index_cast %get3A_1315 : i32 to index
      %get3A_1318 = arith.index_cast %and3A_1313 : i32 to index
      %get3A_1319 = arith.constant 0 : index
      %get3A_1320 = tpu.vector_load %arg6[%get3A_1316, %get3A_1317, %get3A_1318, %get3A_1319] {strides = array<i32>} : memref<2x16x8x64xf32, #tpu.memory_space<vmem>>, vector<1x1x1x16xf32>,
      %get3A_1321 = vector.shape_cast %get3A_1320 : vector<1x1x1x16xf32> to vector<16xf32>
      %add3A_1322 = arith.constant 5 : i32
      %add3A_1323 = arith.addi %mul3A_767, %add3A_1322 : i32
      %swap3A_1324 = arith.index_cast %add3A_1323 : i32 to index
      %swap3A_1325 = arith.constant 0 : index
      %swap3A_1326 = tpu.vector_load %arg7[%swap3A_1324, %swap3A_1325] {strides = array<i32>} : memref<512x64xf32, #tpu.memory_space<vmem>>, vector<1x16xf32>,
      %swap3A_1327 = vector.shape_cast %swap3A_1326 : vector<1x16xf32> to vector<16xf32>
      %swap3A_1328 = vector.shape_cast %get3A_1321 : vector<16xf32> to vector<1x16xf32>
      tpu.vector_store %arg7[%swap3A_1324, %swap3A_1325], %swap3A_1328 {strides = array<i32>} : memref<512x64xf32, #tpu.memory_space<vmem>>, vector<1x16xf32>,
      %get3A_1329 = arith.constant 0 : i32
      %get3A_1330 = arith.constant 5 : i32
      %get3A_1331 = arith.index_cast %get3A_1329 : i32 to index
      %get3A_1332 = arith.index_cast %get3A_1330 : i32 to index
      %get3A_1333 = arith.index_cast %and3A_1313 : i32 to index
      %get3A_1334 = arith.constant 16 : index
      %get3A_1335 = tpu.vector_load %arg6[%get3A_1331, %get3A_1332, %get3A_1333, %get3A_1334] {strides = array<i32>} : memref<2x16x8x64xf32, #tpu.memory_space<vmem>>, vector<1x1x1x16xf32>,
      %get3A_1336 = vector.shape_cast %get3A_1335 : vector<1x1x1x16xf32> to vector<16xf32>
      %add3A_1337 = arith.constant 5 : i32
      %add3A_1338 = arith.addi %mul3A_767, %add3A_1337 : i32
      %swap3A_1339 = arith.index_cast %add3A_1338 : i32 to index
      %swap3A_1340 = arith.constant 16 : index
      %swap3A_1341 = tpu.vector_load %arg7[%swap3A_1339, %swap3A_1340] {strides = array<i32>} : memref<512x64xf32, #tpu.memory_space<vmem>>, vector<1x16xf32>,
      %swap3A_1342 = vector.shape_cast %swap3A_1341 : vector<1x16xf32> to vector<16xf32>
      %swap3A_1343 = vector.shape_cast %get3A_1336 : vector<16xf32> to vector<1x16xf32>
      tpu.vector_store %arg7[%swap3A_1339, %swap3A_1340], %swap3A_1343 {strides = array<i32>} : memref<512x64xf32, #tpu.memory_space<vmem>>, vector<1x16xf32>,
      %get3A_1344 = arith.constant 0 : i32
      %get3A_1345 = arith.constant 5 : i32
      %get3A_1346 = arith.index_cast %get3A_1344 : i32 to index
      %get3A_1347 = arith.index_cast %get3A_1345 : i32 to index
      %get3A_1348 = arith.index_cast %and3A_1313 : i32 to index
      %get3A_1349 = arith.constant 32 : index
      %get3A_1350 = tpu.vector_load %arg6[%get3A_1346, %get3A_1347, %get3A_1348, %get3A_1349] {strides = array<i32>} : memref<2x16x8x64xf32, #tpu.memory_space<vmem>>, vector<1x1x1x16xf32>,
      %get3A_1351 = vector.shape_cast %get3A_1350 : vector<1x1x1x16xf32> to vector<16xf32>
      %add3A_1352 = arith.constant 5 : i32
      %add3A_1353 = arith.addi %mul3A_767, %add3A_1352 : i32
      %swap3A_1354 = arith.index_cast %add3A_1353 : i32 to index
      %swap3A_1355 = arith.constant 32 : index
      %swap3A_1356 = tpu.vector_load %arg7[%swap3A_1354, %swap3A_1355] {strides = array<i32>} : memref<512x64xf32, #tpu.memory_space<vmem>>, vector<1x16xf32>,
      %swap3A_1357 = vector.shape_cast %swap3A_1356 : vector<1x16xf32> to vector<16xf32>
      %swap3A_1358 = vector.shape_cast %get3A_1351 : vector<16xf32> to vector<1x16xf32>
      tpu.vector_store %arg7[%swap3A_1354, %swap3A_1355], %swap3A_1358 {strides = array<i32>} : memref<512x64xf32, #tpu.memory_space<vmem>>, vector<1x16xf32>,
      %get3A_1359 = arith.constant 0 : i32
      %get3A_1360 = arith.constant 5 : i32
      %get3A_1361 = arith.index_cast %get3A_1359 : i32 to index
      %get3A_1362 = arith.index_cast %get3A_1360 : i32 to index
      %get3A_1363 = arith.index_cast %and3A_1313 : i32 to index
      %get3A_1364 = arith.constant 48 : index
      %get3A_1365 = tpu.vector_load %arg6[%get3A_1361, %get3A_1362, %get3A_1363, %get3A_1364] {strides = array<i32>} : memref<2x16x8x64xf32, #tpu.memory_space<vmem>>, vector<1x1x1x16xf32>,
      %get3A_1366 = vector.shape_cast %get3A_1365 : vector<1x1x1x16xf32> to vector<16xf32>
      %add3A_1367 = arith.constant 5 : i32
      %add3A_1368 = arith.addi %mul3A_767, %add3A_1367 : i32
      %swap3A_1369 = arith.index_cast %add3A_1368 : i32 to index
      %swap3A_1370 = arith.constant 48 : index
      %swap3A_1371 = tpu.vector_load %arg7[%swap3A_1369, %swap3A_1370] {strides = array<i32>} : memref<512x64xf32, #tpu.memory_space<vmem>>, vector<1x16xf32>,
      %swap3A_1372 = vector.shape_cast %swap3A_1371 : vector<1x16xf32> to vector<16xf32>
      %swap3A_1373 = vector.shape_cast %get3A_1366 : vector<16xf32> to vector<1x16xf32>
      tpu.vector_store %arg7[%swap3A_1369, %swap3A_1370], %swap3A_1373 {strides = array<i32>} : memref<512x64xf32, #tpu.memory_space<vmem>>, vector<1x16xf32>,
      %slice3A_1374 = vector.extract_strided_slice %get3A_47 {offsets = [6], sizes = [1], strides = [1]} : vector<16xi32> to vector<1xi32>
      %squeeze3A_1375 = vector.extract %slice3A_1374[0] : i32 from vector<1xi32>
      %and3A_1376 = arith.constant 7 : i32
      %and3A_1377 = arith.andi %squeeze3A_1375, %and3A_1376 : i32
      %get3A_1378 = arith.constant 0 : i32
      %get3A_1379 = arith.constant 6 : i32
      %get3A_1380 = arith.index_cast %get3A_1378 : i32 to index
      %get3A_1381 = arith.index_cast %get3A_1379 : i32 to index
      %get3A_1382 = arith.index_cast %and3A_1377 : i32 to index
      %get3A_1383 = arith.constant 0 : index
      %get3A_1384 = tpu.vector_load %arg6[%get3A_1380, %get3A_1381, %get3A_1382, %get3A_1383] {strides = array<i32>} : memref<2x16x8x64xf32, #tpu.memory_space<vmem>>, vector<1x1x1x16xf32>,
      %get3A_1385 = vector.shape_cast %get3A_1384 : vector<1x1x1x16xf32> to vector<16xf32>
      %add3A_1386 = arith.constant 6 : i32
      %add3A_1387 = arith.addi %mul3A_767, %add3A_1386 : i32
      %swap3A_1388 = arith.index_cast %add3A_1387 : i32 to index
      %swap3A_1389 = arith.constant 0 : index
      %swap3A_1390 = tpu.vector_load %arg7[%swap3A_1388, %swap3A_1389] {strides = array<i32>} : memref<512x64xf32, #tpu.memory_space<vmem>>, vector<1x16xf32>,
      %swap3A_1391 = vector.shape_cast %swap3A_1390 : vector<1x16xf32> to vector<16xf32>
      %swap3A_1392 = vector.shape_cast %get3A_1385 : vector<16xf32> to vector<1x16xf32>
      tpu.vector_store %arg7[%swap3A_1388, %swap3A_1389], %swap3A_1392 {strides = array<i32>} : memref<512x64xf32, #tpu.memory_space<vmem>>, vector<1x16xf32>,
      %get3A_1393 = arith.constant 0 : i32
      %get3A_1394 = arith.constant 6 : i32
      %get3A_1395 = arith.index_cast %get3A_1393 : i32 to index
      %get3A_1396 = arith.index_cast %get3A_1394 : i32 to index
      %get3A_1397 = arith.index_cast %and3A_1377 : i32 to index
      %get3A_1398 = arith.constant 16 : index
      %get3A_1399 = tpu.vector_load %arg6[%get3A_1395, %get3A_1396, %get3A_1397, %get3A_1398] {strides = array<i32>} : memref<2x16x8x64xf32, #tpu.memory_space<vmem>>, vector<1x1x1x16xf32>,
      %get3A_1400 = vector.shape_cast %get3A_1399 : vector<1x1x1x16xf32> to vector<16xf32>
      %add3A_1401 = arith.constant 6 : i32
      %add3A_1402 = arith.addi %mul3A_767, %add3A_1401 : i32
      %swap3A_1403 = arith.index_cast %add3A_1402 : i32 to index
      %swap3A_1404 = arith.constant 16 : index
      %swap3A_1405 = tpu.vector_load %arg7[%swap3A_1403, %swap3A_1404] {strides = array<i32>} : memref<512x64xf32, #tpu.memory_space<vmem>>, vector<1x16xf32>,
      %swap3A_1406 = vector.shape_cast %swap3A_1405 : vector<1x16xf32> to vector<16xf32>
      %swap3A_1407 = vector.shape_cast %get3A_1400 : vector<16xf32> to vector<1x16xf32>
      tpu.vector_store %arg7[%swap3A_1403, %swap3A_1404], %swap3A_1407 {strides = array<i32>} : memref<512x64xf32, #tpu.memory_space<vmem>>, vector<1x16xf32>,
      %get3A_1408 = arith.constant 0 : i32
      %get3A_1409 = arith.constant 6 : i32
      %get3A_1410 = arith.index_cast %get3A_1408 : i32 to index
      %get3A_1411 = arith.index_cast %get3A_1409 : i32 to index
      %get3A_1412 = arith.index_cast %and3A_1377 : i32 to index
      %get3A_1413 = arith.constant 32 : index
      %get3A_1414 = tpu.vector_load %arg6[%get3A_1410, %get3A_1411, %get3A_1412, %get3A_1413] {strides = array<i32>} : memref<2x16x8x64xf32, #tpu.memory_space<vmem>>, vector<1x1x1x16xf32>,
      %get3A_1415 = vector.shape_cast %get3A_1414 : vector<1x1x1x16xf32> to vector<16xf32>
      %add3A_1416 = arith.constant 6 : i32
      %add3A_1417 = arith.addi %mul3A_767, %add3A_1416 : i32
      %swap3A_1418 = arith.index_cast %add3A_1417 : i32 to index
      %swap3A_1419 = arith.constant 32 : index
      %swap3A_1420 = tpu.vector_load %arg7[%swap3A_1418, %swap3A_1419] {strides = array<i32>} : memref<512x64xf32, #tpu.memory_space<vmem>>, vector<1x16xf32>,
      %swap3A_1421 = vector.shape_cast %swap3A_1420 : vector<1x16xf32> to vector<16xf32>
      %swap3A_1422 = vector.shape_cast %get3A_1415 : vector<16xf32> to vector<1x16xf32>
      tpu.vector_store %arg7[%swap3A_1418, %swap3A_1419], %swap3A_1422 {strides = array<i32>} : memref<512x64xf32, #tpu.memory_space<vmem>>, vector<1x16xf32>,
      %get3A_1423 = arith.constant 0 : i32
      %get3A_1424 = arith.constant 6 : i32
      %get3A_1425 = arith.index_cast %get3A_1423 : i32 to index
      %get3A_1426 = arith.index_cast %get3A_1424 : i32 to index
      %get3A_1427 = arith.index_cast %and3A_1377 : i32 to index
      %get3A_1428 = arith.constant 48 : index
      %get3A_1429 = tpu.vector_load %arg6[%get3A_1425, %get3A_1426, %get3A_1427, %get3A_1428] {strides = array<i32>} : memref<2x16x8x64xf32, #tpu.memory_space<vmem>>, vector<1x1x1x16xf32>,
      %get3A_1430 = vector.shape_cast %get3A_1429 : vector<1x1x1x16xf32> to vector<16xf32>
      %add3A_1431 = arith.constant 6 : i32
      %add3A_1432 = arith.addi %mul3A_767, %add3A_1431 : i32
      %swap3A_1433 = arith.index_cast %add3A_1432 : i32 to index
      %swap3A_1434 = arith.constant 48 : index
      %swap3A_1435 = tpu.vector_load %arg7[%swap3A_1433, %swap3A_1434] {strides = array<i32>} : memref<512x64xf32, #tpu.memory_space<vmem>>, vector<1x16xf32>,
      %swap3A_1436 = vector.shape_cast %swap3A_1435 : vector<1x16xf32> to vector<16xf32>
      %swap3A_1437 = vector.shape_cast %get3A_1430 : vector<16xf32> to vector<1x16xf32>
      tpu.vector_store %arg7[%swap3A_1433, %swap3A_1434], %swap3A_1437 {strides = array<i32>} : memref<512x64xf32, #tpu.memory_space<vmem>>, vector<1x16xf32>,
      %slice3A_1438 = vector.extract_strided_slice %get3A_47 {offsets = [7], sizes = [1], strides = [1]} : vector<16xi32> to vector<1xi32>
      %squeeze3A_1439 = vector.extract %slice3A_1438[0] : i32 from vector<1xi32>
      %and3A_1440 = arith.constant 7 : i32
      %and3A_1441 = arith.andi %squeeze3A_1439, %and3A_1440 : i32
      %get3A_1442 = arith.constant 0 : i32
      %get3A_1443 = arith.constant 7 : i32
      %get3A_1444 = arith.index_cast %get3A_1442 : i32 to index
      %get3A_1445 = arith.index_cast %get3A_1443 : i32 to index
      %get3A_1446 = arith.index_cast %and3A_1441 : i32 to index
      %get3A_1447 = arith.constant 0 : index
      %get3A_1448 = tpu.vector_load %arg6[%get3A_1444, %get3A_1445, %get3A_1446, %get3A_1447] {strides = array<i32>} : memref<2x16x8x64xf32, #tpu.memory_space<vmem>>, vector<1x1x1x16xf32>,
      %get3A_1449 = vector.shape_cast %get3A_1448 : vector<1x1x1x16xf32> to vector<16xf32>
      %add3A_1450 = arith.constant 7 : i32
      %add3A_1451 = arith.addi %mul3A_767, %add3A_1450 : i32
      %swap3A_1452 = arith.index_cast %add3A_1451 : i32 to index
      %swap3A_1453 = arith.constant 0 : index
      %swap3A_1454 = tpu.vector_load %arg7[%swap3A_1452, %swap3A_1453] {strides = array<i32>} : memref<512x64xf32, #tpu.memory_space<vmem>>, vector<1x16xf32>,
      %swap3A_1455 = vector.shape_cast %swap3A_1454 : vector<1x16xf32> to vector<16xf32>
      %swap3A_1456 = vector.shape_cast %get3A_1449 : vector<16xf32> to vector<1x16xf32>
      tpu.vector_store %arg7[%swap3A_1452, %swap3A_1453], %swap3A_1456 {strides = array<i32>} : memref<512x64xf32, #tpu.memory_space<vmem>>, vector<1x16xf32>,
      %get3A_1457 = arith.constant 0 : i32
      %get3A_1458 = arith.constant 7 : i32
      %get3A_1459 = arith.index_cast %get3A_1457 : i32 to index
      %get3A_1460 = arith.index_cast %get3A_1458 : i32 to index
      %get3A_1461 = arith.index_cast %and3A_1441 : i32 to index
      %get3A_1462 = arith.constant 16 : index
      %get3A_1463 = tpu.vector_load %arg6[%get3A_1459, %get3A_1460, %get3A_1461, %get3A_1462] {strides = array<i32>} : memref<2x16x8x64xf32, #tpu.memory_space<vmem>>, vector<1x1x1x16xf32>,
      %get3A_1464 = vector.shape_cast %get3A_1463 : vector<1x1x1x16xf32> to vector<16xf32>
      %add3A_1465 = arith.constant 7 : i32
      %add3A_1466 = arith.addi %mul3A_767, %add3A_1465 : i32
      %swap3A_1467 = arith.index_cast %add3A_1466 : i32 to index
      %swap3A_1468 = arith.constant 16 : index
      %swap3A_1469 = tpu.vector_load %arg7[%swap3A_1467, %swap3A_1468] {strides = array<i32>} : memref<512x64xf32, #tpu.memory_space<vmem>>, vector<1x16xf32>,
      %swap3A_1470 = vector.shape_cast %swap3A_1469 : vector<1x16xf32> to vector<16xf32>
      %swap3A_1471 = vector.shape_cast %get3A_1464 : vector<16xf32> to vector<1x16xf32>
      tpu.vector_store %arg7[%swap3A_1467, %swap3A_1468], %swap3A_1471 {strides = array<i32>} : memref<512x64xf32, #tpu.memory_space<vmem>>, vector<1x16xf32>,
      %get3A_1472 = arith.constant 0 : i32
      %get3A_1473 = arith.constant 7 : i32
      %get3A_1474 = arith.index_cast %get3A_1472 : i32 to index
      %get3A_1475 = arith.index_cast %get3A_1473 : i32 to index
      %get3A_1476 = arith.index_cast %and3A_1441 : i32 to index
      %get3A_1477 = arith.constant 32 : index
      %get3A_1478 = tpu.vector_load %arg6[%get3A_1474, %get3A_1475, %get3A_1476, %get3A_1477] {strides = array<i32>} : memref<2x16x8x64xf32, #tpu.memory_space<vmem>>, vector<1x1x1x16xf32>,
      %get3A_1479 = vector.shape_cast %get3A_1478 : vector<1x1x1x16xf32> to vector<16xf32>
      %add3A_1480 = arith.constant 7 : i32
      %add3A_1481 = arith.addi %mul3A_767, %add3A_1480 : i32
      %swap3A_1482 = arith.index_cast %add3A_1481 : i32 to index
      %swap3A_1483 = arith.constant 32 : index
      %swap3A_1484 = tpu.vector_load %arg7[%swap3A_1482, %swap3A_1483] {strides = array<i32>} : memref<512x64xf32, #tpu.memory_space<vmem>>, vector<1x16xf32>,
      %swap3A_1485 = vector.shape_cast %swap3A_1484 : vector<1x16xf32> to vector<16xf32>
      %swap3A_1486 = vector.shape_cast %get3A_1479 : vector<16xf32> to vector<1x16xf32>
      tpu.vector_store %arg7[%swap3A_1482, %swap3A_1483], %swap3A_1486 {strides = array<i32>} : memref<512x64xf32, #tpu.memory_space<vmem>>, vector<1x16xf32>,
      %get3A_1487 = arith.constant 0 : i32
      %get3A_1488 = arith.constant 7 : i32
      %get3A_1489 = arith.index_cast %get3A_1487 : i32 to index
      %get3A_1490 = arith.index_cast %get3A_1488 : i32 to index
      %get3A_1491 = arith.index_cast %and3A_1441 : i32 to index
      %get3A_1492 = arith.constant 48 : index
      %get3A_1493 = tpu.vector_load %arg6[%get3A_1489, %get3A_1490, %get3A_1491, %get3A_1492] {strides = array<i32>} : memref<2x16x8x64xf32, #tpu.memory_space<vmem>>, vector<1x1x1x16xf32>,
      %get3A_1494 = vector.shape_cast %get3A_1493 : vector<1x1x1x16xf32> to vector<16xf32>
      %add3A_1495 = arith.constant 7 : i32
      %add3A_1496 = arith.addi %mul3A_767, %add3A_1495 : i32
      %swap3A_1497 = arith.index_cast %add3A_1496 : i32 to index
      %swap3A_1498 = arith.constant 48 : index
      %swap3A_1499 = tpu.vector_load %arg7[%swap3A_1497, %swap3A_1498] {strides = array<i32>} : memref<512x64xf32, #tpu.memory_space<vmem>>, vector<1x16xf32>,
      %swap3A_1500 = vector.shape_cast %swap3A_1499 : vector<1x16xf32> to vector<16xf32>
      %swap3A_1501 = vector.shape_cast %get3A_1494 : vector<16xf32> to vector<1x16xf32>
      tpu.vector_store %arg7[%swap3A_1497, %swap3A_1498], %swap3A_1501 {strides = array<i32>} : memref<512x64xf32, #tpu.memory_space<vmem>>, vector<1x16xf32>,
      %slice3A_1502 = vector.extract_strided_slice %get3A_47 {offsets = [8], sizes = [1], strides = [1]} : vector<16xi32> to vector<1xi32>
      %squeeze3A_1503 = vector.extract %slice3A_1502[0] : i32 from vector<1xi32>
      %and3A_1504 = arith.constant 7 : i32
      %and3A_1505 = arith.andi %squeeze3A_1503, %and3A_1504 : i32
      %get3A_1506 = arith.constant 0 : i32
      %get3A_1507 = arith.constant 8 : i32
      %get3A_1508 = arith.index_cast %get3A_1506 : i32 to index
      %get3A_1509 = arith.index_cast %get3A_1507 : i32 to index
      %get3A_1510 = arith.index_cast %and3A_1505 : i32 to index
      %get3A_1511 = arith.constant 0 : index
      %get3A_1512 = tpu.vector_load %arg6[%get3A_1508, %get3A_1509, %get3A_1510, %get3A_1511] {strides = array<i32>} : memref<2x16x8x64xf32, #tpu.memory_space<vmem>>, vector<1x1x1x16xf32>,
      %get3A_1513 = vector.shape_cast %get3A_1512 : vector<1x1x1x16xf32> to vector<16xf32>
      %add3A_1514 = arith.constant 8 : i32
      %add3A_1515 = arith.addi %mul3A_767, %add3A_1514 : i32
      %swap3A_1516 = arith.index_cast %add3A_1515 : i32 to index
      %swap3A_1517 = arith.constant 0 : index
      %swap3A_1518 = tpu.vector_load %arg7[%swap3A_1516, %swap3A_1517] {strides = array<i32>} : memref<512x64xf32, #tpu.memory_space<vmem>>, vector<1x16xf32>,
      %swap3A_1519 = vector.shape_cast %swap3A_1518 : vector<1x16xf32> to vector<16xf32>
      %swap3A_1520 = vector.shape_cast %get3A_1513 : vector<16xf32> to vector<1x16xf32>
      tpu.vector_store %arg7[%swap3A_1516, %swap3A_1517], %swap3A_1520 {strides = array<i32>} : memref<512x64xf32, #tpu.memory_space<vmem>>, vector<1x16xf32>,
      %get3A_1521 = arith.constant 0 : i32
      %get3A_1522 = arith.constant 8 : i32
      %get3A_1523 = arith.index_cast %get3A_1521 : i32 to index
      %get3A_1524 = arith.index_cast %get3A_1522 : i32 to index
      %get3A_1525 = arith.index_cast %and3A_1505 : i32 to index
      %get3A_1526 = arith.constant 16 : index
      %get3A_1527 = tpu.vector_load %arg6[%get3A_1523, %get3A_1524, %get3A_1525, %get3A_1526] {strides = array<i32>} : memref<2x16x8x64xf32, #tpu.memory_space<vmem>>, vector<1x1x1x16xf32>,
      %get3A_1528 = vector.shape_cast %get3A_1527 : vector<1x1x1x16xf32> to vector<16xf32>
      %add3A_1529 = arith.constant 8 : i32
      %add3A_1530 = arith.addi %mul3A_767, %add3A_1529 : i32
      %swap3A_1531 = arith.index_cast %add3A_1530 : i32 to index
      %swap3A_1532 = arith.constant 16 : index
      %swap3A_1533 = tpu.vector_load %arg7[%swap3A_1531, %swap3A_1532] {strides = array<i32>} : memref<512x64xf32, #tpu.memory_space<vmem>>, vector<1x16xf32>,
      %swap3A_1534 = vector.shape_cast %swap3A_1533 : vector<1x16xf32> to vector<16xf32>
      %swap3A_1535 = vector.shape_cast %get3A_1528 : vector<16xf32> to vector<1x16xf32>
      tpu.vector_store %arg7[%swap3A_1531, %swap3A_1532], %swap3A_1535 {strides = array<i32>} : memref<512x64xf32, #tpu.memory_space<vmem>>, vector<1x16xf32>,
      %get3A_1536 = arith.constant 0 : i32
      %get3A_1537 = arith.constant 8 : i32
      %get3A_1538 = arith.index_cast %get3A_1536 : i32 to index
      %get3A_1539 = arith.index_cast %get3A_1537 : i32 to index
      %get3A_1540 = arith.index_cast %and3A_1505 : i32 to index
      %get3A_1541 = arith.constant 32 : index
      %get3A_1542 = tpu.vector_load %arg6[%get3A_1538, %get3A_1539, %get3A_1540, %get3A_1541] {strides = array<i32>} : memref<2x16x8x64xf32, #tpu.memory_space<vmem>>, vector<1x1x1x16xf32>,
      %get3A_1543 = vector.shape_cast %get3A_1542 : vector<1x1x1x16xf32> to vector<16xf32>
      %add3A_1544 = arith.constant 8 : i32
      %add3A_1545 = arith.addi %mul3A_767, %add3A_1544 : i32
      %swap3A_1546 = arith.index_cast %add3A_1545 : i32 to index
      %swap3A_1547 = arith.constant 32 : index
      %swap3A_1548 = tpu.vector_load %arg7[%swap3A_1546, %swap3A_1547] {strides = array<i32>} : memref<512x64xf32, #tpu.memory_space<vmem>>, vector<1x16xf32>,
      %swap3A_1549 = vector.shape_cast %swap3A_1548 : vector<1x16xf32> to vector<16xf32>
      %swap3A_1550 = vector.shape_cast %get3A_1543 : vector<16xf32> to vector<1x16xf32>
      tpu.vector_store %arg7[%swap3A_1546, %swap3A_1547], %swap3A_1550 {strides = array<i32>} : memref<512x64xf32, #tpu.memory_space<vmem>>, vector<1x16xf32>,
      %get3A_1551 = arith.constant 0 : i32
      %get3A_1552 = arith.constant 8 : i32
      %get3A_1553 = arith.index_cast %get3A_1551 : i32 to index
      %get3A_1554 = arith.index_cast %get3A_1552 : i32 to index
      %get3A_1555 = arith.index_cast %and3A_1505 : i32 to index
      %get3A_1556 = arith.constant 48 : index
      %get3A_1557 = tpu.vector_load %arg6[%get3A_1553, %get3A_1554, %get3A_1555, %get3A_1556] {strides = array<i32>} : memref<2x16x8x64xf32, #tpu.memory_space<vmem>>, vector<1x1x1x16xf32>,
      %get3A_1558 = vector.shape_cast %get3A_1557 : vector<1x1x1x16xf32> to vector<16xf32>
      %add3A_1559 = arith.constant 8 : i32
      %add3A_1560 = arith.addi %mul3A_767, %add3A_1559 : i32
      %swap3A_1561 = arith.index_cast %add3A_1560 : i32 to index
      %swap3A_1562 = arith.constant 48 : index
      %swap3A_1563 = tpu.vector_load %arg7[%swap3A_1561, %swap3A_1562] {strides = array<i32>} : memref<512x64xf32, #tpu.memory_space<vmem>>, vector<1x16xf32>,
      %swap3A_1564 = vector.shape_cast %swap3A_1563 : vector<1x16xf32> to vector<16xf32>
      %swap3A_1565 = vector.shape_cast %get3A_1558 : vector<16xf32> to vector<1x16xf32>
      tpu.vector_store %arg7[%swap3A_1561, %swap3A_1562], %swap3A_1565 {strides = array<i32>} : memref<512x64xf32, #tpu.memory_space<vmem>>, vector<1x16xf32>,
      %slice3A_1566 = vector.extract_strided_slice %get3A_47 {offsets = [9], sizes = [1], strides = [1]} : vector<16xi32> to vector<1xi32>
      %squeeze3A_1567 = vector.extract %slice3A_1566[0] : i32 from vector<1xi32>
      %and3A_1568 = arith.constant 7 : i32
      %and3A_1569 = arith.andi %squeeze3A_1567, %and3A_1568 : i32
      %get3A_1570 = arith.constant 0 : i32
      %get3A_1571 = arith.constant 9 : i32
      %get3A_1572 = arith.index_cast %get3A_1570 : i32 to index
      %get3A_1573 = arith.index_cast %get3A_1571 : i32 to index
      %get3A_1574 = arith.index_cast %and3A_1569 : i32 to index
      %get3A_1575 = arith.constant 0 : index
      %get3A_1576 = tpu.vector_load %arg6[%get3A_1572, %get3A_1573, %get3A_1574, %get3A_1575] {strides = array<i32>} : memref<2x16x8x64xf32, #tpu.memory_space<vmem>>, vector<1x1x1x16xf32>,
      %get3A_1577 = vector.shape_cast %get3A_1576 : vector<1x1x1x16xf32> to vector<16xf32>
      %add3A_1578 = arith.constant 9 : i32
      %add3A_1579 = arith.addi %mul3A_767, %add3A_1578 : i32
      %swap3A_1580 = arith.index_cast %add3A_1579 : i32 to index
      %swap3A_1581 = arith.constant 0 : index
      %swap3A_1582 = tpu.vector_load %arg7[%swap3A_1580, %swap3A_1581] {strides = array<i32>} : memref<512x64xf32, #tpu.memory_space<vmem>>, vector<1x16xf32>,
      %swap3A_1583 = vector.shape_cast %swap3A_1582 : vector<1x16xf32> to vector<16xf32>
      %swap3A_1584 = vector.shape_cast %get3A_1577 : vector<16xf32> to vector<1x16xf32>
      tpu.vector_store %arg7[%swap3A_1580, %swap3A_1581], %swap3A_1584 {strides = array<i32>} : memref<512x64xf32, #tpu.memory_space<vmem>>, vector<1x16xf32>,
      %get3A_1585 = arith.constant 0 : i32
      %get3A_1586 = arith.constant 9 : i32
      %get3A_1587 = arith.index_cast %get3A_1585 : i32 to index
      %get3A_1588 = arith.index_cast %get3A_1586 : i32 to index
      %get3A_1589 = arith.index_cast %and3A_1569 : i32 to index
      %get3A_1590 = arith.constant 16 : index
      %get3A_1591 = tpu.vector_load %arg6[%get3A_1587, %get3A_1588, %get3A_1589, %get3A_1590] {strides = array<i32>} : memref<2x16x8x64xf32, #tpu.memory_space<vmem>>, vector<1x1x1x16xf32>,
      %get3A_1592 = vector.shape_cast %get3A_1591 : vector<1x1x1x16xf32> to vector<16xf32>
      %add3A_1593 = arith.constant 9 : i32
      %add3A_1594 = arith.addi %mul3A_767, %add3A_1593 : i32
      %swap3A_1595 = arith.index_cast %add3A_1594 : i32 to index
      %swap3A_1596 = arith.constant 16 : index
      %swap3A_1597 = tpu.vector_load %arg7[%swap3A_1595, %swap3A_1596] {strides = array<i32>} : memref<512x64xf32, #tpu.memory_space<vmem>>, vector<1x16xf32>,
      %swap3A_1598 = vector.shape_cast %swap3A_1597 : vector<1x16xf32> to vector<16xf32>
      %swap3A_1599 = vector.shape_cast %get3A_1592 : vector<16xf32> to vector<1x16xf32>
      tpu.vector_store %arg7[%swap3A_1595, %swap3A_1596], %swap3A_1599 {strides = array<i32>} : memref<512x64xf32, #tpu.memory_space<vmem>>, vector<1x16xf32>,
      %get3A_1600 = arith.constant 0 : i32
      %get3A_1601 = arith.constant 9 : i32
      %get3A_1602 = arith.index_cast %get3A_1600 : i32 to index
      %get3A_1603 = arith.index_cast %get3A_1601 : i32 to index
      %get3A_1604 = arith.index_cast %and3A_1569 : i32 to index
      %get3A_1605 = arith.constant 32 : index
      %get3A_1606 = tpu.vector_load %arg6[%get3A_1602, %get3A_1603, %get3A_1604, %get3A_1605] {strides = array<i32>} : memref<2x16x8x64xf32, #tpu.memory_space<vmem>>, vector<1x1x1x16xf32>,
      %get3A_1607 = vector.shape_cast %get3A_1606 : vector<1x1x1x16xf32> to vector<16xf32>
      %add3A_1608 = arith.constant 9 : i32
      %add3A_1609 = arith.addi %mul3A_767, %add3A_1608 : i32
      %swap3A_1610 = arith.index_cast %add3A_1609 : i32 to index
      %swap3A_1611 = arith.constant 32 : index
      %swap3A_1612 = tpu.vector_load %arg7[%swap3A_1610, %swap3A_1611] {strides = array<i32>} : memref<512x64xf32, #tpu.memory_space<vmem>>, vector<1x16xf32>,
      %swap3A_1613 = vector.shape_cast %swap3A_1612 : vector<1x16xf32> to vector<16xf32>
      %swap3A_1614 = vector.shape_cast %get3A_1607 : vector<16xf32> to vector<1x16xf32>
      tpu.vector_store %arg7[%swap3A_1610, %swap3A_1611], %swap3A_1614 {strides = array<i32>} : memref<512x64xf32, #tpu.memory_space<vmem>>, vector<1x16xf32>,
      %get3A_1615 = arith.constant 0 : i32
      %get3A_1616 = arith.constant 9 : i32
      %get3A_1617 = arith.index_cast %get3A_1615 : i32 to index
      %get3A_1618 = arith.index_cast %get3A_1616 : i32 to index
      %get3A_1619 = arith.index_cast %and3A_1569 : i32 to index
      %get3A_1620 = arith.constant 48 : index
      %get3A_1621 = tpu.vector_load %arg6[%get3A_1617, %get3A_1618, %get3A_1619, %get3A_1620] {strides = array<i32>} : memref<2x16x8x64xf32, #tpu.memory_space<vmem>>, vector<1x1x1x16xf32>,
      %get3A_1622 = vector.shape_cast %get3A_1621 : vector<1x1x1x16xf32> to vector<16xf32>
      %add3A_1623 = arith.constant 9 : i32
      %add3A_1624 = arith.addi %mul3A_767, %add3A_1623 : i32
      %swap3A_1625 = arith.index_cast %add3A_1624 : i32 to index
      %swap3A_1626 = arith.constant 48 : index
      %swap3A_1627 = tpu.vector_load %arg7[%swap3A_1625, %swap3A_1626] {strides = array<i32>} : memref<512x64xf32, #tpu.memory_space<vmem>>, vector<1x16xf32>,
      %swap3A_1628 = vector.shape_cast %swap3A_1627 : vector<1x16xf32> to vector<16xf32>
      %swap3A_1629 = vector.shape_cast %get3A_1622 : vector<16xf32> to vector<1x16xf32>
      tpu.vector_store %arg7[%swap3A_1625, %swap3A_1626], %swap3A_1629 {strides = array<i32>} : memref<512x64xf32, #tpu.memory_space<vmem>>, vector<1x16xf32>,
      %slice3A_1630 = vector.extract_strided_slice %get3A_47 {offsets = [10], sizes = [1], strides = [1]} : vector<16xi32> to vector<1xi32>
      %squeeze3A_1631 = vector.extract %slice3A_1630[0] : i32 from vector<1xi32>
      %and3A_1632 = arith.constant 7 : i32
      %and3A_1633 = arith.andi %squeeze3A_1631, %and3A_1632 : i32
      %get3A_1634 = arith.constant 0 : i32
      %get3A_1635 = arith.constant 10 : i32
      %get3A_1636 = arith.index_cast %get3A_1634 : i32 to index
      %get3A_1637 = arith.index_cast %get3A_1635 : i32 to index
      %get3A_1638 = arith.index_cast %and3A_1633 : i32 to index
      %get3A_1639 = arith.constant 0 : index
      %get3A_1640 = tpu.vector_load %arg6[%get3A_1636, %get3A_1637, %get3A_1638, %get3A_1639] {strides = array<i32>} : memref<2x16x8x64xf32, #tpu.memory_space<vmem>>, vector<1x1x1x16xf32>,
      %get3A_1641 = vector.shape_cast %get3A_1640 : vector<1x1x1x16xf32> to vector<16xf32>
      %add3A_1642 = arith.constant 10 : i32
      %add3A_1643 = arith.addi %mul3A_767, %add3A_1642 : i32
      %swap3A_1644 = arith.index_cast %add3A_1643 : i32 to index
      %swap3A_1645 = arith.constant 0 : index
      %swap3A_1646 = tpu.vector_load %arg7[%swap3A_1644, %swap3A_1645] {strides = array<i32>} : memref<512x64xf32, #tpu.memory_space<vmem>>, vector<1x16xf32>,
      %swap3A_1647 = vector.shape_cast %swap3A_1646 : vector<1x16xf32> to vector<16xf32>
      %swap3A_1648 = vector.shape_cast %get3A_1641 : vector<16xf32> to vector<1x16xf32>
      tpu.vector_store %arg7[%swap3A_1644, %swap3A_1645], %swap3A_1648 {strides = array<i32>} : memref<512x64xf32, #tpu.memory_space<vmem>>, vector<1x16xf32>,
      %get3A_1649 = arith.constant 0 : i32
      %get3A_1650 = arith.constant 10 : i32
      %get3A_1651 = arith.index_cast %get3A_1649 : i32 to index
      %get3A_1652 = arith.index_cast %get3A_1650 : i32 to index
      %get3A_1653 = arith.index_cast %and3A_1633 : i32 to index
      %get3A_1654 = arith.constant 16 : index
      %get3A_1655 = tpu.vector_load %arg6[%get3A_1651, %get3A_1652, %get3A_1653, %get3A_1654] {strides = array<i32>} : memref<2x16x8x64xf32, #tpu.memory_space<vmem>>, vector<1x1x1x16xf32>,
      %get3A_1656 = vector.shape_cast %get3A_1655 : vector<1x1x1x16xf32> to vector<16xf32>
      %add3A_1657 = arith.constant 10 : i32
      %add3A_1658 = arith.addi %mul3A_767, %add3A_1657 : i32
      %swap3A_1659 = arith.index_cast %add3A_1658 : i32 to index
      %swap3A_1660 = arith.constant 16 : index
      %swap3A_1661 = tpu.vector_load %arg7[%swap3A_1659, %swap3A_1660] {strides = array<i32>} : memref<512x64xf32, #tpu.memory_space<vmem>>, vector<1x16xf32>,
      %swap3A_1662 = vector.shape_cast %swap3A_1661 : vector<1x16xf32> to vector<16xf32>
      %swap3A_1663 = vector.shape_cast %get3A_1656 : vector<16xf32> to vector<1x16xf32>
      tpu.vector_store %arg7[%swap3A_1659, %swap3A_1660], %swap3A_1663 {strides = array<i32>} : memref<512x64xf32, #tpu.memory_space<vmem>>, vector<1x16xf32>,
      %get3A_1664 = arith.constant 0 : i32
      %get3A_1665 = arith.constant 10 : i32
      %get3A_1666 = arith.index_cast %get3A_1664 : i32 to index
      %get3A_1667 = arith.index_cast %get3A_1665 : i32 to index
      %get3A_1668 = arith.index_cast %and3A_1633 : i32 to index
      %get3A_1669 = arith.constant 32 : index
      %get3A_1670 = tpu.vector_load %arg6[%get3A_1666, %get3A_1667, %get3A_1668, %get3A_1669] {strides = array<i32>} : memref<2x16x8x64xf32, #tpu.memory_space<vmem>>, vector<1x1x1x16xf32>,
      %get3A_1671 = vector.shape_cast %get3A_1670 : vector<1x1x1x16xf32> to vector<16xf32>
      %add3A_1672 = arith.constant 10 : i32
      %add3A_1673 = arith.addi %mul3A_767, %add3A_1672 : i32
      %swap3A_1674 = arith.index_cast %add3A_1673 : i32 to index
      %swap3A_1675 = arith.constant 32 : index
      %swap3A_1676 = tpu.vector_load %arg7[%swap3A_1674, %swap3A_1675] {strides = array<i32>} : memref<512x64xf32, #tpu.memory_space<vmem>>, vector<1x16xf32>,
      %swap3A_1677 = vector.shape_cast %swap3A_1676 : vector<1x16xf32> to vector<16xf32>
      %swap3A_1678 = vector.shape_cast %get3A_1671 : vector<16xf32> to vector<1x16xf32>
      tpu.vector_store %arg7[%swap3A_1674, %swap3A_1675], %swap3A_1678 {strides = array<i32>} : memref<512x64xf32, #tpu.memory_space<vmem>>, vector<1x16xf32>,
      %get3A_1679 = arith.constant 0 : i32
      %get3A_1680 = arith.constant 10 : i32
      %get3A_1681 = arith.index_cast %get3A_1679 : i32 to index
      %get3A_1682 = arith.index_cast %get3A_1680 : i32 to index
      %get3A_1683 = arith.index_cast %and3A_1633 : i32 to index
      %get3A_1684 = arith.constant 48 : index
      %get3A_1685 = tpu.vector_load %arg6[%get3A_1681, %get3A_1682, %get3A_1683, %get3A_1684] {strides = array<i32>} : memref<2x16x8x64xf32, #tpu.memory_space<vmem>>, vector<1x1x1x16xf32>,
      %get3A_1686 = vector.shape_cast %get3A_1685 : vector<1x1x1x16xf32> to vector<16xf32>
      %add3A_1687 = arith.constant 10 : i32
      %add3A_1688 = arith.addi %mul3A_767, %add3A_1687 : i32
      %swap3A_1689 = arith.index_cast %add3A_1688 : i32 to index
      %swap3A_1690 = arith.constant 48 : index
      %swap3A_1691 = tpu.vector_load %arg7[%swap3A_1689, %swap3A_1690] {strides = array<i32>} : memref<512x64xf32, #tpu.memory_space<vmem>>, vector<1x16xf32>,
      %swap3A_1692 = vector.shape_cast %swap3A_1691 : vector<1x16xf32> to vector<16xf32>
      %swap3A_1693 = vector.shape_cast %get3A_1686 : vector<16xf32> to vector<1x16xf32>
      tpu.vector_store %arg7[%swap3A_1689, %swap3A_1690], %swap3A_1693 {strides = array<i32>} : memref<512x64xf32, #tpu.memory_space<vmem>>, vector<1x16xf32>,
      %slice3A_1694 = vector.extract_strided_slice %get3A_47 {offsets = [11], sizes = [1], strides = [1]} : vector<16xi32> to vector<1xi32>
      %squeeze3A_1695 = vector.extract %slice3A_1694[0] : i32 from vector<1xi32>
      %and3A_1696 = arith.constant 7 : i32
      %and3A_1697 = arith.andi %squeeze3A_1695, %and3A_1696 : i32
      %get3A_1698 = arith.constant 0 : i32
      %get3A_1699 = arith.constant 11 : i32
      %get3A_1700 = arith.index_cast %get3A_1698 : i32 to index
      %get3A_1701 = arith.index_cast %get3A_1699 : i32 to index
      %get3A_1702 = arith.index_cast %and3A_1697 : i32 to index
      %get3A_1703 = arith.constant 0 : index
      %get3A_1704 = tpu.vector_load %arg6[%get3A_1700, %get3A_1701, %get3A_1702, %get3A_1703] {strides = array<i32>} : memref<2x16x8x64xf32, #tpu.memory_space<vmem>>, vector<1x1x1x16xf32>,
      %get3A_1705 = vector.shape_cast %get3A_1704 : vector<1x1x1x16xf32> to vector<16xf32>
      %add3A_1706 = arith.constant 11 : i32
      %add3A_1707 = arith.addi %mul3A_767, %add3A_1706 : i32
      %swap3A_1708 = arith.index_cast %add3A_1707 : i32 to index
      %swap3A_1709 = arith.constant 0 : index
      %swap3A_1710 = tpu.vector_load %arg7[%swap3A_1708, %swap3A_1709] {strides = array<i32>} : memref<512x64xf32, #tpu.memory_space<vmem>>, vector<1x16xf32>,
      %swap3A_1711 = vector.shape_cast %swap3A_1710 : vector<1x16xf32> to vector<16xf32>
      %swap3A_1712 = vector.shape_cast %get3A_1705 : vector<16xf32> to vector<1x16xf32>
      tpu.vector_store %arg7[%swap3A_1708, %swap3A_1709], %swap3A_1712 {strides = array<i32>} : memref<512x64xf32, #tpu.memory_space<vmem>>, vector<1x16xf32>,
      %get3A_1713 = arith.constant 0 : i32
      %get3A_1714 = arith.constant 11 : i32
      %get3A_1715 = arith.index_cast %get3A_1713 : i32 to index
      %get3A_1716 = arith.index_cast %get3A_1714 : i32 to index
      %get3A_1717 = arith.index_cast %and3A_1697 : i32 to index
      %get3A_1718 = arith.constant 16 : index
      %get3A_1719 = tpu.vector_load %arg6[%get3A_1715, %get3A_1716, %get3A_1717, %get3A_1718] {strides = array<i32>} : memref<2x16x8x64xf32, #tpu.memory_space<vmem>>, vector<1x1x1x16xf32>,
      %get3A_1720 = vector.shape_cast %get3A_1719 : vector<1x1x1x16xf32> to vector<16xf32>
      %add3A_1721 = arith.constant 11 : i32
      %add3A_1722 = arith.addi %mul3A_767, %add3A_1721 : i32
      %swap3A_1723 = arith.index_cast %add3A_1722 : i32 to index
      %swap3A_1724 = arith.constant 16 : index
      %swap3A_1725 = tpu.vector_load %arg7[%swap3A_1723, %swap3A_1724] {strides = array<i32>} : memref<512x64xf32, #tpu.memory_space<vmem>>, vector<1x16xf32>,
      %swap3A_1726 = vector.shape_cast %swap3A_1725 : vector<1x16xf32> to vector<16xf32>
      %swap3A_1727 = vector.shape_cast %get3A_1720 : vector<16xf32> to vector<1x16xf32>
      tpu.vector_store %arg7[%swap3A_1723, %swap3A_1724], %swap3A_1727 {strides = array<i32>} : memref<512x64xf32, #tpu.memory_space<vmem>>, vector<1x16xf32>,
      %get3A_1728 = arith.constant 0 : i32
      %get3A_1729 = arith.constant 11 : i32
      %get3A_1730 = arith.index_cast %get3A_1728 : i32 to index
      %get3A_1731 = arith.index_cast %get3A_1729 : i32 to index
      %get3A_1732 = arith.index_cast %and3A_1697 : i32 to index
      %get3A_1733 = arith.constant 32 : index
      %get3A_1734 = tpu.vector_load %arg6[%get3A_1730, %get3A_1731, %get3A_1732, %get3A_1733] {strides = array<i32>} : memref<2x16x8x64xf32, #tpu.memory_space<vmem>>, vector<1x1x1x16xf32>,
      %get3A_1735 = vector.shape_cast %get3A_1734 : vector<1x1x1x16xf32> to vector<16xf32>
      %add3A_1736 = arith.constant 11 : i32
      %add3A_1737 = arith.addi %mul3A_767, %add3A_1736 : i32
      %swap3A_1738 = arith.index_cast %add3A_1737 : i32 to index
      %swap3A_1739 = arith.constant 32 : index
      %swap3A_1740 = tpu.vector_load %arg7[%swap3A_1738, %swap3A_1739] {strides = array<i32>} : memref<512x64xf32, #tpu.memory_space<vmem>>, vector<1x16xf32>,
      %swap3A_1741 = vector.shape_cast %swap3A_1740 : vector<1x16xf32> to vector<16xf32>
      %swap3A_1742 = vector.shape_cast %get3A_1735 : vector<16xf32> to vector<1x16xf32>
      tpu.vector_store %arg7[%swap3A_1738, %swap3A_1739], %swap3A_1742 {strides = array<i32>} : memref<512x64xf32, #tpu.memory_space<vmem>>, vector<1x16xf32>,
      %get3A_1743 = arith.constant 0 : i32
      %get3A_1744 = arith.constant 11 : i32
      %get3A_1745 = arith.index_cast %get3A_1743 : i32 to index
      %get3A_1746 = arith.index_cast %get3A_1744 : i32 to index
      %get3A_1747 = arith.index_cast %and3A_1697 : i32 to index
      %get3A_1748 = arith.constant 48 : index
      %get3A_1749 = tpu.vector_load %arg6[%get3A_1745, %get3A_1746, %get3A_1747, %get3A_1748] {strides = array<i32>} : memref<2x16x8x64xf32, #tpu.memory_space<vmem>>, vector<1x1x1x16xf32>,
      %get3A_1750 = vector.shape_cast %get3A_1749 : vector<1x1x1x16xf32> to vector<16xf32>
      %add3A_1751 = arith.constant 11 : i32
      %add3A_1752 = arith.addi %mul3A_767, %add3A_1751 : i32
      %swap3A_1753 = arith.index_cast %add3A_1752 : i32 to index
      %swap3A_1754 = arith.constant 48 : index
      %swap3A_1755 = tpu.vector_load %arg7[%swap3A_1753, %swap3A_1754] {strides = array<i32>} : memref<512x64xf32, #tpu.memory_space<vmem>>, vector<1x16xf32>,
      %swap3A_1756 = vector.shape_cast %swap3A_1755 : vector<1x16xf32> to vector<16xf32>
      %swap3A_1757 = vector.shape_cast %get3A_1750 : vector<16xf32> to vector<1x16xf32>
      tpu.vector_store %arg7[%swap3A_1753, %swap3A_1754], %swap3A_1757 {strides = array<i32>} : memref<512x64xf32, #tpu.memory_space<vmem>>, vector<1x16xf32>,
      %slice3A_1758 = vector.extract_strided_slice %get3A_47 {offsets = [12], sizes = [1], strides = [1]} : vector<16xi32> to vector<1xi32>
      %squeeze3A_1759 = vector.extract %slice3A_1758[0] : i32 from vector<1xi32>
      %and3A_1760 = arith.constant 7 : i32
      %and3A_1761 = arith.andi %squeeze3A_1759, %and3A_1760 : i32
      %get3A_1762 = arith.constant 0 : i32
      %get3A_1763 = arith.constant 12 : i32
      %get3A_1764 = arith.index_cast %get3A_1762 : i32 to index
      %get3A_1765 = arith.index_cast %get3A_1763 : i32 to index
      %get3A_1766 = arith.index_cast %and3A_1761 : i32 to index
      %get3A_1767 = arith.constant 0 : index
      %get3A_1768 = tpu.vector_load %arg6[%get3A_1764, %get3A_1765, %get3A_1766, %get3A_1767] {strides = array<i32>} : memref<2x16x8x64xf32, #tpu.memory_space<vmem>>, vector<1x1x1x16xf32>,
      %get3A_1769 = vector.shape_cast %get3A_1768 : vector<1x1x1x16xf32> to vector<16xf32>
      %add3A_1770 = arith.constant 12 : i32
      %add3A_1771 = arith.addi %mul3A_767, %add3A_1770 : i32
      %swap3A_1772 = arith.index_cast %add3A_1771 : i32 to index
      %swap3A_1773 = arith.constant 0 : index
      %swap3A_1774 = tpu.vector_load %arg7[%swap3A_1772, %swap3A_1773] {strides = array<i32>} : memref<512x64xf32, #tpu.memory_space<vmem>>, vector<1x16xf32>,
      %swap3A_1775 = vector.shape_cast %swap3A_1774 : vector<1x16xf32> to vector<16xf32>
      %swap3A_1776 = vector.shape_cast %get3A_1769 : vector<16xf32> to vector<1x16xf32>
      tpu.vector_store %arg7[%swap3A_1772, %swap3A_1773], %swap3A_1776 {strides = array<i32>} : memref<512x64xf32, #tpu.memory_space<vmem>>, vector<1x16xf32>,
      %get3A_1777 = arith.constant 0 : i32
      %get3A_1778 = arith.constant 12 : i32
      %get3A_1779 = arith.index_cast %get3A_1777 : i32 to index
      %get3A_1780 = arith.index_cast %get3A_1778 : i32 to index
      %get3A_1781 = arith.index_cast %and3A_1761 : i32 to index
      %get3A_1782 = arith.constant 16 : index
      %get3A_1783 = tpu.vector_load %arg6[%get3A_1779, %get3A_1780, %get3A_1781, %get3A_1782] {strides = array<i32>} : memref<2x16x8x64xf32, #tpu.memory_space<vmem>>, vector<1x1x1x16xf32>,
      %get3A_1784 = vector.shape_cast %get3A_1783 : vector<1x1x1x16xf32> to vector<16xf32>
      %add3A_1785 = arith.constant 12 : i32
      %add3A_1786 = arith.addi %mul3A_767, %add3A_1785 : i32
      %swap3A_1787 = arith.index_cast %add3A_1786 : i32 to index
      %swap3A_1788 = arith.constant 16 : index
      %swap3A_1789 = tpu.vector_load %arg7[%swap3A_1787, %swap3A_1788] {strides = array<i32>} : memref<512x64xf32, #tpu.memory_space<vmem>>, vector<1x16xf32>,
      %swap3A_1790 = vector.shape_cast %swap3A_1789 : vector<1x16xf32> to vector<16xf32>
      %swap3A_1791 = vector.shape_cast %get3A_1784 : vector<16xf32> to vector<1x16xf32>
      tpu.vector_store %arg7[%swap3A_1787, %swap3A_1788], %swap3A_1791 {strides = array<i32>} : memref<512x64xf32, #tpu.memory_space<vmem>>, vector<1x16xf32>,
      %get3A_1792 = arith.constant 0 : i32
      %get3A_1793 = arith.constant 12 : i32
      %get3A_1794 = arith.index_cast %get3A_1792 : i32 to index
      %get3A_1795 = arith.index_cast %get3A_1793 : i32 to index
      %get3A_1796 = arith.index_cast %and3A_1761 : i32 to index
      %get3A_1797 = arith.constant 32 : index
      %get3A_1798 = tpu.vector_load %arg6[%get3A_1794, %get3A_1795, %get3A_1796, %get3A_1797] {strides = array<i32>} : memref<2x16x8x64xf32, #tpu.memory_space<vmem>>, vector<1x1x1x16xf32>,
      %get3A_1799 = vector.shape_cast %get3A_1798 : vector<1x1x1x16xf32> to vector<16xf32>
      %add3A_1800 = arith.constant 12 : i32
      %add3A_1801 = arith.addi %mul3A_767, %add3A_1800 : i32
      %swap3A_1802 = arith.index_cast %add3A_1801 : i32 to index
      %swap3A_1803 = arith.constant 32 : index
      %swap3A_1804 = tpu.vector_load %arg7[%swap3A_1802, %swap3A_1803] {strides = array<i32>} : memref<512x64xf32, #tpu.memory_space<vmem>>, vector<1x16xf32>,
      %swap3A_1805 = vector.shape_cast %swap3A_1804 : vector<1x16xf32> to vector<16xf32>
      %swap3A_1806 = vector.shape_cast %get3A_1799 : vector<16xf32> to vector<1x16xf32>
      tpu.vector_store %arg7[%swap3A_1802, %swap3A_1803], %swap3A_1806 {strides = array<i32>} : memref<512x64xf32, #tpu.memory_space<vmem>>, vector<1x16xf32>,
      %get3A_1807 = arith.constant 0 : i32
      %get3A_1808 = arith.constant 12 : i32
      %get3A_1809 = arith.index_cast %get3A_1807 : i32 to index
      %get3A_1810 = arith.index_cast %get3A_1808 : i32 to index
      %get3A_1811 = arith.index_cast %and3A_1761 : i32 to index
      %get3A_1812 = arith.constant 48 : index
      %get3A_1813 = tpu.vector_load %arg6[%get3A_1809, %get3A_1810, %get3A_1811, %get3A_1812] {strides = array<i32>} : memref<2x16x8x64xf32, #tpu.memory_space<vmem>>, vector<1x1x1x16xf32>,
      %get3A_1814 = vector.shape_cast %get3A_1813 : vector<1x1x1x16xf32> to vector<16xf32>
      %add3A_1815 = arith.constant 12 : i32
      %add3A_1816 = arith.addi %mul3A_767, %add3A_1815 : i32
      %swap3A_1817 = arith.index_cast %add3A_1816 : i32 to index
      %swap3A_1818 = arith.constant 48 : index
      %swap3A_1819 = tpu.vector_load %arg7[%swap3A_1817, %swap3A_1818] {strides = array<i32>} : memref<512x64xf32, #tpu.memory_space<vmem>>, vector<1x16xf32>,
      %swap3A_1820 = vector.shape_cast %swap3A_1819 : vector<1x16xf32> to vector<16xf32>
      %swap3A_1821 = vector.shape_cast %get3A_1814 : vector<16xf32> to vector<1x16xf32>
      tpu.vector_store %arg7[%swap3A_1817, %swap3A_1818], %swap3A_1821 {strides = array<i32>} : memref<512x64xf32, #tpu.memory_space<vmem>>, vector<1x16xf32>,
      %slice3A_1822 = vector.extract_strided_slice %get3A_47 {offsets = [13], sizes = [1], strides = [1]} : vector<16xi32> to vector<1xi32>
      %squeeze3A_1823 = vector.extract %slice3A_1822[0] : i32 from vector<1xi32>
      %and3A_1824 = arith.constant 7 : i32
      %and3A_1825 = arith.andi %squeeze3A_1823, %and3A_1824 : i32
      %get3A_1826 = arith.constant 0 : i32
      %get3A_1827 = arith.constant 13 : i32
      %get3A_1828 = arith.index_cast %get3A_1826 : i32 to index
      %get3A_1829 = arith.index_cast %get3A_1827 : i32 to index
      %get3A_1830 = arith.index_cast %and3A_1825 : i32 to index
      %get3A_1831 = arith.constant 0 : index
      %get3A_1832 = tpu.vector_load %arg6[%get3A_1828, %get3A_1829, %get3A_1830, %get3A_1831] {strides = array<i32>} : memref<2x16x8x64xf32, #tpu.memory_space<vmem>>, vector<1x1x1x16xf32>,
      %get3A_1833 = vector.shape_cast %get3A_1832 : vector<1x1x1x16xf32> to vector<16xf32>
      %add3A_1834 = arith.constant 13 : i32
      %add3A_1835 = arith.addi %mul3A_767, %add3A_1834 : i32
      %swap3A_1836 = arith.index_cast %add3A_1835 : i32 to index
      %swap3A_1837 = arith.constant 0 : index
      %swap3A_1838 = tpu.vector_load %arg7[%swap3A_1836, %swap3A_1837] {strides = array<i32>} : memref<512x64xf32, #tpu.memory_space<vmem>>, vector<1x16xf32>,
      %swap3A_1839 = vector.shape_cast %swap3A_1838 : vector<1x16xf32> to vector<16xf32>
      %swap3A_1840 = vector.shape_cast %get3A_1833 : vector<16xf32> to vector<1x16xf32>
      tpu.vector_store %arg7[%swap3A_1836, %swap3A_1837], %swap3A_1840 {strides = array<i32>} : memref<512x64xf32, #tpu.memory_space<vmem>>, vector<1x16xf32>,
      %get3A_1841 = arith.constant 0 : i32
      %get3A_1842 = arith.constant 13 : i32
      %get3A_1843 = arith.index_cast %get3A_1841 : i32 to index
      %get3A_1844 = arith.index_cast %get3A_1842 : i32 to index
      %get3A_1845 = arith.index_cast %and3A_1825 : i32 to index
      %get3A_1846 = arith.constant 16 : index
      %get3A_1847 = tpu.vector_load %arg6[%get3A_1843, %get3A_1844, %get3A_1845, %get3A_1846] {strides = array<i32>} : memref<2x16x8x64xf32, #tpu.memory_space<vmem>>, vector<1x1x1x16xf32>,
      %get3A_1848 = vector.shape_cast %get3A_1847 : vector<1x1x1x16xf32> to vector<16xf32>
      %add3A_1849 = arith.constant 13 : i32
      %add3A_1850 = arith.addi %mul3A_767, %add3A_1849 : i32
      %swap3A_1851 = arith.index_cast %add3A_1850 : i32 to index
      %swap3A_1852 = arith.constant 16 : index
      %swap3A_1853 = tpu.vector_load %arg7[%swap3A_1851, %swap3A_1852] {strides = array<i32>} : memref<512x64xf32, #tpu.memory_space<vmem>>, vector<1x16xf32>,
      %swap3A_1854 = vector.shape_cast %swap3A_1853 : vector<1x16xf32> to vector<16xf32>
      %swap3A_1855 = vector.shape_cast %get3A_1848 : vector<16xf32> to vector<1x16xf32>
      tpu.vector_store %arg7[%swap3A_1851, %swap3A_1852], %swap3A_1855 {strides = array<i32>} : memref<512x64xf32, #tpu.memory_space<vmem>>, vector<1x16xf32>,
      %get3A_1856 = arith.constant 0 : i32
      %get3A_1857 = arith.constant 13 : i32
      %get3A_1858 = arith.index_cast %get3A_1856 : i32 to index
      %get3A_1859 = arith.index_cast %get3A_1857 : i32 to index
      %get3A_1860 = arith.index_cast %and3A_1825 : i32 to index
      %get3A_1861 = arith.constant 32 : index
      %get3A_1862 = tpu.vector_load %arg6[%get3A_1858, %get3A_1859, %get3A_1860, %get3A_1861] {strides = array<i32>} : memref<2x16x8x64xf32, #tpu.memory_space<vmem>>, vector<1x1x1x16xf32>,
      %get3A_1863 = vector.shape_cast %get3A_1862 : vector<1x1x1x16xf32> to vector<16xf32>
      %add3A_1864 = arith.constant 13 : i32
      %add3A_1865 = arith.addi %mul3A_767, %add3A_1864 : i32
      %swap3A_1866 = arith.index_cast %add3A_1865 : i32 to index
      %swap3A_1867 = arith.constant 32 : index
      %swap3A_1868 = tpu.vector_load %arg7[%swap3A_1866, %swap3A_1867] {strides = array<i32>} : memref<512x64xf32, #tpu.memory_space<vmem>>, vector<1x16xf32>,
      %swap3A_1869 = vector.shape_cast %swap3A_1868 : vector<1x16xf32> to vector<16xf32>
      %swap3A_1870 = vector.shape_cast %get3A_1863 : vector<16xf32> to vector<1x16xf32>
      tpu.vector_store %arg7[%swap3A_1866, %swap3A_1867], %swap3A_1870 {strides = array<i32>} : memref<512x64xf32, #tpu.memory_space<vmem>>, vector<1x16xf32>,
      %get3A_1871 = arith.constant 0 : i32
      %get3A_1872 = arith.constant 13 : i32
      %get3A_1873 = arith.index_cast %get3A_1871 : i32 to index
      %get3A_1874 = arith.index_cast %get3A_1872 : i32 to index
      %get3A_1875 = arith.index_cast %and3A_1825 : i32 to index
      %get3A_1876 = arith.constant 48 : index
      %get3A_1877 = tpu.vector_load %arg6[%get3A_1873, %get3A_1874, %get3A_1875, %get3A_1876] {strides = array<i32>} : memref<2x16x8x64xf32, #tpu.memory_space<vmem>>, vector<1x1x1x16xf32>,
      %get3A_1878 = vector.shape_cast %get3A_1877 : vector<1x1x1x16xf32> to vector<16xf32>
      %add3A_1879 = arith.constant 13 : i32
      %add3A_1880 = arith.addi %mul3A_767, %add3A_1879 : i32
      %swap3A_1881 = arith.index_cast %add3A_1880 : i32 to index
      %swap3A_1882 = arith.constant 48 : index
      %swap3A_1883 = tpu.vector_load %arg7[%swap3A_1881, %swap3A_1882] {strides = array<i32>} : memref<512x64xf32, #tpu.memory_space<vmem>>, vector<1x16xf32>,
      %swap3A_1884 = vector.shape_cast %swap3A_1883 : vector<1x16xf32> to vector<16xf32>
      %swap3A_1885 = vector.shape_cast %get3A_1878 : vector<16xf32> to vector<1x16xf32>
      tpu.vector_store %arg7[%swap3A_1881, %swap3A_1882], %swap3A_1885 {strides = array<i32>} : memref<512x64xf32, #tpu.memory_space<vmem>>, vector<1x16xf32>,
      %slice3A_1886 = vector.extract_strided_slice %get3A_47 {offsets = [14], sizes = [1], strides = [1]} : vector<16xi32> to vector<1xi32>
      %squeeze3A_1887 = vector.extract %slice3A_1886[0] : i32 from vector<1xi32>
      %and3A_1888 = arith.constant 7 : i32
      %and3A_1889 = arith.andi %squeeze3A_1887, %and3A_1888 : i32
      %get3A_1890 = arith.constant 0 : i32
      %get3A_1891 = arith.constant 14 : i32
      %get3A_1892 = arith.index_cast %get3A_1890 : i32 to index
      %get3A_1893 = arith.index_cast %get3A_1891 : i32 to index
      %get3A_1894 = arith.index_cast %and3A_1889 : i32 to index
      %get3A_1895 = arith.constant 0 : index
      %get3A_1896 = tpu.vector_load %arg6[%get3A_1892, %get3A_1893, %get3A_1894, %get3A_1895] {strides = array<i32>} : memref<2x16x8x64xf32, #tpu.memory_space<vmem>>, vector<1x1x1x16xf32>,
      %get3A_1897 = vector.shape_cast %get3A_1896 : vector<1x1x1x16xf32> to vector<16xf32>
      %add3A_1898 = arith.constant 14 : i32
      %add3A_1899 = arith.addi %mul3A_767, %add3A_1898 : i32
      %swap3A_1900 = arith.index_cast %add3A_1899 : i32 to index
      %swap3A_1901 = arith.constant 0 : index
      %swap3A_1902 = tpu.vector_load %arg7[%swap3A_1900, %swap3A_1901] {strides = array<i32>} : memref<512x64xf32, #tpu.memory_space<vmem>>, vector<1x16xf32>,
      %swap3A_1903 = vector.shape_cast %swap3A_1902 : vector<1x16xf32> to vector<16xf32>
      %swap3A_1904 = vector.shape_cast %get3A_1897 : vector<16xf32> to vector<1x16xf32>
      tpu.vector_store %arg7[%swap3A_1900, %swap3A_1901], %swap3A_1904 {strides = array<i32>} : memref<512x64xf32, #tpu.memory_space<vmem>>, vector<1x16xf32>,
      %get3A_1905 = arith.constant 0 : i32
      %get3A_1906 = arith.constant 14 : i32
      %get3A_1907 = arith.index_cast %get3A_1905 : i32 to index
      %get3A_1908 = arith.index_cast %get3A_1906 : i32 to index
      %get3A_1909 = arith.index_cast %and3A_1889 : i32 to index
      %get3A_1910 = arith.constant 16 : index
      %get3A_1911 = tpu.vector_load %arg6[%get3A_1907, %get3A_1908, %get3A_1909, %get3A_1910] {strides = array<i32>} : memref<2x16x8x64xf32, #tpu.memory_space<vmem>>, vector<1x1x1x16xf32>,
      %get3A_1912 = vector.shape_cast %get3A_1911 : vector<1x1x1x16xf32> to vector<16xf32>
      %add3A_1913 = arith.constant 14 : i32
      %add3A_1914 = arith.addi %mul3A_767, %add3A_1913 : i32
      %swap3A_1915 = arith.index_cast %add3A_1914 : i32 to index
      %swap3A_1916 = arith.constant 16 : index
      %swap3A_1917 = tpu.vector_load %arg7[%swap3A_1915, %swap3A_1916] {strides = array<i32>} : memref<512x64xf32, #tpu.memory_space<vmem>>, vector<1x16xf32>,
      %swap3A_1918 = vector.shape_cast %swap3A_1917 : vector<1x16xf32> to vector<16xf32>
      %swap3A_1919 = vector.shape_cast %get3A_1912 : vector<16xf32> to vector<1x16xf32>
      tpu.vector_store %arg7[%swap3A_1915, %swap3A_1916], %swap3A_1919 {strides = array<i32>} : memref<512x64xf32, #tpu.memory_space<vmem>>, vector<1x16xf32>,
      %get3A_1920 = arith.constant 0 : i32
      %get3A_1921 = arith.constant 14 : i32
      %get3A_1922 = arith.index_cast %get3A_1920 : i32 to index
      %get3A_1923 = arith.index_cast %get3A_1921 : i32 to index
      %get3A_1924 = arith.index_cast %and3A_1889 : i32 to index
      %get3A_1925 = arith.constant 32 : index
      %get3A_1926 = tpu.vector_load %arg6[%get3A_1922, %get3A_1923, %get3A_1924, %get3A_1925] {strides = array<i32>} : memref<2x16x8x64xf32, #tpu.memory_space<vmem>>, vector<1x1x1x16xf32>,
      %get3A_1927 = vector.shape_cast %get3A_1926 : vector<1x1x1x16xf32> to vector<16xf32>
      %add3A_1928 = arith.constant 14 : i32
      %add3A_1929 = arith.addi %mul3A_767, %add3A_1928 : i32
      %swap3A_1930 = arith.index_cast %add3A_1929 : i32 to index
      %swap3A_1931 = arith.constant 32 : index
      %swap3A_1932 = tpu.vector_load %arg7[%swap3A_1930, %swap3A_1931] {strides = array<i32>} : memref<512x64xf32, #tpu.memory_space<vmem>>, vector<1x16xf32>,
      %swap3A_1933 = vector.shape_cast %swap3A_1932 : vector<1x16xf32> to vector<16xf32>
      %swap3A_1934 = vector.shape_cast %get3A_1927 : vector<16xf32> to vector<1x16xf32>
      tpu.vector_store %arg7[%swap3A_1930, %swap3A_1931], %swap3A_1934 {strides = array<i32>} : memref<512x64xf32, #tpu.memory_space<vmem>>, vector<1x16xf32>,
      %get3A_1935 = arith.constant 0 : i32
      %get3A_1936 = arith.constant 14 : i32
      %get3A_1937 = arith.index_cast %get3A_1935 : i32 to index
      %get3A_1938 = arith.index_cast %get3A_1936 : i32 to index
      %get3A_1939 = arith.index_cast %and3A_1889 : i32 to index
      %get3A_1940 = arith.constant 48 : index
      %get3A_1941 = tpu.vector_load %arg6[%get3A_1937, %get3A_1938, %get3A_1939, %get3A_1940] {strides = array<i32>} : memref<2x16x8x64xf32, #tpu.memory_space<vmem>>, vector<1x1x1x16xf32>,
      %get3A_1942 = vector.shape_cast %get3A_1941 : vector<1x1x1x16xf32> to vector<16xf32>
      %add3A_1943 = arith.constant 14 : i32
      %add3A_1944 = arith.addi %mul3A_767, %add3A_1943 : i32
      %swap3A_1945 = arith.index_cast %add3A_1944 : i32 to index
      %swap3A_1946 = arith.constant 48 : index
      %swap3A_1947 = tpu.vector_load %arg7[%swap3A_1945, %swap3A_1946] {strides = array<i32>} : memref<512x64xf32, #tpu.memory_space<vmem>>, vector<1x16xf32>,
      %swap3A_1948 = vector.shape_cast %swap3A_1947 : vector<1x16xf32> to vector<16xf32>
      %swap3A_1949 = vector.shape_cast %get3A_1942 : vector<16xf32> to vector<1x16xf32>
      tpu.vector_store %arg7[%swap3A_1945, %swap3A_1946], %swap3A_1949 {strides = array<i32>} : memref<512x64xf32, #tpu.memory_space<vmem>>, vector<1x16xf32>,
      %slice3A_1950 = vector.extract_strided_slice %get3A_47 {offsets = [15], sizes = [1], strides = [1]} : vector<16xi32> to vector<1xi32>
      %squeeze3A_1951 = vector.extract %slice3A_1950[0] : i32 from vector<1xi32>
      %and3A_1952 = arith.constant 7 : i32
      %and3A_1953 = arith.andi %squeeze3A_1951, %and3A_1952 : i32
      %get3A_1954 = arith.constant 0 : i32
      %get3A_1955 = arith.constant 15 : i32
      %get3A_1956 = arith.index_cast %get3A_1954 : i32 to index
      %get3A_1957 = arith.index_cast %get3A_1955 : i32 to index
      %get3A_1958 = arith.index_cast %and3A_1953 : i32 to index
      %get3A_1959 = arith.constant 0 : index
      %get3A_1960 = tpu.vector_load %arg6[%get3A_1956, %get3A_1957, %get3A_1958, %get3A_1959] {strides = array<i32>} : memref<2x16x8x64xf32, #tpu.memory_space<vmem>>, vector<1x1x1x16xf32>,
      %get3A_1961 = vector.shape_cast %get3A_1960 : vector<1x1x1x16xf32> to vector<16xf32>
      %add3A_1962 = arith.constant 15 : i32
      %add3A_1963 = arith.addi %mul3A_767, %add3A_1962 : i32
      %swap3A_1964 = arith.index_cast %add3A_1963 : i32 to index
      %swap3A_1965 = arith.constant 0 : index
      %swap3A_1966 = tpu.vector_load %arg7[%swap3A_1964, %swap3A_1965] {strides = array<i32>} : memref<512x64xf32, #tpu.memory_space<vmem>>, vector<1x16xf32>,
      %swap3A_1967 = vector.shape_cast %swap3A_1966 : vector<1x16xf32> to vector<16xf32>
      %swap3A_1968 = vector.shape_cast %get3A_1961 : vector<16xf32> to vector<1x16xf32>
      tpu.vector_store %arg7[%swap3A_1964, %swap3A_1965], %swap3A_1968 {strides = array<i32>} : memref<512x64xf32, #tpu.memory_space<vmem>>, vector<1x16xf32>,
      %get3A_1969 = arith.constant 0 : i32
      %get3A_1970 = arith.constant 15 : i32
      %get3A_1971 = arith.index_cast %get3A_1969 : i32 to index
      %get3A_1972 = arith.index_cast %get3A_1970 : i32 to index
      %get3A_1973 = arith.index_cast %and3A_1953 : i32 to index
      %get3A_1974 = arith.constant 16 : index
      %get3A_1975 = tpu.vector_load %arg6[%get3A_1971, %get3A_1972, %get3A_1973, %get3A_1974] {strides = array<i32>} : memref<2x16x8x64xf32, #tpu.memory_space<vmem>>, vector<1x1x1x16xf32>,
      %get3A_1976 = vector.shape_cast %get3A_1975 : vector<1x1x1x16xf32> to vector<16xf32>
      %add3A_1977 = arith.constant 15 : i32
      %add3A_1978 = arith.addi %mul3A_767, %add3A_1977 : i32
      %swap3A_1979 = arith.index_cast %add3A_1978 : i32 to index
      %swap3A_1980 = arith.constant 16 : index
      %swap3A_1981 = tpu.vector_load %arg7[%swap3A_1979, %swap3A_1980] {strides = array<i32>} : memref<512x64xf32, #tpu.memory_space<vmem>>, vector<1x16xf32>,
      %swap3A_1982 = vector.shape_cast %swap3A_1981 : vector<1x16xf32> to vector<16xf32>
      %swap3A_1983 = vector.shape_cast %get3A_1976 : vector<16xf32> to vector<1x16xf32>
      tpu.vector_store %arg7[%swap3A_1979, %swap3A_1980], %swap3A_1983 {strides = array<i32>} : memref<512x64xf32, #tpu.memory_space<vmem>>, vector<1x16xf32>,
      %get3A_1984 = arith.constant 0 : i32
      %get3A_1985 = arith.constant 15 : i32
      %get3A_1986 = arith.index_cast %get3A_1984 : i32 to index
      %get3A_1987 = arith.index_cast %get3A_1985 : i32 to index
      %get3A_1988 = arith.index_cast %and3A_1953 : i32 to index
      %get3A_1989 = arith.constant 32 : index
      %get3A_1990 = tpu.vector_load %arg6[%get3A_1986, %get3A_1987, %get3A_1988, %get3A_1989] {strides = array<i32>} : memref<2x16x8x64xf32, #tpu.memory_space<vmem>>, vector<1x1x1x16xf32>,
      %get3A_1991 = vector.shape_cast %get3A_1990 : vector<1x1x1x16xf32> to vector<16xf32>
      %add3A_1992 = arith.constant 15 : i32
      %add3A_1993 = arith.addi %mul3A_767, %add3A_1992 : i32
      %swap3A_1994 = arith.index_cast %add3A_1993 : i32 to index
      %swap3A_1995 = arith.constant 32 : index
      %swap3A_1996 = tpu.vector_load %arg7[%swap3A_1994, %swap3A_1995] {strides = array<i32>} : memref<512x64xf32, #tpu.memory_space<vmem>>, vector<1x16xf32>,
      %swap3A_1997 = vector.shape_cast %swap3A_1996 : vector<1x16xf32> to vector<16xf32>
      %swap3A_1998 = vector.shape_cast %get3A_1991 : vector<16xf32> to vector<1x16xf32>
      tpu.vector_store %arg7[%swap3A_1994, %swap3A_1995], %swap3A_1998 {strides = array<i32>} : memref<512x64xf32, #tpu.memory_space<vmem>>, vector<1x16xf32>,
      %get3A_1999 = arith.constant 0 : i32
      %get3A_2000 = arith.constant 15 : i32
      %get3A_2001 = arith.index_cast %get3A_1999 : i32 to index
      %get3A_2002 = arith.index_cast %get3A_2000 : i32 to index
      %get3A_2003 = arith.index_cast %and3A_1953 : i32 to index
      %get3A_2004 = arith.constant 48 : index
      %get3A_2005 = tpu.vector_load %arg6[%get3A_2001, %get3A_2002, %get3A_2003, %get3A_2004] {strides = array<i32>} : memref<2x16x8x64xf32, #tpu.memory_space<vmem>>, vector<1x1x1x16xf32>,
      %get3A_2006 = vector.shape_cast %get3A_2005 : vector<1x1x1x16xf32> to vector<16xf32>
      %add3A_2007 = arith.constant 15 : i32
      %add3A_2008 = arith.addi %mul3A_767, %add3A_2007 : i32
      %swap3A_2009 = arith.index_cast %add3A_2008 : i32 to index
      %swap3A_2010 = arith.constant 48 : index
      %swap3A_2011 = tpu.vector_load %arg7[%swap3A_2009, %swap3A_2010] {strides = array<i32>} : memref<512x64xf32, #tpu.memory_space<vmem>>, vector<1x16xf32>,
      %swap3A_2012 = vector.shape_cast %swap3A_2011 : vector<1x16xf32> to vector<16xf32>
      %swap3A_2013 = vector.shape_cast %get3A_2006 : vector<16xf32> to vector<1x16xf32>
      tpu.vector_store %arg7[%swap3A_2009, %swap3A_2010], %swap3A_2013 {strides = array<i32>} : memref<512x64xf32, #tpu.memory_space<vmem>>, vector<1x16xf32>,
      %mul3A_2014 = arith.constant 2 : i32
      %mul3A_2015 = arith.muli %mul3A_2014, %scan3A_10 : i32
      %add3A_2016 = arith.constant 1 : i32
      %add3A_2017 = arith.addi %mul3A_2015, %add3A_2016 : i32
      %mul3A_2018 = arith.constant 16 : i32
      %mul3A_2019 = arith.muli %add3A_2017, %mul3A_2018 : i32
      %dma_wait3A_2020 = arith.constant 1 : i32
      %dma_wait3A_2021 = arith.constant 0 : i32
      %dma_wait3A_2022 = arith.constant 0 : i32
      %dma_wait3A_2023 = arith.constant 0 : i32
      %dma_wait3A_2024 = tpu.memref_slice %arg6[%dma_wait3A_2020, %dma_wait3A_2021, %dma_wait3A_2022, %dma_wait3A_2023] : memref<2x16x8x64xf32, #tpu.memory_space<vmem>> -> memref<1x1x8x64xf32, #tpu.memory_space<vmem>>
      %dma_wait3A_2025 = tpu.memref_squeeze %dma_wait3A_2024 : memref<1x1x8x64xf32, #tpu.memory_space<vmem>> -> memref<8x64xf32, #tpu.memory_space<vmem>>
      %dma_wait3A_2026 = arith.constant 0 : i32
      %dma_wait3A_2027 = tpu.memref_slice %arg3[%multiple_of3A_434, %dma_wait3A_2026] : memref<1000000x64xf32, #tpu.memory_space<hbm>> -> memref<8x64xf32, #tpu.memory_space<hbm>>
      %dma_wait3A_2028 = arith.constant 0 : i32
      %dma_wait3A_2029 = arith.constant 0 : i32
      %dma_wait3A_2030 = tpu.memref_slice %arg6[%dma_wait3A_2020, %dma_wait3A_2021, %dma_wait3A_2028, %dma_wait3A_2029] : memref<2x16x8x64xf32, #tpu.memory_space<vmem>> -> memref<1x1x8x64xf32, #tpu.memory_space<vmem>>
      %dma_wait3A_2031 = tpu.memref_squeeze %dma_wait3A_2030 : memref<1x1x8x64xf32, #tpu.memory_space<vmem>> -> memref<8x64xf32, #tpu.memory_space<vmem>>
      %dma_wait3A_2032 = arith.constant 0 : i32
      %dma_wait3A_2033 = tpu.memref_slice %arg3[%multiple_of3A_434, %dma_wait3A_2032] : memref<1000000x64xf32, #tpu.memory_space<hbm>> -> memref<8x64xf32, #tpu.memory_space<hbm>>
      tpu.wait_dma2 semaphore(%arg8 : memref<!tpu.dma_semaphore, #tpu.memory_space<semaphore_mem>>) src(%dma_wait3A_2033 : memref<8x64xf32, #tpu.memory_space<hbm>>) dst(%dma_wait3A_2031 : memref<8x64xf32, #tpu.memory_space<vmem>>)
      %dma_wait3A_2034 = arith.constant 1 : i32
      %dma_wait3A_2035 = arith.constant 1 : i32
      %dma_wait3A_2036 = arith.constant 0 : i32
      %dma_wait3A_2037 = arith.constant 0 : i32
      %dma_wait3A_2038 = tpu.memref_slice %arg6[%dma_wait3A_2034, %dma_wait3A_2035, %dma_wait3A_2036, %dma_wait3A_2037] : memref<2x16x8x64xf32, #tpu.memory_space<vmem>> -> memref<1x1x8x64xf32, #tpu.memory_space<vmem>>
      %dma_wait3A_2039 = tpu.memref_squeeze %dma_wait3A_2038 : memref<1x1x8x64xf32, #tpu.memory_space<vmem>> -> memref<8x64xf32, #tpu.memory_space<vmem>>
      %dma_wait3A_2040 = arith.constant 0 : i32
      %dma_wait3A_2041 = tpu.memref_slice %arg3[%multiple_of3A_455, %dma_wait3A_2040] : memref<1000000x64xf32, #tpu.memory_space<hbm>> -> memref<8x64xf32, #tpu.memory_space<hbm>>
      %dma_wait3A_2042 = arith.constant 0 : i32
      %dma_wait3A_2043 = arith.constant 0 : i32
      %dma_wait3A_2044 = tpu.memref_slice %arg6[%dma_wait3A_2034, %dma_wait3A_2035, %dma_wait3A_2042, %dma_wait3A_2043] : memref<2x16x8x64xf32, #tpu.memory_space<vmem>> -> memref<1x1x8x64xf32, #tpu.memory_space<vmem>>
      %dma_wait3A_2045 = tpu.memref_squeeze %dma_wait3A_2044 : memref<1x1x8x64xf32, #tpu.memory_space<vmem>> -> memref<8x64xf32, #tpu.memory_space<vmem>>
      %dma_wait3A_2046 = arith.constant 0 : i32
      %dma_wait3A_2047 = tpu.memref_slice %arg3[%multiple_of3A_455, %dma_wait3A_2046] : memref<1000000x64xf32, #tpu.memory_space<hbm>> -> memref<8x64xf32, #tpu.memory_space<hbm>>
      tpu.wait_dma2 semaphore(%arg8 : memref<!tpu.dma_semaphore, #tpu.memory_space<semaphore_mem>>) src(%dma_wait3A_2047 : memref<8x64xf32, #tpu.memory_space<hbm>>) dst(%dma_wait3A_2045 : memref<8x64xf32, #tpu.memory_space<vmem>>)
      %dma_wait3A_2048 = arith.constant 1 : i32
      %dma_wait3A_2049 = arith.constant 2 : i32
      %dma_wait3A_2050 = arith.constant 0 : i32
      %dma_wait3A_2051 = arith.constant 0 : i32
      %dma_wait3A_2052 = tpu.memref_slice %arg6[%dma_wait3A_2048, %dma_wait3A_2049, %dma_wait3A_2050, %dma_wait3A_2051] : memref<2x16x8x64xf32, #tpu.memory_space<vmem>> -> memref<1x1x8x64xf32, #tpu.memory_space<vmem>>
      %dma_wait3A_2053 = tpu.memref_squeeze %dma_wait3A_2052 : memref<1x1x8x64xf32, #tpu.memory_space<vmem>> -> memref<8x64xf32, #tpu.memory_space<vmem>>
      %dma_wait3A_2054 = arith.constant 0 : i32
      %dma_wait3A_2055 = tpu.memref_slice %arg3[%multiple_of3A_476, %dma_wait3A_2054] : memref<1000000x64xf32, #tpu.memory_space<hbm>> -> memref<8x64xf32, #tpu.memory_space<hbm>>
      %dma_wait3A_2056 = arith.constant 0 : i32
      %dma_wait3A_2057 = arith.constant 0 : i32
      %dma_wait3A_2058 = tpu.memref_slice %arg6[%dma_wait3A_2048, %dma_wait3A_2049, %dma_wait3A_2056, %dma_wait3A_2057] : memref<2x16x8x64xf32, #tpu.memory_space<vmem>> -> memref<1x1x8x64xf32, #tpu.memory_space<vmem>>
      %dma_wait3A_2059 = tpu.memref_squeeze %dma_wait3A_2058 : memref<1x1x8x64xf32, #tpu.memory_space<vmem>> -> memref<8x64xf32, #tpu.memory_space<vmem>>
      %dma_wait3A_2060 = arith.constant 0 : i32
      %dma_wait3A_2061 = tpu.memref_slice %arg3[%multiple_of3A_476, %dma_wait3A_2060] : memref<1000000x64xf32, #tpu.memory_space<hbm>> -> memref<8x64xf32, #tpu.memory_space<hbm>>
      tpu.wait_dma2 semaphore(%arg8 : memref<!tpu.dma_semaphore, #tpu.memory_space<semaphore_mem>>) src(%dma_wait3A_2061 : memref<8x64xf32, #tpu.memory_space<hbm>>) dst(%dma_wait3A_2059 : memref<8x64xf32, #tpu.memory_space<vmem>>)
      %dma_wait3A_2062 = arith.constant 1 : i32
      %dma_wait3A_2063 = arith.constant 3 : i32
      %dma_wait3A_2064 = arith.constant 0 : i32
      %dma_wait3A_2065 = arith.constant 0 : i32
      %dma_wait3A_2066 = tpu.memref_slice %arg6[%dma_wait3A_2062, %dma_wait3A_2063, %dma_wait3A_2064, %dma_wait3A_2065] : memref<2x16x8x64xf32, #tpu.memory_space<vmem>> -> memref<1x1x8x64xf32, #tpu.memory_space<vmem>>
      %dma_wait3A_2067 = tpu.memref_squeeze %dma_wait3A_2066 : memref<1x1x8x64xf32, #tpu.memory_space<vmem>> -> memref<8x64xf32, #tpu.memory_space<vmem>>
      %dma_wait3A_2068 = arith.constant 0 : i32
      %dma_wait3A_2069 = tpu.memref_slice %arg3[%multiple_of3A_497, %dma_wait3A_2068] : memref<1000000x64xf32, #tpu.memory_space<hbm>> -> memref<8x64xf32, #tpu.memory_space<hbm>>
      %dma_wait3A_2070 = arith.constant 0 : i32
      %dma_wait3A_2071 = arith.constant 0 : i32
      %dma_wait3A_2072 = tpu.memref_slice %arg6[%dma_wait3A_2062, %dma_wait3A_2063, %dma_wait3A_2070, %dma_wait3A_2071] : memref<2x16x8x64xf32, #tpu.memory_space<vmem>> -> memref<1x1x8x64xf32, #tpu.memory_space<vmem>>
      %dma_wait3A_2073 = tpu.memref_squeeze %dma_wait3A_2072 : memref<1x1x8x64xf32, #tpu.memory_space<vmem>> -> memref<8x64xf32, #tpu.memory_space<vmem>>
      %dma_wait3A_2074 = arith.constant 0 : i32
      %dma_wait3A_2075 = tpu.memref_slice %arg3[%multiple_of3A_497, %dma_wait3A_2074] : memref<1000000x64xf32, #tpu.memory_space<hbm>> -> memref<8x64xf32, #tpu.memory_space<hbm>>
      tpu.wait_dma2 semaphore(%arg8 : memref<!tpu.dma_semaphore, #tpu.memory_space<semaphore_mem>>) src(%dma_wait3A_2075 : memref<8x64xf32, #tpu.memory_space<hbm>>) dst(%dma_wait3A_2073 : memref<8x64xf32, #tpu.memory_space<vmem>>)
      %dma_wait3A_2076 = arith.constant 1 : i32
      %dma_wait3A_2077 = arith.constant 4 : i32
      %dma_wait3A_2078 = arith.constant 0 : i32
      %dma_wait3A_2079 = arith.constant 0 : i32
      %dma_wait3A_2080 = tpu.memref_slice %arg6[%dma_wait3A_2076, %dma_wait3A_2077, %dma_wait3A_2078, %dma_wait3A_2079] : memref<2x16x8x64xf32, #tpu.memory_space<vmem>> -> memref<1x1x8x64xf32, #tpu.memory_space<vmem>>
      %dma_wait3A_2081 = tpu.memref_squeeze %dma_wait3A_2080 : memref<1x1x8x64xf32, #tpu.memory_space<vmem>> -> memref<8x64xf32, #tpu.memory_space<vmem>>
      %dma_wait3A_2082 = arith.constant 0 : i32
      %dma_wait3A_2083 = tpu.memref_slice %arg3[%multiple_of3A_518, %dma_wait3A_2082] : memref<1000000x64xf32, #tpu.memory_space<hbm>> -> memref<8x64xf32, #tpu.memory_space<hbm>>
      %dma_wait3A_2084 = arith.constant 0 : i32
      %dma_wait3A_2085 = arith.constant 0 : i32
      %dma_wait3A_2086 = tpu.memref_slice %arg6[%dma_wait3A_2076, %dma_wait3A_2077, %dma_wait3A_2084, %dma_wait3A_2085] : memref<2x16x8x64xf32, #tpu.memory_space<vmem>> -> memref<1x1x8x64xf32, #tpu.memory_space<vmem>>
      %dma_wait3A_2087 = tpu.memref_squeeze %dma_wait3A_2086 : memref<1x1x8x64xf32, #tpu.memory_space<vmem>> -> memref<8x64xf32, #tpu.memory_space<vmem>>
      %dma_wait3A_2088 = arith.constant 0 : i32
      %dma_wait3A_2089 = tpu.memref_slice %arg3[%multiple_of3A_518, %dma_wait3A_2088] : memref<1000000x64xf32, #tpu.memory_space<hbm>> -> memref<8x64xf32, #tpu.memory_space<hbm>>
      tpu.wait_dma2 semaphore(%arg8 : memref<!tpu.dma_semaphore, #tpu.memory_space<semaphore_mem>>) src(%dma_wait3A_2089 : memref<8x64xf32, #tpu.memory_space<hbm>>) dst(%dma_wait3A_2087 : memref<8x64xf32, #tpu.memory_space<vmem>>)
      %dma_wait3A_2090 = arith.constant 1 : i32
      %dma_wait3A_2091 = arith.constant 5 : i32
      %dma_wait3A_2092 = arith.constant 0 : i32
      %dma_wait3A_2093 = arith.constant 0 : i32
      %dma_wait3A_2094 = tpu.memref_slice %arg6[%dma_wait3A_2090, %dma_wait3A_2091, %dma_wait3A_2092, %dma_wait3A_2093] : memref<2x16x8x64xf32, #tpu.memory_space<vmem>> -> memref<1x1x8x64xf32, #tpu.memory_space<vmem>>
      %dma_wait3A_2095 = tpu.memref_squeeze %dma_wait3A_2094 : memref<1x1x8x64xf32, #tpu.memory_space<vmem>> -> memref<8x64xf32, #tpu.memory_space<vmem>>
      %dma_wait3A_2096 = arith.constant 0 : i32
      %dma_wait3A_2097 = tpu.memref_slice %arg3[%multiple_of3A_539, %dma_wait3A_2096] : memref<1000000x64xf32, #tpu.memory_space<hbm>> -> memref<8x64xf32, #tpu.memory_space<hbm>>
      %dma_wait3A_2098 = arith.constant 0 : i32
      %dma_wait3A_2099 = arith.constant 0 : i32
      %dma_wait3A_2100 = tpu.memref_slice %arg6[%dma_wait3A_2090, %dma_wait3A_2091, %dma_wait3A_2098, %dma_wait3A_2099] : memref<2x16x8x64xf32, #tpu.memory_space<vmem>> -> memref<1x1x8x64xf32, #tpu.memory_space<vmem>>
      %dma_wait3A_2101 = tpu.memref_squeeze %dma_wait3A_2100 : memref<1x1x8x64xf32, #tpu.memory_space<vmem>> -> memref<8x64xf32, #tpu.memory_space<vmem>>
      %dma_wait3A_2102 = arith.constant 0 : i32
      %dma_wait3A_2103 = tpu.memref_slice %arg3[%multiple_of3A_539, %dma_wait3A_2102] : memref<1000000x64xf32, #tpu.memory_space<hbm>> -> memref<8x64xf32, #tpu.memory_space<hbm>>
      tpu.wait_dma2 semaphore(%arg8 : memref<!tpu.dma_semaphore, #tpu.memory_space<semaphore_mem>>) src(%dma_wait3A_2103 : memref<8x64xf32, #tpu.memory_space<hbm>>) dst(%dma_wait3A_2101 : memref<8x64xf32, #tpu.memory_space<vmem>>)
      %dma_wait3A_2104 = arith.constant 1 : i32
      %dma_wait3A_2105 = arith.constant 6 : i32
      %dma_wait3A_2106 = arith.constant 0 : i32
      %dma_wait3A_2107 = arith.constant 0 : i32
      %dma_wait3A_2108 = tpu.memref_slice %arg6[%dma_wait3A_2104, %dma_wait3A_2105, %dma_wait3A_2106, %dma_wait3A_2107] : memref<2x16x8x64xf32, #tpu.memory_space<vmem>> -> memref<1x1x8x64xf32, #tpu.memory_space<vmem>>
      %dma_wait3A_2109 = tpu.memref_squeeze %dma_wait3A_2108 : memref<1x1x8x64xf32, #tpu.memory_space<vmem>> -> memref<8x64xf32, #tpu.memory_space<vmem>>
      %dma_wait3A_2110 = arith.constant 0 : i32
      %dma_wait3A_2111 = tpu.memref_slice %arg3[%multiple_of3A_560, %dma_wait3A_2110] : memref<1000000x64xf32, #tpu.memory_space<hbm>> -> memref<8x64xf32, #tpu.memory_space<hbm>>
      %dma_wait3A_2112 = arith.constant 0 : i32
      %dma_wait3A_2113 = arith.constant 0 : i32
      %dma_wait3A_2114 = tpu.memref_slice %arg6[%dma_wait3A_2104, %dma_wait3A_2105, %dma_wait3A_2112, %dma_wait3A_2113] : memref<2x16x8x64xf32, #tpu.memory_space<vmem>> -> memref<1x1x8x64xf32, #tpu.memory_space<vmem>>
      %dma_wait3A_2115 = tpu.memref_squeeze %dma_wait3A_2114 : memref<1x1x8x64xf32, #tpu.memory_space<vmem>> -> memref<8x64xf32, #tpu.memory_space<vmem>>
      %dma_wait3A_2116 = arith.constant 0 : i32
      %dma_wait3A_2117 = tpu.memref_slice %arg3[%multiple_of3A_560, %dma_wait3A_2116] : memref<1000000x64xf32, #tpu.memory_space<hbm>> -> memref<8x64xf32, #tpu.memory_space<hbm>>
      tpu.wait_dma2 semaphore(%arg8 : memref<!tpu.dma_semaphore, #tpu.memory_space<semaphore_mem>>) src(%dma_wait3A_2117 : memref<8x64xf32, #tpu.memory_space<hbm>>) dst(%dma_wait3A_2115 : memref<8x64xf32, #tpu.memory_space<vmem>>)
      %dma_wait3A_2118 = arith.constant 1 : i32
      %dma_wait3A_2119 = arith.constant 7 : i32
      %dma_wait3A_2120 = arith.constant 0 : i32
      %dma_wait3A_2121 = arith.constant 0 : i32
      %dma_wait3A_2122 = tpu.memref_slice %arg6[%dma_wait3A_2118, %dma_wait3A_2119, %dma_wait3A_2120, %dma_wait3A_2121] : memref<2x16x8x64xf32, #tpu.memory_space<vmem>> -> memref<1x1x8x64xf32, #tpu.memory_space<vmem>>
      %dma_wait3A_2123 = tpu.memref_squeeze %dma_wait3A_2122 : memref<1x1x8x64xf32, #tpu.memory_space<vmem>> -> memref<8x64xf32, #tpu.memory_space<vmem>>
      %dma_wait3A_2124 = arith.constant 0 : i32
      %dma_wait3A_2125 = tpu.memref_slice %arg3[%multiple_of3A_581, %dma_wait3A_2124] : memref<1000000x64xf32, #tpu.memory_space<hbm>> -> memref<8x64xf32, #tpu.memory_space<hbm>>
      %dma_wait3A_2126 = arith.constant 0 : i32
      %dma_wait3A_2127 = arith.constant 0 : i32
      %dma_wait3A_2128 = tpu.memref_slice %arg6[%dma_wait3A_2118, %dma_wait3A_2119, %dma_wait3A_2126, %dma_wait3A_2127] : memref<2x16x8x64xf32, #tpu.memory_space<vmem>> -> memref<1x1x8x64xf32, #tpu.memory_space<vmem>>
      %dma_wait3A_2129 = tpu.memref_squeeze %dma_wait3A_2128 : memref<1x1x8x64xf32, #tpu.memory_space<vmem>> -> memref<8x64xf32, #tpu.memory_space<vmem>>
      %dma_wait3A_2130 = arith.constant 0 : i32
      %dma_wait3A_2131 = tpu.memref_slice %arg3[%multiple_of3A_581, %dma_wait3A_2130] : memref<1000000x64xf32, #tpu.memory_space<hbm>> -> memref<8x64xf32, #tpu.memory_space<hbm>>
      tpu.wait_dma2 semaphore(%arg8 : memref<!tpu.dma_semaphore, #tpu.memory_space<semaphore_mem>>) src(%dma_wait3A_2131 : memref<8x64xf32, #tpu.memory_space<hbm>>) dst(%dma_wait3A_2129 : memref<8x64xf32, #tpu.memory_space<vmem>>)
      %dma_wait3A_2132 = arith.constant 1 : i32
      %dma_wait3A_2133 = arith.constant 8 : i32
      %dma_wait3A_2134 = arith.constant 0 : i32
      %dma_wait3A_2135 = arith.constant 0 : i32
      %dma_wait3A_2136 = tpu.memref_slice %arg6[%dma_wait3A_2132, %dma_wait3A_2133, %dma_wait3A_2134, %dma_wait3A_2135] : memref<2x16x8x64xf32, #tpu.memory_space<vmem>> -> memref<1x1x8x64xf32, #tpu.memory_space<vmem>>
      %dma_wait3A_2137 = tpu.memref_squeeze %dma_wait3A_2136 : memref<1x1x8x64xf32, #tpu.memory_space<vmem>> -> memref<8x64xf32, #tpu.memory_space<vmem>>
      %dma_wait3A_2138 = arith.constant 0 : i32
      %dma_wait3A_2139 = tpu.memref_slice %arg3[%multiple_of3A_602, %dma_wait3A_2138] : memref<1000000x64xf32, #tpu.memory_space<hbm>> -> memref<8x64xf32, #tpu.memory_space<hbm>>
      %dma_wait3A_2140 = arith.constant 0 : i32
      %dma_wait3A_2141 = arith.constant 0 : i32
      %dma_wait3A_2142 = tpu.memref_slice %arg6[%dma_wait3A_2132, %dma_wait3A_2133, %dma_wait3A_2140, %dma_wait3A_2141] : memref<2x16x8x64xf32, #tpu.memory_space<vmem>> -> memref<1x1x8x64xf32, #tpu.memory_space<vmem>>
      %dma_wait3A_2143 = tpu.memref_squeeze %dma_wait3A_2142 : memref<1x1x8x64xf32, #tpu.memory_space<vmem>> -> memref<8x64xf32, #tpu.memory_space<vmem>>
      %dma_wait3A_2144 = arith.constant 0 : i32
      %dma_wait3A_2145 = tpu.memref_slice %arg3[%multiple_of3A_602, %dma_wait3A_2144] : memref<1000000x64xf32, #tpu.memory_space<hbm>> -> memref<8x64xf32, #tpu.memory_space<hbm>>
      tpu.wait_dma2 semaphore(%arg8 : memref<!tpu.dma_semaphore, #tpu.memory_space<semaphore_mem>>) src(%dma_wait3A_2145 : memref<8x64xf32, #tpu.memory_space<hbm>>) dst(%dma_wait3A_2143 : memref<8x64xf32, #tpu.memory_space<vmem>>)
      %dma_wait3A_2146 = arith.constant 1 : i32
      %dma_wait3A_2147 = arith.constant 9 : i32
      %dma_wait3A_2148 = arith.constant 0 : i32
      %dma_wait3A_2149 = arith.constant 0 : i32
      %dma_wait3A_2150 = tpu.memref_slice %arg6[%dma_wait3A_2146, %dma_wait3A_2147, %dma_wait3A_2148, %dma_wait3A_2149] : memref<2x16x8x64xf32, #tpu.memory_space<vmem>> -> memref<1x1x8x64xf32, #tpu.memory_space<vmem>>
      %dma_wait3A_2151 = tpu.memref_squeeze %dma_wait3A_2150 : memref<1x1x8x64xf32, #tpu.memory_space<vmem>> -> memref<8x64xf32, #tpu.memory_space<vmem>>
      %dma_wait3A_2152 = arith.constant 0 : i32
      %dma_wait3A_2153 = tpu.memref_slice %arg3[%multiple_of3A_623, %dma_wait3A_2152] : memref<1000000x64xf32, #tpu.memory_space<hbm>> -> memref<8x64xf32, #tpu.memory_space<hbm>>
      %dma_wait3A_2154 = arith.constant 0 : i32
      %dma_wait3A_2155 = arith.constant 0 : i32
      %dma_wait3A_2156 = tpu.memref_slice %arg6[%dma_wait3A_2146, %dma_wait3A_2147, %dma_wait3A_2154, %dma_wait3A_2155] : memref<2x16x8x64xf32, #tpu.memory_space<vmem>> -> memref<1x1x8x64xf32, #tpu.memory_space<vmem>>
      %dma_wait3A_2157 = tpu.memref_squeeze %dma_wait3A_2156 : memref<1x1x8x64xf32, #tpu.memory_space<vmem>> -> memref<8x64xf32, #tpu.memory_space<vmem>>
      %dma_wait3A_2158 = arith.constant 0 : i32
      %dma_wait3A_2159 = tpu.memref_slice %arg3[%multiple_of3A_623, %dma_wait3A_2158] : memref<1000000x64xf32, #tpu.memory_space<hbm>> -> memref<8x64xf32, #tpu.memory_space<hbm>>
      tpu.wait_dma2 semaphore(%arg8 : memref<!tpu.dma_semaphore, #tpu.memory_space<semaphore_mem>>) src(%dma_wait3A_2159 : memref<8x64xf32, #tpu.memory_space<hbm>>) dst(%dma_wait3A_2157 : memref<8x64xf32, #tpu.memory_space<vmem>>)
      %dma_wait3A_2160 = arith.constant 1 : i32
      %dma_wait3A_2161 = arith.constant 10 : i32
      %dma_wait3A_2162 = arith.constant 0 : i32
      %dma_wait3A_2163 = arith.constant 0 : i32
      %dma_wait3A_2164 = tpu.memref_slice %arg6[%dma_wait3A_2160, %dma_wait3A_2161, %dma_wait3A_2162, %dma_wait3A_2163] : memref<2x16x8x64xf32, #tpu.memory_space<vmem>> -> memref<1x1x8x64xf32, #tpu.memory_space<vmem>>
      %dma_wait3A_2165 = tpu.memref_squeeze %dma_wait3A_2164 : memref<1x1x8x64xf32, #tpu.memory_space<vmem>> -> memref<8x64xf32, #tpu.memory_space<vmem>>
      %dma_wait3A_2166 = arith.constant 0 : i32
      %dma_wait3A_2167 = tpu.memref_slice %arg3[%multiple_of3A_644, %dma_wait3A_2166] : memref<1000000x64xf32, #tpu.memory_space<hbm>> -> memref<8x64xf32, #tpu.memory_space<hbm>>
      %dma_wait3A_2168 = arith.constant 0 : i32
      %dma_wait3A_2169 = arith.constant 0 : i32
      %dma_wait3A_2170 = tpu.memref_slice %arg6[%dma_wait3A_2160, %dma_wait3A_2161, %dma_wait3A_2168, %dma_wait3A_2169] : memref<2x16x8x64xf32, #tpu.memory_space<vmem>> -> memref<1x1x8x64xf32, #tpu.memory_space<vmem>>
      %dma_wait3A_2171 = tpu.memref_squeeze %dma_wait3A_2170 : memref<1x1x8x64xf32, #tpu.memory_space<vmem>> -> memref<8x64xf32, #tpu.memory_space<vmem>>
      %dma_wait3A_2172 = arith.constant 0 : i32
      %dma_wait3A_2173 = tpu.memref_slice %arg3[%multiple_of3A_644, %dma_wait3A_2172] : memref<1000000x64xf32, #tpu.memory_space<hbm>> -> memref<8x64xf32, #tpu.memory_space<hbm>>
      tpu.wait_dma2 semaphore(%arg8 : memref<!tpu.dma_semaphore, #tpu.memory_space<semaphore_mem>>) src(%dma_wait3A_2173 : memref<8x64xf32, #tpu.memory_space<hbm>>) dst(%dma_wait3A_2171 : memref<8x64xf32, #tpu.memory_space<vmem>>)
      %dma_wait3A_2174 = arith.constant 1 : i32
      %dma_wait3A_2175 = arith.constant 11 : i32
      %dma_wait3A_2176 = arith.constant 0 : i32
      %dma_wait3A_2177 = arith.constant 0 : i32
      %dma_wait3A_2178 = tpu.memref_slice %arg6[%dma_wait3A_2174, %dma_wait3A_2175, %dma_wait3A_2176, %dma_wait3A_2177] : memref<2x16x8x64xf32, #tpu.memory_space<vmem>> -> memref<1x1x8x64xf32, #tpu.memory_space<vmem>>
      %dma_wait3A_2179 = tpu.memref_squeeze %dma_wait3A_2178 : memref<1x1x8x64xf32, #tpu.memory_space<vmem>> -> memref<8x64xf32, #tpu.memory_space<vmem>>
      %dma_wait3A_2180 = arith.constant 0 : i32
      %dma_wait3A_2181 = tpu.memref_slice %arg3[%multiple_of3A_665, %dma_wait3A_2180] : memref<1000000x64xf32, #tpu.memory_space<hbm>> -> memref<8x64xf32, #tpu.memory_space<hbm>>
      %dma_wait3A_2182 = arith.constant 0 : i32
      %dma_wait3A_2183 = arith.constant 0 : i32
      %dma_wait3A_2184 = tpu.memref_slice %arg6[%dma_wait3A_2174, %dma_wait3A_2175, %dma_wait3A_2182, %dma_wait3A_2183] : memref<2x16x8x64xf32, #tpu.memory_space<vmem>> -> memref<1x1x8x64xf32, #tpu.memory_space<vmem>>
      %dma_wait3A_2185 = tpu.memref_squeeze %dma_wait3A_2184 : memref<1x1x8x64xf32, #tpu.memory_space<vmem>> -> memref<8x64xf32, #tpu.memory_space<vmem>>
      %dma_wait3A_2186 = arith.constant 0 : i32
      %dma_wait3A_2187 = tpu.memref_slice %arg3[%multiple_of3A_665, %dma_wait3A_2186] : memref<1000000x64xf32, #tpu.memory_space<hbm>> -> memref<8x64xf32, #tpu.memory_space<hbm>>
      tpu.wait_dma2 semaphore(%arg8 : memref<!tpu.dma_semaphore, #tpu.memory_space<semaphore_mem>>) src(%dma_wait3A_2187 : memref<8x64xf32, #tpu.memory_space<hbm>>) dst(%dma_wait3A_2185 : memref<8x64xf32, #tpu.memory_space<vmem>>)
      %dma_wait3A_2188 = arith.constant 1 : i32
      %dma_wait3A_2189 = arith.constant 12 : i32
      %dma_wait3A_2190 = arith.constant 0 : i32
      %dma_wait3A_2191 = arith.constant 0 : i32
      %dma_wait3A_2192 = tpu.memref_slice %arg6[%dma_wait3A_2188, %dma_wait3A_2189, %dma_wait3A_2190, %dma_wait3A_2191] : memref<2x16x8x64xf32, #tpu.memory_space<vmem>> -> memref<1x1x8x64xf32, #tpu.memory_space<vmem>>
      %dma_wait3A_2193 = tpu.memref_squeeze %dma_wait3A_2192 : memref<1x1x8x64xf32, #tpu.memory_space<vmem>> -> memref<8x64xf32, #tpu.memory_space<vmem>>
      %dma_wait3A_2194 = arith.constant 0 : i32
      %dma_wait3A_2195 = tpu.memref_slice %arg3[%multiple_of3A_686, %dma_wait3A_2194] : memref<1000000x64xf32, #tpu.memory_space<hbm>> -> memref<8x64xf32, #tpu.memory_space<hbm>>
      %dma_wait3A_2196 = arith.constant 0 : i32
      %dma_wait3A_2197 = arith.constant 0 : i32
      %dma_wait3A_2198 = tpu.memref_slice %arg6[%dma_wait3A_2188, %dma_wait3A_2189, %dma_wait3A_2196, %dma_wait3A_2197] : memref<2x16x8x64xf32, #tpu.memory_space<vmem>> -> memref<1x1x8x64xf32, #tpu.memory_space<vmem>>
      %dma_wait3A_2199 = tpu.memref_squeeze %dma_wait3A_2198 : memref<1x1x8x64xf32, #tpu.memory_space<vmem>> -> memref<8x64xf32, #tpu.memory_space<vmem>>
      %dma_wait3A_2200 = arith.constant 0 : i32
      %dma_wait3A_2201 = tpu.memref_slice %arg3[%multiple_of3A_686, %dma_wait3A_2200] : memref<1000000x64xf32, #tpu.memory_space<hbm>> -> memref<8x64xf32, #tpu.memory_space<hbm>>
      tpu.wait_dma2 semaphore(%arg8 : memref<!tpu.dma_semaphore, #tpu.memory_space<semaphore_mem>>) src(%dma_wait3A_2201 : memref<8x64xf32, #tpu.memory_space<hbm>>) dst(%dma_wait3A_2199 : memref<8x64xf32, #tpu.memory_space<vmem>>)
      %dma_wait3A_2202 = arith.constant 1 : i32
      %dma_wait3A_2203 = arith.constant 13 : i32
      %dma_wait3A_2204 = arith.constant 0 : i32
      %dma_wait3A_2205 = arith.constant 0 : i32
      %dma_wait3A_2206 = tpu.memref_slice %arg6[%dma_wait3A_2202, %dma_wait3A_2203, %dma_wait3A_2204, %dma_wait3A_2205] : memref<2x16x8x64xf32, #tpu.memory_space<vmem>> -> memref<1x1x8x64xf32, #tpu.memory_space<vmem>>
      %dma_wait3A_2207 = tpu.memref_squeeze %dma_wait3A_2206 : memref<1x1x8x64xf32, #tpu.memory_space<vmem>> -> memref<8x64xf32, #tpu.memory_space<vmem>>
      %dma_wait3A_2208 = arith.constant 0 : i32
      %dma_wait3A_2209 = tpu.memref_slice %arg3[%multiple_of3A_707, %dma_wait3A_2208] : memref<1000000x64xf32, #tpu.memory_space<hbm>> -> memref<8x64xf32, #tpu.memory_space<hbm>>
      %dma_wait3A_2210 = arith.constant 0 : i32
      %dma_wait3A_2211 = arith.constant 0 : i32
      %dma_wait3A_2212 = tpu.memref_slice %arg6[%dma_wait3A_2202, %dma_wait3A_2203, %dma_wait3A_2210, %dma_wait3A_2211] : memref<2x16x8x64xf32, #tpu.memory_space<vmem>> -> memref<1x1x8x64xf32, #tpu.memory_space<vmem>>
      %dma_wait3A_2213 = tpu.memref_squeeze %dma_wait3A_2212 : memref<1x1x8x64xf32, #tpu.memory_space<vmem>> -> memref<8x64xf32, #tpu.memory_space<vmem>>
      %dma_wait3A_2214 = arith.constant 0 : i32
      %dma_wait3A_2215 = tpu.memref_slice %arg3[%multiple_of3A_707, %dma_wait3A_2214] : memref<1000000x64xf32, #tpu.memory_space<hbm>> -> memref<8x64xf32, #tpu.memory_space<hbm>>
      tpu.wait_dma2 semaphore(%arg8 : memref<!tpu.dma_semaphore, #tpu.memory_space<semaphore_mem>>) src(%dma_wait3A_2215 : memref<8x64xf32, #tpu.memory_space<hbm>>) dst(%dma_wait3A_2213 : memref<8x64xf32, #tpu.memory_space<vmem>>)
      %dma_wait3A_2216 = arith.constant 1 : i32
      %dma_wait3A_2217 = arith.constant 14 : i32
      %dma_wait3A_2218 = arith.constant 0 : i32
      %dma_wait3A_2219 = arith.constant 0 : i32
      %dma_wait3A_2220 = tpu.memref_slice %arg6[%dma_wait3A_2216, %dma_wait3A_2217, %dma_wait3A_2218, %dma_wait3A_2219] : memref<2x16x8x64xf32, #tpu.memory_space<vmem>> -> memref<1x1x8x64xf32, #tpu.memory_space<vmem>>
      %dma_wait3A_2221 = tpu.memref_squeeze %dma_wait3A_2220 : memref<1x1x8x64xf32, #tpu.memory_space<vmem>> -> memref<8x64xf32, #tpu.memory_space<vmem>>
      %dma_wait3A_2222 = arith.constant 0 : i32
      %dma_wait3A_2223 = tpu.memref_slice %arg3[%multiple_of3A_728, %dma_wait3A_2222] : memref<1000000x64xf32, #tpu.memory_space<hbm>> -> memref<8x64xf32, #tpu.memory_space<hbm>>
      %dma_wait3A_2224 = arith.constant 0 : i32
      %dma_wait3A_2225 = arith.constant 0 : i32
      %dma_wait3A_2226 = tpu.memref_slice %arg6[%dma_wait3A_2216, %dma_wait3A_2217, %dma_wait3A_2224, %dma_wait3A_2225] : memref<2x16x8x64xf32, #tpu.memory_space<vmem>> -> memref<1x1x8x64xf32, #tpu.memory_space<vmem>>
      %dma_wait3A_2227 = tpu.memref_squeeze %dma_wait3A_2226 : memref<1x1x8x64xf32, #tpu.memory_space<vmem>> -> memref<8x64xf32, #tpu.memory_space<vmem>>
      %dma_wait3A_2228 = arith.constant 0 : i32
      %dma_wait3A_2229 = tpu.memref_slice %arg3[%multiple_of3A_728, %dma_wait3A_2228] : memref<1000000x64xf32, #tpu.memory_space<hbm>> -> memref<8x64xf32, #tpu.memory_space<hbm>>
      tpu.wait_dma2 semaphore(%arg8 : memref<!tpu.dma_semaphore, #tpu.memory_space<semaphore_mem>>) src(%dma_wait3A_2229 : memref<8x64xf32, #tpu.memory_space<hbm>>) dst(%dma_wait3A_2227 : memref<8x64xf32, #tpu.memory_space<vmem>>)
      %dma_wait3A_2230 = arith.constant 1 : i32
      %dma_wait3A_2231 = arith.constant 15 : i32
      %dma_wait3A_2232 = arith.constant 0 : i32
      %dma_wait3A_2233 = arith.constant 0 : i32
      %dma_wait3A_2234 = tpu.memref_slice %arg6[%dma_wait3A_2230, %dma_wait3A_2231, %dma_wait3A_2232, %dma_wait3A_2233] : memref<2x16x8x64xf32, #tpu.memory_space<vmem>> -> memref<1x1x8x64xf32, #tpu.memory_space<vmem>>
      %dma_wait3A_2235 = tpu.memref_squeeze %dma_wait3A_2234 : memref<1x1x8x64xf32, #tpu.memory_space<vmem>> -> memref<8x64xf32, #tpu.memory_space<vmem>>
      %dma_wait3A_2236 = arith.constant 0 : i32
      %dma_wait3A_2237 = tpu.memref_slice %arg3[%multiple_of3A_749, %dma_wait3A_2236] : memref<1000000x64xf32, #tpu.memory_space<hbm>> -> memref<8x64xf32, #tpu.memory_space<hbm>>
      %dma_wait3A_2238 = arith.constant 0 : i32
      %dma_wait3A_2239 = arith.constant 0 : i32
      %dma_wait3A_2240 = tpu.memref_slice %arg6[%dma_wait3A_2230, %dma_wait3A_2231, %dma_wait3A_2238, %dma_wait3A_2239] : memref<2x16x8x64xf32, #tpu.memory_space<vmem>> -> memref<1x1x8x64xf32, #tpu.memory_space<vmem>>
      %dma_wait3A_2241 = tpu.memref_squeeze %dma_wait3A_2240 : memref<1x1x8x64xf32, #tpu.memory_space<vmem>> -> memref<8x64xf32, #tpu.memory_space<vmem>>
      %dma_wait3A_2242 = arith.constant 0 : i32
      %dma_wait3A_2243 = tpu.memref_slice %arg3[%multiple_of3A_749, %dma_wait3A_2242] : memref<1000000x64xf32, #tpu.memory_space<hbm>> -> memref<8x64xf32, #tpu.memory_space<hbm>>
      tpu.wait_dma2 semaphore(%arg8 : memref<!tpu.dma_semaphore, #tpu.memory_space<semaphore_mem>>) src(%dma_wait3A_2243 : memref<8x64xf32, #tpu.memory_space<hbm>>) dst(%dma_wait3A_2241 : memref<8x64xf32, #tpu.memory_space<vmem>>)
      %slice3A_2244 = vector.extract_strided_slice %get3A_427 {offsets = [0], sizes = [1], strides = [1]} : vector<16xi32> to vector<1xi32>
      %squeeze3A_2245 = vector.extract %slice3A_2244[0] : i32 from vector<1xi32>
      %and3A_2246 = arith.constant 7 : i32
      %and3A_2247 = arith.andi %squeeze3A_2245, %and3A_2246 : i32
      %get3A_2248 = arith.constant 1 : i32
      %get3A_2249 = arith.constant 0 : i32
      %get3A_2250 = arith.index_cast %get3A_2248 : i32 to index
      %get3A_2251 = arith.index_cast %get3A_2249 : i32 to index
      %get3A_2252 = arith.index_cast %and3A_2247 : i32 to index
      %get3A_2253 = arith.constant 0 : index
      %get3A_2254 = tpu.vector_load %arg6[%get3A_2250, %get3A_2251, %get3A_2252, %get3A_2253] {strides = array<i32>} : memref<2x16x8x64xf32, #tpu.memory_space<vmem>>, vector<1x1x1x16xf32>,
      %get3A_2255 = vector.shape_cast %get3A_2254 : vector<1x1x1x16xf32> to vector<16xf32>
      %add3A_2256 = arith.constant 0 : i32
      %add3A_2257 = arith.addi %mul3A_2019, %add3A_2256 : i32
      %swap3A_2258 = arith.index_cast %add3A_2257 : i32 to index
      %swap3A_2259 = arith.constant 0 : index
      %swap3A_2260 = tpu.vector_load %arg7[%swap3A_2258, %swap3A_2259] {strides = array<i32>} : memref<512x64xf32, #tpu.memory_space<vmem>>, vector<1x16xf32>,
      %swap3A_2261 = vector.shape_cast %swap3A_2260 : vector<1x16xf32> to vector<16xf32>
      %swap3A_2262 = vector.shape_cast %get3A_2255 : vector<16xf32> to vector<1x16xf32>
      tpu.vector_store %arg7[%swap3A_2258, %swap3A_2259], %swap3A_2262 {strides = array<i32>} : memref<512x64xf32, #tpu.memory_space<vmem>>, vector<1x16xf32>,
      %get3A_2263 = arith.constant 1 : i32
      %get3A_2264 = arith.constant 0 : i32
      %get3A_2265 = arith.index_cast %get3A_2263 : i32 to index
      %get3A_2266 = arith.index_cast %get3A_2264 : i32 to index
      %get3A_2267 = arith.index_cast %and3A_2247 : i32 to index
      %get3A_2268 = arith.constant 16 : index
      %get3A_2269 = tpu.vector_load %arg6[%get3A_2265, %get3A_2266, %get3A_2267, %get3A_2268] {strides = array<i32>} : memref<2x16x8x64xf32, #tpu.memory_space<vmem>>, vector<1x1x1x16xf32>,
      %get3A_2270 = vector.shape_cast %get3A_2269 : vector<1x1x1x16xf32> to vector<16xf32>
      %add3A_2271 = arith.constant 0 : i32
      %add3A_2272 = arith.addi %mul3A_2019, %add3A_2271 : i32
      %swap3A_2273 = arith.index_cast %add3A_2272 : i32 to index
      %swap3A_2274 = arith.constant 16 : index
      %swap3A_2275 = tpu.vector_load %arg7[%swap3A_2273, %swap3A_2274] {strides = array<i32>} : memref<512x64xf32, #tpu.memory_space<vmem>>, vector<1x16xf32>,
      %swap3A_2276 = vector.shape_cast %swap3A_2275 : vector<1x16xf32> to vector<16xf32>
      %swap3A_2277 = vector.shape_cast %get3A_2270 : vector<16xf32> to vector<1x16xf32>
      tpu.vector_store %arg7[%swap3A_2273, %swap3A_2274], %swap3A_2277 {strides = array<i32>} : memref<512x64xf32, #tpu.memory_space<vmem>>, vector<1x16xf32>,
      %get3A_2278 = arith.constant 1 : i32
      %get3A_2279 = arith.constant 0 : i32
      %get3A_2280 = arith.index_cast %get3A_2278 : i32 to index
      %get3A_2281 = arith.index_cast %get3A_2279 : i32 to index
      %get3A_2282 = arith.index_cast %and3A_2247 : i32 to index
      %get3A_2283 = arith.constant 32 : index
      %get3A_2284 = tpu.vector_load %arg6[%get3A_2280, %get3A_2281, %get3A_2282, %get3A_2283] {strides = array<i32>} : memref<2x16x8x64xf32, #tpu.memory_space<vmem>>, vector<1x1x1x16xf32>,
      %get3A_2285 = vector.shape_cast %get3A_2284 : vector<1x1x1x16xf32> to vector<16xf32>
      %add3A_2286 = arith.constant 0 : i32
      %add3A_2287 = arith.addi %mul3A_2019, %add3A_2286 : i32
      %swap3A_2288 = arith.index_cast %add3A_2287 : i32 to index
      %swap3A_2289 = arith.constant 32 : index
      %swap3A_2290 = tpu.vector_load %arg7[%swap3A_2288, %swap3A_2289] {strides = array<i32>} : memref<512x64xf32, #tpu.memory_space<vmem>>, vector<1x16xf32>,
      %swap3A_2291 = vector.shape_cast %swap3A_2290 : vector<1x16xf32> to vector<16xf32>
      %swap3A_2292 = vector.shape_cast %get3A_2285 : vector<16xf32> to vector<1x16xf32>
      tpu.vector_store %arg7[%swap3A_2288, %swap3A_2289], %swap3A_2292 {strides = array<i32>} : memref<512x64xf32, #tpu.memory_space<vmem>>, vector<1x16xf32>,
      %get3A_2293 = arith.constant 1 : i32
      %get3A_2294 = arith.constant 0 : i32
      %get3A_2295 = arith.index_cast %get3A_2293 : i32 to index
      %get3A_2296 = arith.index_cast %get3A_2294 : i32 to index
      %get3A_2297 = arith.index_cast %and3A_2247 : i32 to index
      %get3A_2298 = arith.constant 48 : index
      %get3A_2299 = tpu.vector_load %arg6[%get3A_2295, %get3A_2296, %get3A_2297, %get3A_2298] {strides = array<i32>} : memref<2x16x8x64xf32, #tpu.memory_space<vmem>>, vector<1x1x1x16xf32>,
      %get3A_2300 = vector.shape_cast %get3A_2299 : vector<1x1x1x16xf32> to vector<16xf32>
      %add3A_2301 = arith.constant 0 : i32
      %add3A_2302 = arith.addi %mul3A_2019, %add3A_2301 : i32
      %swap3A_2303 = arith.index_cast %add3A_2302 : i32 to index
      %swap3A_2304 = arith.constant 48 : index
      %swap3A_2305 = tpu.vector_load %arg7[%swap3A_2303, %swap3A_2304] {strides = array<i32>} : memref<512x64xf32, #tpu.memory_space<vmem>>, vector<1x16xf32>,
      %swap3A_2306 = vector.shape_cast %swap3A_2305 : vector<1x16xf32> to vector<16xf32>
      %swap3A_2307 = vector.shape_cast %get3A_2300 : vector<16xf32> to vector<1x16xf32>
      tpu.vector_store %arg7[%swap3A_2303, %swap3A_2304], %swap3A_2307 {strides = array<i32>} : memref<512x64xf32, #tpu.memory_space<vmem>>, vector<1x16xf32>,
      %slice3A_2308 = vector.extract_strided_slice %get3A_427 {offsets = [1], sizes = [1], strides = [1]} : vector<16xi32> to vector<1xi32>
      %squeeze3A_2309 = vector.extract %slice3A_2308[0] : i32 from vector<1xi32>
      %and3A_2310 = arith.constant 7 : i32
      %and3A_2311 = arith.andi %squeeze3A_2309, %and3A_2310 : i32
      %get3A_2312 = arith.constant 1 : i32
      %get3A_2313 = arith.constant 1 : i32
      %get3A_2314 = arith.index_cast %get3A_2312 : i32 to index
      %get3A_2315 = arith.index_cast %get3A_2313 : i32 to index
      %get3A_2316 = arith.index_cast %and3A_2311 : i32 to index
      %get3A_2317 = arith.constant 0 : index
      %get3A_2318 = tpu.vector_load %arg6[%get3A_2314, %get3A_2315, %get3A_2316, %get3A_2317] {strides = array<i32>} : memref<2x16x8x64xf32, #tpu.memory_space<vmem>>, vector<1x1x1x16xf32>,
      %get3A_2319 = vector.shape_cast %get3A_2318 : vector<1x1x1x16xf32> to vector<16xf32>
      %add3A_2320 = arith.constant 1 : i32
      %add3A_2321 = arith.addi %mul3A_2019, %add3A_2320 : i32
      %swap3A_2322 = arith.index_cast %add3A_2321 : i32 to index
      %swap3A_2323 = arith.constant 0 : index
      %swap3A_2324 = tpu.vector_load %arg7[%swap3A_2322, %swap3A_2323] {strides = array<i32>} : memref<512x64xf32, #tpu.memory_space<vmem>>, vector<1x16xf32>,
      %swap3A_2325 = vector.shape_cast %swap3A_2324 : vector<1x16xf32> to vector<16xf32>
      %swap3A_2326 = vector.shape_cast %get3A_2319 : vector<16xf32> to vector<1x16xf32>
      tpu.vector_store %arg7[%swap3A_2322, %swap3A_2323], %swap3A_2326 {strides = array<i32>} : memref<512x64xf32, #tpu.memory_space<vmem>>, vector<1x16xf32>,
      %get3A_2327 = arith.constant 1 : i32
      %get3A_2328 = arith.constant 1 : i32
      %get3A_2329 = arith.index_cast %get3A_2327 : i32 to index
      %get3A_2330 = arith.index_cast %get3A_2328 : i32 to index
      %get3A_2331 = arith.index_cast %and3A_2311 : i32 to index
      %get3A_2332 = arith.constant 16 : index
      %get3A_2333 = tpu.vector_load %arg6[%get3A_2329, %get3A_2330, %get3A_2331, %get3A_2332] {strides = array<i32>} : memref<2x16x8x64xf32, #tpu.memory_space<vmem>>, vector<1x1x1x16xf32>,
      %get3A_2334 = vector.shape_cast %get3A_2333 : vector<1x1x1x16xf32> to vector<16xf32>
      %add3A_2335 = arith.constant 1 : i32
      %add3A_2336 = arith.addi %mul3A_2019, %add3A_2335 : i32
      %swap3A_2337 = arith.index_cast %add3A_2336 : i32 to index
      %swap3A_2338 = arith.constant 16 : index
      %swap3A_2339 = tpu.vector_load %arg7[%swap3A_2337, %swap3A_2338] {strides = array<i32>} : memref<512x64xf32, #tpu.memory_space<vmem>>, vector<1x16xf32>,
      %swap3A_2340 = vector.shape_cast %swap3A_2339 : vector<1x16xf32> to vector<16xf32>
      %swap3A_2341 = vector.shape_cast %get3A_2334 : vector<16xf32> to vector<1x16xf32>
      tpu.vector_store %arg7[%swap3A_2337, %swap3A_2338], %swap3A_2341 {strides = array<i32>} : memref<512x64xf32, #tpu.memory_space<vmem>>, vector<1x16xf32>,
      %get3A_2342 = arith.constant 1 : i32
      %get3A_2343 = arith.constant 1 : i32
      %get3A_2344 = arith.index_cast %get3A_2342 : i32 to index
      %get3A_2345 = arith.index_cast %get3A_2343 : i32 to index
      %get3A_2346 = arith.index_cast %and3A_2311 : i32 to index
      %get3A_2347 = arith.constant 32 : index
      %get3A_2348 = tpu.vector_load %arg6[%get3A_2344, %get3A_2345, %get3A_2346, %get3A_2347] {strides = array<i32>} : memref<2x16x8x64xf32, #tpu.memory_space<vmem>>, vector<1x1x1x16xf32>,
      %get3A_2349 = vector.shape_cast %get3A_2348 : vector<1x1x1x16xf32> to vector<16xf32>
      %add3A_2350 = arith.constant 1 : i32
      %add3A_2351 = arith.addi %mul3A_2019, %add3A_2350 : i32
      %swap3A_2352 = arith.index_cast %add3A_2351 : i32 to index
      %swap3A_2353 = arith.constant 32 : index
      %swap3A_2354 = tpu.vector_load %arg7[%swap3A_2352, %swap3A_2353] {strides = array<i32>} : memref<512x64xf32, #tpu.memory_space<vmem>>, vector<1x16xf32>,
      %swap3A_2355 = vector.shape_cast %swap3A_2354 : vector<1x16xf32> to vector<16xf32>
      %swap3A_2356 = vector.shape_cast %get3A_2349 : vector<16xf32> to vector<1x16xf32>
      tpu.vector_store %arg7[%swap3A_2352, %swap3A_2353], %swap3A_2356 {strides = array<i32>} : memref<512x64xf32, #tpu.memory_space<vmem>>, vector<1x16xf32>,
      %get3A_2357 = arith.constant 1 : i32
      %get3A_2358 = arith.constant 1 : i32
      %get3A_2359 = arith.index_cast %get3A_2357 : i32 to index
      %get3A_2360 = arith.index_cast %get3A_2358 : i32 to index
      %get3A_2361 = arith.index_cast %and3A_2311 : i32 to index
      %get3A_2362 = arith.constant 48 : index
      %get3A_2363 = tpu.vector_load %arg6[%get3A_2359, %get3A_2360, %get3A_2361, %get3A_2362] {strides = array<i32>} : memref<2x16x8x64xf32, #tpu.memory_space<vmem>>, vector<1x1x1x16xf32>,
      %get3A_2364 = vector.shape_cast %get3A_2363 : vector<1x1x1x16xf32> to vector<16xf32>
      %add3A_2365 = arith.constant 1 : i32
      %add3A_2366 = arith.addi %mul3A_2019, %add3A_2365 : i32
      %swap3A_2367 = arith.index_cast %add3A_2366 : i32 to index
      %swap3A_2368 = arith.constant 48 : index
      %swap3A_2369 = tpu.vector_load %arg7[%swap3A_2367, %swap3A_2368] {strides = array<i32>} : memref<512x64xf32, #tpu.memory_space<vmem>>, vector<1x16xf32>,
      %swap3A_2370 = vector.shape_cast %swap3A_2369 : vector<1x16xf32> to vector<16xf32>
      %swap3A_2371 = vector.shape_cast %get3A_2364 : vector<16xf32> to vector<1x16xf32>
      tpu.vector_store %arg7[%swap3A_2367, %swap3A_2368], %swap3A_2371 {strides = array<i32>} : memref<512x64xf32, #tpu.memory_space<vmem>>, vector<1x16xf32>,
      %slice3A_2372 = vector.extract_strided_slice %get3A_427 {offsets = [2], sizes = [1], strides = [1]} : vector<16xi32> to vector<1xi32>
      %squeeze3A_2373 = vector.extract %slice3A_2372[0] : i32 from vector<1xi32>
      %and3A_2374 = arith.constant 7 : i32
      %and3A_2375 = arith.andi %squeeze3A_2373, %and3A_2374 : i32
      %get3A_2376 = arith.constant 1 : i32
      %get3A_2377 = arith.constant 2 : i32
      %get3A_2378 = arith.index_cast %get3A_2376 : i32 to index
      %get3A_2379 = arith.index_cast %get3A_2377 : i32 to index
      %get3A_2380 = arith.index_cast %and3A_2375 : i32 to index
      %get3A_2381 = arith.constant 0 : index
      %get3A_2382 = tpu.vector_load %arg6[%get3A_2378, %get3A_2379, %get3A_2380, %get3A_2381] {strides = array<i32>} : memref<2x16x8x64xf32, #tpu.memory_space<vmem>>, vector<1x1x1x16xf32>,
      %get3A_2383 = vector.shape_cast %get3A_2382 : vector<1x1x1x16xf32> to vector<16xf32>
      %add3A_2384 = arith.constant 2 : i32
      %add3A_2385 = arith.addi %mul3A_2019, %add3A_2384 : i32
      %swap3A_2386 = arith.index_cast %add3A_2385 : i32 to index
      %swap3A_2387 = arith.constant 0 : index
      %swap3A_2388 = tpu.vector_load %arg7[%swap3A_2386, %swap3A_2387] {strides = array<i32>} : memref<512x64xf32, #tpu.memory_space<vmem>>, vector<1x16xf32>,
      %swap3A_2389 = vector.shape_cast %swap3A_2388 : vector<1x16xf32> to vector<16xf32>
      %swap3A_2390 = vector.shape_cast %get3A_2383 : vector<16xf32> to vector<1x16xf32>
      tpu.vector_store %arg7[%swap3A_2386, %swap3A_2387], %swap3A_2390 {strides = array<i32>} : memref<512x64xf32, #tpu.memory_space<vmem>>, vector<1x16xf32>,
      %get3A_2391 = arith.constant 1 : i32
      %get3A_2392 = arith.constant 2 : i32
      %get3A_2393 = arith.index_cast %get3A_2391 : i32 to index
      %get3A_2394 = arith.index_cast %get3A_2392 : i32 to index
      %get3A_2395 = arith.index_cast %and3A_2375 : i32 to index
      %get3A_2396 = arith.constant 16 : index
      %get3A_2397 = tpu.vector_load %arg6[%get3A_2393, %get3A_2394, %get3A_2395, %get3A_2396] {strides = array<i32>} : memref<2x16x8x64xf32, #tpu.memory_space<vmem>>, vector<1x1x1x16xf32>,
      %get3A_2398 = vector.shape_cast %get3A_2397 : vector<1x1x1x16xf32> to vector<16xf32>
      %add3A_2399 = arith.constant 2 : i32
      %add3A_2400 = arith.addi %mul3A_2019, %add3A_2399 : i32
      %swap3A_2401 = arith.index_cast %add3A_2400 : i32 to index
      %swap3A_2402 = arith.constant 16 : index
      %swap3A_2403 = tpu.vector_load %arg7[%swap3A_2401, %swap3A_2402] {strides = array<i32>} : memref<512x64xf32, #tpu.memory_space<vmem>>, vector<1x16xf32>,
      %swap3A_2404 = vector.shape_cast %swap3A_2403 : vector<1x16xf32> to vector<16xf32>
      %swap3A_2405 = vector.shape_cast %get3A_2398 : vector<16xf32> to vector<1x16xf32>
      tpu.vector_store %arg7[%swap3A_2401, %swap3A_2402], %swap3A_2405 {strides = array<i32>} : memref<512x64xf32, #tpu.memory_space<vmem>>, vector<1x16xf32>,
      %get3A_2406 = arith.constant 1 : i32
      %get3A_2407 = arith.constant 2 : i32
      %get3A_2408 = arith.index_cast %get3A_2406 : i32 to index
      %get3A_2409 = arith.index_cast %get3A_2407 : i32 to index
      %get3A_2410 = arith.index_cast %and3A_2375 : i32 to index
      %get3A_2411 = arith.constant 32 : index
      %get3A_2412 = tpu.vector_load %arg6[%get3A_2408, %get3A_2409, %get3A_2410, %get3A_2411] {strides = array<i32>} : memref<2x16x8x64xf32, #tpu.memory_space<vmem>>, vector<1x1x1x16xf32>,
      %get3A_2413 = vector.shape_cast %get3A_2412 : vector<1x1x1x16xf32> to vector<16xf32>
      %add3A_2414 = arith.constant 2 : i32
      %add3A_2415 = arith.addi %mul3A_2019, %add3A_2414 : i32
      %swap3A_2416 = arith.index_cast %add3A_2415 : i32 to index
      %swap3A_2417 = arith.constant 32 : index
      %swap3A_2418 = tpu.vector_load %arg7[%swap3A_2416, %swap3A_2417] {strides = array<i32>} : memref<512x64xf32, #tpu.memory_space<vmem>>, vector<1x16xf32>,
      %swap3A_2419 = vector.shape_cast %swap3A_2418 : vector<1x16xf32> to vector<16xf32>
      %swap3A_2420 = vector.shape_cast %get3A_2413 : vector<16xf32> to vector<1x16xf32>
      tpu.vector_store %arg7[%swap3A_2416, %swap3A_2417], %swap3A_2420 {strides = array<i32>} : memref<512x64xf32, #tpu.memory_space<vmem>>, vector<1x16xf32>,
      %get3A_2421 = arith.constant 1 : i32
      %get3A_2422 = arith.constant 2 : i32
      %get3A_2423 = arith.index_cast %get3A_2421 : i32 to index
      %get3A_2424 = arith.index_cast %get3A_2422 : i32 to index
      %get3A_2425 = arith.index_cast %and3A_2375 : i32 to index
      %get3A_2426 = arith.constant 48 : index
      %get3A_2427 = tpu.vector_load %arg6[%get3A_2423, %get3A_2424, %get3A_2425, %get3A_2426] {strides = array<i32>} : memref<2x16x8x64xf32, #tpu.memory_space<vmem>>, vector<1x1x1x16xf32>,
      %get3A_2428 = vector.shape_cast %get3A_2427 : vector<1x1x1x16xf32> to vector<16xf32>
      %add3A_2429 = arith.constant 2 : i32
      %add3A_2430 = arith.addi %mul3A_2019, %add3A_2429 : i32
      %swap3A_2431 = arith.index_cast %add3A_2430 : i32 to index
      %swap3A_2432 = arith.constant 48 : index
      %swap3A_2433 = tpu.vector_load %arg7[%swap3A_2431, %swap3A_2432] {strides = array<i32>} : memref<512x64xf32, #tpu.memory_space<vmem>>, vector<1x16xf32>,
      %swap3A_2434 = vector.shape_cast %swap3A_2433 : vector<1x16xf32> to vector<16xf32>
      %swap3A_2435 = vector.shape_cast %get3A_2428 : vector<16xf32> to vector<1x16xf32>
      tpu.vector_store %arg7[%swap3A_2431, %swap3A_2432], %swap3A_2435 {strides = array<i32>} : memref<512x64xf32, #tpu.memory_space<vmem>>, vector<1x16xf32>,
      %slice3A_2436 = vector.extract_strided_slice %get3A_427 {offsets = [3], sizes = [1], strides = [1]} : vector<16xi32> to vector<1xi32>
      %squeeze3A_2437 = vector.extract %slice3A_2436[0] : i32 from vector<1xi32>
      %and3A_2438 = arith.constant 7 : i32
      %and3A_2439 = arith.andi %squeeze3A_2437, %and3A_2438 : i32
      %get3A_2440 = arith.constant 1 : i32
      %get3A_2441 = arith.constant 3 : i32
      %get3A_2442 = arith.index_cast %get3A_2440 : i32 to index
      %get3A_2443 = arith.index_cast %get3A_2441 : i32 to index
      %get3A_2444 = arith.index_cast %and3A_2439 : i32 to index
      %get3A_2445 = arith.constant 0 : index
      %get3A_2446 = tpu.vector_load %arg6[%get3A_2442, %get3A_2443, %get3A_2444, %get3A_2445] {strides = array<i32>} : memref<2x16x8x64xf32, #tpu.memory_space<vmem>>, vector<1x1x1x16xf32>,
      %get3A_2447 = vector.shape_cast %get3A_2446 : vector<1x1x1x16xf32> to vector<16xf32>
      %add3A_2448 = arith.constant 3 : i32
      %add3A_2449 = arith.addi %mul3A_2019, %add3A_2448 : i32
      %swap3A_2450 = arith.index_cast %add3A_2449 : i32 to index
      %swap3A_2451 = arith.constant 0 : index
      %swap3A_2452 = tpu.vector_load %arg7[%swap3A_2450, %swap3A_2451] {strides = array<i32>} : memref<512x64xf32, #tpu.memory_space<vmem>>, vector<1x16xf32>,
      %swap3A_2453 = vector.shape_cast %swap3A_2452 : vector<1x16xf32> to vector<16xf32>
      %swap3A_2454 = vector.shape_cast %get3A_2447 : vector<16xf32> to vector<1x16xf32>
      tpu.vector_store %arg7[%swap3A_2450, %swap3A_2451], %swap3A_2454 {strides = array<i32>} : memref<512x64xf32, #tpu.memory_space<vmem>>, vector<1x16xf32>,
      %get3A_2455 = arith.constant 1 : i32
      %get3A_2456 = arith.constant 3 : i32
      %get3A_2457 = arith.index_cast %get3A_2455 : i32 to index
      %get3A_2458 = arith.index_cast %get3A_2456 : i32 to index
      %get3A_2459 = arith.index_cast %and3A_2439 : i32 to index
      %get3A_2460 = arith.constant 16 : index
      %get3A_2461 = tpu.vector_load %arg6[%get3A_2457, %get3A_2458, %get3A_2459, %get3A_2460] {strides = array<i32>} : memref<2x16x8x64xf32, #tpu.memory_space<vmem>>, vector<1x1x1x16xf32>,
      %get3A_2462 = vector.shape_cast %get3A_2461 : vector<1x1x1x16xf32> to vector<16xf32>
      %add3A_2463 = arith.constant 3 : i32
      %add3A_2464 = arith.addi %mul3A_2019, %add3A_2463 : i32
      %swap3A_2465 = arith.index_cast %add3A_2464 : i32 to index
      %swap3A_2466 = arith.constant 16 : index
      %swap3A_2467 = tpu.vector_load %arg7[%swap3A_2465, %swap3A_2466] {strides = array<i32>} : memref<512x64xf32, #tpu.memory_space<vmem>>, vector<1x16xf32>,
      %swap3A_2468 = vector.shape_cast %swap3A_2467 : vector<1x16xf32> to vector<16xf32>
      %swap3A_2469 = vector.shape_cast %get3A_2462 : vector<16xf32> to vector<1x16xf32>
      tpu.vector_store %arg7[%swap3A_2465, %swap3A_2466], %swap3A_2469 {strides = array<i32>} : memref<512x64xf32, #tpu.memory_space<vmem>>, vector<1x16xf32>,
      %get3A_2470 = arith.constant 1 : i32
      %get3A_2471 = arith.constant 3 : i32
      %get3A_2472 = arith.index_cast %get3A_2470 : i32 to index
      %get3A_2473 = arith.index_cast %get3A_2471 : i32 to index
      %get3A_2474 = arith.index_cast %and3A_2439 : i32 to index
      %get3A_2475 = arith.constant 32 : index
      %get3A_2476 = tpu.vector_load %arg6[%get3A_2472, %get3A_2473, %get3A_2474, %get3A_2475] {strides = array<i32>} : memref<2x16x8x64xf32, #tpu.memory_space<vmem>>, vector<1x1x1x16xf32>,
      %get3A_2477 = vector.shape_cast %get3A_2476 : vector<1x1x1x16xf32> to vector<16xf32>
      %add3A_2478 = arith.constant 3 : i32
      %add3A_2479 = arith.addi %mul3A_2019, %add3A_2478 : i32
      %swap3A_2480 = arith.index_cast %add3A_2479 : i32 to index
      %swap3A_2481 = arith.constant 32 : index
      %swap3A_2482 = tpu.vector_load %arg7[%swap3A_2480, %swap3A_2481] {strides = array<i32>} : memref<512x64xf32, #tpu.memory_space<vmem>>, vector<1x16xf32>,
      %swap3A_2483 = vector.shape_cast %swap3A_2482 : vector<1x16xf32> to vector<16xf32>
      %swap3A_2484 = vector.shape_cast %get3A_2477 : vector<16xf32> to vector<1x16xf32>
      tpu.vector_store %arg7[%swap3A_2480, %swap3A_2481], %swap3A_2484 {strides = array<i32>} : memref<512x64xf32, #tpu.memory_space<vmem>>, vector<1x16xf32>,
      %get3A_2485 = arith.constant 1 : i32
      %get3A_2486 = arith.constant 3 : i32
      %get3A_2487 = arith.index_cast %get3A_2485 : i32 to index
      %get3A_2488 = arith.index_cast %get3A_2486 : i32 to index
      %get3A_2489 = arith.index_cast %and3A_2439 : i32 to index
      %get3A_2490 = arith.constant 48 : index
      %get3A_2491 = tpu.vector_load %arg6[%get3A_2487, %get3A_2488, %get3A_2489, %get3A_2490] {strides = array<i32>} : memref<2x16x8x64xf32, #tpu.memory_space<vmem>>, vector<1x1x1x16xf32>,
      %get3A_2492 = vector.shape_cast %get3A_2491 : vector<1x1x1x16xf32> to vector<16xf32>
      %add3A_2493 = arith.constant 3 : i32
      %add3A_2494 = arith.addi %mul3A_2019, %add3A_2493 : i32
      %swap3A_2495 = arith.index_cast %add3A_2494 : i32 to index
      %swap3A_2496 = arith.constant 48 : index
      %swap3A_2497 = tpu.vector_load %arg7[%swap3A_2495, %swap3A_2496] {strides = array<i32>} : memref<512x64xf32, #tpu.memory_space<vmem>>, vector<1x16xf32>,
      %swap3A_2498 = vector.shape_cast %swap3A_2497 : vector<1x16xf32> to vector<16xf32>
      %swap3A_2499 = vector.shape_cast %get3A_2492 : vector<16xf32> to vector<1x16xf32>
      tpu.vector_store %arg7[%swap3A_2495, %swap3A_2496], %swap3A_2499 {strides = array<i32>} : memref<512x64xf32, #tpu.memory_space<vmem>>, vector<1x16xf32>,
      %slice3A_2500 = vector.extract_strided_slice %get3A_427 {offsets = [4], sizes = [1], strides = [1]} : vector<16xi32> to vector<1xi32>
      %squeeze3A_2501 = vector.extract %slice3A_2500[0] : i32 from vector<1xi32>
      %and3A_2502 = arith.constant 7 : i32
      %and3A_2503 = arith.andi %squeeze3A_2501, %and3A_2502 : i32
      %get3A_2504 = arith.constant 1 : i32
      %get3A_2505 = arith.constant 4 : i32
      %get3A_2506 = arith.index_cast %get3A_2504 : i32 to index
      %get3A_2507 = arith.index_cast %get3A_2505 : i32 to index
      %get3A_2508 = arith.index_cast %and3A_2503 : i32 to index
      %get3A_2509 = arith.constant 0 : index
      %get3A_2510 = tpu.vector_load %arg6[%get3A_2506, %get3A_2507, %get3A_2508, %get3A_2509] {strides = array<i32>} : memref<2x16x8x64xf32, #tpu.memory_space<vmem>>, vector<1x1x1x16xf32>,
      %get3A_2511 = vector.shape_cast %get3A_2510 : vector<1x1x1x16xf32> to vector<16xf32>
      %add3A_2512 = arith.constant 4 : i32
      %add3A_2513 = arith.addi %mul3A_2019, %add3A_2512 : i32
      %swap3A_2514 = arith.index_cast %add3A_2513 : i32 to index
      %swap3A_2515 = arith.constant 0 : index
      %swap3A_2516 = tpu.vector_load %arg7[%swap3A_2514, %swap3A_2515] {strides = array<i32>} : memref<512x64xf32, #tpu.memory_space<vmem>>, vector<1x16xf32>,
      %swap3A_2517 = vector.shape_cast %swap3A_2516 : vector<1x16xf32> to vector<16xf32>
      %swap3A_2518 = vector.shape_cast %get3A_2511 : vector<16xf32> to vector<1x16xf32>
      tpu.vector_store %arg7[%swap3A_2514, %swap3A_2515], %swap3A_2518 {strides = array<i32>} : memref<512x64xf32, #tpu.memory_space<vmem>>, vector<1x16xf32>,
      %get3A_2519 = arith.constant 1 : i32
      %get3A_2520 = arith.constant 4 : i32
      %get3A_2521 = arith.index_cast %get3A_2519 : i32 to index
      %get3A_2522 = arith.index_cast %get3A_2520 : i32 to index
      %get3A_2523 = arith.index_cast %and3A_2503 : i32 to index
      %get3A_2524 = arith.constant 16 : index
      %get3A_2525 = tpu.vector_load %arg6[%get3A_2521, %get3A_2522, %get3A_2523, %get3A_2524] {strides = array<i32>} : memref<2x16x8x64xf32, #tpu.memory_space<vmem>>, vector<1x1x1x16xf32>,
      %get3A_2526 = vector.shape_cast %get3A_2525 : vector<1x1x1x16xf32> to vector<16xf32>
      %add3A_2527 = arith.constant 4 : i32
      %add3A_2528 = arith.addi %mul3A_2019, %add3A_2527 : i32
      %swap3A_2529 = arith.index_cast %add3A_2528 : i32 to index
      %swap3A_2530 = arith.constant 16 : index
      %swap3A_2531 = tpu.vector_load %arg7[%swap3A_2529, %swap3A_2530] {strides = array<i32>} : memref<512x64xf32, #tpu.memory_space<vmem>>, vector<1x16xf32>,
      %swap3A_2532 = vector.shape_cast %swap3A_2531 : vector<1x16xf32> to vector<16xf32>
      %swap3A_2533 = vector.shape_cast %get3A_2526 : vector<16xf32> to vector<1x16xf32>
      tpu.vector_store %arg7[%swap3A_2529, %swap3A_2530], %swap3A_2533 {strides = array<i32>} : memref<512x64xf32, #tpu.memory_space<vmem>>, vector<1x16xf32>,
      %get3A_2534 = arith.constant 1 : i32
      %get3A_2535 = arith.constant 4 : i32
      %get3A_2536 = arith.index_cast %get3A_2534 : i32 to index
      %get3A_2537 = arith.index_cast %get3A_2535 : i32 to index
      %get3A_2538 = arith.index_cast %and3A_2503 : i32 to index
      %get3A_2539 = arith.constant 32 : index
      %get3A_2540 = tpu.vector_load %arg6[%get3A_2536, %get3A_2537, %get3A_2538, %get3A_2539] {strides = array<i32>} : memref<2x16x8x64xf32, #tpu.memory_space<vmem>>, vector<1x1x1x16xf32>,
      %get3A_2541 = vector.shape_cast %get3A_2540 : vector<1x1x1x16xf32> to vector<16xf32>
      %add3A_2542 = arith.constant 4 : i32
      %add3A_2543 = arith.addi %mul3A_2019, %add3A_2542 : i32
      %swap3A_2544 = arith.index_cast %add3A_2543 : i32 to index
      %swap3A_2545 = arith.constant 32 : index
      %swap3A_2546 = tpu.vector_load %arg7[%swap3A_2544, %swap3A_2545] {strides = array<i32>} : memref<512x64xf32, #tpu.memory_space<vmem>>, vector<1x16xf32>,
      %swap3A_2547 = vector.shape_cast %swap3A_2546 : vector<1x16xf32> to vector<16xf32>
      %swap3A_2548 = vector.shape_cast %get3A_2541 : vector<16xf32> to vector<1x16xf32>
      tpu.vector_store %arg7[%swap3A_2544, %swap3A_2545], %swap3A_2548 {strides = array<i32>} : memref<512x64xf32, #tpu.memory_space<vmem>>, vector<1x16xf32>,
      %get3A_2549 = arith.constant 1 : i32
      %get3A_2550 = arith.constant 4 : i32
      %get3A_2551 = arith.index_cast %get3A_2549 : i32 to index
      %get3A_2552 = arith.index_cast %get3A_2550 : i32 to index
      %get3A_2553 = arith.index_cast %and3A_2503 : i32 to index
      %get3A_2554 = arith.constant 48 : index
      %get3A_2555 = tpu.vector_load %arg6[%get3A_2551, %get3A_2552, %get3A_2553, %get3A_2554] {strides = array<i32>} : memref<2x16x8x64xf32, #tpu.memory_space<vmem>>, vector<1x1x1x16xf32>,
      %get3A_2556 = vector.shape_cast %get3A_2555 : vector<1x1x1x16xf32> to vector<16xf32>
      %add3A_2557 = arith.constant 4 : i32
      %add3A_2558 = arith.addi %mul3A_2019, %add3A_2557 : i32
      %swap3A_2559 = arith.index_cast %add3A_2558 : i32 to index
      %swap3A_2560 = arith.constant 48 : index
      %swap3A_2561 = tpu.vector_load %arg7[%swap3A_2559, %swap3A_2560] {strides = array<i32>} : memref<512x64xf32, #tpu.memory_space<vmem>>, vector<1x16xf32>,
      %swap3A_2562 = vector.shape_cast %swap3A_2561 : vector<1x16xf32> to vector<16xf32>
      %swap3A_2563 = vector.shape_cast %get3A_2556 : vector<16xf32> to vector<1x16xf32>
      tpu.vector_store %arg7[%swap3A_2559, %swap3A_2560], %swap3A_2563 {strides = array<i32>} : memref<512x64xf32, #tpu.memory_space<vmem>>, vector<1x16xf32>,
      %slice3A_2564 = vector.extract_strided_slice %get3A_427 {offsets = [5], sizes = [1], strides = [1]} : vector<16xi32> to vector<1xi32>
      %squeeze3A_2565 = vector.extract %slice3A_2564[0] : i32 from vector<1xi32>
      %and3A_2566 = arith.constant 7 : i32
      %and3A_2567 = arith.andi %squeeze3A_2565, %and3A_2566 : i32
      %get3A_2568 = arith.constant 1 : i32
      %get3A_2569 = arith.constant 5 : i32
      %get3A_2570 = arith.index_cast %get3A_2568 : i32 to index
      %get3A_2571 = arith.index_cast %get3A_2569 : i32 to index
      %get3A_2572 = arith.index_cast %and3A_2567 : i32 to index
      %get3A_2573 = arith.constant 0 : index
      %get3A_2574 = tpu.vector_load %arg6[%get3A_2570, %get3A_2571, %get3A_2572, %get3A_2573] {strides = array<i32>} : memref<2x16x8x64xf32, #tpu.memory_space<vmem>>, vector<1x1x1x16xf32>,
      %get3A_2575 = vector.shape_cast %get3A_2574 : vector<1x1x1x16xf32> to vector<16xf32>
      %add3A_2576 = arith.constant 5 : i32
      %add3A_2577 = arith.addi %mul3A_2019, %add3A_2576 : i32
      %swap3A_2578 = arith.index_cast %add3A_2577 : i32 to index
      %swap3A_2579 = arith.constant 0 : index
      %swap3A_2580 = tpu.vector_load %arg7[%swap3A_2578, %swap3A_2579] {strides = array<i32>} : memref<512x64xf32, #tpu.memory_space<vmem>>, vector<1x16xf32>,
      %swap3A_2581 = vector.shape_cast %swap3A_2580 : vector<1x16xf32> to vector<16xf32>
      %swap3A_2582 = vector.shape_cast %get3A_2575 : vector<16xf32> to vector<1x16xf32>
      tpu.vector_store %arg7[%swap3A_2578, %swap3A_2579], %swap3A_2582 {strides = array<i32>} : memref<512x64xf32, #tpu.memory_space<vmem>>, vector<1x16xf32>,
      %get3A_2583 = arith.constant 1 : i32
      %get3A_2584 = arith.constant 5 : i32
      %get3A_2585 = arith.index_cast %get3A_2583 : i32 to index
      %get3A_2586 = arith.index_cast %get3A_2584 : i32 to index
      %get3A_2587 = arith.index_cast %and3A_2567 : i32 to index
      %get3A_2588 = arith.constant 16 : index
      %get3A_2589 = tpu.vector_load %arg6[%get3A_2585, %get3A_2586, %get3A_2587, %get3A_2588] {strides = array<i32>} : memref<2x16x8x64xf32, #tpu.memory_space<vmem>>, vector<1x1x1x16xf32>,
      %get3A_2590 = vector.shape_cast %get3A_2589 : vector<1x1x1x16xf32> to vector<16xf32>
      %add3A_2591 = arith.constant 5 : i32
      %add3A_2592 = arith.addi %mul3A_2019, %add3A_2591 : i32
      %swap3A_2593 = arith.index_cast %add3A_2592 : i32 to index
      %swap3A_2594 = arith.constant 16 : index
      %swap3A_2595 = tpu.vector_load %arg7[%swap3A_2593, %swap3A_2594] {strides = array<i32>} : memref<512x64xf32, #tpu.memory_space<vmem>>, vector<1x16xf32>,
      %swap3A_2596 = vector.shape_cast %swap3A_2595 : vector<1x16xf32> to vector<16xf32>
      %swap3A_2597 = vector.shape_cast %get3A_2590 : vector<16xf32> to vector<1x16xf32>
      tpu.vector_store %arg7[%swap3A_2593, %swap3A_2594], %swap3A_2597 {strides = array<i32>} : memref<512x64xf32, #tpu.memory_space<vmem>>, vector<1x16xf32>,
      %get3A_2598 = arith.constant 1 : i32
      %get3A_2599 = arith.constant 5 : i32
      %get3A_2600 = arith.index_cast %get3A_2598 : i32 to index
      %get3A_2601 = arith.index_cast %get3A_2599 : i32 to index
      %get3A_2602 = arith.index_cast %and3A_2567 : i32 to index
      %get3A_2603 = arith.constant 32 : index
      %get3A_2604 = tpu.vector_load %arg6[%get3A_2600, %get3A_2601, %get3A_2602, %get3A_2603] {strides = array<i32>} : memref<2x16x8x64xf32, #tpu.memory_space<vmem>>, vector<1x1x1x16xf32>,
      %get3A_2605 = vector.shape_cast %get3A_2604 : vector<1x1x1x16xf32> to vector<16xf32>
      %add3A_2606 = arith.constant 5 : i32
      %add3A_2607 = arith.addi %mul3A_2019, %add3A_2606 : i32
      %swap3A_2608 = arith.index_cast %add3A_2607 : i32 to index
      %swap3A_2609 = arith.constant 32 : index
      %swap3A_2610 = tpu.vector_load %arg7[%swap3A_2608, %swap3A_2609] {strides = array<i32>} : memref<512x64xf32, #tpu.memory_space<vmem>>, vector<1x16xf32>,
      %swap3A_2611 = vector.shape_cast %swap3A_2610 : vector<1x16xf32> to vector<16xf32>
      %swap3A_2612 = vector.shape_cast %get3A_2605 : vector<16xf32> to vector<1x16xf32>
      tpu.vector_store %arg7[%swap3A_2608, %swap3A_2609], %swap3A_2612 {strides = array<i32>} : memref<512x64xf32, #tpu.memory_space<vmem>>, vector<1x16xf32>,
      %get3A_2613 = arith.constant 1 : i32
      %get3A_2614 = arith.constant 5 : i32
      %get3A_2615 = arith.index_cast %get3A_2613 : i32 to index
      %get3A_2616 = arith.index_cast %get3A_2614 : i32 to index
      %get3A_2617 = arith.index_cast %and3A_2567 : i32 to index
      %get3A_2618 = arith.constant 48 : index
      %get3A_2619 = tpu.vector_load %arg6[%get3A_2615, %get3A_2616, %get3A_2617, %get3A_2618] {strides = array<i32>} : memref<2x16x8x64xf32, #tpu.memory_space<vmem>>, vector<1x1x1x16xf32>,
      %get3A_2620 = vector.shape_cast %get3A_2619 : vector<1x1x1x16xf32> to vector<16xf32>
      %add3A_2621 = arith.constant 5 : i32
      %add3A_2622 = arith.addi %mul3A_2019, %add3A_2621 : i32
      %swap3A_2623 = arith.index_cast %add3A_2622 : i32 to index
      %swap3A_2624 = arith.constant 48 : index
      %swap3A_2625 = tpu.vector_load %arg7[%swap3A_2623, %swap3A_2624] {strides = array<i32>} : memref<512x64xf32, #tpu.memory_space<vmem>>, vector<1x16xf32>,
      %swap3A_2626 = vector.shape_cast %swap3A_2625 : vector<1x16xf32> to vector<16xf32>
      %swap3A_2627 = vector.shape_cast %get3A_2620 : vector<16xf32> to vector<1x16xf32>
      tpu.vector_store %arg7[%swap3A_2623, %swap3A_2624], %swap3A_2627 {strides = array<i32>} : memref<512x64xf32, #tpu.memory_space<vmem>>, vector<1x16xf32>,
      %slice3A_2628 = vector.extract_strided_slice %get3A_427 {offsets = [6], sizes = [1], strides = [1]} : vector<16xi32> to vector<1xi32>
      %squeeze3A_2629 = vector.extract %slice3A_2628[0] : i32 from vector<1xi32>
      %and3A_2630 = arith.constant 7 : i32
      %and3A_2631 = arith.andi %squeeze3A_2629, %and3A_2630 : i32
      %get3A_2632 = arith.constant 1 : i32
      %get3A_2633 = arith.constant 6 : i32
      %get3A_2634 = arith.index_cast %get3A_2632 : i32 to index
      %get3A_2635 = arith.index_cast %get3A_2633 : i32 to index
      %get3A_2636 = arith.index_cast %and3A_2631 : i32 to index
      %get3A_2637 = arith.constant 0 : index
      %get3A_2638 = tpu.vector_load %arg6[%get3A_2634, %get3A_2635, %get3A_2636, %get3A_2637] {strides = array<i32>} : memref<2x16x8x64xf32, #tpu.memory_space<vmem>>, vector<1x1x1x16xf32>,
      %get3A_2639 = vector.shape_cast %get3A_2638 : vector<1x1x1x16xf32> to vector<16xf32>
      %add3A_2640 = arith.constant 6 : i32
      %add3A_2641 = arith.addi %mul3A_2019, %add3A_2640 : i32
      %swap3A_2642 = arith.index_cast %add3A_2641 : i32 to index
      %swap3A_2643 = arith.constant 0 : index
      %swap3A_2644 = tpu.vector_load %arg7[%swap3A_2642, %swap3A_2643] {strides = array<i32>} : memref<512x64xf32, #tpu.memory_space<vmem>>, vector<1x16xf32>,
      %swap3A_2645 = vector.shape_cast %swap3A_2644 : vector<1x16xf32> to vector<16xf32>
      %swap3A_2646 = vector.shape_cast %get3A_2639 : vector<16xf32> to vector<1x16xf32>
      tpu.vector_store %arg7[%swap3A_2642, %swap3A_2643], %swap3A_2646 {strides = array<i32>} : memref<512x64xf32, #tpu.memory_space<vmem>>, vector<1x16xf32>,
      %get3A_2647 = arith.constant 1 : i32
      %get3A_2648 = arith.constant 6 : i32
      %get3A_2649 = arith.index_cast %get3A_2647 : i32 to index
      %get3A_2650 = arith.index_cast %get3A_2648 : i32 to index
      %get3A_2651 = arith.index_cast %and3A_2631 : i32 to index
      %get3A_2652 = arith.constant 16 : index
      %get3A_2653 = tpu.vector_load %arg6[%get3A_2649, %get3A_2650, %get3A_2651, %get3A_2652] {strides = array<i32>} : memref<2x16x8x64xf32, #tpu.memory_space<vmem>>, vector<1x1x1x16xf32>,
      %get3A_2654 = vector.shape_cast %get3A_2653 : vector<1x1x1x16xf32> to vector<16xf32>
      %add3A_2655 = arith.constant 6 : i32
      %add3A_2656 = arith.addi %mul3A_2019, %add3A_2655 : i32
      %swap3A_2657 = arith.index_cast %add3A_2656 : i32 to index
      %swap3A_2658 = arith.constant 16 : index
      %swap3A_2659 = tpu.vector_load %arg7[%swap3A_2657, %swap3A_2658] {strides = array<i32>} : memref<512x64xf32, #tpu.memory_space<vmem>>, vector<1x16xf32>,
      %swap3A_2660 = vector.shape_cast %swap3A_2659 : vector<1x16xf32> to vector<16xf32>
      %swap3A_2661 = vector.shape_cast %get3A_2654 : vector<16xf32> to vector<1x16xf32>
      tpu.vector_store %arg7[%swap3A_2657, %swap3A_2658], %swap3A_2661 {strides = array<i32>} : memref<512x64xf32, #tpu.memory_space<vmem>>, vector<1x16xf32>,
      %get3A_2662 = arith.constant 1 : i32
      %get3A_2663 = arith.constant 6 : i32
      %get3A_2664 = arith.index_cast %get3A_2662 : i32 to index
      %get3A_2665 = arith.index_cast %get3A_2663 : i32 to index
      %get3A_2666 = arith.index_cast %and3A_2631 : i32 to index
      %get3A_2667 = arith.constant 32 : index
      %get3A_2668 = tpu.vector_load %arg6[%get3A_2664, %get3A_2665, %get3A_2666, %get3A_2667] {strides = array<i32>} : memref<2x16x8x64xf32, #tpu.memory_space<vmem>>, vector<1x1x1x16xf32>,
      %get3A_2669 = vector.shape_cast %get3A_2668 : vector<1x1x1x16xf32> to vector<16xf32>
      %add3A_2670 = arith.constant 6 : i32
      %add3A_2671 = arith.addi %mul3A_2019, %add3A_2670 : i32
      %swap3A_2672 = arith.index_cast %add3A_2671 : i32 to index
      %swap3A_2673 = arith.constant 32 : index
      %swap3A_2674 = tpu.vector_load %arg7[%swap3A_2672, %swap3A_2673] {strides = array<i32>} : memref<512x64xf32, #tpu.memory_space<vmem>>, vector<1x16xf32>,
      %swap3A_2675 = vector.shape_cast %swap3A_2674 : vector<1x16xf32> to vector<16xf32>
      %swap3A_2676 = vector.shape_cast %get3A_2669 : vector<16xf32> to vector<1x16xf32>
      tpu.vector_store %arg7[%swap3A_2672, %swap3A_2673], %swap3A_2676 {strides = array<i32>} : memref<512x64xf32, #tpu.memory_space<vmem>>, vector<1x16xf32>,
      %get3A_2677 = arith.constant 1 : i32
      %get3A_2678 = arith.constant 6 : i32
      %get3A_2679 = arith.index_cast %get3A_2677 : i32 to index
      %get3A_2680 = arith.index_cast %get3A_2678 : i32 to index
      %get3A_2681 = arith.index_cast %and3A_2631 : i32 to index
      %get3A_2682 = arith.constant 48 : index
      %get3A_2683 = tpu.vector_load %arg6[%get3A_2679, %get3A_2680, %get3A_2681, %get3A_2682] {strides = array<i32>} : memref<2x16x8x64xf32, #tpu.memory_space<vmem>>, vector<1x1x1x16xf32>,
      %get3A_2684 = vector.shape_cast %get3A_2683 : vector<1x1x1x16xf32> to vector<16xf32>
      %add3A_2685 = arith.constant 6 : i32
      %add3A_2686 = arith.addi %mul3A_2019, %add3A_2685 : i32
      %swap3A_2687 = arith.index_cast %add3A_2686 : i32 to index
      %swap3A_2688 = arith.constant 48 : index
      %swap3A_2689 = tpu.vector_load %arg7[%swap3A_2687, %swap3A_2688] {strides = array<i32>} : memref<512x64xf32, #tpu.memory_space<vmem>>, vector<1x16xf32>,
      %swap3A_2690 = vector.shape_cast %swap3A_2689 : vector<1x16xf32> to vector<16xf32>
      %swap3A_2691 = vector.shape_cast %get3A_2684 : vector<16xf32> to vector<1x16xf32>
      tpu.vector_store %arg7[%swap3A_2687, %swap3A_2688], %swap3A_2691 {strides = array<i32>} : memref<512x64xf32, #tpu.memory_space<vmem>>, vector<1x16xf32>,
      %slice3A_2692 = vector.extract_strided_slice %get3A_427 {offsets = [7], sizes = [1], strides = [1]} : vector<16xi32> to vector<1xi32>
      %squeeze3A_2693 = vector.extract %slice3A_2692[0] : i32 from vector<1xi32>
      %and3A_2694 = arith.constant 7 : i32
      %and3A_2695 = arith.andi %squeeze3A_2693, %and3A_2694 : i32
      %get3A_2696 = arith.constant 1 : i32
      %get3A_2697 = arith.constant 7 : i32
      %get3A_2698 = arith.index_cast %get3A_2696 : i32 to index
      %get3A_2699 = arith.index_cast %get3A_2697 : i32 to index
      %get3A_2700 = arith.index_cast %and3A_2695 : i32 to index
      %get3A_2701 = arith.constant 0 : index
      %get3A_2702 = tpu.vector_load %arg6[%get3A_2698, %get3A_2699, %get3A_2700, %get3A_2701] {strides = array<i32>} : memref<2x16x8x64xf32, #tpu.memory_space<vmem>>, vector<1x1x1x16xf32>,
      %get3A_2703 = vector.shape_cast %get3A_2702 : vector<1x1x1x16xf32> to vector<16xf32>
      %add3A_2704 = arith.constant 7 : i32
      %add3A_2705 = arith.addi %mul3A_2019, %add3A_2704 : i32
      %swap3A_2706 = arith.index_cast %add3A_2705 : i32 to index
      %swap3A_2707 = arith.constant 0 : index
      %swap3A_2708 = tpu.vector_load %arg7[%swap3A_2706, %swap3A_2707] {strides = array<i32>} : memref<512x64xf32, #tpu.memory_space<vmem>>, vector<1x16xf32>,
      %swap3A_2709 = vector.shape_cast %swap3A_2708 : vector<1x16xf32> to vector<16xf32>
      %swap3A_2710 = vector.shape_cast %get3A_2703 : vector<16xf32> to vector<1x16xf32>
      tpu.vector_store %arg7[%swap3A_2706, %swap3A_2707], %swap3A_2710 {strides = array<i32>} : memref<512x64xf32, #tpu.memory_space<vmem>>, vector<1x16xf32>,
      %get3A_2711 = arith.constant 1 : i32
      %get3A_2712 = arith.constant 7 : i32
      %get3A_2713 = arith.index_cast %get3A_2711 : i32 to index
      %get3A_2714 = arith.index_cast %get3A_2712 : i32 to index
      %get3A_2715 = arith.index_cast %and3A_2695 : i32 to index
      %get3A_2716 = arith.constant 16 : index
      %get3A_2717 = tpu.vector_load %arg6[%get3A_2713, %get3A_2714, %get3A_2715, %get3A_2716] {strides = array<i32>} : memref<2x16x8x64xf32, #tpu.memory_space<vmem>>, vector<1x1x1x16xf32>,
      %get3A_2718 = vector.shape_cast %get3A_2717 : vector<1x1x1x16xf32> to vector<16xf32>
      %add3A_2719 = arith.constant 7 : i32
      %add3A_2720 = arith.addi %mul3A_2019, %add3A_2719 : i32
      %swap3A_2721 = arith.index_cast %add3A_2720 : i32 to index
      %swap3A_2722 = arith.constant 16 : index
      %swap3A_2723 = tpu.vector_load %arg7[%swap3A_2721, %swap3A_2722] {strides = array<i32>} : memref<512x64xf32, #tpu.memory_space<vmem>>, vector<1x16xf32>,
      %swap3A_2724 = vector.shape_cast %swap3A_2723 : vector<1x16xf32> to vector<16xf32>
      %swap3A_2725 = vector.shape_cast %get3A_2718 : vector<16xf32> to vector<1x16xf32>
      tpu.vector_store %arg7[%swap3A_2721, %swap3A_2722], %swap3A_2725 {strides = array<i32>} : memref<512x64xf32, #tpu.memory_space<vmem>>, vector<1x16xf32>,
      %get3A_2726 = arith.constant 1 : i32
      %get3A_2727 = arith.constant 7 : i32
      %get3A_2728 = arith.index_cast %get3A_2726 : i32 to index
      %get3A_2729 = arith.index_cast %get3A_2727 : i32 to index
      %get3A_2730 = arith.index_cast %and3A_2695 : i32 to index
      %get3A_2731 = arith.constant 32 : index
      %get3A_2732 = tpu.vector_load %arg6[%get3A_2728, %get3A_2729, %get3A_2730, %get3A_2731] {strides = array<i32>} : memref<2x16x8x64xf32, #tpu.memory_space<vmem>>, vector<1x1x1x16xf32>,
      %get3A_2733 = vector.shape_cast %get3A_2732 : vector<1x1x1x16xf32> to vector<16xf32>
      %add3A_2734 = arith.constant 7 : i32
      %add3A_2735 = arith.addi %mul3A_2019, %add3A_2734 : i32
      %swap3A_2736 = arith.index_cast %add3A_2735 : i32 to index
      %swap3A_2737 = arith.constant 32 : index
      %swap3A_2738 = tpu.vector_load %arg7[%swap3A_2736, %swap3A_2737] {strides = array<i32>} : memref<512x64xf32, #tpu.memory_space<vmem>>, vector<1x16xf32>,
      %swap3A_2739 = vector.shape_cast %swap3A_2738 : vector<1x16xf32> to vector<16xf32>
      %swap3A_2740 = vector.shape_cast %get3A_2733 : vector<16xf32> to vector<1x16xf32>
      tpu.vector_store %arg7[%swap3A_2736, %swap3A_2737], %swap3A_2740 {strides = array<i32>} : memref<512x64xf32, #tpu.memory_space<vmem>>, vector<1x16xf32>,
      %get3A_2741 = arith.constant 1 : i32
      %get3A_2742 = arith.constant 7 : i32
      %get3A_2743 = arith.index_cast %get3A_2741 : i32 to index
      %get3A_2744 = arith.index_cast %get3A_2742 : i32 to index
      %get3A_2745 = arith.index_cast %and3A_2695 : i32 to index
      %get3A_2746 = arith.constant 48 : index
      %get3A_2747 = tpu.vector_load %arg6[%get3A_2743, %get3A_2744, %get3A_2745, %get3A_2746] {strides = array<i32>} : memref<2x16x8x64xf32, #tpu.memory_space<vmem>>, vector<1x1x1x16xf32>,
      %get3A_2748 = vector.shape_cast %get3A_2747 : vector<1x1x1x16xf32> to vector<16xf32>
      %add3A_2749 = arith.constant 7 : i32
      %add3A_2750 = arith.addi %mul3A_2019, %add3A_2749 : i32
      %swap3A_2751 = arith.index_cast %add3A_2750 : i32 to index
      %swap3A_2752 = arith.constant 48 : index
      %swap3A_2753 = tpu.vector_load %arg7[%swap3A_2751, %swap3A_2752] {strides = array<i32>} : memref<512x64xf32, #tpu.memory_space<vmem>>, vector<1x16xf32>,
      %swap3A_2754 = vector.shape_cast %swap3A_2753 : vector<1x16xf32> to vector<16xf32>
      %swap3A_2755 = vector.shape_cast %get3A_2748 : vector<16xf32> to vector<1x16xf32>
      tpu.vector_store %arg7[%swap3A_2751, %swap3A_2752], %swap3A_2755 {strides = array<i32>} : memref<512x64xf32, #tpu.memory_space<vmem>>, vector<1x16xf32>,
      %slice3A_2756 = vector.extract_strided_slice %get3A_427 {offsets = [8], sizes = [1], strides = [1]} : vector<16xi32> to vector<1xi32>
      %squeeze3A_2757 = vector.extract %slice3A_2756[0] : i32 from vector<1xi32>
      %and3A_2758 = arith.constant 7 : i32
      %and3A_2759 = arith.andi %squeeze3A_2757, %and3A_2758 : i32
      %get3A_2760 = arith.constant 1 : i32
      %get3A_2761 = arith.constant 8 : i32
      %get3A_2762 = arith.index_cast %get3A_2760 : i32 to index
      %get3A_2763 = arith.index_cast %get3A_2761 : i32 to index
      %get3A_2764 = arith.index_cast %and3A_2759 : i32 to index
      %get3A_2765 = arith.constant 0 : index
      %get3A_2766 = tpu.vector_load %arg6[%get3A_2762, %get3A_2763, %get3A_2764, %get3A_2765] {strides = array<i32>} : memref<2x16x8x64xf32, #tpu.memory_space<vmem>>, vector<1x1x1x16xf32>,
      %get3A_2767 = vector.shape_cast %get3A_2766 : vector<1x1x1x16xf32> to vector<16xf32>
      %add3A_2768 = arith.constant 8 : i32
      %add3A_2769 = arith.addi %mul3A_2019, %add3A_2768 : i32
      %swap3A_2770 = arith.index_cast %add3A_2769 : i32 to index
      %swap3A_2771 = arith.constant 0 : index
      %swap3A_2772 = tpu.vector_load %arg7[%swap3A_2770, %swap3A_2771] {strides = array<i32>} : memref<512x64xf32, #tpu.memory_space<vmem>>, vector<1x16xf32>,
      %swap3A_2773 = vector.shape_cast %swap3A_2772 : vector<1x16xf32> to vector<16xf32>
      %swap3A_2774 = vector.shape_cast %get3A_2767 : vector<16xf32> to vector<1x16xf32>
      tpu.vector_store %arg7[%swap3A_2770, %swap3A_2771], %swap3A_2774 {strides = array<i32>} : memref<512x64xf32, #tpu.memory_space<vmem>>, vector<1x16xf32>,
      %get3A_2775 = arith.constant 1 : i32
      %get3A_2776 = arith.constant 8 : i32
      %get3A_2777 = arith.index_cast %get3A_2775 : i32 to index
      %get3A_2778 = arith.index_cast %get3A_2776 : i32 to index
      %get3A_2779 = arith.index_cast %and3A_2759 : i32 to index
      %get3A_2780 = arith.constant 16 : index
      %get3A_2781 = tpu.vector_load %arg6[%get3A_2777, %get3A_2778, %get3A_2779, %get3A_2780] {strides = array<i32>} : memref<2x16x8x64xf32, #tpu.memory_space<vmem>>, vector<1x1x1x16xf32>,
      %get3A_2782 = vector.shape_cast %get3A_2781 : vector<1x1x1x16xf32> to vector<16xf32>
      %add3A_2783 = arith.constant 8 : i32
      %add3A_2784 = arith.addi %mul3A_2019, %add3A_2783 : i32
      %swap3A_2785 = arith.index_cast %add3A_2784 : i32 to index
      %swap3A_2786 = arith.constant 16 : index
      %swap3A_2787 = tpu.vector_load %arg7[%swap3A_2785, %swap3A_2786] {strides = array<i32>} : memref<512x64xf32, #tpu.memory_space<vmem>>, vector<1x16xf32>,
      %swap3A_2788 = vector.shape_cast %swap3A_2787 : vector<1x16xf32> to vector<16xf32>
      %swap3A_2789 = vector.shape_cast %get3A_2782 : vector<16xf32> to vector<1x16xf32>
      tpu.vector_store %arg7[%swap3A_2785, %swap3A_2786], %swap3A_2789 {strides = array<i32>} : memref<512x64xf32, #tpu.memory_space<vmem>>, vector<1x16xf32>,
      %get3A_2790 = arith.constant 1 : i32
      %get3A_2791 = arith.constant 8 : i32
      %get3A_2792 = arith.index_cast %get3A_2790 : i32 to index
      %get3A_2793 = arith.index_cast %get3A_2791 : i32 to index
      %get3A_2794 = arith.index_cast %and3A_2759 : i32 to index
      %get3A_2795 = arith.constant 32 : index
      %get3A_2796 = tpu.vector_load %arg6[%get3A_2792, %get3A_2793, %get3A_2794, %get3A_2795] {strides = array<i32>} : memref<2x16x8x64xf32, #tpu.memory_space<vmem>>, vector<1x1x1x16xf32>,
      %get3A_2797 = vector.shape_cast %get3A_2796 : vector<1x1x1x16xf32> to vector<16xf32>
      %add3A_2798 = arith.constant 8 : i32
      %add3A_2799 = arith.addi %mul3A_2019, %add3A_2798 : i32
      %swap3A_2800 = arith.index_cast %add3A_2799 : i32 to index
      %swap3A_2801 = arith.constant 32 : index
      %swap3A_2802 = tpu.vector_load %arg7[%swap3A_2800, %swap3A_2801] {strides = array<i32>} : memref<512x64xf32, #tpu.memory_space<vmem>>, vector<1x16xf32>,
      %swap3A_2803 = vector.shape_cast %swap3A_2802 : vector<1x16xf32> to vector<16xf32>
      %swap3A_2804 = vector.shape_cast %get3A_2797 : vector<16xf32> to vector<1x16xf32>
      tpu.vector_store %arg7[%swap3A_2800, %swap3A_2801], %swap3A_2804 {strides = array<i32>} : memref<512x64xf32, #tpu.memory_space<vmem>>, vector<1x16xf32>,
      %get3A_2805 = arith.constant 1 : i32
      %get3A_2806 = arith.constant 8 : i32
      %get3A_2807 = arith.index_cast %get3A_2805 : i32 to index
      %get3A_2808 = arith.index_cast %get3A_2806 : i32 to index
      %get3A_2809 = arith.index_cast %and3A_2759 : i32 to index
      %get3A_2810 = arith.constant 48 : index
      %get3A_2811 = tpu.vector_load %arg6[%get3A_2807, %get3A_2808, %get3A_2809, %get3A_2810] {strides = array<i32>} : memref<2x16x8x64xf32, #tpu.memory_space<vmem>>, vector<1x1x1x16xf32>,
      %get3A_2812 = vector.shape_cast %get3A_2811 : vector<1x1x1x16xf32> to vector<16xf32>
      %add3A_2813 = arith.constant 8 : i32
      %add3A_2814 = arith.addi %mul3A_2019, %add3A_2813 : i32
      %swap3A_2815 = arith.index_cast %add3A_2814 : i32 to index
      %swap3A_2816 = arith.constant 48 : index
      %swap3A_2817 = tpu.vector_load %arg7[%swap3A_2815, %swap3A_2816] {strides = array<i32>} : memref<512x64xf32, #tpu.memory_space<vmem>>, vector<1x16xf32>,
      %swap3A_2818 = vector.shape_cast %swap3A_2817 : vector<1x16xf32> to vector<16xf32>
      %swap3A_2819 = vector.shape_cast %get3A_2812 : vector<16xf32> to vector<1x16xf32>
      tpu.vector_store %arg7[%swap3A_2815, %swap3A_2816], %swap3A_2819 {strides = array<i32>} : memref<512x64xf32, #tpu.memory_space<vmem>>, vector<1x16xf32>,
      %slice3A_2820 = vector.extract_strided_slice %get3A_427 {offsets = [9], sizes = [1], strides = [1]} : vector<16xi32> to vector<1xi32>
      %squeeze3A_2821 = vector.extract %slice3A_2820[0] : i32 from vector<1xi32>
      %and3A_2822 = arith.constant 7 : i32
      %and3A_2823 = arith.andi %squeeze3A_2821, %and3A_2822 : i32
      %get3A_2824 = arith.constant 1 : i32
      %get3A_2825 = arith.constant 9 : i32
      %get3A_2826 = arith.index_cast %get3A_2824 : i32 to index
      %get3A_2827 = arith.index_cast %get3A_2825 : i32 to index
      %get3A_2828 = arith.index_cast %and3A_2823 : i32 to index
      %get3A_2829 = arith.constant 0 : index
      %get3A_2830 = tpu.vector_load %arg6[%get3A_2826, %get3A_2827, %get3A_2828, %get3A_2829] {strides = array<i32>} : memref<2x16x8x64xf32, #tpu.memory_space<vmem>>, vector<1x1x1x16xf32>,
      %get3A_2831 = vector.shape_cast %get3A_2830 : vector<1x1x1x16xf32> to vector<16xf32>
      %add3A_2832 = arith.constant 9 : i32
      %add3A_2833 = arith.addi %mul3A_2019, %add3A_2832 : i32
      %swap3A_2834 = arith.index_cast %add3A_2833 : i32 to index
      %swap3A_2835 = arith.constant 0 : index
      %swap3A_2836 = tpu.vector_load %arg7[%swap3A_2834, %swap3A_2835] {strides = array<i32>} : memref<512x64xf32, #tpu.memory_space<vmem>>, vector<1x16xf32>,
      %swap3A_2837 = vector.shape_cast %swap3A_2836 : vector<1x16xf32> to vector<16xf32>
      %swap3A_2838 = vector.shape_cast %get3A_2831 : vector<16xf32> to vector<1x16xf32>
      tpu.vector_store %arg7[%swap3A_2834, %swap3A_2835], %swap3A_2838 {strides = array<i32>} : memref<512x64xf32, #tpu.memory_space<vmem>>, vector<1x16xf32>,
      %get3A_2839 = arith.constant 1 : i32
      %get3A_2840 = arith.constant 9 : i32
      %get3A_2841 = arith.index_cast %get3A_2839 : i32 to index
      %get3A_2842 = arith.index_cast %get3A_2840 : i32 to index
      %get3A_2843 = arith.index_cast %and3A_2823 : i32 to index
      %get3A_2844 = arith.constant 16 : index
      %get3A_2845 = tpu.vector_load %arg6[%get3A_2841, %get3A_2842, %get3A_2843, %get3A_2844] {strides = array<i32>} : memref<2x16x8x64xf32, #tpu.memory_space<vmem>>, vector<1x1x1x16xf32>,
      %get3A_2846 = vector.shape_cast %get3A_2845 : vector<1x1x1x16xf32> to vector<16xf32>
      %add3A_2847 = arith.constant 9 : i32
      %add3A_2848 = arith.addi %mul3A_2019, %add3A_2847 : i32
      %swap3A_2849 = arith.index_cast %add3A_2848 : i32 to index
      %swap3A_2850 = arith.constant 16 : index
      %swap3A_2851 = tpu.vector_load %arg7[%swap3A_2849, %swap3A_2850] {strides = array<i32>} : memref<512x64xf32, #tpu.memory_space<vmem>>, vector<1x16xf32>,
      %swap3A_2852 = vector.shape_cast %swap3A_2851 : vector<1x16xf32> to vector<16xf32>
      %swap3A_2853 = vector.shape_cast %get3A_2846 : vector<16xf32> to vector<1x16xf32>
      tpu.vector_store %arg7[%swap3A_2849, %swap3A_2850], %swap3A_2853 {strides = array<i32>} : memref<512x64xf32, #tpu.memory_space<vmem>>, vector<1x16xf32>,
      %get3A_2854 = arith.constant 1 : i32
      %get3A_2855 = arith.constant 9 : i32
      %get3A_2856 = arith.index_cast %get3A_2854 : i32 to index
      %get3A_2857 = arith.index_cast %get3A_2855 : i32 to index
      %get3A_2858 = arith.index_cast %and3A_2823 : i32 to index
      %get3A_2859 = arith.constant 32 : index
      %get3A_2860 = tpu.vector_load %arg6[%get3A_2856, %get3A_2857, %get3A_2858, %get3A_2859] {strides = array<i32>} : memref<2x16x8x64xf32, #tpu.memory_space<vmem>>, vector<1x1x1x16xf32>,
      %get3A_2861 = vector.shape_cast %get3A_2860 : vector<1x1x1x16xf32> to vector<16xf32>
      %add3A_2862 = arith.constant 9 : i32
      %add3A_2863 = arith.addi %mul3A_2019, %add3A_2862 : i32
      %swap3A_2864 = arith.index_cast %add3A_2863 : i32 to index
      %swap3A_2865 = arith.constant 32 : index
      %swap3A_2866 = tpu.vector_load %arg7[%swap3A_2864, %swap3A_2865] {strides = array<i32>} : memref<512x64xf32, #tpu.memory_space<vmem>>, vector<1x16xf32>,
      %swap3A_2867 = vector.shape_cast %swap3A_2866 : vector<1x16xf32> to vector<16xf32>
      %swap3A_2868 = vector.shape_cast %get3A_2861 : vector<16xf32> to vector<1x16xf32>
      tpu.vector_store %arg7[%swap3A_2864, %swap3A_2865], %swap3A_2868 {strides = array<i32>} : memref<512x64xf32, #tpu.memory_space<vmem>>, vector<1x16xf32>,
      %get3A_2869 = arith.constant 1 : i32
      %get3A_2870 = arith.constant 9 : i32
      %get3A_2871 = arith.index_cast %get3A_2869 : i32 to index
      %get3A_2872 = arith.index_cast %get3A_2870 : i32 to index
      %get3A_2873 = arith.index_cast %and3A_2823 : i32 to index
      %get3A_2874 = arith.constant 48 : index
      %get3A_2875 = tpu.vector_load %arg6[%get3A_2871, %get3A_2872, %get3A_2873, %get3A_2874] {strides = array<i32>} : memref<2x16x8x64xf32, #tpu.memory_space<vmem>>, vector<1x1x1x16xf32>,
      %get3A_2876 = vector.shape_cast %get3A_2875 : vector<1x1x1x16xf32> to vector<16xf32>
      %add3A_2877 = arith.constant 9 : i32
      %add3A_2878 = arith.addi %mul3A_2019, %add3A_2877 : i32
      %swap3A_2879 = arith.index_cast %add3A_2878 : i32 to index
      %swap3A_2880 = arith.constant 48 : index
      %swap3A_2881 = tpu.vector_load %arg7[%swap3A_2879, %swap3A_2880] {strides = array<i32>} : memref<512x64xf32, #tpu.memory_space<vmem>>, vector<1x16xf32>,
      %swap3A_2882 = vector.shape_cast %swap3A_2881 : vector<1x16xf32> to vector<16xf32>
      %swap3A_2883 = vector.shape_cast %get3A_2876 : vector<16xf32> to vector<1x16xf32>
      tpu.vector_store %arg7[%swap3A_2879, %swap3A_2880], %swap3A_2883 {strides = array<i32>} : memref<512x64xf32, #tpu.memory_space<vmem>>, vector<1x16xf32>,
      %slice3A_2884 = vector.extract_strided_slice %get3A_427 {offsets = [10], sizes = [1], strides = [1]} : vector<16xi32> to vector<1xi32>
      %squeeze3A_2885 = vector.extract %slice3A_2884[0] : i32 from vector<1xi32>
      %and3A_2886 = arith.constant 7 : i32
      %and3A_2887 = arith.andi %squeeze3A_2885, %and3A_2886 : i32
      %get3A_2888 = arith.constant 1 : i32
      %get3A_2889 = arith.constant 10 : i32
      %get3A_2890 = arith.index_cast %get3A_2888 : i32 to index
      %get3A_2891 = arith.index_cast %get3A_2889 : i32 to index
      %get3A_2892 = arith.index_cast %and3A_2887 : i32 to index
      %get3A_2893 = arith.constant 0 : index
      %get3A_2894 = tpu.vector_load %arg6[%get3A_2890, %get3A_2891, %get3A_2892, %get3A_2893] {strides = array<i32>} : memref<2x16x8x64xf32, #tpu.memory_space<vmem>>, vector<1x1x1x16xf32>,
      %get3A_2895 = vector.shape_cast %get3A_2894 : vector<1x1x1x16xf32> to vector<16xf32>
      %add3A_2896 = arith.constant 10 : i32
      %add3A_2897 = arith.addi %mul3A_2019, %add3A_2896 : i32
      %swap3A_2898 = arith.index_cast %add3A_2897 : i32 to index
      %swap3A_2899 = arith.constant 0 : index
      %swap3A_2900 = tpu.vector_load %arg7[%swap3A_2898, %swap3A_2899] {strides = array<i32>} : memref<512x64xf32, #tpu.memory_space<vmem>>, vector<1x16xf32>,
      %swap3A_2901 = vector.shape_cast %swap3A_2900 : vector<1x16xf32> to vector<16xf32>
      %swap3A_2902 = vector.shape_cast %get3A_2895 : vector<16xf32> to vector<1x16xf32>
      tpu.vector_store %arg7[%swap3A_2898, %swap3A_2899], %swap3A_2902 {strides = array<i32>} : memref<512x64xf32, #tpu.memory_space<vmem>>, vector<1x16xf32>,
      %get3A_2903 = arith.constant 1 : i32
      %get3A_2904 = arith.constant 10 : i32
      %get3A_2905 = arith.index_cast %get3A_2903 : i32 to index
      %get3A_2906 = arith.index_cast %get3A_2904 : i32 to index
      %get3A_2907 = arith.index_cast %and3A_2887 : i32 to index
      %get3A_2908 = arith.constant 16 : index
      %get3A_2909 = tpu.vector_load %arg6[%get3A_2905, %get3A_2906, %get3A_2907, %get3A_2908] {strides = array<i32>} : memref<2x16x8x64xf32, #tpu.memory_space<vmem>>, vector<1x1x1x16xf32>,
      %get3A_2910 = vector.shape_cast %get3A_2909 : vector<1x1x1x16xf32> to vector<16xf32>
      %add3A_2911 = arith.constant 10 : i32
      %add3A_2912 = arith.addi %mul3A_2019, %add3A_2911 : i32
      %swap3A_2913 = arith.index_cast %add3A_2912 : i32 to index
      %swap3A_2914 = arith.constant 16 : index
      %swap3A_2915 = tpu.vector_load %arg7[%swap3A_2913, %swap3A_2914] {strides = array<i32>} : memref<512x64xf32, #tpu.memory_space<vmem>>, vector<1x16xf32>,
      %swap3A_2916 = vector.shape_cast %swap3A_2915 : vector<1x16xf32> to vector<16xf32>
      %swap3A_2917 = vector.shape_cast %get3A_2910 : vector<16xf32> to vector<1x16xf32>
      tpu.vector_store %arg7[%swap3A_2913, %swap3A_2914], %swap3A_2917 {strides = array<i32>} : memref<512x64xf32, #tpu.memory_space<vmem>>, vector<1x16xf32>,
      %get3A_2918 = arith.constant 1 : i32
      %get3A_2919 = arith.constant 10 : i32
      %get3A_2920 = arith.index_cast %get3A_2918 : i32 to index
      %get3A_2921 = arith.index_cast %get3A_2919 : i32 to index
      %get3A_2922 = arith.index_cast %and3A_2887 : i32 to index
      %get3A_2923 = arith.constant 32 : index
      %get3A_2924 = tpu.vector_load %arg6[%get3A_2920, %get3A_2921, %get3A_2922, %get3A_2923] {strides = array<i32>} : memref<2x16x8x64xf32, #tpu.memory_space<vmem>>, vector<1x1x1x16xf32>,
      %get3A_2925 = vector.shape_cast %get3A_2924 : vector<1x1x1x16xf32> to vector<16xf32>
      %add3A_2926 = arith.constant 10 : i32
      %add3A_2927 = arith.addi %mul3A_2019, %add3A_2926 : i32
      %swap3A_2928 = arith.index_cast %add3A_2927 : i32 to index
      %swap3A_2929 = arith.constant 32 : index
      %swap3A_2930 = tpu.vector_load %arg7[%swap3A_2928, %swap3A_2929] {strides = array<i32>} : memref<512x64xf32, #tpu.memory_space<vmem>>, vector<1x16xf32>,
      %swap3A_2931 = vector.shape_cast %swap3A_2930 : vector<1x16xf32> to vector<16xf32>
      %swap3A_2932 = vector.shape_cast %get3A_2925 : vector<16xf32> to vector<1x16xf32>
      tpu.vector_store %arg7[%swap3A_2928, %swap3A_2929], %swap3A_2932 {strides = array<i32>} : memref<512x64xf32, #tpu.memory_space<vmem>>, vector<1x16xf32>,
      %get3A_2933 = arith.constant 1 : i32
      %get3A_2934 = arith.constant 10 : i32
      %get3A_2935 = arith.index_cast %get3A_2933 : i32 to index
      %get3A_2936 = arith.index_cast %get3A_2934 : i32 to index
      %get3A_2937 = arith.index_cast %and3A_2887 : i32 to index
      %get3A_2938 = arith.constant 48 : index
      %get3A_2939 = tpu.vector_load %arg6[%get3A_2935, %get3A_2936, %get3A_2937, %get3A_2938] {strides = array<i32>} : memref<2x16x8x64xf32, #tpu.memory_space<vmem>>, vector<1x1x1x16xf32>,
      %get3A_2940 = vector.shape_cast %get3A_2939 : vector<1x1x1x16xf32> to vector<16xf32>
      %add3A_2941 = arith.constant 10 : i32
      %add3A_2942 = arith.addi %mul3A_2019, %add3A_2941 : i32
      %swap3A_2943 = arith.index_cast %add3A_2942 : i32 to index
      %swap3A_2944 = arith.constant 48 : index
      %swap3A_2945 = tpu.vector_load %arg7[%swap3A_2943, %swap3A_2944] {strides = array<i32>} : memref<512x64xf32, #tpu.memory_space<vmem>>, vector<1x16xf32>,
      %swap3A_2946 = vector.shape_cast %swap3A_2945 : vector<1x16xf32> to vector<16xf32>
      %swap3A_2947 = vector.shape_cast %get3A_2940 : vector<16xf32> to vector<1x16xf32>
      tpu.vector_store %arg7[%swap3A_2943, %swap3A_2944], %swap3A_2947 {strides = array<i32>} : memref<512x64xf32, #tpu.memory_space<vmem>>, vector<1x16xf32>,
      %slice3A_2948 = vector.extract_strided_slice %get3A_427 {offsets = [11], sizes = [1], strides = [1]} : vector<16xi32> to vector<1xi32>
      %squeeze3A_2949 = vector.extract %slice3A_2948[0] : i32 from vector<1xi32>
      %and3A_2950 = arith.constant 7 : i32
      %and3A_2951 = arith.andi %squeeze3A_2949, %and3A_2950 : i32
      %get3A_2952 = arith.constant 1 : i32
      %get3A_2953 = arith.constant 11 : i32
      %get3A_2954 = arith.index_cast %get3A_2952 : i32 to index
      %get3A_2955 = arith.index_cast %get3A_2953 : i32 to index
      %get3A_2956 = arith.index_cast %and3A_2951 : i32 to index
      %get3A_2957 = arith.constant 0 : index
      %get3A_2958 = tpu.vector_load %arg6[%get3A_2954, %get3A_2955, %get3A_2956, %get3A_2957] {strides = array<i32>} : memref<2x16x8x64xf32, #tpu.memory_space<vmem>>, vector<1x1x1x16xf32>,
      %get3A_2959 = vector.shape_cast %get3A_2958 : vector<1x1x1x16xf32> to vector<16xf32>
      %add3A_2960 = arith.constant 11 : i32
      %add3A_2961 = arith.addi %mul3A_2019, %add3A_2960 : i32
      %swap3A_2962 = arith.index_cast %add3A_2961 : i32 to index
      %swap3A_2963 = arith.constant 0 : index
      %swap3A_2964 = tpu.vector_load %arg7[%swap3A_2962, %swap3A_2963] {strides = array<i32>} : memref<512x64xf32, #tpu.memory_space<vmem>>, vector<1x16xf32>,
      %swap3A_2965 = vector.shape_cast %swap3A_2964 : vector<1x16xf32> to vector<16xf32>
      %swap3A_2966 = vector.shape_cast %get3A_2959 : vector<16xf32> to vector<1x16xf32>
      tpu.vector_store %arg7[%swap3A_2962, %swap3A_2963], %swap3A_2966 {strides = array<i32>} : memref<512x64xf32, #tpu.memory_space<vmem>>, vector<1x16xf32>,
      %get3A_2967 = arith.constant 1 : i32
      %get3A_2968 = arith.constant 11 : i32
      %get3A_2969 = arith.index_cast %get3A_2967 : i32 to index
      %get3A_2970 = arith.index_cast %get3A_2968 : i32 to index
      %get3A_2971 = arith.index_cast %and3A_2951 : i32 to index
      %get3A_2972 = arith.constant 16 : index
      %get3A_2973 = tpu.vector_load %arg6[%get3A_2969, %get3A_2970, %get3A_2971, %get3A_2972] {strides = array<i32>} : memref<2x16x8x64xf32, #tpu.memory_space<vmem>>, vector<1x1x1x16xf32>,
      %get3A_2974 = vector.shape_cast %get3A_2973 : vector<1x1x1x16xf32> to vector<16xf32>
      %add3A_2975 = arith.constant 11 : i32
      %add3A_2976 = arith.addi %mul3A_2019, %add3A_2975 : i32
      %swap3A_2977 = arith.index_cast %add3A_2976 : i32 to index
      %swap3A_2978 = arith.constant 16 : index
      %swap3A_2979 = tpu.vector_load %arg7[%swap3A_2977, %swap3A_2978] {strides = array<i32>} : memref<512x64xf32, #tpu.memory_space<vmem>>, vector<1x16xf32>,
      %swap3A_2980 = vector.shape_cast %swap3A_2979 : vector<1x16xf32> to vector<16xf32>
      %swap3A_2981 = vector.shape_cast %get3A_2974 : vector<16xf32> to vector<1x16xf32>
      tpu.vector_store %arg7[%swap3A_2977, %swap3A_2978], %swap3A_2981 {strides = array<i32>} : memref<512x64xf32, #tpu.memory_space<vmem>>, vector<1x16xf32>,
      %get3A_2982 = arith.constant 1 : i32
      %get3A_2983 = arith.constant 11 : i32
      %get3A_2984 = arith.index_cast %get3A_2982 : i32 to index
      %get3A_2985 = arith.index_cast %get3A_2983 : i32 to index
      %get3A_2986 = arith.index_cast %and3A_2951 : i32 to index
      %get3A_2987 = arith.constant 32 : index
      %get3A_2988 = tpu.vector_load %arg6[%get3A_2984, %get3A_2985, %get3A_2986, %get3A_2987] {strides = array<i32>} : memref<2x16x8x64xf32, #tpu.memory_space<vmem>>, vector<1x1x1x16xf32>,
      %get3A_2989 = vector.shape_cast %get3A_2988 : vector<1x1x1x16xf32> to vector<16xf32>
      %add3A_2990 = arith.constant 11 : i32
      %add3A_2991 = arith.addi %mul3A_2019, %add3A_2990 : i32
      %swap3A_2992 = arith.index_cast %add3A_2991 : i32 to index
      %swap3A_2993 = arith.constant 32 : index
      %swap3A_2994 = tpu.vector_load %arg7[%swap3A_2992, %swap3A_2993] {strides = array<i32>} : memref<512x64xf32, #tpu.memory_space<vmem>>, vector<1x16xf32>,
      %swap3A_2995 = vector.shape_cast %swap3A_2994 : vector<1x16xf32> to vector<16xf32>
      %swap3A_2996 = vector.shape_cast %get3A_2989 : vector<16xf32> to vector<1x16xf32>
      tpu.vector_store %arg7[%swap3A_2992, %swap3A_2993], %swap3A_2996 {strides = array<i32>} : memref<512x64xf32, #tpu.memory_space<vmem>>, vector<1x16xf32>,
      %get3A_2997 = arith.constant 1 : i32
      %get3A_2998 = arith.constant 11 : i32
      %get3A_2999 = arith.index_cast %get3A_2997 : i32 to index
      %get3A_3000 = arith.index_cast %get3A_2998 : i32 to index
      %get3A_3001 = arith.index_cast %and3A_2951 : i32 to index
      %get3A_3002 = arith.constant 48 : index
      %get3A_3003 = tpu.vector_load %arg6[%get3A_2999, %get3A_3000, %get3A_3001, %get3A_3002] {strides = array<i32>} : memref<2x16x8x64xf32, #tpu.memory_space<vmem>>, vector<1x1x1x16xf32>,
      %get3A_3004 = vector.shape_cast %get3A_3003 : vector<1x1x1x16xf32> to vector<16xf32>
      %add3A_3005 = arith.constant 11 : i32
      %add3A_3006 = arith.addi %mul3A_2019, %add3A_3005 : i32
      %swap3A_3007 = arith.index_cast %add3A_3006 : i32 to index
      %swap3A_3008 = arith.constant 48 : index
      %swap3A_3009 = tpu.vector_load %arg7[%swap3A_3007, %swap3A_3008] {strides = array<i32>} : memref<512x64xf32, #tpu.memory_space<vmem>>, vector<1x16xf32>,
      %swap3A_3010 = vector.shape_cast %swap3A_3009 : vector<1x16xf32> to vector<16xf32>
      %swap3A_3011 = vector.shape_cast %get3A_3004 : vector<16xf32> to vector<1x16xf32>
      tpu.vector_store %arg7[%swap3A_3007, %swap3A_3008], %swap3A_3011 {strides = array<i32>} : memref<512x64xf32, #tpu.memory_space<vmem>>, vector<1x16xf32>,
      %slice3A_3012 = vector.extract_strided_slice %get3A_427 {offsets = [12], sizes = [1], strides = [1]} : vector<16xi32> to vector<1xi32>
      %squeeze3A_3013 = vector.extract %slice3A_3012[0] : i32 from vector<1xi32>
      %and3A_3014 = arith.constant 7 : i32
      %and3A_3015 = arith.andi %squeeze3A_3013, %and3A_3014 : i32
      %get3A_3016 = arith.constant 1 : i32
      %get3A_3017 = arith.constant 12 : i32
      %get3A_3018 = arith.index_cast %get3A_3016 : i32 to index
      %get3A_3019 = arith.index_cast %get3A_3017 : i32 to index
      %get3A_3020 = arith.index_cast %and3A_3015 : i32 to index
      %get3A_3021 = arith.constant 0 : index
      %get3A_3022 = tpu.vector_load %arg6[%get3A_3018, %get3A_3019, %get3A_3020, %get3A_3021] {strides = array<i32>} : memref<2x16x8x64xf32, #tpu.memory_space<vmem>>, vector<1x1x1x16xf32>,
      %get3A_3023 = vector.shape_cast %get3A_3022 : vector<1x1x1x16xf32> to vector<16xf32>
      %add3A_3024 = arith.constant 12 : i32
      %add3A_3025 = arith.addi %mul3A_2019, %add3A_3024 : i32
      %swap3A_3026 = arith.index_cast %add3A_3025 : i32 to index
      %swap3A_3027 = arith.constant 0 : index
      %swap3A_3028 = tpu.vector_load %arg7[%swap3A_3026, %swap3A_3027] {strides = array<i32>} : memref<512x64xf32, #tpu.memory_space<vmem>>, vector<1x16xf32>,
      %swap3A_3029 = vector.shape_cast %swap3A_3028 : vector<1x16xf32> to vector<16xf32>
      %swap3A_3030 = vector.shape_cast %get3A_3023 : vector<16xf32> to vector<1x16xf32>
      tpu.vector_store %arg7[%swap3A_3026, %swap3A_3027], %swap3A_3030 {strides = array<i32>} : memref<512x64xf32, #tpu.memory_space<vmem>>, vector<1x16xf32>,
      %get3A_3031 = arith.constant 1 : i32
      %get3A_3032 = arith.constant 12 : i32
      %get3A_3033 = arith.index_cast %get3A_3031 : i32 to index
      %get3A_3034 = arith.index_cast %get3A_3032 : i32 to index
      %get3A_3035 = arith.index_cast %and3A_3015 : i32 to index
      %get3A_3036 = arith.constant 16 : index
      %get3A_3037 = tpu.vector_load %arg6[%get3A_3033, %get3A_3034, %get3A_3035, %get3A_3036] {strides = array<i32>} : memref<2x16x8x64xf32, #tpu.memory_space<vmem>>, vector<1x1x1x16xf32>,
      %get3A_3038 = vector.shape_cast %get3A_3037 : vector<1x1x1x16xf32> to vector<16xf32>
      %add3A_3039 = arith.constant 12 : i32
      %add3A_3040 = arith.addi %mul3A_2019, %add3A_3039 : i32
      %swap3A_3041 = arith.index_cast %add3A_3040 : i32 to index
      %swap3A_3042 = arith.constant 16 : index
      %swap3A_3043 = tpu.vector_load %arg7[%swap3A_3041, %swap3A_3042] {strides = array<i32>} : memref<512x64xf32, #tpu.memory_space<vmem>>, vector<1x16xf32>,
      %swap3A_3044 = vector.shape_cast %swap3A_3043 : vector<1x16xf32> to vector<16xf32>
      %swap3A_3045 = vector.shape_cast %get3A_3038 : vector<16xf32> to vector<1x16xf32>
      tpu.vector_store %arg7[%swap3A_3041, %swap3A_3042], %swap3A_3045 {strides = array<i32>} : memref<512x64xf32, #tpu.memory_space<vmem>>, vector<1x16xf32>,
      %get3A_3046 = arith.constant 1 : i32
      %get3A_3047 = arith.constant 12 : i32
      %get3A_3048 = arith.index_cast %get3A_3046 : i32 to index
      %get3A_3049 = arith.index_cast %get3A_3047 : i32 to index
      %get3A_3050 = arith.index_cast %and3A_3015 : i32 to index
      %get3A_3051 = arith.constant 32 : index
      %get3A_3052 = tpu.vector_load %arg6[%get3A_3048, %get3A_3049, %get3A_3050, %get3A_3051] {strides = array<i32>} : memref<2x16x8x64xf32, #tpu.memory_space<vmem>>, vector<1x1x1x16xf32>,
      %get3A_3053 = vector.shape_cast %get3A_3052 : vector<1x1x1x16xf32> to vector<16xf32>
      %add3A_3054 = arith.constant 12 : i32
      %add3A_3055 = arith.addi %mul3A_2019, %add3A_3054 : i32
      %swap3A_3056 = arith.index_cast %add3A_3055 : i32 to index
      %swap3A_3057 = arith.constant 32 : index
      %swap3A_3058 = tpu.vector_load %arg7[%swap3A_3056, %swap3A_3057] {strides = array<i32>} : memref<512x64xf32, #tpu.memory_space<vmem>>, vector<1x16xf32>,
      %swap3A_3059 = vector.shape_cast %swap3A_3058 : vector<1x16xf32> to vector<16xf32>
      %swap3A_3060 = vector.shape_cast %get3A_3053 : vector<16xf32> to vector<1x16xf32>
      tpu.vector_store %arg7[%swap3A_3056, %swap3A_3057], %swap3A_3060 {strides = array<i32>} : memref<512x64xf32, #tpu.memory_space<vmem>>, vector<1x16xf32>,
      %get3A_3061 = arith.constant 1 : i32
      %get3A_3062 = arith.constant 12 : i32
      %get3A_3063 = arith.index_cast %get3A_3061 : i32 to index
      %get3A_3064 = arith.index_cast %get3A_3062 : i32 to index
      %get3A_3065 = arith.index_cast %and3A_3015 : i32 to index
      %get3A_3066 = arith.constant 48 : index
      %get3A_3067 = tpu.vector_load %arg6[%get3A_3063, %get3A_3064, %get3A_3065, %get3A_3066] {strides = array<i32>} : memref<2x16x8x64xf32, #tpu.memory_space<vmem>>, vector<1x1x1x16xf32>,
      %get3A_3068 = vector.shape_cast %get3A_3067 : vector<1x1x1x16xf32> to vector<16xf32>
      %add3A_3069 = arith.constant 12 : i32
      %add3A_3070 = arith.addi %mul3A_2019, %add3A_3069 : i32
      %swap3A_3071 = arith.index_cast %add3A_3070 : i32 to index
      %swap3A_3072 = arith.constant 48 : index
      %swap3A_3073 = tpu.vector_load %arg7[%swap3A_3071, %swap3A_3072] {strides = array<i32>} : memref<512x64xf32, #tpu.memory_space<vmem>>, vector<1x16xf32>,
      %swap3A_3074 = vector.shape_cast %swap3A_3073 : vector<1x16xf32> to vector<16xf32>
      %swap3A_3075 = vector.shape_cast %get3A_3068 : vector<16xf32> to vector<1x16xf32>
      tpu.vector_store %arg7[%swap3A_3071, %swap3A_3072], %swap3A_3075 {strides = array<i32>} : memref<512x64xf32, #tpu.memory_space<vmem>>, vector<1x16xf32>,
      %slice3A_3076 = vector.extract_strided_slice %get3A_427 {offsets = [13], sizes = [1], strides = [1]} : vector<16xi32> to vector<1xi32>
      %squeeze3A_3077 = vector.extract %slice3A_3076[0] : i32 from vector<1xi32>
      %and3A_3078 = arith.constant 7 : i32
      %and3A_3079 = arith.andi %squeeze3A_3077, %and3A_3078 : i32
      %get3A_3080 = arith.constant 1 : i32
      %get3A_3081 = arith.constant 13 : i32
      %get3A_3082 = arith.index_cast %get3A_3080 : i32 to index
      %get3A_3083 = arith.index_cast %get3A_3081 : i32 to index
      %get3A_3084 = arith.index_cast %and3A_3079 : i32 to index
      %get3A_3085 = arith.constant 0 : index
      %get3A_3086 = tpu.vector_load %arg6[%get3A_3082, %get3A_3083, %get3A_3084, %get3A_3085] {strides = array<i32>} : memref<2x16x8x64xf32, #tpu.memory_space<vmem>>, vector<1x1x1x16xf32>,
      %get3A_3087 = vector.shape_cast %get3A_3086 : vector<1x1x1x16xf32> to vector<16xf32>
      %add3A_3088 = arith.constant 13 : i32
      %add3A_3089 = arith.addi %mul3A_2019, %add3A_3088 : i32
      %swap3A_3090 = arith.index_cast %add3A_3089 : i32 to index
      %swap3A_3091 = arith.constant 0 : index
      %swap3A_3092 = tpu.vector_load %arg7[%swap3A_3090, %swap3A_3091] {strides = array<i32>} : memref<512x64xf32, #tpu.memory_space<vmem>>, vector<1x16xf32>,
      %swap3A_3093 = vector.shape_cast %swap3A_3092 : vector<1x16xf32> to vector<16xf32>
      %swap3A_3094 = vector.shape_cast %get3A_3087 : vector<16xf32> to vector<1x16xf32>
      tpu.vector_store %arg7[%swap3A_3090, %swap3A_3091], %swap3A_3094 {strides = array<i32>} : memref<512x64xf32, #tpu.memory_space<vmem>>, vector<1x16xf32>,
      %get3A_3095 = arith.constant 1 : i32
      %get3A_3096 = arith.constant 13 : i32
      %get3A_3097 = arith.index_cast %get3A_3095 : i32 to index
      %get3A_3098 = arith.index_cast %get3A_3096 : i32 to index
      %get3A_3099 = arith.index_cast %and3A_3079 : i32 to index
      %get3A_3100 = arith.constant 16 : index
      %get3A_3101 = tpu.vector_load %arg6[%get3A_3097, %get3A_3098, %get3A_3099, %get3A_3100] {strides = array<i32>} : memref<2x16x8x64xf32, #tpu.memory_space<vmem>>, vector<1x1x1x16xf32>,
      %get3A_3102 = vector.shape_cast %get3A_3101 : vector<1x1x1x16xf32> to vector<16xf32>
      %add3A_3103 = arith.constant 13 : i32
      %add3A_3104 = arith.addi %mul3A_2019, %add3A_3103 : i32
      %swap3A_3105 = arith.index_cast %add3A_3104 : i32 to index
      %swap3A_3106 = arith.constant 16 : index
      %swap3A_3107 = tpu.vector_load %arg7[%swap3A_3105, %swap3A_3106] {strides = array<i32>} : memref<512x64xf32, #tpu.memory_space<vmem>>, vector<1x16xf32>,
      %swap3A_3108 = vector.shape_cast %swap3A_3107 : vector<1x16xf32> to vector<16xf32>
      %swap3A_3109 = vector.shape_cast %get3A_3102 : vector<16xf32> to vector<1x16xf32>
      tpu.vector_store %arg7[%swap3A_3105, %swap3A_3106], %swap3A_3109 {strides = array<i32>} : memref<512x64xf32, #tpu.memory_space<vmem>>, vector<1x16xf32>,
      %get3A_3110 = arith.constant 1 : i32
      %get3A_3111 = arith.constant 13 : i32
      %get3A_3112 = arith.index_cast %get3A_3110 : i32 to index
      %get3A_3113 = arith.index_cast %get3A_3111 : i32 to index
      %get3A_3114 = arith.index_cast %and3A_3079 : i32 to index
      %get3A_3115 = arith.constant 32 : index
      %get3A_3116 = tpu.vector_load %arg6[%get3A_3112, %get3A_3113, %get3A_3114, %get3A_3115] {strides = array<i32>} : memref<2x16x8x64xf32, #tpu.memory_space<vmem>>, vector<1x1x1x16xf32>,
      %get3A_3117 = vector.shape_cast %get3A_3116 : vector<1x1x1x16xf32> to vector<16xf32>
      %add3A_3118 = arith.constant 13 : i32
      %add3A_3119 = arith.addi %mul3A_2019, %add3A_3118 : i32
      %swap3A_3120 = arith.index_cast %add3A_3119 : i32 to index
      %swap3A_3121 = arith.constant 32 : index
      %swap3A_3122 = tpu.vector_load %arg7[%swap3A_3120, %swap3A_3121] {strides = array<i32>} : memref<512x64xf32, #tpu.memory_space<vmem>>, vector<1x16xf32>,
      %swap3A_3123 = vector.shape_cast %swap3A_3122 : vector<1x16xf32> to vector<16xf32>
      %swap3A_3124 = vector.shape_cast %get3A_3117 : vector<16xf32> to vector<1x16xf32>
      tpu.vector_store %arg7[%swap3A_3120, %swap3A_3121], %swap3A_3124 {strides = array<i32>} : memref<512x64xf32, #tpu.memory_space<vmem>>, vector<1x16xf32>,
      %get3A_3125 = arith.constant 1 : i32
      %get3A_3126 = arith.constant 13 : i32
      %get3A_3127 = arith.index_cast %get3A_3125 : i32 to index
      %get3A_3128 = arith.index_cast %get3A_3126 : i32 to index
      %get3A_3129 = arith.index_cast %and3A_3079 : i32 to index
      %get3A_3130 = arith.constant 48 : index
      %get3A_3131 = tpu.vector_load %arg6[%get3A_3127, %get3A_3128, %get3A_3129, %get3A_3130] {strides = array<i32>} : memref<2x16x8x64xf32, #tpu.memory_space<vmem>>, vector<1x1x1x16xf32>,
      %get3A_3132 = vector.shape_cast %get3A_3131 : vector<1x1x1x16xf32> to vector<16xf32>
      %add3A_3133 = arith.constant 13 : i32
      %add3A_3134 = arith.addi %mul3A_2019, %add3A_3133 : i32
      %swap3A_3135 = arith.index_cast %add3A_3134 : i32 to index
      %swap3A_3136 = arith.constant 48 : index
      %swap3A_3137 = tpu.vector_load %arg7[%swap3A_3135, %swap3A_3136] {strides = array<i32>} : memref<512x64xf32, #tpu.memory_space<vmem>>, vector<1x16xf32>,
      %swap3A_3138 = vector.shape_cast %swap3A_3137 : vector<1x16xf32> to vector<16xf32>
      %swap3A_3139 = vector.shape_cast %get3A_3132 : vector<16xf32> to vector<1x16xf32>
      tpu.vector_store %arg7[%swap3A_3135, %swap3A_3136], %swap3A_3139 {strides = array<i32>} : memref<512x64xf32, #tpu.memory_space<vmem>>, vector<1x16xf32>,
      %slice3A_3140 = vector.extract_strided_slice %get3A_427 {offsets = [14], sizes = [1], strides = [1]} : vector<16xi32> to vector<1xi32>
      %squeeze3A_3141 = vector.extract %slice3A_3140[0] : i32 from vector<1xi32>
      %and3A_3142 = arith.constant 7 : i32
      %and3A_3143 = arith.andi %squeeze3A_3141, %and3A_3142 : i32
      %get3A_3144 = arith.constant 1 : i32
      %get3A_3145 = arith.constant 14 : i32
      %get3A_3146 = arith.index_cast %get3A_3144 : i32 to index
      %get3A_3147 = arith.index_cast %get3A_3145 : i32 to index
      %get3A_3148 = arith.index_cast %and3A_3143 : i32 to index
      %get3A_3149 = arith.constant 0 : index
      %get3A_3150 = tpu.vector_load %arg6[%get3A_3146, %get3A_3147, %get3A_3148, %get3A_3149] {strides = array<i32>} : memref<2x16x8x64xf32, #tpu.memory_space<vmem>>, vector<1x1x1x16xf32>,
      %get3A_3151 = vector.shape_cast %get3A_3150 : vector<1x1x1x16xf32> to vector<16xf32>
      %add3A_3152 = arith.constant 14 : i32
      %add3A_3153 = arith.addi %mul3A_2019, %add3A_3152 : i32
      %swap3A_3154 = arith.index_cast %add3A_3153 : i32 to index
      %swap3A_3155 = arith.constant 0 : index
      %swap3A_3156 = tpu.vector_load %arg7[%swap3A_3154, %swap3A_3155] {strides = array<i32>} : memref<512x64xf32, #tpu.memory_space<vmem>>, vector<1x16xf32>,
      %swap3A_3157 = vector.shape_cast %swap3A_3156 : vector<1x16xf32> to vector<16xf32>
      %swap3A_3158 = vector.shape_cast %get3A_3151 : vector<16xf32> to vector<1x16xf32>
      tpu.vector_store %arg7[%swap3A_3154, %swap3A_3155], %swap3A_3158 {strides = array<i32>} : memref<512x64xf32, #tpu.memory_space<vmem>>, vector<1x16xf32>,
      %get3A_3159 = arith.constant 1 : i32
      %get3A_3160 = arith.constant 14 : i32
      %get3A_3161 = arith.index_cast %get3A_3159 : i32 to index
      %get3A_3162 = arith.index_cast %get3A_3160 : i32 to index
      %get3A_3163 = arith.index_cast %and3A_3143 : i32 to index
      %get3A_3164 = arith.constant 16 : index
      %get3A_3165 = tpu.vector_load %arg6[%get3A_3161, %get3A_3162, %get3A_3163, %get3A_3164] {strides = array<i32>} : memref<2x16x8x64xf32, #tpu.memory_space<vmem>>, vector<1x1x1x16xf32>,
      %get3A_3166 = vector.shape_cast %get3A_3165 : vector<1x1x1x16xf32> to vector<16xf32>
      %add3A_3167 = arith.constant 14 : i32
      %add3A_3168 = arith.addi %mul3A_2019, %add3A_3167 : i32
      %swap3A_3169 = arith.index_cast %add3A_3168 : i32 to index
      %swap3A_3170 = arith.constant 16 : index
      %swap3A_3171 = tpu.vector_load %arg7[%swap3A_3169, %swap3A_3170] {strides = array<i32>} : memref<512x64xf32, #tpu.memory_space<vmem>>, vector<1x16xf32>,
      %swap3A_3172 = vector.shape_cast %swap3A_3171 : vector<1x16xf32> to vector<16xf32>
      %swap3A_3173 = vector.shape_cast %get3A_3166 : vector<16xf32> to vector<1x16xf32>
      tpu.vector_store %arg7[%swap3A_3169, %swap3A_3170], %swap3A_3173 {strides = array<i32>} : memref<512x64xf32, #tpu.memory_space<vmem>>, vector<1x16xf32>,
      %get3A_3174 = arith.constant 1 : i32
      %get3A_3175 = arith.constant 14 : i32
      %get3A_3176 = arith.index_cast %get3A_3174 : i32 to index
      %get3A_3177 = arith.index_cast %get3A_3175 : i32 to index
      %get3A_3178 = arith.index_cast %and3A_3143 : i32 to index
      %get3A_3179 = arith.constant 32 : index
      %get3A_3180 = tpu.vector_load %arg6[%get3A_3176, %get3A_3177, %get3A_3178, %get3A_3179] {strides = array<i32>} : memref<2x16x8x64xf32, #tpu.memory_space<vmem>>, vector<1x1x1x16xf32>,
      %get3A_3181 = vector.shape_cast %get3A_3180 : vector<1x1x1x16xf32> to vector<16xf32>
      %add3A_3182 = arith.constant 14 : i32
      %add3A_3183 = arith.addi %mul3A_2019, %add3A_3182 : i32
      %swap3A_3184 = arith.index_cast %add3A_3183 : i32 to index
      %swap3A_3185 = arith.constant 32 : index
      %swap3A_3186 = tpu.vector_load %arg7[%swap3A_3184, %swap3A_3185] {strides = array<i32>} : memref<512x64xf32, #tpu.memory_space<vmem>>, vector<1x16xf32>,
      %swap3A_3187 = vector.shape_cast %swap3A_3186 : vector<1x16xf32> to vector<16xf32>
      %swap3A_3188 = vector.shape_cast %get3A_3181 : vector<16xf32> to vector<1x16xf32>
      tpu.vector_store %arg7[%swap3A_3184, %swap3A_3185], %swap3A_3188 {strides = array<i32>} : memref<512x64xf32, #tpu.memory_space<vmem>>, vector<1x16xf32>,
      %get3A_3189 = arith.constant 1 : i32
      %get3A_3190 = arith.constant 14 : i32
      %get3A_3191 = arith.index_cast %get3A_3189 : i32 to index
      %get3A_3192 = arith.index_cast %get3A_3190 : i32 to index
      %get3A_3193 = arith.index_cast %and3A_3143 : i32 to index
      %get3A_3194 = arith.constant 48 : index
      %get3A_3195 = tpu.vector_load %arg6[%get3A_3191, %get3A_3192, %get3A_3193, %get3A_3194] {strides = array<i32>} : memref<2x16x8x64xf32, #tpu.memory_space<vmem>>, vector<1x1x1x16xf32>,
      %get3A_3196 = vector.shape_cast %get3A_3195 : vector<1x1x1x16xf32> to vector<16xf32>
      %add3A_3197 = arith.constant 14 : i32
      %add3A_3198 = arith.addi %mul3A_2019, %add3A_3197 : i32
      %swap3A_3199 = arith.index_cast %add3A_3198 : i32 to index
      %swap3A_3200 = arith.constant 48 : index
      %swap3A_3201 = tpu.vector_load %arg7[%swap3A_3199, %swap3A_3200] {strides = array<i32>} : memref<512x64xf32, #tpu.memory_space<vmem>>, vector<1x16xf32>,
      %swap3A_3202 = vector.shape_cast %swap3A_3201 : vector<1x16xf32> to vector<16xf32>
      %swap3A_3203 = vector.shape_cast %get3A_3196 : vector<16xf32> to vector<1x16xf32>
      tpu.vector_store %arg7[%swap3A_3199, %swap3A_3200], %swap3A_3203 {strides = array<i32>} : memref<512x64xf32, #tpu.memory_space<vmem>>, vector<1x16xf32>,
      %slice3A_3204 = vector.extract_strided_slice %get3A_427 {offsets = [15], sizes = [1], strides = [1]} : vector<16xi32> to vector<1xi32>
      %squeeze3A_3205 = vector.extract %slice3A_3204[0] : i32 from vector<1xi32>
      %and3A_3206 = arith.constant 7 : i32
      %and3A_3207 = arith.andi %squeeze3A_3205, %and3A_3206 : i32
      %get3A_3208 = arith.constant 1 : i32
      %get3A_3209 = arith.constant 15 : i32
      %get3A_3210 = arith.index_cast %get3A_3208 : i32 to index
      %get3A_3211 = arith.index_cast %get3A_3209 : i32 to index
      %get3A_3212 = arith.index_cast %and3A_3207 : i32 to index
      %get3A_3213 = arith.constant 0 : index
      %get3A_3214 = tpu.vector_load %arg6[%get3A_3210, %get3A_3211, %get3A_3212, %get3A_3213] {strides = array<i32>} : memref<2x16x8x64xf32, #tpu.memory_space<vmem>>, vector<1x1x1x16xf32>,
      %get3A_3215 = vector.shape_cast %get3A_3214 : vector<1x1x1x16xf32> to vector<16xf32>
      %add3A_3216 = arith.constant 15 : i32
      %add3A_3217 = arith.addi %mul3A_2019, %add3A_3216 : i32
      %swap3A_3218 = arith.index_cast %add3A_3217 : i32 to index
      %swap3A_3219 = arith.constant 0 : index
      %swap3A_3220 = tpu.vector_load %arg7[%swap3A_3218, %swap3A_3219] {strides = array<i32>} : memref<512x64xf32, #tpu.memory_space<vmem>>, vector<1x16xf32>,
      %swap3A_3221 = vector.shape_cast %swap3A_3220 : vector<1x16xf32> to vector<16xf32>
      %swap3A_3222 = vector.shape_cast %get3A_3215 : vector<16xf32> to vector<1x16xf32>
      tpu.vector_store %arg7[%swap3A_3218, %swap3A_3219], %swap3A_3222 {strides = array<i32>} : memref<512x64xf32, #tpu.memory_space<vmem>>, vector<1x16xf32>,
      %get3A_3223 = arith.constant 1 : i32
      %get3A_3224 = arith.constant 15 : i32
      %get3A_3225 = arith.index_cast %get3A_3223 : i32 to index
      %get3A_3226 = arith.index_cast %get3A_3224 : i32 to index
      %get3A_3227 = arith.index_cast %and3A_3207 : i32 to index
      %get3A_3228 = arith.constant 16 : index
      %get3A_3229 = tpu.vector_load %arg6[%get3A_3225, %get3A_3226, %get3A_3227, %get3A_3228] {strides = array<i32>} : memref<2x16x8x64xf32, #tpu.memory_space<vmem>>, vector<1x1x1x16xf32>,
      %get3A_3230 = vector.shape_cast %get3A_3229 : vector<1x1x1x16xf32> to vector<16xf32>
      %add3A_3231 = arith.constant 15 : i32
      %add3A_3232 = arith.addi %mul3A_2019, %add3A_3231 : i32
      %swap3A_3233 = arith.index_cast %add3A_3232 : i32 to index
      %swap3A_3234 = arith.constant 16 : index
      %swap3A_3235 = tpu.vector_load %arg7[%swap3A_3233, %swap3A_3234] {strides = array<i32>} : memref<512x64xf32, #tpu.memory_space<vmem>>, vector<1x16xf32>,
      %swap3A_3236 = vector.shape_cast %swap3A_3235 : vector<1x16xf32> to vector<16xf32>
      %swap3A_3237 = vector.shape_cast %get3A_3230 : vector<16xf32> to vector<1x16xf32>
      tpu.vector_store %arg7[%swap3A_3233, %swap3A_3234], %swap3A_3237 {strides = array<i32>} : memref<512x64xf32, #tpu.memory_space<vmem>>, vector<1x16xf32>,
      %get3A_3238 = arith.constant 1 : i32
      %get3A_3239 = arith.constant 15 : i32
      %get3A_3240 = arith.index_cast %get3A_3238 : i32 to index
      %get3A_3241 = arith.index_cast %get3A_3239 : i32 to index
      %get3A_3242 = arith.index_cast %and3A_3207 : i32 to index
      %get3A_3243 = arith.constant 32 : index
      %get3A_3244 = tpu.vector_load %arg6[%get3A_3240, %get3A_3241, %get3A_3242, %get3A_3243] {strides = array<i32>} : memref<2x16x8x64xf32, #tpu.memory_space<vmem>>, vector<1x1x1x16xf32>,
      %get3A_3245 = vector.shape_cast %get3A_3244 : vector<1x1x1x16xf32> to vector<16xf32>
      %add3A_3246 = arith.constant 15 : i32
      %add3A_3247 = arith.addi %mul3A_2019, %add3A_3246 : i32
      %swap3A_3248 = arith.index_cast %add3A_3247 : i32 to index
      %swap3A_3249 = arith.constant 32 : index
      %swap3A_3250 = tpu.vector_load %arg7[%swap3A_3248, %swap3A_3249] {strides = array<i32>} : memref<512x64xf32, #tpu.memory_space<vmem>>, vector<1x16xf32>,
      %swap3A_3251 = vector.shape_cast %swap3A_3250 : vector<1x16xf32> to vector<16xf32>
      %swap3A_3252 = vector.shape_cast %get3A_3245 : vector<16xf32> to vector<1x16xf32>
      tpu.vector_store %arg7[%swap3A_3248, %swap3A_3249], %swap3A_3252 {strides = array<i32>} : memref<512x64xf32, #tpu.memory_space<vmem>>, vector<1x16xf32>,
      %get3A_3253 = arith.constant 1 : i32
      %get3A_3254 = arith.constant 15 : i32
      %get3A_3255 = arith.index_cast %get3A_3253 : i32 to index
      %get3A_3256 = arith.index_cast %get3A_3254 : i32 to index
      %get3A_3257 = arith.index_cast %and3A_3207 : i32 to index
      %get3A_3258 = arith.constant 48 : index
      %get3A_3259 = tpu.vector_load %arg6[%get3A_3255, %get3A_3256, %get3A_3257, %get3A_3258] {strides = array<i32>} : memref<2x16x8x64xf32, #tpu.memory_space<vmem>>, vector<1x1x1x16xf32>,
      %get3A_3260 = vector.shape_cast %get3A_3259 : vector<1x1x1x16xf32> to vector<16xf32>
      %add3A_3261 = arith.constant 15 : i32
      %add3A_3262 = arith.addi %mul3A_2019, %add3A_3261 : i32
      %swap3A_3263 = arith.index_cast %add3A_3262 : i32 to index
      %swap3A_3264 = arith.constant 48 : index
      %swap3A_3265 = tpu.vector_load %arg7[%swap3A_3263, %swap3A_3264] {strides = array<i32>} : memref<512x64xf32, #tpu.memory_space<vmem>>, vector<1x16xf32>,
      %swap3A_3266 = vector.shape_cast %swap3A_3265 : vector<1x16xf32> to vector<16xf32>
      %swap3A_3267 = vector.shape_cast %get3A_3260 : vector<16xf32> to vector<1x16xf32>
      tpu.vector_store %arg7[%swap3A_3263, %swap3A_3264], %swap3A_3267 {strides = array<i32>} : memref<512x64xf32, #tpu.memory_space<vmem>>, vector<1x16xf32>,
    }
    %scan3A_9 = arith.constant 16 : i32
    "tpu.region"() ({
      %run_scoped3A = tpu.sem_alloc : memref<!tpu.dma_semaphore, #tpu.memory_space<semaphore_mem>>
      %dma_start3A = arith.constant 0 : i32
      %dma_start3A_10 = tpu.memref_slice %arg4[%mul3A_2, %dma_start3A] : memref<16384x64xf32, #tpu.memory_space<hbm>> -> memref<512x64xf32, #tpu.memory_space<hbm>>
      %dma_start3A_11 = arith.constant 0 : i32
      %dma_start3A_12 = tpu.memref_slice %arg4[%mul3A_2, %dma_start3A_11] : memref<16384x64xf32, #tpu.memory_space<hbm>> -> memref<512x64xf32, #tpu.memory_space<hbm>>
      tpu.enqueue_dma source(%arg7 : memref<512x64xf32, #tpu.memory_space<vmem>>) target(%dma_start3A_12 : memref<512x64xf32, #tpu.memory_space<hbm>>) target_semaphore(%run_scoped3A : memref<!tpu.dma_semaphore, #tpu.memory_space<semaphore_mem>>)
      %dma_wait3A = arith.constant 0 : i32
      %dma_wait3A_13 = tpu.memref_slice %arg4[%mul3A_2, %dma_wait3A] : memref<16384x64xf32, #tpu.memory_space<hbm>> -> memref<512x64xf32, #tpu.memory_space<hbm>>
      %dma_wait3A_14 = arith.constant 0 : i32
      %dma_wait3A_15 = tpu.memref_slice %arg4[%mul3A_2, %dma_wait3A_14] : memref<16384x64xf32, #tpu.memory_space<hbm>> -> memref<512x64xf32, #tpu.memory_space<hbm>>
      tpu.wait_dma2 semaphore(%run_scoped3A : memref<!tpu.dma_semaphore, #tpu.memory_space<semaphore_mem>>) src(%arg7 : memref<512x64xf32, #tpu.memory_space<vmem>>) dst(%dma_wait3A_15 : memref<512x64xf32, #tpu.memory_space<hbm>>)
      tpu.yield
    }) : () -> ()
    return
  }
}

#map = affine_map<(d0, d1) -> (0, 0)>
module attributes {stable_mosaic.version = 14 : i64} {
  func.func @_gather12_body(%arg0: i32, %arg1: i32, %arg2: memref<128x128xi32, #tpu.memory_space<hbm>>, %arg3: memref<128x128xi32, #tpu.memory_space<hbm>>, %arg4: memref<100000x64xf32, #tpu.memory_space<hbm>>, %arg5: memref<1000x64xf32, #tpu.memory_space<hbm>>, %arg6: memref<16384x64xf32, #tpu.memory_space<hbm>>, %arg7: memref<16384x64xf32, #tpu.memory_space<hbm>>, %arg8: memref<4x128xi32, #tpu.memory_space<vmem>>, %arg9: memref<4x128xi32, #tpu.memory_space<vmem>>, %arg10: memref<512x64xf32, #tpu.memory_space<vmem>>, %arg11: memref<512x64xf32, #tpu.memory_space<vmem>>, %arg12: memref<!tpu.dma_semaphore, #tpu.memory_space<semaphore_mem>>) attributes {dimension_semantics = [#tpu.dimension_semantics<core_parallel>, #tpu.dimension_semantics<subcore_parallel>], iteration_bounds = array<i64: 2, 16>, scalar_prefetch = 0 : i64, scratch_operands = 5 : i64, tpu.core_type = #tpu.core_type<sc_vector_subcore>, window_params = [{transform_indices = #map}, {transform_indices = #map}, {transform_indices = #map}, {transform_indices = #map}, {transform_indices = #map}, {transform_indices = #map}]} {
    %mul3A = arith.constant 2 : i32
    %mul3A_0 = arith.muli %arg1, %mul3A : i32
    %add3A = arith.addi %mul3A_0, %arg0 : i32
    %mul3A_1 = arith.constant 512 : i32
    %mul3A_2 = arith.muli %add3A, %mul3A_1 : i32
    %mul3A_3 = arith.constant 4 : i32
    %mul3A_4 = arith.muli %add3A, %mul3A_3 : i32
    "tpu.region"() ({
      %run_scoped3A = tpu.sem_alloc : memref<!tpu.dma_semaphore, #tpu.memory_space<semaphore_mem>>
      %dma_start3A_165 = arith.constant 0 : i32
      %dma_start3A_166 = tpu.memref_slice %arg2[%mul3A_4, %dma_start3A_165] : memref<128x128xi32, #tpu.memory_space<hbm>> -> memref<4x128xi32, #tpu.memory_space<hbm>>
      %dma_start3A_167 = arith.constant 0 : i32
      %dma_start3A_168 = tpu.memref_slice %arg2[%mul3A_4, %dma_start3A_167] : memref<128x128xi32, #tpu.memory_space<hbm>> -> memref<4x128xi32, #tpu.memory_space<hbm>>
      tpu.enqueue_dma source(%dma_start3A_168 : memref<4x128xi32, #tpu.memory_space<hbm>>) target(%arg8 : memref<4x128xi32, #tpu.memory_space<vmem>>) target_semaphore(%run_scoped3A : memref<!tpu.dma_semaphore, #tpu.memory_space<semaphore_mem>>)
      %dma_wait3A_169 = arith.constant 0 : i32
      %dma_wait3A_170 = tpu.memref_slice %arg2[%mul3A_4, %dma_wait3A_169] : memref<128x128xi32, #tpu.memory_space<hbm>> -> memref<4x128xi32, #tpu.memory_space<hbm>>
      %dma_wait3A_171 = arith.constant 0 : i32
      %dma_wait3A_172 = tpu.memref_slice %arg2[%mul3A_4, %dma_wait3A_171] : memref<128x128xi32, #tpu.memory_space<hbm>> -> memref<4x128xi32, #tpu.memory_space<hbm>>
      tpu.wait_dma2 semaphore(%run_scoped3A : memref<!tpu.dma_semaphore, #tpu.memory_space<semaphore_mem>>) src(%dma_wait3A_172 : memref<4x128xi32, #tpu.memory_space<hbm>>) dst(%arg8 : memref<4x128xi32, #tpu.memory_space<vmem>>)
      tpu.yield
    }) : () -> ()
    %mul3A_5 = arith.constant 4 : i32
    %mul3A_6 = arith.muli %add3A, %mul3A_5 : i32
    "tpu.region"() ({
      %run_scoped3A = tpu.sem_alloc : memref<!tpu.dma_semaphore, #tpu.memory_space<semaphore_mem>>
      %dma_start3A_165 = arith.constant 0 : i32
      %dma_start3A_166 = tpu.memref_slice %arg3[%mul3A_6, %dma_start3A_165] : memref<128x128xi32, #tpu.memory_space<hbm>> -> memref<4x128xi32, #tpu.memory_space<hbm>>
      %dma_start3A_167 = arith.constant 0 : i32
      %dma_start3A_168 = tpu.memref_slice %arg3[%mul3A_6, %dma_start3A_167] : memref<128x128xi32, #tpu.memory_space<hbm>> -> memref<4x128xi32, #tpu.memory_space<hbm>>
      tpu.enqueue_dma source(%dma_start3A_168 : memref<4x128xi32, #tpu.memory_space<hbm>>) target(%arg9 : memref<4x128xi32, #tpu.memory_space<vmem>>) target_semaphore(%run_scoped3A : memref<!tpu.dma_semaphore, #tpu.memory_space<semaphore_mem>>)
      %dma_wait3A_169 = arith.constant 0 : i32
      %dma_wait3A_170 = tpu.memref_slice %arg3[%mul3A_6, %dma_wait3A_169] : memref<128x128xi32, #tpu.memory_space<hbm>> -> memref<4x128xi32, #tpu.memory_space<hbm>>
      %dma_wait3A_171 = arith.constant 0 : i32
      %dma_wait3A_172 = tpu.memref_slice %arg3[%mul3A_6, %dma_wait3A_171] : memref<128x128xi32, #tpu.memory_space<hbm>> -> memref<4x128xi32, #tpu.memory_space<hbm>>
      tpu.wait_dma2 semaphore(%run_scoped3A : memref<!tpu.dma_semaphore, #tpu.memory_space<semaphore_mem>>) src(%dma_wait3A_172 : memref<4x128xi32, #tpu.memory_space<hbm>>) dst(%arg9 : memref<4x128xi32, #tpu.memory_space<vmem>>)
      tpu.yield
    }) : () -> ()
    %dma_start3A = arith.constant 0 : i32
    %dma_start3A_7 = arith.constant 0 : i32
    %dma_start3A_8 = arith.constant 0 : i32
    %dma_start3A_9 = tpu.memref_slice %arg10[%dma_start3A_7, %dma_start3A_8] : memref<512x64xf32, #tpu.memory_space<vmem>> -> memref<128x64xf32, #tpu.memory_space<vmem>>
    %dma_start3A_10 = arith.constant 0 : i32
    %dma_start3A_11 = tpu.memref_slice %arg8[%dma_start3A, %dma_start3A_10] : memref<4x128xi32, #tpu.memory_space<vmem>> -> memref<1x128xi32, #tpu.memory_space<vmem>>
    %dma_start3A_12 = tpu.memref_squeeze %dma_start3A_11 : memref<1x128xi32, #tpu.memory_space<vmem>> -> memref<128xi32, #tpu.memory_space<vmem>>
    %dma_start3A_13 = arith.constant 0 : i32
    %dma_start3A_14 = arith.constant 0 : i32
    %dma_start3A_15 = tpu.memref_slice %arg4[%dma_start3A_13, %dma_start3A_14] : memref<100000x64xf32, #tpu.memory_space<hbm>> -> memref<100000x64xf32, #tpu.memory_space<hbm>>
    tpu.enqueue_indirect_dma source(%dma_start3A_15 : memref<100000x64xf32, #tpu.memory_space<hbm>>) target(%dma_start3A_9 : memref<128x64xf32, #tpu.memory_space<vmem>>) offsets(%dma_start3A_12 : memref<128xi32, #tpu.memory_space<vmem>>) semaphore(%arg12 : memref<!tpu.dma_semaphore, #tpu.memory_space<semaphore_mem>>)
    %dma_start3A_16 = arith.constant 1 : i32
    %dma_start3A_17 = arith.constant 128 : i32
    %dma_start3A_18 = arith.constant 0 : i32
    %dma_start3A_19 = tpu.memref_slice %arg10[%dma_start3A_17, %dma_start3A_18] : memref<512x64xf32, #tpu.memory_space<vmem>> -> memref<128x64xf32, #tpu.memory_space<vmem>>
    %dma_start3A_20 = arith.constant 0 : i32
    %dma_start3A_21 = tpu.memref_slice %arg8[%dma_start3A_16, %dma_start3A_20] : memref<4x128xi32, #tpu.memory_space<vmem>> -> memref<1x128xi32, #tpu.memory_space<vmem>>
    %dma_start3A_22 = tpu.memref_squeeze %dma_start3A_21 : memref<1x128xi32, #tpu.memory_space<vmem>> -> memref<128xi32, #tpu.memory_space<vmem>>
    %dma_start3A_23 = arith.constant 0 : i32
    %dma_start3A_24 = arith.constant 0 : i32
    %dma_start3A_25 = tpu.memref_slice %arg4[%dma_start3A_23, %dma_start3A_24] : memref<100000x64xf32, #tpu.memory_space<hbm>> -> memref<100000x64xf32, #tpu.memory_space<hbm>>
    tpu.enqueue_indirect_dma source(%dma_start3A_25 : memref<100000x64xf32, #tpu.memory_space<hbm>>) target(%dma_start3A_19 : memref<128x64xf32, #tpu.memory_space<vmem>>) offsets(%dma_start3A_22 : memref<128xi32, #tpu.memory_space<vmem>>) semaphore(%arg12 : memref<!tpu.dma_semaphore, #tpu.memory_space<semaphore_mem>>)
    %dma_start3A_26 = arith.constant 2 : i32
    %dma_start3A_27 = arith.constant 256 : i32
    %dma_start3A_28 = arith.constant 0 : i32
    %dma_start3A_29 = tpu.memref_slice %arg10[%dma_start3A_27, %dma_start3A_28] : memref<512x64xf32, #tpu.memory_space<vmem>> -> memref<128x64xf32, #tpu.memory_space<vmem>>
    %dma_start3A_30 = arith.constant 0 : i32
    %dma_start3A_31 = tpu.memref_slice %arg8[%dma_start3A_26, %dma_start3A_30] : memref<4x128xi32, #tpu.memory_space<vmem>> -> memref<1x128xi32, #tpu.memory_space<vmem>>
    %dma_start3A_32 = tpu.memref_squeeze %dma_start3A_31 : memref<1x128xi32, #tpu.memory_space<vmem>> -> memref<128xi32, #tpu.memory_space<vmem>>
    %dma_start3A_33 = arith.constant 0 : i32
    %dma_start3A_34 = arith.constant 0 : i32
    %dma_start3A_35 = tpu.memref_slice %arg4[%dma_start3A_33, %dma_start3A_34] : memref<100000x64xf32, #tpu.memory_space<hbm>> -> memref<100000x64xf32, #tpu.memory_space<hbm>>
    tpu.enqueue_indirect_dma source(%dma_start3A_35 : memref<100000x64xf32, #tpu.memory_space<hbm>>) target(%dma_start3A_29 : memref<128x64xf32, #tpu.memory_space<vmem>>) offsets(%dma_start3A_32 : memref<128xi32, #tpu.memory_space<vmem>>) semaphore(%arg12 : memref<!tpu.dma_semaphore, #tpu.memory_space<semaphore_mem>>)
    %dma_start3A_36 = arith.constant 3 : i32
    %dma_start3A_37 = arith.constant 384 : i32
    %dma_start3A_38 = arith.constant 0 : i32
    %dma_start3A_39 = tpu.memref_slice %arg10[%dma_start3A_37, %dma_start3A_38] : memref<512x64xf32, #tpu.memory_space<vmem>> -> memref<128x64xf32, #tpu.memory_space<vmem>>
    %dma_start3A_40 = arith.constant 0 : i32
    %dma_start3A_41 = tpu.memref_slice %arg8[%dma_start3A_36, %dma_start3A_40] : memref<4x128xi32, #tpu.memory_space<vmem>> -> memref<1x128xi32, #tpu.memory_space<vmem>>
    %dma_start3A_42 = tpu.memref_squeeze %dma_start3A_41 : memref<1x128xi32, #tpu.memory_space<vmem>> -> memref<128xi32, #tpu.memory_space<vmem>>
    %dma_start3A_43 = arith.constant 0 : i32
    %dma_start3A_44 = arith.constant 0 : i32
    %dma_start3A_45 = tpu.memref_slice %arg4[%dma_start3A_43, %dma_start3A_44] : memref<100000x64xf32, #tpu.memory_space<hbm>> -> memref<100000x64xf32, #tpu.memory_space<hbm>>
    tpu.enqueue_indirect_dma source(%dma_start3A_45 : memref<100000x64xf32, #tpu.memory_space<hbm>>) target(%dma_start3A_39 : memref<128x64xf32, #tpu.memory_space<vmem>>) offsets(%dma_start3A_42 : memref<128xi32, #tpu.memory_space<vmem>>) semaphore(%arg12 : memref<!tpu.dma_semaphore, #tpu.memory_space<semaphore_mem>>)
    %dma_start3A_46 = arith.constant 0 : i32
    %dma_start3A_47 = arith.constant 0 : i32
    %dma_start3A_48 = arith.constant 0 : i32
    %dma_start3A_49 = tpu.memref_slice %arg11[%dma_start3A_47, %dma_start3A_48] : memref<512x64xf32, #tpu.memory_space<vmem>> -> memref<128x64xf32, #tpu.memory_space<vmem>>
    %dma_start3A_50 = arith.constant 0 : i32
    %dma_start3A_51 = tpu.memref_slice %arg9[%dma_start3A_46, %dma_start3A_50] : memref<4x128xi32, #tpu.memory_space<vmem>> -> memref<1x128xi32, #tpu.memory_space<vmem>>
    %dma_start3A_52 = tpu.memref_squeeze %dma_start3A_51 : memref<1x128xi32, #tpu.memory_space<vmem>> -> memref<128xi32, #tpu.memory_space<vmem>>
    %dma_start3A_53 = arith.constant 0 : i32
    %dma_start3A_54 = arith.constant 0 : i32
    %dma_start3A_55 = tpu.memref_slice %arg5[%dma_start3A_53, %dma_start3A_54] : memref<1000x64xf32, #tpu.memory_space<hbm>> -> memref<1000x64xf32, #tpu.memory_space<hbm>>
    tpu.enqueue_indirect_dma source(%dma_start3A_55 : memref<1000x64xf32, #tpu.memory_space<hbm>>) target(%dma_start3A_49 : memref<128x64xf32, #tpu.memory_space<vmem>>) offsets(%dma_start3A_52 : memref<128xi32, #tpu.memory_space<vmem>>) semaphore(%arg12 : memref<!tpu.dma_semaphore, #tpu.memory_space<semaphore_mem>>)
    %dma_start3A_56 = arith.constant 1 : i32
    %dma_start3A_57 = arith.constant 128 : i32
    %dma_start3A_58 = arith.constant 0 : i32
    %dma_start3A_59 = tpu.memref_slice %arg11[%dma_start3A_57, %dma_start3A_58] : memref<512x64xf32, #tpu.memory_space<vmem>> -> memref<128x64xf32, #tpu.memory_space<vmem>>
    %dma_start3A_60 = arith.constant 0 : i32
    %dma_start3A_61 = tpu.memref_slice %arg9[%dma_start3A_56, %dma_start3A_60] : memref<4x128xi32, #tpu.memory_space<vmem>> -> memref<1x128xi32, #tpu.memory_space<vmem>>
    %dma_start3A_62 = tpu.memref_squeeze %dma_start3A_61 : memref<1x128xi32, #tpu.memory_space<vmem>> -> memref<128xi32, #tpu.memory_space<vmem>>
    %dma_start3A_63 = arith.constant 0 : i32
    %dma_start3A_64 = arith.constant 0 : i32
    %dma_start3A_65 = tpu.memref_slice %arg5[%dma_start3A_63, %dma_start3A_64] : memref<1000x64xf32, #tpu.memory_space<hbm>> -> memref<1000x64xf32, #tpu.memory_space<hbm>>
    tpu.enqueue_indirect_dma source(%dma_start3A_65 : memref<1000x64xf32, #tpu.memory_space<hbm>>) target(%dma_start3A_59 : memref<128x64xf32, #tpu.memory_space<vmem>>) offsets(%dma_start3A_62 : memref<128xi32, #tpu.memory_space<vmem>>) semaphore(%arg12 : memref<!tpu.dma_semaphore, #tpu.memory_space<semaphore_mem>>)
    %dma_start3A_66 = arith.constant 2 : i32
    %dma_start3A_67 = arith.constant 256 : i32
    %dma_start3A_68 = arith.constant 0 : i32
    %dma_start3A_69 = tpu.memref_slice %arg11[%dma_start3A_67, %dma_start3A_68] : memref<512x64xf32, #tpu.memory_space<vmem>> -> memref<128x64xf32, #tpu.memory_space<vmem>>
    %dma_start3A_70 = arith.constant 0 : i32
    %dma_start3A_71 = tpu.memref_slice %arg9[%dma_start3A_66, %dma_start3A_70] : memref<4x128xi32, #tpu.memory_space<vmem>> -> memref<1x128xi32, #tpu.memory_space<vmem>>
    %dma_start3A_72 = tpu.memref_squeeze %dma_start3A_71 : memref<1x128xi32, #tpu.memory_space<vmem>> -> memref<128xi32, #tpu.memory_space<vmem>>
    %dma_start3A_73 = arith.constant 0 : i32
    %dma_start3A_74 = arith.constant 0 : i32
    %dma_start3A_75 = tpu.memref_slice %arg5[%dma_start3A_73, %dma_start3A_74] : memref<1000x64xf32, #tpu.memory_space<hbm>> -> memref<1000x64xf32, #tpu.memory_space<hbm>>
    tpu.enqueue_indirect_dma source(%dma_start3A_75 : memref<1000x64xf32, #tpu.memory_space<hbm>>) target(%dma_start3A_69 : memref<128x64xf32, #tpu.memory_space<vmem>>) offsets(%dma_start3A_72 : memref<128xi32, #tpu.memory_space<vmem>>) semaphore(%arg12 : memref<!tpu.dma_semaphore, #tpu.memory_space<semaphore_mem>>)
    %dma_start3A_76 = arith.constant 3 : i32
    %dma_start3A_77 = arith.constant 384 : i32
    %dma_start3A_78 = arith.constant 0 : i32
    %dma_start3A_79 = tpu.memref_slice %arg11[%dma_start3A_77, %dma_start3A_78] : memref<512x64xf32, #tpu.memory_space<vmem>> -> memref<128x64xf32, #tpu.memory_space<vmem>>
    %dma_start3A_80 = arith.constant 0 : i32
    %dma_start3A_81 = tpu.memref_slice %arg9[%dma_start3A_76, %dma_start3A_80] : memref<4x128xi32, #tpu.memory_space<vmem>> -> memref<1x128xi32, #tpu.memory_space<vmem>>
    %dma_start3A_82 = tpu.memref_squeeze %dma_start3A_81 : memref<1x128xi32, #tpu.memory_space<vmem>> -> memref<128xi32, #tpu.memory_space<vmem>>
    %dma_start3A_83 = arith.constant 0 : i32
    %dma_start3A_84 = arith.constant 0 : i32
    %dma_start3A_85 = tpu.memref_slice %arg5[%dma_start3A_83, %dma_start3A_84] : memref<1000x64xf32, #tpu.memory_space<hbm>> -> memref<1000x64xf32, #tpu.memory_space<hbm>>
    tpu.enqueue_indirect_dma source(%dma_start3A_85 : memref<1000x64xf32, #tpu.memory_space<hbm>>) target(%dma_start3A_79 : memref<128x64xf32, #tpu.memory_space<vmem>>) offsets(%dma_start3A_82 : memref<128xi32, #tpu.memory_space<vmem>>) semaphore(%arg12 : memref<!tpu.dma_semaphore, #tpu.memory_space<semaphore_mem>>)
    %dma_wait3A = arith.constant 0 : i32
    %dma_wait3A_86 = arith.constant 0 : i32
    %dma_wait3A_87 = arith.constant 0 : i32
    %dma_wait3A_88 = tpu.memref_slice %arg10[%dma_wait3A_86, %dma_wait3A_87] : memref<512x64xf32, #tpu.memory_space<vmem>> -> memref<128x64xf32, #tpu.memory_space<vmem>>
    %dma_wait3A_89 = arith.constant 0 : i32
    %dma_wait3A_90 = tpu.memref_slice %arg8[%dma_wait3A, %dma_wait3A_89] : memref<4x128xi32, #tpu.memory_space<vmem>> -> memref<1x128xi32, #tpu.memory_space<vmem>>
    %dma_wait3A_91 = tpu.memref_squeeze %dma_wait3A_90 : memref<1x128xi32, #tpu.memory_space<vmem>> -> memref<128xi32, #tpu.memory_space<vmem>>
    %dma_wait3A_92 = arith.constant 0 : i32
    %dma_wait3A_93 = arith.constant 0 : i32
    %dma_wait3A_94 = tpu.memref_slice %arg4[%dma_wait3A_92, %dma_wait3A_93] : memref<100000x64xf32, #tpu.memory_space<hbm>> -> memref<100000x64xf32, #tpu.memory_space<hbm>>
    tpu.wait_indirect_dma semaphore(%arg12 : memref<!tpu.dma_semaphore, #tpu.memory_space<semaphore_mem>>) src(%dma_wait3A_94 : memref<100000x64xf32, #tpu.memory_space<hbm>>) dst(%dma_wait3A_88 : memref<128x64xf32, #tpu.memory_space<vmem>>)
    %dma_wait3A_95 = arith.constant 1 : i32
    %dma_wait3A_96 = arith.constant 128 : i32
    %dma_wait3A_97 = arith.constant 0 : i32
    %dma_wait3A_98 = tpu.memref_slice %arg10[%dma_wait3A_96, %dma_wait3A_97] : memref<512x64xf32, #tpu.memory_space<vmem>> -> memref<128x64xf32, #tpu.memory_space<vmem>>
    %dma_wait3A_99 = arith.constant 0 : i32
    %dma_wait3A_100 = tpu.memref_slice %arg8[%dma_wait3A_95, %dma_wait3A_99] : memref<4x128xi32, #tpu.memory_space<vmem>> -> memref<1x128xi32, #tpu.memory_space<vmem>>
    %dma_wait3A_101 = tpu.memref_squeeze %dma_wait3A_100 : memref<1x128xi32, #tpu.memory_space<vmem>> -> memref<128xi32, #tpu.memory_space<vmem>>
    %dma_wait3A_102 = arith.constant 0 : i32
    %dma_wait3A_103 = arith.constant 0 : i32
    %dma_wait3A_104 = tpu.memref_slice %arg4[%dma_wait3A_102, %dma_wait3A_103] : memref<100000x64xf32, #tpu.memory_space<hbm>> -> memref<100000x64xf32, #tpu.memory_space<hbm>>
    tpu.wait_indirect_dma semaphore(%arg12 : memref<!tpu.dma_semaphore, #tpu.memory_space<semaphore_mem>>) src(%dma_wait3A_104 : memref<100000x64xf32, #tpu.memory_space<hbm>>) dst(%dma_wait3A_98 : memref<128x64xf32, #tpu.memory_space<vmem>>)
    %dma_wait3A_105 = arith.constant 2 : i32
    %dma_wait3A_106 = arith.constant 256 : i32
    %dma_wait3A_107 = arith.constant 0 : i32
    %dma_wait3A_108 = tpu.memref_slice %arg10[%dma_wait3A_106, %dma_wait3A_107] : memref<512x64xf32, #tpu.memory_space<vmem>> -> memref<128x64xf32, #tpu.memory_space<vmem>>
    %dma_wait3A_109 = arith.constant 0 : i32
    %dma_wait3A_110 = tpu.memref_slice %arg8[%dma_wait3A_105, %dma_wait3A_109] : memref<4x128xi32, #tpu.memory_space<vmem>> -> memref<1x128xi32, #tpu.memory_space<vmem>>
    %dma_wait3A_111 = tpu.memref_squeeze %dma_wait3A_110 : memref<1x128xi32, #tpu.memory_space<vmem>> -> memref<128xi32, #tpu.memory_space<vmem>>
    %dma_wait3A_112 = arith.constant 0 : i32
    %dma_wait3A_113 = arith.constant 0 : i32
    %dma_wait3A_114 = tpu.memref_slice %arg4[%dma_wait3A_112, %dma_wait3A_113] : memref<100000x64xf32, #tpu.memory_space<hbm>> -> memref<100000x64xf32, #tpu.memory_space<hbm>>
    tpu.wait_indirect_dma semaphore(%arg12 : memref<!tpu.dma_semaphore, #tpu.memory_space<semaphore_mem>>) src(%dma_wait3A_114 : memref<100000x64xf32, #tpu.memory_space<hbm>>) dst(%dma_wait3A_108 : memref<128x64xf32, #tpu.memory_space<vmem>>)
    %dma_wait3A_115 = arith.constant 3 : i32
    %dma_wait3A_116 = arith.constant 384 : i32
    %dma_wait3A_117 = arith.constant 0 : i32
    %dma_wait3A_118 = tpu.memref_slice %arg10[%dma_wait3A_116, %dma_wait3A_117] : memref<512x64xf32, #tpu.memory_space<vmem>> -> memref<128x64xf32, #tpu.memory_space<vmem>>
    %dma_wait3A_119 = arith.constant 0 : i32
    %dma_wait3A_120 = tpu.memref_slice %arg8[%dma_wait3A_115, %dma_wait3A_119] : memref<4x128xi32, #tpu.memory_space<vmem>> -> memref<1x128xi32, #tpu.memory_space<vmem>>
    %dma_wait3A_121 = tpu.memref_squeeze %dma_wait3A_120 : memref<1x128xi32, #tpu.memory_space<vmem>> -> memref<128xi32, #tpu.memory_space<vmem>>
    %dma_wait3A_122 = arith.constant 0 : i32
    %dma_wait3A_123 = arith.constant 0 : i32
    %dma_wait3A_124 = tpu.memref_slice %arg4[%dma_wait3A_122, %dma_wait3A_123] : memref<100000x64xf32, #tpu.memory_space<hbm>> -> memref<100000x64xf32, #tpu.memory_space<hbm>>
    tpu.wait_indirect_dma semaphore(%arg12 : memref<!tpu.dma_semaphore, #tpu.memory_space<semaphore_mem>>) src(%dma_wait3A_124 : memref<100000x64xf32, #tpu.memory_space<hbm>>) dst(%dma_wait3A_118 : memref<128x64xf32, #tpu.memory_space<vmem>>)
    %dma_wait3A_125 = arith.constant 0 : i32
    %dma_wait3A_126 = arith.constant 0 : i32
    %dma_wait3A_127 = arith.constant 0 : i32
    %dma_wait3A_128 = tpu.memref_slice %arg11[%dma_wait3A_126, %dma_wait3A_127] : memref<512x64xf32, #tpu.memory_space<vmem>> -> memref<128x64xf32, #tpu.memory_space<vmem>>
    %dma_wait3A_129 = arith.constant 0 : i32
    %dma_wait3A_130 = tpu.memref_slice %arg9[%dma_wait3A_125, %dma_wait3A_129] : memref<4x128xi32, #tpu.memory_space<vmem>> -> memref<1x128xi32, #tpu.memory_space<vmem>>
    %dma_wait3A_131 = tpu.memref_squeeze %dma_wait3A_130 : memref<1x128xi32, #tpu.memory_space<vmem>> -> memref<128xi32, #tpu.memory_space<vmem>>
    %dma_wait3A_132 = arith.constant 0 : i32
    %dma_wait3A_133 = arith.constant 0 : i32
    %dma_wait3A_134 = tpu.memref_slice %arg5[%dma_wait3A_132, %dma_wait3A_133] : memref<1000x64xf32, #tpu.memory_space<hbm>> -> memref<1000x64xf32, #tpu.memory_space<hbm>>
    tpu.wait_indirect_dma semaphore(%arg12 : memref<!tpu.dma_semaphore, #tpu.memory_space<semaphore_mem>>) src(%dma_wait3A_134 : memref<1000x64xf32, #tpu.memory_space<hbm>>) dst(%dma_wait3A_128 : memref<128x64xf32, #tpu.memory_space<vmem>>)
    %dma_wait3A_135 = arith.constant 1 : i32
    %dma_wait3A_136 = arith.constant 128 : i32
    %dma_wait3A_137 = arith.constant 0 : i32
    %dma_wait3A_138 = tpu.memref_slice %arg11[%dma_wait3A_136, %dma_wait3A_137] : memref<512x64xf32, #tpu.memory_space<vmem>> -> memref<128x64xf32, #tpu.memory_space<vmem>>
    %dma_wait3A_139 = arith.constant 0 : i32
    %dma_wait3A_140 = tpu.memref_slice %arg9[%dma_wait3A_135, %dma_wait3A_139] : memref<4x128xi32, #tpu.memory_space<vmem>> -> memref<1x128xi32, #tpu.memory_space<vmem>>
    %dma_wait3A_141 = tpu.memref_squeeze %dma_wait3A_140 : memref<1x128xi32, #tpu.memory_space<vmem>> -> memref<128xi32, #tpu.memory_space<vmem>>
    %dma_wait3A_142 = arith.constant 0 : i32
    %dma_wait3A_143 = arith.constant 0 : i32
    %dma_wait3A_144 = tpu.memref_slice %arg5[%dma_wait3A_142, %dma_wait3A_143] : memref<1000x64xf32, #tpu.memory_space<hbm>> -> memref<1000x64xf32, #tpu.memory_space<hbm>>
    tpu.wait_indirect_dma semaphore(%arg12 : memref<!tpu.dma_semaphore, #tpu.memory_space<semaphore_mem>>) src(%dma_wait3A_144 : memref<1000x64xf32, #tpu.memory_space<hbm>>) dst(%dma_wait3A_138 : memref<128x64xf32, #tpu.memory_space<vmem>>)
    %dma_wait3A_145 = arith.constant 2 : i32
    %dma_wait3A_146 = arith.constant 256 : i32
    %dma_wait3A_147 = arith.constant 0 : i32
    %dma_wait3A_148 = tpu.memref_slice %arg11[%dma_wait3A_146, %dma_wait3A_147] : memref<512x64xf32, #tpu.memory_space<vmem>> -> memref<128x64xf32, #tpu.memory_space<vmem>>
    %dma_wait3A_149 = arith.constant 0 : i32
    %dma_wait3A_150 = tpu.memref_slice %arg9[%dma_wait3A_145, %dma_wait3A_149] : memref<4x128xi32, #tpu.memory_space<vmem>> -> memref<1x128xi32, #tpu.memory_space<vmem>>
    %dma_wait3A_151 = tpu.memref_squeeze %dma_wait3A_150 : memref<1x128xi32, #tpu.memory_space<vmem>> -> memref<128xi32, #tpu.memory_space<vmem>>
    %dma_wait3A_152 = arith.constant 0 : i32
    %dma_wait3A_153 = arith.constant 0 : i32
    %dma_wait3A_154 = tpu.memref_slice %arg5[%dma_wait3A_152, %dma_wait3A_153] : memref<1000x64xf32, #tpu.memory_space<hbm>> -> memref<1000x64xf32, #tpu.memory_space<hbm>>
    tpu.wait_indirect_dma semaphore(%arg12 : memref<!tpu.dma_semaphore, #tpu.memory_space<semaphore_mem>>) src(%dma_wait3A_154 : memref<1000x64xf32, #tpu.memory_space<hbm>>) dst(%dma_wait3A_148 : memref<128x64xf32, #tpu.memory_space<vmem>>)
    %dma_wait3A_155 = arith.constant 3 : i32
    %dma_wait3A_156 = arith.constant 384 : i32
    %dma_wait3A_157 = arith.constant 0 : i32
    %dma_wait3A_158 = tpu.memref_slice %arg11[%dma_wait3A_156, %dma_wait3A_157] : memref<512x64xf32, #tpu.memory_space<vmem>> -> memref<128x64xf32, #tpu.memory_space<vmem>>
    %dma_wait3A_159 = arith.constant 0 : i32
    %dma_wait3A_160 = tpu.memref_slice %arg9[%dma_wait3A_155, %dma_wait3A_159] : memref<4x128xi32, #tpu.memory_space<vmem>> -> memref<1x128xi32, #tpu.memory_space<vmem>>
    %dma_wait3A_161 = tpu.memref_squeeze %dma_wait3A_160 : memref<1x128xi32, #tpu.memory_space<vmem>> -> memref<128xi32, #tpu.memory_space<vmem>>
    %dma_wait3A_162 = arith.constant 0 : i32
    %dma_wait3A_163 = arith.constant 0 : i32
    %dma_wait3A_164 = tpu.memref_slice %arg5[%dma_wait3A_162, %dma_wait3A_163] : memref<1000x64xf32, #tpu.memory_space<hbm>> -> memref<1000x64xf32, #tpu.memory_space<hbm>>
    tpu.wait_indirect_dma semaphore(%arg12 : memref<!tpu.dma_semaphore, #tpu.memory_space<semaphore_mem>>) src(%dma_wait3A_164 : memref<1000x64xf32, #tpu.memory_space<hbm>>) dst(%dma_wait3A_158 : memref<128x64xf32, #tpu.memory_space<vmem>>)
    "tpu.region"() ({
      %run_scoped3A = tpu.sem_alloc : memref<!tpu.dma_semaphore, #tpu.memory_space<semaphore_mem>>
      %dma_start3A_165 = arith.constant 0 : i32
      %dma_start3A_166 = tpu.memref_slice %arg6[%mul3A_2, %dma_start3A_165] : memref<16384x64xf32, #tpu.memory_space<hbm>> -> memref<512x64xf32, #tpu.memory_space<hbm>>
      %dma_start3A_167 = arith.constant 0 : i32
      %dma_start3A_168 = tpu.memref_slice %arg6[%mul3A_2, %dma_start3A_167] : memref<16384x64xf32, #tpu.memory_space<hbm>> -> memref<512x64xf32, #tpu.memory_space<hbm>>
      tpu.enqueue_dma source(%arg10 : memref<512x64xf32, #tpu.memory_space<vmem>>) target(%dma_start3A_168 : memref<512x64xf32, #tpu.memory_space<hbm>>) target_semaphore(%run_scoped3A : memref<!tpu.dma_semaphore, #tpu.memory_space<semaphore_mem>>)
      %dma_wait3A_169 = arith.constant 0 : i32
      %dma_wait3A_170 = tpu.memref_slice %arg6[%mul3A_2, %dma_wait3A_169] : memref<16384x64xf32, #tpu.memory_space<hbm>> -> memref<512x64xf32, #tpu.memory_space<hbm>>
      %dma_wait3A_171 = arith.constant 0 : i32
      %dma_wait3A_172 = tpu.memref_slice %arg6[%mul3A_2, %dma_wait3A_171] : memref<16384x64xf32, #tpu.memory_space<hbm>> -> memref<512x64xf32, #tpu.memory_space<hbm>>
      tpu.wait_dma2 semaphore(%run_scoped3A : memref<!tpu.dma_semaphore, #tpu.memory_space<semaphore_mem>>) src(%arg10 : memref<512x64xf32, #tpu.memory_space<vmem>>) dst(%dma_wait3A_172 : memref<512x64xf32, #tpu.memory_space<hbm>>)
      tpu.yield
    }) : () -> ()
    "tpu.region"() ({
      %run_scoped3A = tpu.sem_alloc : memref<!tpu.dma_semaphore, #tpu.memory_space<semaphore_mem>>
      %dma_start3A_165 = arith.constant 0 : i32
      %dma_start3A_166 = tpu.memref_slice %arg7[%mul3A_2, %dma_start3A_165] : memref<16384x64xf32, #tpu.memory_space<hbm>> -> memref<512x64xf32, #tpu.memory_space<hbm>>
      %dma_start3A_167 = arith.constant 0 : i32
      %dma_start3A_168 = tpu.memref_slice %arg7[%mul3A_2, %dma_start3A_167] : memref<16384x64xf32, #tpu.memory_space<hbm>> -> memref<512x64xf32, #tpu.memory_space<hbm>>
      tpu.enqueue_dma source(%arg11 : memref<512x64xf32, #tpu.memory_space<vmem>>) target(%dma_start3A_168 : memref<512x64xf32, #tpu.memory_space<hbm>>) target_semaphore(%run_scoped3A : memref<!tpu.dma_semaphore, #tpu.memory_space<semaphore_mem>>)
      %dma_wait3A_169 = arith.constant 0 : i32
      %dma_wait3A_170 = tpu.memref_slice %arg7[%mul3A_2, %dma_wait3A_169] : memref<16384x64xf32, #tpu.memory_space<hbm>> -> memref<512x64xf32, #tpu.memory_space<hbm>>
      %dma_wait3A_171 = arith.constant 0 : i32
      %dma_wait3A_172 = tpu.memref_slice %arg7[%mul3A_2, %dma_wait3A_171] : memref<16384x64xf32, #tpu.memory_space<hbm>> -> memref<512x64xf32, #tpu.memory_space<hbm>>
      tpu.wait_dma2 semaphore(%run_scoped3A : memref<!tpu.dma_semaphore, #tpu.memory_space<semaphore_mem>>) src(%arg11 : memref<512x64xf32, #tpu.memory_space<vmem>>) dst(%dma_wait3A_172 : memref<512x64xf32, #tpu.memory_space<hbm>>)
      tpu.yield
    }) : () -> ()
    return
  }
}

module attributes {stable_mosaic.version = 14 : i64} {
  func.func @_mlp_body(%arg0: i32, %arg1: memref<2048x10xf32, #tpu.memory_space<vmem>>, %arg2: memref<2048x64xf32, #tpu.memory_space<vmem>>, %arg3: memref<2048x64xf32, #tpu.memory_space<vmem>>, %arg4: memref<2048x64xf32, #tpu.memory_space<vmem>>, %arg5: memref<2x2xf32, #tpu.memory_space<vmem>>, %arg6: memref<5x5xf32, #tpu.memory_space<vmem>>, %arg7: memref<3x3xf32, #tpu.memory_space<vmem>>, %arg8: memref<4x4xf32, #tpu.memory_space<vmem>>, %arg9: memref<4x4xf32, #tpu.memory_space<vmem>>, %arg10: memref<4x4xf32, #tpu.memory_space<vmem>>, %arg11: memref<215x64xf32, #tpu.memory_space<vmem>>, %arg12: memref<1x64xf32, #tpu.memory_space<vmem>>, %arg13: memref<64x1xf32, #tpu.memory_space<vmem>>, %arg14: memref<1x1xf32, #tpu.memory_space<vmem>>, %arg15: memref<2048xf32, #tpu.memory_space<vmem>>) attributes {dimension_semantics = [#tpu.dimension_semantics<arbitrary>], iteration_bounds = array<i64: 8>, scalar_prefetch = 0 : i64, scratch_operands = 0 : i64, tpu.core_type = #tpu.core_type<tc>, window_params = [{transform_indices = @transform_0, window_bounds = array<i64: 2048, 10>}, {transform_indices = @transform_1, window_bounds = array<i64: 2048, 64>}, {transform_indices = @transform_2, window_bounds = array<i64: 2048, 64>}, {transform_indices = @transform_3, window_bounds = array<i64: 2048, 64>}, {pipeline_mode = #tpu.pipeline_mode<synchronous>, transform_indices = @transform_4, window_bounds = array<i64: 2, 2>}, {pipeline_mode = #tpu.pipeline_mode<synchronous>, transform_indices = @transform_5, window_bounds = array<i64: 5, 5>}, {pipeline_mode = #tpu.pipeline_mode<synchronous>, transform_indices = @transform_6, window_bounds = array<i64: 3, 3>}, {pipeline_mode = #tpu.pipeline_mode<synchronous>, transform_indices = @transform_7, window_bounds = array<i64: 4, 4>}, {pipeline_mode = #tpu.pipeline_mode<synchronous>, transform_indices = @transform_8, window_bounds = array<i64: 4, 4>}, {pipeline_mode = #tpu.pipeline_mode<synchronous>, transform_indices = @transform_9, window_bounds = array<i64: 4, 4>}, {pipeline_mode = #tpu.pipeline_mode<synchronous>, transform_indices = @transform_10, window_bounds = array<i64: 215, 64>}, {pipeline_mode = #tpu.pipeline_mode<synchronous>, transform_indices = @transform_11, window_bounds = array<i64: 1, 64>}, {pipeline_mode = #tpu.pipeline_mode<synchronous>, transform_indices = @transform_12, window_bounds = array<i64: 64, 1>}, {pipeline_mode = #tpu.pipeline_mode<synchronous>, transform_indices = @transform_13, window_bounds = array<i64: 1, 1>}, {transform_indices = @transform_14, window_bounds = array<i64: 2048>}]} {
    %get3A = arith.constant 0 : index
    %get3A_0 = arith.constant 0 : index
    %get3A_1 = vector.load %arg1[%get3A, %get3A_0] : memref<2048x10xf32, #tpu.memory_space<vmem>>, vector<2048x10xf32>
    %get3A_2 = arith.constant 0 : index
    %get3A_3 = arith.constant 0 : index
    %get3A_4 = vector.load %arg2[%get3A_2, %get3A_3] : memref<2048x64xf32, #tpu.memory_space<vmem>>, vector<2048x64xf32>
    %get3A_5 = arith.constant 0 : index
    %get3A_6 = arith.constant 0 : index
    %get3A_7 = vector.load %arg11[%get3A_5, %get3A_6] : memref<215x64xf32, #tpu.memory_space<vmem>>, vector<64x64xf32>
    %dot_general3A = arith.constant dense<0.000000e+00> : vector<2048x64xf32>
    %dot_general3A_8 = tpu.matmul %get3A_4, %get3A_7, %dot_general3A {dimension_numbers = #tpu.dot_dimension_numbers<[1], [0], [0], [1], [0, 0, 1, 1], [], []>, transpose_lhs_hint = false} : vector<2048x64xf32>, vector<64x64xf32>, vector<2048x64xf32> -> vector<2048x64xf32>
    %get3A_9 = arith.constant 0 : index
    %get3A_10 = arith.constant 0 : index
    %get3A_11 = vector.load %arg3[%get3A_9, %get3A_10] : memref<2048x64xf32, #tpu.memory_space<vmem>>, vector<2048x64xf32>
    %get3A_12 = arith.constant 64 : index
    %get3A_13 = arith.constant 0 : index
    %get3A_14 = vector.load %arg11[%get3A_12, %get3A_13] : memref<215x64xf32, #tpu.memory_space<vmem>>, vector<64x64xf32>
    %dot_general3A_15 = arith.constant dense<0.000000e+00> : vector<2048x64xf32>
    %dot_general3A_16 = tpu.matmul %get3A_11, %get3A_14, %dot_general3A_15 {dimension_numbers = #tpu.dot_dimension_numbers<[1], [0], [0], [1], [0, 0, 1, 1], [], []>, transpose_lhs_hint = false} : vector<2048x64xf32>, vector<64x64xf32>, vector<2048x64xf32> -> vector<2048x64xf32>
    %add3A = arith.addf %dot_general3A_8, %dot_general3A_16 : vector<2048x64xf32>
    %get3A_17 = arith.constant 0 : index
    %get3A_18 = arith.constant 0 : index
    %get3A_19 = vector.load %arg4[%get3A_17, %get3A_18] : memref<2048x64xf32, #tpu.memory_space<vmem>>, vector<2048x64xf32>
    %get3A_20 = arith.constant 128 : index
    %get3A_21 = arith.constant 0 : index
    %get3A_22 = vector.load %arg11[%get3A_20, %get3A_21] : memref<215x64xf32, #tpu.memory_space<vmem>>, vector<64x64xf32>
    %dot_general3A_23 = arith.constant dense<0.000000e+00> : vector<2048x64xf32>
    %dot_general3A_24 = tpu.matmul %get3A_19, %get3A_22, %dot_general3A_23 {dimension_numbers = #tpu.dot_dimension_numbers<[1], [0], [0], [1], [0, 0, 1, 1], [], []>, transpose_lhs_hint = false} : vector<2048x64xf32>, vector<64x64xf32>, vector<2048x64xf32> -> vector<2048x64xf32>
    %add3A_25 = arith.addf %add3A, %dot_general3A_24 : vector<2048x64xf32>
    %slice3A = vector.extract_strided_slice %get3A_1 {offsets = [0, 3], sizes = [2048, 1], strides = [1, 1]} : vector<2048x10xf32> to vector<2048x1xf32>
    %squeeze3A = vector.shape_cast %slice3A : vector<2048x1xf32> to vector<2048xf32>
    %convert_element_type3A = arith.fptosi %squeeze3A : vector<2048xf32> to vector<2048xi32>
    %broadcast_in_dim3A = vector.shape_cast %convert_element_type3A : vector<2048xi32> to vector<2048x1xi32>
    %iota3A = tpu.iota {dimensions = array<i32: 1>} : vector<2048x2xi32>
    %eq3A = vector.broadcast %broadcast_in_dim3A : vector<2048x1xi32> to vector<2048x2xi32>
    %eq3A_26 = arith.cmpi eq, %eq3A, %iota3A : vector<2048x2xi32>
    %convert_element_type3A_27 = arith.extui %eq3A_26 : vector<2048x2xi1> to vector<2048x2xi32>
    %convert_element_type3A_28 = arith.sitofp %convert_element_type3A_27 : vector<2048x2xi32> to vector<2048x2xf32>
    %get3A_29 = arith.constant 0 : index
    %get3A_30 = arith.constant 0 : index
    %get3A_31 = vector.load %arg5[%get3A_29, %get3A_30] : memref<2x2xf32, #tpu.memory_space<vmem>>, vector<2x2xf32>
    %get3A_32 = arith.constant 192 : index
    %get3A_33 = arith.constant 0 : index
    %get3A_34 = vector.load %arg11[%get3A_32, %get3A_33] : memref<215x64xf32, #tpu.memory_space<vmem>>, vector<2x64xf32>
    %dot_general3A_35 = arith.constant dense<0.000000e+00> : vector<2x64xf32>
    %dot_general3A_36 = tpu.matmul %get3A_31, %get3A_34, %dot_general3A_35 {dimension_numbers = #tpu.dot_dimension_numbers<[1], [0], [0], [1], [0, 0, 1, 1], [], []>, transpose_lhs_hint = false} : vector<2x2xf32>, vector<2x64xf32>, vector<2x64xf32> -> vector<2x64xf32>
    %dot_general3A_37 = arith.constant dense<0.000000e+00> : vector<2048x64xf32>
    %dot_general3A_38 = tpu.matmul %convert_element_type3A_28, %dot_general3A_36, %dot_general3A_37 {dimension_numbers = #tpu.dot_dimension_numbers<[1], [0], [0], [1], [0, 0, 1, 1], [], []>, transpose_lhs_hint = false} : vector<2048x2xf32>, vector<2x64xf32>, vector<2048x64xf32> -> vector<2048x64xf32>
    %add3A_39 = arith.addf %add3A_25, %dot_general3A_38 : vector<2048x64xf32>
    %slice3A_40 = vector.extract_strided_slice %get3A_1 {offsets = [0, 4], sizes = [2048, 1], strides = [1, 1]} : vector<2048x10xf32> to vector<2048x1xf32>
    %squeeze3A_41 = vector.shape_cast %slice3A_40 : vector<2048x1xf32> to vector<2048xf32>
    %convert_element_type3A_42 = arith.fptosi %squeeze3A_41 : vector<2048xf32> to vector<2048xi32>
    %broadcast_in_dim3A_43 = vector.shape_cast %convert_element_type3A_42 : vector<2048xi32> to vector<2048x1xi32>
    %iota3A_44 = tpu.iota {dimensions = array<i32: 1>} : vector<2048x5xi32>
    %eq3A_45 = vector.broadcast %broadcast_in_dim3A_43 : vector<2048x1xi32> to vector<2048x5xi32>
    %eq3A_46 = arith.cmpi eq, %eq3A_45, %iota3A_44 : vector<2048x5xi32>
    %convert_element_type3A_47 = arith.extui %eq3A_46 : vector<2048x5xi1> to vector<2048x5xi32>
    %convert_element_type3A_48 = arith.sitofp %convert_element_type3A_47 : vector<2048x5xi32> to vector<2048x5xf32>
    %get3A_49 = arith.constant 0 : index
    %get3A_50 = arith.constant 0 : index
    %get3A_51 = vector.load %arg6[%get3A_49, %get3A_50] : memref<5x5xf32, #tpu.memory_space<vmem>>, vector<5x5xf32>
    %get3A_52 = arith.constant 194 : index
    %get3A_53 = arith.constant 0 : index
    %get3A_54 = vector.load %arg11[%get3A_52, %get3A_53] : memref<215x64xf32, #tpu.memory_space<vmem>>, vector<5x64xf32>
    %dot_general3A_55 = arith.constant dense<0.000000e+00> : vector<5x64xf32>
    %dot_general3A_56 = tpu.matmul %get3A_51, %get3A_54, %dot_general3A_55 {dimension_numbers = #tpu.dot_dimension_numbers<[1], [0], [0], [1], [0, 0, 1, 1], [], []>, transpose_lhs_hint = false} : vector<5x5xf32>, vector<5x64xf32>, vector<5x64xf32> -> vector<5x64xf32>
    %dot_general3A_57 = arith.constant dense<0.000000e+00> : vector<2048x64xf32>
    %dot_general3A_58 = tpu.matmul %convert_element_type3A_48, %dot_general3A_56, %dot_general3A_57 {dimension_numbers = #tpu.dot_dimension_numbers<[1], [0], [0], [1], [0, 0, 1, 1], [], []>, transpose_lhs_hint = false} : vector<2048x5xf32>, vector<5x64xf32>, vector<2048x64xf32> -> vector<2048x64xf32>
    %add3A_59 = arith.addf %add3A_39, %dot_general3A_58 : vector<2048x64xf32>
    %slice3A_60 = vector.extract_strided_slice %get3A_1 {offsets = [0, 5], sizes = [2048, 1], strides = [1, 1]} : vector<2048x10xf32> to vector<2048x1xf32>
    %squeeze3A_61 = vector.shape_cast %slice3A_60 : vector<2048x1xf32> to vector<2048xf32>
    %convert_element_type3A_62 = arith.fptosi %squeeze3A_61 : vector<2048xf32> to vector<2048xi32>
    %broadcast_in_dim3A_63 = vector.shape_cast %convert_element_type3A_62 : vector<2048xi32> to vector<2048x1xi32>
    %iota3A_64 = tpu.iota {dimensions = array<i32: 1>} : vector<2048x3xi32>
    %eq3A_65 = vector.broadcast %broadcast_in_dim3A_63 : vector<2048x1xi32> to vector<2048x3xi32>
    %eq3A_66 = arith.cmpi eq, %eq3A_65, %iota3A_64 : vector<2048x3xi32>
    %convert_element_type3A_67 = arith.extui %eq3A_66 : vector<2048x3xi1> to vector<2048x3xi32>
    %convert_element_type3A_68 = arith.sitofp %convert_element_type3A_67 : vector<2048x3xi32> to vector<2048x3xf32>
    %get3A_69 = arith.constant 0 : index
    %get3A_70 = arith.constant 0 : index
    %get3A_71 = vector.load %arg7[%get3A_69, %get3A_70] : memref<3x3xf32, #tpu.memory_space<vmem>>, vector<3x3xf32>
    %get3A_72 = arith.constant 199 : index
    %get3A_73 = arith.constant 0 : index
    %get3A_74 = vector.load %arg11[%get3A_72, %get3A_73] : memref<215x64xf32, #tpu.memory_space<vmem>>, vector<3x64xf32>
    %dot_general3A_75 = arith.constant dense<0.000000e+00> : vector<3x64xf32>
    %dot_general3A_76 = tpu.matmul %get3A_71, %get3A_74, %dot_general3A_75 {dimension_numbers = #tpu.dot_dimension_numbers<[1], [0], [0], [1], [0, 0, 1, 1], [], []>, transpose_lhs_hint = false} : vector<3x3xf32>, vector<3x64xf32>, vector<3x64xf32> -> vector<3x64xf32>
    %dot_general3A_77 = arith.constant dense<0.000000e+00> : vector<2048x64xf32>
    %dot_general3A_78 = tpu.matmul %convert_element_type3A_68, %dot_general3A_76, %dot_general3A_77 {dimension_numbers = #tpu.dot_dimension_numbers<[1], [0], [0], [1], [0, 0, 1, 1], [], []>, transpose_lhs_hint = false} : vector<2048x3xf32>, vector<3x64xf32>, vector<2048x64xf32> -> vector<2048x64xf32>
    %add3A_79 = arith.addf %add3A_59, %dot_general3A_78 : vector<2048x64xf32>
    %slice3A_80 = vector.extract_strided_slice %get3A_1 {offsets = [0, 6], sizes = [2048, 1], strides = [1, 1]} : vector<2048x10xf32> to vector<2048x1xf32>
    %squeeze3A_81 = vector.shape_cast %slice3A_80 : vector<2048x1xf32> to vector<2048xf32>
    %convert_element_type3A_82 = arith.fptosi %squeeze3A_81 : vector<2048xf32> to vector<2048xi32>
    %broadcast_in_dim3A_83 = vector.shape_cast %convert_element_type3A_82 : vector<2048xi32> to vector<2048x1xi32>
    %iota3A_84 = tpu.iota {dimensions = array<i32: 1>} : vector<2048x4xi32>
    %eq3A_85 = vector.broadcast %broadcast_in_dim3A_83 : vector<2048x1xi32> to vector<2048x4xi32>
    %eq3A_86 = arith.cmpi eq, %eq3A_85, %iota3A_84 : vector<2048x4xi32>
    %convert_element_type3A_87 = arith.extui %eq3A_86 : vector<2048x4xi1> to vector<2048x4xi32>
    %convert_element_type3A_88 = arith.sitofp %convert_element_type3A_87 : vector<2048x4xi32> to vector<2048x4xf32>
    %get3A_89 = arith.constant 0 : index
    %get3A_90 = arith.constant 0 : index
    %get3A_91 = vector.load %arg8[%get3A_89, %get3A_90] : memref<4x4xf32, #tpu.memory_space<vmem>>, vector<4x4xf32>
    %get3A_92 = arith.constant 202 : index
    %get3A_93 = arith.constant 0 : index
    %get3A_94 = vector.load %arg11[%get3A_92, %get3A_93] : memref<215x64xf32, #tpu.memory_space<vmem>>, vector<4x64xf32>
    %dot_general3A_95 = arith.constant dense<0.000000e+00> : vector<4x64xf32>
    %dot_general3A_96 = tpu.matmul %get3A_91, %get3A_94, %dot_general3A_95 {dimension_numbers = #tpu.dot_dimension_numbers<[1], [0], [0], [1], [0, 0, 1, 1], [], []>, transpose_lhs_hint = false} : vector<4x4xf32>, vector<4x64xf32>, vector<4x64xf32> -> vector<4x64xf32>
    %dot_general3A_97 = arith.constant dense<0.000000e+00> : vector<2048x64xf32>
    %dot_general3A_98 = tpu.matmul %convert_element_type3A_88, %dot_general3A_96, %dot_general3A_97 {dimension_numbers = #tpu.dot_dimension_numbers<[1], [0], [0], [1], [0, 0, 1, 1], [], []>, transpose_lhs_hint = false} : vector<2048x4xf32>, vector<4x64xf32>, vector<2048x64xf32> -> vector<2048x64xf32>
    %add3A_99 = arith.addf %add3A_79, %dot_general3A_98 : vector<2048x64xf32>
    %slice3A_100 = vector.extract_strided_slice %get3A_1 {offsets = [0, 7], sizes = [2048, 1], strides = [1, 1]} : vector<2048x10xf32> to vector<2048x1xf32>
    %squeeze3A_101 = vector.shape_cast %slice3A_100 : vector<2048x1xf32> to vector<2048xf32>
    %convert_element_type3A_102 = arith.fptosi %squeeze3A_101 : vector<2048xf32> to vector<2048xi32>
    %broadcast_in_dim3A_103 = vector.shape_cast %convert_element_type3A_102 : vector<2048xi32> to vector<2048x1xi32>
    %iota3A_104 = tpu.iota {dimensions = array<i32: 1>} : vector<2048x4xi32>
    %eq3A_105 = vector.broadcast %broadcast_in_dim3A_103 : vector<2048x1xi32> to vector<2048x4xi32>
    %eq3A_106 = arith.cmpi eq, %eq3A_105, %iota3A_104 : vector<2048x4xi32>
    %convert_element_type3A_107 = arith.extui %eq3A_106 : vector<2048x4xi1> to vector<2048x4xi32>
    %convert_element_type3A_108 = arith.sitofp %convert_element_type3A_107 : vector<2048x4xi32> to vector<2048x4xf32>
    %get3A_109 = arith.constant 0 : index
    %get3A_110 = arith.constant 0 : index
    %get3A_111 = vector.load %arg9[%get3A_109, %get3A_110] : memref<4x4xf32, #tpu.memory_space<vmem>>, vector<4x4xf32>
    %get3A_112 = arith.constant 206 : index
    %get3A_113 = arith.constant 0 : index
    %get3A_114 = vector.load %arg11[%get3A_112, %get3A_113] : memref<215x64xf32, #tpu.memory_space<vmem>>, vector<4x64xf32>
    %dot_general3A_115 = arith.constant dense<0.000000e+00> : vector<4x64xf32>
    %dot_general3A_116 = tpu.matmul %get3A_111, %get3A_114, %dot_general3A_115 {dimension_numbers = #tpu.dot_dimension_numbers<[1], [0], [0], [1], [0, 0, 1, 1], [], []>, transpose_lhs_hint = false} : vector<4x4xf32>, vector<4x64xf32>, vector<4x64xf32> -> vector<4x64xf32>
    %dot_general3A_117 = arith.constant dense<0.000000e+00> : vector<2048x64xf32>
    %dot_general3A_118 = tpu.matmul %convert_element_type3A_108, %dot_general3A_116, %dot_general3A_117 {dimension_numbers = #tpu.dot_dimension_numbers<[1], [0], [0], [1], [0, 0, 1, 1], [], []>, transpose_lhs_hint = false} : vector<2048x4xf32>, vector<4x64xf32>, vector<2048x64xf32> -> vector<2048x64xf32>
    %add3A_119 = arith.addf %add3A_99, %dot_general3A_118 : vector<2048x64xf32>
    %slice3A_120 = vector.extract_strided_slice %get3A_1 {offsets = [0, 8], sizes = [2048, 1], strides = [1, 1]} : vector<2048x10xf32> to vector<2048x1xf32>
    %squeeze3A_121 = vector.shape_cast %slice3A_120 : vector<2048x1xf32> to vector<2048xf32>
    %convert_element_type3A_122 = arith.fptosi %squeeze3A_121 : vector<2048xf32> to vector<2048xi32>
    %broadcast_in_dim3A_123 = vector.shape_cast %convert_element_type3A_122 : vector<2048xi32> to vector<2048x1xi32>
    %iota3A_124 = tpu.iota {dimensions = array<i32: 1>} : vector<2048x4xi32>
    %eq3A_125 = vector.broadcast %broadcast_in_dim3A_123 : vector<2048x1xi32> to vector<2048x4xi32>
    %eq3A_126 = arith.cmpi eq, %eq3A_125, %iota3A_124 : vector<2048x4xi32>
    %convert_element_type3A_127 = arith.extui %eq3A_126 : vector<2048x4xi1> to vector<2048x4xi32>
    %convert_element_type3A_128 = arith.sitofp %convert_element_type3A_127 : vector<2048x4xi32> to vector<2048x4xf32>
    %get3A_129 = arith.constant 0 : index
    %get3A_130 = arith.constant 0 : index
    %get3A_131 = vector.load %arg10[%get3A_129, %get3A_130] : memref<4x4xf32, #tpu.memory_space<vmem>>, vector<4x4xf32>
    %get3A_132 = arith.constant 210 : index
    %get3A_133 = arith.constant 0 : index
    %get3A_134 = vector.load %arg11[%get3A_132, %get3A_133] : memref<215x64xf32, #tpu.memory_space<vmem>>, vector<4x64xf32>
    %dot_general3A_135 = arith.constant dense<0.000000e+00> : vector<4x64xf32>
    %dot_general3A_136 = tpu.matmul %get3A_131, %get3A_134, %dot_general3A_135 {dimension_numbers = #tpu.dot_dimension_numbers<[1], [0], [0], [1], [0, 0, 1, 1], [], []>, transpose_lhs_hint = false} : vector<4x4xf32>, vector<4x64xf32>, vector<4x64xf32> -> vector<4x64xf32>
    %dot_general3A_137 = arith.constant dense<0.000000e+00> : vector<2048x64xf32>
    %dot_general3A_138 = tpu.matmul %convert_element_type3A_128, %dot_general3A_136, %dot_general3A_137 {dimension_numbers = #tpu.dot_dimension_numbers<[1], [0], [0], [1], [0, 0, 1, 1], [], []>, transpose_lhs_hint = false} : vector<2048x4xf32>, vector<4x64xf32>, vector<2048x64xf32> -> vector<2048x64xf32>
    %add3A_139 = arith.addf %add3A_119, %dot_general3A_138 : vector<2048x64xf32>
    %slice3A_140 = vector.extract_strided_slice %get3A_1 {offsets = [0, 9], sizes = [2048, 1], strides = [1, 1]} : vector<2048x10xf32> to vector<2048x1xf32>
    %get3A_141 = arith.constant 214 : index
    %get3A_142 = arith.constant 0 : index
    %get3A_143 = vector.load %arg11[%get3A_141, %get3A_142] : memref<215x64xf32, #tpu.memory_space<vmem>>, vector<1x64xf32>
    %mul3A = vector.broadcast %slice3A_140 : vector<2048x1xf32> to vector<2048x64xf32>
    %mul3A_144 = vector.broadcast %get3A_143 : vector<1x64xf32> to vector<2048x64xf32>
    %mul3A_145 = arith.mulf %mul3A, %mul3A_144 : vector<2048x64xf32>
    %add3A_146 = arith.addf %add3A_139, %mul3A_145 : vector<2048x64xf32>
    %get3A_147 = arith.constant 0 : index
    %get3A_148 = arith.constant 0 : index
    %get3A_149 = vector.load %arg12[%get3A_147, %get3A_148] : memref<1x64xf32, #tpu.memory_space<vmem>>, vector<1x64xf32>
    %add3A_150 = vector.broadcast %get3A_149 : vector<1x64xf32> to vector<2048x64xf32>
    %add3A_151 = arith.addf %add3A_146, %add3A_150 : vector<2048x64xf32>
    %max3A = arith.constant 0.000000e+00 : f32
    %max3A_152 = vector.broadcast %max3A : f32 to vector<2048x64xf32>
    %max3A_153 = arith.maximumf %add3A_151, %max3A_152 : vector<2048x64xf32>
    %get3A_154 = arith.constant 0 : index
    %get3A_155 = arith.constant 0 : index
    %get3A_156 = vector.load %arg13[%get3A_154, %get3A_155] : memref<64x1xf32, #tpu.memory_space<vmem>>, vector<64x1xf32>
    %dot_general3A_157 = arith.constant dense<0.000000e+00> : vector<2048x1xf32>
    %dot_general3A_158 = tpu.matmul %max3A_153, %get3A_156, %dot_general3A_157 {dimension_numbers = #tpu.dot_dimension_numbers<[1], [0], [0], [1], [0, 0, 1, 1], [], []>, transpose_lhs_hint = false} : vector<2048x64xf32>, vector<64x1xf32>, vector<2048x1xf32> -> vector<2048x1xf32>
    %get3A_159 = arith.constant 0 : index
    %get3A_160 = arith.constant 0 : index
    %get3A_161 = vector.load %arg14[%get3A_159, %get3A_160] : memref<1x1xf32, #tpu.memory_space<vmem>>, vector<1x1xf32>
    %add3A_162 = vector.broadcast %get3A_161 : vector<1x1xf32> to vector<2048x1xf32>
    %add3A_163 = arith.addf %dot_general3A_158, %add3A_162 : vector<2048x1xf32>
    %squeeze3A_164 = vector.shape_cast %add3A_163 : vector<2048x1xf32> to vector<2048xf32>
    %logistic3A = arith.negf %squeeze3A_164 : vector<2048xf32>
    %logistic3A_165 = math.exp %logistic3A : vector<2048xf32>
    %logistic3A_166 = arith.constant 1.000000e+00 : f32
    %logistic3A_167 = vector.broadcast %logistic3A_166 : f32 to vector<2048xf32>
    %logistic3A_168 = arith.addf %logistic3A_167, %logistic3A_165 : vector<2048xf32>
    %logistic3A_169 = arith.divf %logistic3A_167, %logistic3A_168 : vector<2048xf32>
    %swap3A = arith.constant 0 : index
    %swap3A_170 = vector.load %arg15[%swap3A] : memref<2048xf32, #tpu.memory_space<vmem>>, vector<2048xf32>
    tpu.vector_store %arg15[%swap3A], %logistic3A_169 {strides = array<i32>} : memref<2048xf32, #tpu.memory_space<vmem>>, vector<2048xf32>,
    return
  }
  func.func @transform_0(%arg0: i32) -> (i32, i32) {
    %c0_i32 = arith.constant 0 : i32
    %c0_i32_0 = arith.constant 0 : i32
    return %arg0, %c0_i32 : i32, i32
  }
  func.func @transform_1(%arg0: i32) -> (i32, i32) {
    %c0_i32 = arith.constant 0 : i32
    %c0_i32_0 = arith.constant 0 : i32
    return %arg0, %c0_i32 : i32, i32
  }
  func.func @transform_2(%arg0: i32) -> (i32, i32) {
    %c0_i32 = arith.constant 0 : i32
    %c0_i32_0 = arith.constant 0 : i32
    return %arg0, %c0_i32 : i32, i32
  }
  func.func @transform_3(%arg0: i32) -> (i32, i32) {
    %c0_i32 = arith.constant 0 : i32
    %c0_i32_0 = arith.constant 0 : i32
    return %arg0, %c0_i32 : i32, i32
  }
  func.func @transform_4(%arg0: i32) -> (i32, i32) {
    %c0_i32 = arith.constant 0 : i32
    %c0_i32_0 = arith.constant 0 : i32
    %c0_i32_1 = arith.constant 0 : i32
    return %c0_i32, %c0_i32_0 : i32, i32
  }
  func.func @transform_5(%arg0: i32) -> (i32, i32) {
    %c0_i32 = arith.constant 0 : i32
    %c0_i32_0 = arith.constant 0 : i32
    %c0_i32_1 = arith.constant 0 : i32
    return %c0_i32, %c0_i32_0 : i32, i32
  }
  func.func @transform_6(%arg0: i32) -> (i32, i32) {
    %c0_i32 = arith.constant 0 : i32
    %c0_i32_0 = arith.constant 0 : i32
    %c0_i32_1 = arith.constant 0 : i32
    return %c0_i32, %c0_i32_0 : i32, i32
  }
  func.func @transform_7(%arg0: i32) -> (i32, i32) {
    %c0_i32 = arith.constant 0 : i32
    %c0_i32_0 = arith.constant 0 : i32
    %c0_i32_1 = arith.constant 0 : i32
    return %c0_i32, %c0_i32_0 : i32, i32
  }
  func.func @transform_8(%arg0: i32) -> (i32, i32) {
    %c0_i32 = arith.constant 0 : i32
    %c0_i32_0 = arith.constant 0 : i32
    %c0_i32_1 = arith.constant 0 : i32
    return %c0_i32, %c0_i32_0 : i32, i32
  }
  func.func @transform_9(%arg0: i32) -> (i32, i32) {
    %c0_i32 = arith.constant 0 : i32
    %c0_i32_0 = arith.constant 0 : i32
    %c0_i32_1 = arith.constant 0 : i32
    return %c0_i32, %c0_i32_0 : i32, i32
  }
  func.func @transform_10(%arg0: i32) -> (i32, i32) {
    %c0_i32 = arith.constant 0 : i32
    %c0_i32_0 = arith.constant 0 : i32
    %c0_i32_1 = arith.constant 0 : i32
    return %c0_i32, %c0_i32_0 : i32, i32
  }
  func.func @transform_11(%arg0: i32) -> (i32, i32) {
    %c0_i32 = arith.constant 0 : i32
    %c0_i32_0 = arith.constant 0 : i32
    %c0_i32_1 = arith.constant 0 : i32
    return %c0_i32, %c0_i32_0 : i32, i32
  }
  func.func @transform_12(%arg0: i32) -> (i32, i32) {
    %c0_i32 = arith.constant 0 : i32
    %c0_i32_0 = arith.constant 0 : i32
    %c0_i32_1 = arith.constant 0 : i32
    return %c0_i32, %c0_i32_0 : i32, i32
  }
  func.func @transform_13(%arg0: i32) -> (i32, i32) {
    %c0_i32 = arith.constant 0 : i32
    %c0_i32_0 = arith.constant 0 : i32
    %c0_i32_1 = arith.constant 0 : i32
    return %c0_i32, %c0_i32_0 : i32, i32
  }
  func.func @transform_14(%arg0: i32) -> i32 {
    %c0_i32 = arith.constant 0 : i32
    return %arg0 : i32
  }
}

</mosaic_0001>

<sc_bundles>
// kernel: kernel.5.cloned.1.call-start
scs
__scs_entry_jumppad:
0x0: {  	(pc) =	sbr.rel $0x88, $3  }
0x1: {  	(tag) =	ssettag $0x0;
	lr =	simm.s32 $0x1  }
0x2: {  	[smem:$0x3F93] =	sst lr;
	_ =	strace $0xD0000000  }
0x3: {  	_ = 	snop  }
0x4: {  	_ = 	snop  }
0x5: {  	_ = 	snop  }
0x6: {  	_ = 	snop  }
0x7: {  	_ = 	snop  }
__scs_overlays_trampoline_lowered:
0x8: {  	[smem:$0x3FA2] =	sst s0  }
0x9: {  	[smem:$0x3FA3] =	sst s1  }
0xa: {  	[smem:$0x3FA4] =	sst s2  }
0xb: {  	[smem:$0x3FA5] =	sst s3  }
0xc: {  	[smem:$0x3FA6] =	sst s4  }
0xd: {  	[smem:$0x3FA7] =	sst s5  }
0xe: {  	[smem:$0x3FA8] =	sst s6  }
0xf: {  	[smem:$0x3FA9] =	sst s7  }
0x10: {  	[smem:$0x3FAA] =	sst s8  }
0x11: {  	[smem:$0x3FAB] =	sst s9;
	s0 =	simm.s32 @!p0 $0x0  }
0x12: {  	s1 =	sld [smem:$0x3F91];
	s0 =	simm.s32 @p0 $0x1  }
0x13: {  	[smem:$0x3FAC] =	sst s0;
	s0 =	simm.s32 @!p1 $0x0  }
0x14: {  	s2 =	sld [smem:$0x3F90];
	s0 =	simm.s32 @p1 $0x1  }
0x15: {  	[smem:$0x3FAD] =	sst s0;
	s0 =	simm.s32 @!p2 $0x0  }
0x16: {  	s3 =	sld [smem:$0x3FDB];
	s0 =	simm.s32 @p2 $0x1  }
0x17: {  	s4 =	simm.s32 $0x1BF5;
	[smem:$0x3FAF] =	sst s0  }
0x18: {  	s0 =	sld [smem:$0x3F92];
	_ =	swait.ge [sflag:s4], $0x0  }
0x19: {  	s7 =	sld [smem:$0x3F93]  }
0x1a: {  	s8 =	sadd.s32 $0xFFFFE003, lr  }
0x1b: {  	s9 =	sadd.s32 $0xFFFFFEF7, lr;
	s5 =	simm.s32 $0xFFFFFFFF;
	p2 =	slt.u32 s8, $0xFFFFF086  }
0x1c: {  	p1 =	slt.u32 s9, $0xF7A;
	s5 =	simm.s32 @!p2 $0x0  }
0x1d: {  	s5 =	simm.s32 @p1 $0x1;
	p0 =	seq.s32 s7, s2  }
0x1e: {  	s7 =	smul.u32 @!p0 $0xF7A, s2;
	p2 =	seq.s32 @!p0 s5, $0x0  }
0x1f: {  	s9 =	smul.u32 $0xF7A, s1;
	s8 =	simm.s32 @!p0 $0x1BF5;
	p2 =	por !p2, p0  }
0x20: {  	[sflag:s8] =	ssyncset.s32 @!p0 $0xFFFFF086;
	s6 =	sadd.s32 @!p0 s3, s7;
	s7 =	simm.s32 @!p0 $0x108  }
0x21: {  	s3 =	sadd.s32 s3, s9;
	s6 =	sadd.s32 @!p0 $0x88, s6;
	s7 =	simm.s32 @p2 $0x1082  }
0x22: {  	[simem:s7], [sflag:s8] =	dma.local @!p0 [hbm:s6], $0xF7A  }
0x23: {  	s9 =	sor.u32 $0xD0000000, s2;
	s6 =	simm.s32 $0x108;
	_ =	swait.ge @!p0 [sflag:s8], $0x0  }
0x24: {  	s3 =	sadd.s32 $0x88, s3;
	s6 =	simm.s32 @!p1 $0x1082;
	[sflag:s4] =	ssyncset.s32 $0xFFFFF086  }
0x25: {  	[simem:s6], [sflag:s4] =	dma.local [hbm:s3], $0xF7A  }
0x26: {  	[smem:$0x3F93] =	sst s1;
	(tag) =	ssettag s2;
	_ =	strace s9  }
0x27: {  	s1 =	sld [smem:$0x3FA3]  }
0x28: {  	s2 =	sld [smem:$0x3FA4]  }
0x29: {  	s4 =	sld [smem:$0x3FA6]  }
0x2a: {  	p0 =	seq.s32 s5, $0x0;
	s5 =	sld [smem:$0x3FA7]  }
0x2b: {  	s6 =	sld [smem:$0x3FA8]  }
0x2c: {  	s7 =	sld [smem:$0x3FA9]  }
0x2d: {  	s3 =	simm.s32 $0x108;
	s8 =	sld [smem:$0x3FAA]  }
0x2e: {  	s3 =	simm.s32 @!p0 $0x1082;
	s9 =	sld [smem:$0x3FAB]  }
0x2f: {  	lr =	sadd.s32 s0, s3;
	s0 =	sld [smem:$0x3FA2]  }
0x30: {  	s3 =	sld [smem:$0x3FA5]  }
0x31: {  	[smem:$0x3FAE] =	sst s10  }
0x32: {  	s10 =	sld [smem:$0x3FAC];
	_ =	sdelay $0x3  }
0x33: {  	p0 =	seq.s32 s10, $0x1;
	s10 =	sld [smem:$0x3FAE];
	_ =	sdelay $0x3  }
0x34: {  	[smem:$0x3FAE] =	sst s10  }
0x35: {  	s10 =	sld [smem:$0x3FAD];
	_ =	sdelay $0x3  }
0x36: {  	p1 =	seq.s32 s10, $0x1;
	s10 =	sld [smem:$0x3FAE];
	_ =	sdelay $0x3  }
0x37: {  	[smem:$0x3FAE] =	sst s10  }
0x38: {  	s10 =	sld [smem:$0x3FAF]  }
0x39: {  	_ = 	snop;
	(pc) =	sbr.ind lr, $3  }
0x3a: {  	_ = 	snop  }
0x3b: {  	_ = 	snop  }
0x3c: {  	p2 =	seq.s32 s10, $0x1;
	s10 =	sld [smem:$0x3FAE]  }
0x3d: {  	_ =	shalt  }
0x3e: {  	_ =	shalt  }
0x3f: {  	_ =	shalt  }
0x40: {  	_ =	shalt  }
0x41: {  	_ =	shalt  }
0x42: {  	_ =	shalt  }
0x43: {  	_ =	shalt  }
0x44: {  	_ =	shalt  }
0x45: {  	_ =	shalt  }
0x46: {  	_ =	shalt  }
0x47: {  	_ =	shalt  }
0x48: {  	_ =	shalt  }
0x49: {  	_ =	shalt  }
0x4a: {  	_ =	shalt  }
0x4b: {  	_ =	shalt  }
0x4c: {  	_ =	shalt  }
0x4d: {  	_ =	shalt  }
0x4e: {  	_ =	shalt  }
0x4f: {  	_ =	shalt  }
0x50: {  	_ =	shalt  }
0x51: {  	_ =	shalt  }
0x52: {  	_ =	shalt  }
0x53: {  	_ =	shalt  }
0x54: {  	_ =	shalt  }
0x55: {  	_ =	shalt  }
0x56: {  	_ =	shalt  }
0x57: {  	_ =	shalt  }
0x58: {  	_ =	shalt  }
0x59: {  	_ =	shalt  }
0x5a: {  	_ =	shalt  }
0x5b: {  	_ =	shalt  }
0x5c: {  	_ =	shalt  }
0x5d: {  	_ =	shalt  }
0x5e: {  	_ =	shalt  }
0x5f: {  	_ =	shalt  }
0x60: {  	_ =	shalt  }
0x61: {  	_ =	shalt  }
0x62: {  	_ =	shalt  }
0x63: {  	_ =	shalt  }
0x64: {  	_ =	shalt  }
0x65: {  	_ =	shalt  }
0x66: {  	_ =	shalt  }
0x67: {  	_ =	shalt  }
0x68: {  	_ =	shalt  }
0x69: {  	_ =	shalt  }
0x6a: {  	_ =	shalt  }
0x6b: {  	_ =	shalt  }
0x6c: {  	_ =	shalt  }
0x6d: {  	_ =	shalt  }
0x6e: {  	_ =	shalt  }
0x6f: {  	_ =	shalt  }
0x70: {  	_ =	shalt  }
0x71: {  	_ =	shalt  }
0x72: {  	_ =	shalt  }
0x73: {  	_ =	shalt  }
0x74: {  	_ =	shalt  }
0x75: {  	_ =	shalt  }
0x76: {  	_ =	shalt  }
0x77: {  	_ =	shalt  }
0x78: {  	_ =	shalt  }
0x79: {  	_ =	shalt  }
0x7a: {  	_ =	shalt  }
0x7b: {  	_ =	shalt  }
0x7c: {  	_ =	shalt  }
0x7d: {  	_ =	shalt  }
0x7e: {  	_ =	shalt  }
0x7f: {  	_ =	shalt  }
0x80: {  	_ =	shalt  }
0x81: {  	_ =	shalt  }
0x82: {  	_ =	shalt  }
0x83: {  	_ =	shalt  }
0x84: {  	_ =	shalt  }
0x85: {  	_ =	shalt  }
0x86: {  	_ =	shalt  }
0x87: {  	_ =	shalt  }
.Lfunc_end0:
.L_simem_size_0:
called_computation_lowered:
.L_overlay_start_0:
0x88: {  	s2 =	sld [smem:$0x3FD9]  }
0x89: {  	s3 =	sld [smem:$0x3FFE];
	_ =	sdelay $0x1  }
0x8a: {  	s1 =	srdreg.scid  }
0x8b: {  	s0 =	sand.u32 $0x1, s1  }
0x8c: {  	s17 =	sshll.u32 s0, $0xA;
	s2 =	sadd.s32 s3, s2  }
0x8d: {  	s2 =	sadd.s32 s2, s17  }
0x8e: {  	[smem:$0x3FBA] =	sst s2  }
0x8f: {  	_ = 	snop  }
0x90: {  	(tm) =	ssettm $0x1  }
0x91: {  	s18 =	sld [smem:$0x3FFB];
	_ =	sdelay $0x3  }
0x92: {  	_ =	strace s18  }
0x93: {  	s2 =	sld [smem:$0x3FFC];
	_ =	sdelay $0x3  }
0x94: {  	_ =	strace s2  }
0x95: {  	s2 =	sld [smem:$0x3FFD];
	_ =	sdelay $0x3  }
0x96: {  	_ =	strace s2  }
0x97: {  	_ =	strace $0x8FFFFFFF  }
0x98: {  	s19 =	sld [smem:$0x3FDB];
	_ =	sdelay $0x1  }
0x99: {  	s20 =	simm.s32 $_scs_section_size  }
0x9a: {  	s4 =	simm.s32 $_size__tile_overlayer_lowered;
	s5 =	simm.s32 $_tile_overlayer_lowered  }
0x9b: {  	s6 =	simm.s32 $0x1BFF;
	s21 =	sshll.u32 s5, $0x1;
	s3 =	sadd.s32 s20, s19  }
0x9c: {  	s22 =	simm.s32 $0x0;
	s4 =	sshll.u32 s4, $0x1;
	s5 =	sadd.s32 s21, s3  }
0x9d: {  	[timem:s22], [sflag:s6] =	dma.local [hbm:s5], s4  }
0x9e: {  	_ =	swait.ge [sflag:s6], s4  }
0x9f: {  	s4 =	ssub.s32 $0x0, s4;
	[sflag:s6] =	ssyncset.done $0x0  }
0xa0: {  	[sflag:s6] =	ssyncadd.s32 s4;
	_ =	sdelay $0x1  }
0xa1: {  	s23 =	simm.s32 $0x1B8B  }
0xa2: {  	_ =	swait.ge [sflag:s23], $0x1  }
0xa3: {  	[sflag:s23] =	ssyncset.done $0x0  }
0xa4: {  	[sflag:s23] =	ssyncadd.s32 $0xFFFFFFFF  }
0xa5: {  	s4 =	sld [smem:$0x0]  }
0xa6: {  	s5 =	sand.u32 $0xFFFFFFFE, s1  }
0xa7: {  	p0 =	sne.s32 s1, s5  }
0xa8: {  	s5 =	sshll.u32 @p0 s5, $0xE  }
0xa9: {  	s5 =	sadd.s32 @p0 $0x11B8D, s5;
	s6 =	sshll.u32 @p0 s4, $0x11  }
0xaa: {  	s5 =	sor.u32 @p0 s6, s5  }
0xab: {  	[sflag:s5] =	ssyncadd.remote.s32 @p0 $0x1;
	_ =	sdelay $0x1  }
0xac: {  	s5 =	simm.s32 @p0 $0x1B8D  }
0xad: {  	_ =	swait.eq @p0 [sflag:s5], $0x1  }
0xae: {  	[sflag:s5] =	ssyncadd.s32 @p0 $0xFFFFFFFF  }
0xaf: {  	s6 =	sshll.u32 @!p0 s1, $0xE  }
0xb0: {  	s6 =	sor.u32 @!p0 $0x4000, s6;
	s5 =	simm.s32 @!p0 $0x1B8D  }
0xb1: {  	s4 =	sshll.u32 @!p0 s4, $0x11;
	s6 =	sadd.s32 @!p0 $0x11B8D, s6;
	_ =	swait.eq @!p0 [sflag:s5], $0x1  }
0xb2: {  	s4 =	sor.u32 @!p0 s4, s6;
	[sflag:s5] =	ssyncadd.s32 @!p0 $0xFFFFFFFF  }
0xb3: {  	s25 =	simm.s32 $0x1B8E;
	s24 =	sld [smem:$0x3FFE];
	[sflag:s4] =	ssyncadd.remote.s32 @!p0 $0x1  }
0xb4: {  	s26 =	simm.s32 $execute0_lowered;
	[smem:$0x3FD2] =	sst s25  }
0xb5: {  	s5 =	sshll.u32 s26, $0x1;
	_ =	strace $0x80000049;
	[dreg:$0x1] =	wrdreg $0xFFFFFFFF  }
0xb6: {  	s28 =	simm.s32 $_size_execute0_lowered;
	s3 =	sadd.s32 s3, s5;
	[dreg:$0x0] =	wrdreg $0x0  }
0xb7: {  	s5 =	sshll.u32 s28, $0x1;
	[dreg:$0x2] =	wrdreg s3  }
0xb8: {  	[dreg:$0x3] =	wrdreg s5  }
0xb9: {  	[dreg:$0x4] =	wrdreg $0xC0  }
0xba: {  	_ =	task [dreg:s22], $0x5FFFF  }
0xbb: {  	[dreg:$0x1] =	wrdreg $0xFFFFFFFF  }
0xbc: {  	[dreg:$0x0] =	wrdreg $0x60  }
0xbd: {  	[dreg:$0x2] =	wrdreg s24  }
0xbe: {  	[dreg:$0x3] =	wrdreg $0x9  }
0xbf: {  	_ =	task.clear_ibuf [dreg:s22], $0x4FFFF;
	_ =	strace $0x90000049  }
0xc0: {  	s29 =	simm.s32 $0x9;
	_ =	strace $0x8000004B  }
0xc1: {  	_ =	swait.ge [sflag:s29], $0x1  }
0xc2: {  	[sflag:s29] =	ssyncadd.s32 $0xFFFFFFFF  }
0xc3: {  	_ =	strace $0x9000004B  }
0xc4: {  	_ =	sfence  }
0xc5: {  	s30 =	sld [smem:$0x0];
	_ =	sdelay $0x2  }
0xc6: {  	s31 =	sshll.u32 s1, $0xD;
	s1 =	sshrl.u32 s1, $0x2  }
0xc7: {  	s4 =	sand.u32 $0x4000, s31;
	s1 =	sadd.s32 s1, s30  }
0xc8: {  	s0 =	sor.u32 s4, s0;
	s1 =	sshll.u32 s1, $0x11  }
0xc9: {  	s0 =	sor.u32 s1, s0  }
0xca: {  	s0 =	sadd.s32 $0x8F2B, s0  }
0xcb: {  	[sflag:s0] =	ssyncadd.remote.s32 $0x1  }
0xcc: {  	_ =	sfence.sel $0xFFFF  }
0xcd: {  	[dreg:$0x0] =	wrdreg $0xFFFFFFFF;
	(pc) =	sbr.abs _section_cstart, $3  }
0xce: {  	[dreg:$0x1] =	wrdreg $0xFFFFFFFF  }
0xcf: {  	_ =	task.clear_ibuf [dreg:s22], $0x2FFFF;
	_ =	strace $0x9FFFFFFF  }
0xd0: {  	(tm) =	ssettm $0x7FFFFFFF  }
0xd1: {  	_ =	shalt  }
tec
execute0_lowered:
.L_overlay_start_1:
0x0: {  	(tag) =	ssettag $0x1  }
0x1: {  	s0 =	rddreg [dreg:$0x0];
	s1 =	simm.s32 $0x0  }
0x2: {  	s2 =	simm.s32 $0x200;
	[smem:$0x7FF] =	sst s1  }
0x3: {  	s26 =	simm.s32 $0x600;
	_ =	strace $0x8000004A;
	[dreg:$0x2] =	wrdreg s2  }
0x4: {  	s28 =	simm.s32 $0xA00;
	[dreg:$0x3] =	wrdreg s26  }
0x5: {  	s29 =	simm.s32 $0xE00;
	[dreg:$0x4] =	wrdreg s28  }
0x6: {  	s30 =	simm.s32 $0x1200;
	[dreg:$0x5] =	wrdreg s29  }
0x7: {  	s31 =	simm.s32 $0x1600;
	[dreg:$0x6] =	wrdreg s30  }
0x8: {  	s3 =	simm.s32 $0x1A00;
	[dreg:$0x7] =	wrdreg s31  }
0x9: {  	s4 =	simm.s32 $0x1E00;
	[dreg:$0x8] =	wrdreg s3  }
0xa: {  	s5 =	simm.s32 $0x2200;
	[dreg:$0x9] =	wrdreg s4  }
0xb: {  	s6 =	simm.s32 $0x2600;
	[dreg:$0xa] =	wrdreg s5  }
0xc: {  	s7 =	simm.s32 $0x2A00;
	[dreg:$0xb] =	wrdreg s6  }
0xd: {  	s8 =	simm.s32 $0x2E00;
	[dreg:$0xc] =	wrdreg s7  }
0xe: {  	s9 =	simm.s32 $0x3200;
	[dreg:$0xd] =	wrdreg s8  }
0xf: {  	s10 =	simm.s32 $0x3600;
	[dreg:$0xe] =	wrdreg s9  }
0x10: {  	s11 =	simm.s32 $0x3A00;
	[dreg:$0xf] =	wrdreg s10  }
0x11: {  	s12 =	simm.s32 $0x3E00;
	[dreg:$0x10] =	wrdreg s11  }
0x12: {  	s13 =	simm.s32 $0x4200;
	[dreg:$0x11] =	wrdreg s12  }
0x13: {  	s14 =	simm.s32 $0x4600;
	[dreg:$0x12] =	wrdreg s13  }
0x14: {  	s15 =	simm.s32 $0x4E00;
	[dreg:$0x13] =	wrdreg s14  }
0x15: {  	s16 =	simm.s32 $0x5200;
	[dreg:$0x15] =	wrdreg s15  }
0x16: {  	s17 =	simm.s32 $0x5600;
	[dreg:$0x16] =	wrdreg s16  }
0x17: {  	s18 =	simm.s32 $0x5A00;
	[dreg:$0x17] =	wrdreg s17  }
0x18: {  	s19 =	simm.s32 $0x5E00;
	[dreg:$0x18] =	wrdreg s18  }
0x19: {  	s21 =	simm.s32 $0x6200;
	[dreg:$0x19] =	wrdreg s19  }
0x1a: {  	s22 =	simm.s32 $0x6600;
	[dreg:$0x1a] =	wrdreg s21  }
0x1b: {  	s24 =	simm.s32 $0x6A00;
	s25 =	simm.s32 $0x6E00;
	[dreg:$0x1b] =	wrdreg s22  }
0x1c: {  	s3 =	srdreg.scid;
	s5 =	simm.s32 $0x4A00;
	[dreg:$0x1c] =	wrdreg s24  }
0x1d: {  	s2 =	sadd.s32 $0x24D800, s0;
	s7 =	stileid.u32;
	[dreg:$0x1d] =	wrdreg s25  }
0x1e: {  	s26 =	simm.s32 $0x7200;
	s29 =	simm.s32 $0x7600;
	[dreg:$0x14] =	wrdreg s5  }
0x1f: {  	s30 =	simm.s32 $0x7A00;
	s31 =	simm.s32 $0x7E00;
	[dreg:$0x1e] =	wrdreg s26  }
0x20: {  	s3 =	sand.u32 $0x1, s3;
	s23 =	sshll.u32 s7, $0x7;
	[dreg:$0x1f] =	wrdreg s29  }
0x21: {  	s28 =	sshll.u32 s7, $0xE;
	[smem:$0x7FB] =	sst s30;
	s4 =	sshll.u32 s3, $0x6  }
0x22: {  	[smem:$0x7FD] =	sst s31;
	s6 =	sshll.u32 s3, $0xD;
	s4 =	sadd.s32 s4, s0  }
0x23: {  	s3 =	ssub.s32 $0x2, s3;
	s0 =	sadd.s32 s6, s0;
	s4 =	sadd.s32 s23, s4  }
0x24: {  	s20 =	sshrl.u32 s3, $0x1;
	s0 =	sadd.s32 s28, s0;
	s4 =	sadd.s32 $0x3000, s4  }
0x25: {  	s3 =	ssub.s32 s3, s20;
	s0 =	sadd.s32 $0x45800, s0;
	[smem:$0x7F9] =	sst s4  }
0x26: {  	s8 =	simm.s32 $0x1;
	s3 =	smax.u32 s3, $0x1;
	[smem:$0x7FA] =	sst s0  }
0x27: {  	[smem:$0x7FC] =	sst s3;
	s3 =	simm.s32 $0x2;
	s4 =	simm.s32 $0x0  }
.LBB2_1:
0x28: {  	s0 =	sld [smem:$0x7F9];
	_ =	sdelay $0x1  }
0x29: {  	[smem:$0x7F8] =	sst s4  }
0x2a: {  	[tilespmem:s1], [sflag:$0x2] =	stream.linear.gather [hbm4b:s0+s1], $0x200, $0x38;
	[tilespmem:$0x18200] =	vst v63  }
0x2b: {  	_ =	swait.ge [sflag:s3], $0x200  }
0x2c: {  	s11 =	simm.s32 $0x10;
	[sflag:s3] =	ssyncset.done $0x0  }
0x2d: {  	s12 =	simm.s32 $0x8A00;
	s25 =	simm.s32 $0x0;
	[sflag:s3] =	ssyncadd.s32 $0xFFFFFE00  }
.LBB2_2:
0x2e: {  	s0 =	sadd.s32 $0xFFFFFFF0, s11;
	s3 =	sshrl.u32 s25, $0x2  }
0x2f: {  	s0 =	sand.u32 $0x60, s0;
	s21 =	sand.u32 $0x180, s3  }
0x30: {  	s0 =	sor.u32 s0, s21  }
0x31: {  	v0 =	vld [tilespmem:s0+$0x0];
	_ =	sdelay $0x4  }
0x32: {  	(v2sf) =	vpush v0, $0x0;
	_ =	sdelay $0x4  }
0x33: {  	(v2sf) =	vpush v0, $0x1;
	_ =	sdelay $0x4  }
0x34: {  	(v2sf) =	vpush v0, $0x2;
	_ =	sdelay $0x4  }
0x35: {  	(v2sf) =	vpush v0, $0x3;
	s24 =	spop (v2sf)  }
0x36: {  	s9 =	sshll.u32 s24, $0x4  }
0x37: {  	s3 =	sand.u32 $0xFFFFF80, s9  }
0x38: {  	s4 =	rddreg [dreg:$0x2];
	s3 =	sadd.s32 s2, s3  }
0x39: {  	[tilespmem:s4], [sflag:$0x1] =	stream.linear.gather [hbm4b:s3+s1], $0x400, $0x38;
	[tilespmem:$0x18200] =	vst v63  }
0x3a: {  	s3 =	spop (v2sf);
	(v2sf) =	vpush v0, $0x4  }
0x3b: {  	s10 =	sshll.u32 s3, $0x4  }
0x3c: {  	s4 =	sand.u32 $0xFFFFF80, s10  }
0x3d: {  	s5 =	rddreg [dreg:$0x3];
	s4 =	sadd.s32 s2, s4  }
0x3e: {  	[tilespmem:s5], [sflag:$0x1] =	stream.linear.gather [hbm4b:s4+s1], $0x400, $0x38;
	[tilespmem:$0x18200] =	vst v63  }
0x3f: {  	s4 =	spop (v2sf);
	(v2sf) =	vpush v0, $0x5  }
0x40: {  	s13 =	sshll.u32 s4, $0x4  }
0x41: {  	s5 =	sand.u32 $0xFFFFF80, s13  }
0x42: {  	s6 =	rddreg [dreg:$0x4];
	s5 =	sadd.s32 s2, s5  }
0x43: {  	[tilespmem:s6], [sflag:$0x1] =	stream.linear.gather [hbm4b:s5+s1], $0x400, $0x38;
	[tilespmem:$0x18200] =	vst v63  }
0x44: {  	s5 =	spop (v2sf);
	(v2sf) =	vpush v0, $0x6  }
0x45: {  	s14 =	sshll.u32 s5, $0x4  }
0x46: {  	s6 =	sand.u32 $0xFFFFF80, s14  }
0x47: {  	s7 =	rddreg [dreg:$0x5];
	s6 =	sadd.s32 s2, s6  }
0x48: {  	[tilespmem:s7], [sflag:$0x1] =	stream.linear.gather [hbm4b:s6+s1], $0x400, $0x38;
	[tilespmem:$0x18200] =	vst v63  }
0x49: {  	s6 =	spop (v2sf);
	(v2sf) =	vpush v0, $0x7  }
0x4a: {  	s15 =	sshll.u32 s6, $0x4  }
0x4b: {  	s7 =	sand.u32 $0xFFFFF80, s15  }
0x4c: {  	s9 =	rddreg [dreg:$0x6];
	s7 =	sadd.s32 s2, s7  }
0x4d: {  	[tilespmem:s9], [sflag:$0x1] =	stream.linear.gather [hbm4b:s7+s1], $0x400, $0x38;
	[tilespmem:$0x18200] =	vst v63  }
0x4e: {  	s7 =	spop (v2sf);
	(v2sf) =	vpush v0, $0x8  }
0x4f: {  	s16 =	sshll.u32 s7, $0x4  }
0x50: {  	s9 =	sand.u32 $0xFFFFF80, s16  }
0x51: {  	s10 =	rddreg [dreg:$0x7];
	s9 =	sadd.s32 s2, s9  }
0x52: {  	[tilespmem:s10], [sflag:$0x1] =	stream.linear.gather [hbm4b:s9+s1], $0x400, $0x38;
	[tilespmem:$0x18200] =	vst v63  }
0x53: {  	s9 =	spop (v2sf);
	(v2sf) =	vpush v0, $0x9  }
0x54: {  	s17 =	sshll.u32 s9, $0x4  }
0x55: {  	s10 =	sand.u32 $0xFFFFF80, s17  }
0x56: {  	s14 =	rddreg [dreg:$0x8];
	s10 =	sadd.s32 s2, s10  }
0x57: {  	[tilespmem:s14], [sflag:$0x1] =	stream.linear.gather [hbm4b:s10+s1], $0x400, $0x38;
	[tilespmem:$0x18200] =	vst v63  }
0x58: {  	s10 =	spop (v2sf);
	(v2sf) =	vpush v0, $0xA  }
0x59: {  	s18 =	sshll.u32 s10, $0x4  }
0x5a: {  	s14 =	sand.u32 $0xFFFFF80, s18  }
0x5b: {  	s15 =	rddreg [dreg:$0x9];
	s14 =	sadd.s32 s2, s14  }
0x5c: {  	[tilespmem:s15], [sflag:$0x1] =	stream.linear.gather [hbm4b:s14+s1], $0x400, $0x38;
	[tilespmem:$0x18200] =	vst v63  }
0x5d: {  	s14 =	spop (v2sf);
	(v2sf) =	vpush v0, $0xB  }
0x5e: {  	s19 =	sshll.u32 s14, $0x4  }
0x5f: {  	s15 =	sand.u32 $0xFFFFF80, s19  }
0x60: {  	s16 =	rddreg [dreg:$0xa];
	s15 =	sadd.s32 s2, s15  }
0x61: {  	[tilespmem:s16], [sflag:$0x1] =	stream.linear.gather [hbm4b:s15+s1], $0x400, $0x38;
	[tilespmem:$0x18200] =	vst v63  }
0x62: {  	s15 =	spop (v2sf);
	(v2sf) =	vpush v0, $0xC  }
0x63: {  	s20 =	sshll.u32 s15, $0x4  }
0x64: {  	s16 =	sand.u32 $0xFFFFF80, s20  }
0x65: {  	s17 =	rddreg [dreg:$0xb];
	s16 =	sadd.s32 s2, s16  }
0x66: {  	[tilespmem:s17], [sflag:$0x1] =	stream.linear.gather [hbm4b:s16+s1], $0x400, $0x38;
	[tilespmem:$0x18200] =	vst v63  }
0x67: {  	s16 =	spop (v2sf);
	(v2sf) =	vpush v0, $0xD  }
0x68: {  	s22 =	sshll.u32 s16, $0x4  }
0x69: {  	s17 =	sand.u32 $0xFFFFF80, s22  }
0x6a: {  	s18 =	rddreg [dreg:$0xc];
	s17 =	sadd.s32 s2, s17  }
0x6b: {  	[tilespmem:s18], [sflag:$0x1] =	stream.linear.gather [hbm4b:s17+s1], $0x400, $0x38;
	[tilespmem:$0x18200] =	vst v63  }
0x6c: {  	s17 =	spop (v2sf);
	(v2sf) =	vpush v0, $0xE  }
0x6d: {  	s23 =	sshll.u32 s17, $0x4  }
0x6e: {  	s18 =	sand.u32 $0xFFFFF80, s23  }
0x6f: {  	s19 =	rddreg [dreg:$0xd];
	s18 =	sadd.s32 s2, s18  }
0x70: {  	[tilespmem:s19], [sflag:$0x1] =	stream.linear.gather [hbm4b:s18+s1], $0x400, $0x38;
	[tilespmem:$0x18200] =	vst v63  }
0x71: {  	s18 =	spop (v2sf);
	(v2sf) =	vpush v0, $0xF  }
0x72: {  	s26 =	sshll.u32 s18, $0x4  }
0x73: {  	s19 =	sand.u32 $0xFFFFF80, s26  }
0x74: {  	s20 =	rddreg [dreg:$0xe];
	s19 =	sadd.s32 s2, s19  }
0x75: {  	[tilespmem:s20], [sflag:$0x1] =	stream.linear.gather [hbm4b:s19+s1], $0x400, $0x38;
	[tilespmem:$0x18200] =	vst v63  }
0x76: {  	s19 =	spop (v2sf)  }
0x77: {  	s28 =	sshll.u32 s19, $0x4  }
0x78: {  	s20 =	sand.u32 $0xFFFFF80, s28  }
0x79: {  	s22 =	rddreg [dreg:$0xf];
	s20 =	sadd.s32 s2, s20  }
0x7a: {  	[tilespmem:s22], [sflag:$0x1] =	stream.linear.gather [hbm4b:s20+s1], $0x400, $0x38;
	[tilespmem:$0x18200] =	vst v63  }
0x7b: {  	s20 =	spop (v2sf)  }
0x7c: {  	s29 =	sshll.u32 s20, $0x4  }
0x7d: {  	s22 =	sand.u32 $0xFFFFF80, s29  }
0x7e: {  	s23 =	rddreg [dreg:$0x10];
	s22 =	sadd.s32 s2, s22  }
0x7f: {  	[tilespmem:s23], [sflag:$0x1] =	stream.linear.gather [hbm4b:s22+s1], $0x400, $0x38;
	[tilespmem:$0x18200] =	vst v63  }
0x80: {  	s31 =	spop (v2sf)  }
0x81: {  	s30 =	sshll.u32 s31, $0x4  }
0x82: {  	s13 =	sand.u32 $0x70, s11;
	s22 =	sand.u32 $0xFFFFF80, s30  }
0x83: {  	s0 =	rddreg [dreg:$0x11];
	s21 =	sor.u32 s13, s21;
	s22 =	sadd.s32 s2, s22  }
0x84: {  	[tilespmem:s0], [sflag:$0x1] =	stream.linear.gather [hbm4b:s22+s1], $0x400, $0x38;
	[tilespmem:$0x18200] =	vst v63  }
0x85: {  	v61 =	vld [tilespmem:s21+$0x0];
	_ =	sdelay $0x4  }
0x86: {  	(v2sf) =	vpush v61, $0x0;
	_ =	sdelay $0x2  }
0x87: {  	(v2sf) =	vpush v61, $0x1;
	_ =	sdelay $0x5  }
0x88: {  	(v2sf) =	vpush v61, $0x2;
	_ =	sdelay $0x5  }
0x89: {  	s30 =	spop (v2sf);
	(v2sf) =	vpush v61, $0x3;
	_ =	sdelay $0x1  }
0x8a: {  	s22 =	sshll.u32 s30, $0x4  }
0x8b: {  	s29 =	spop (v2sf);
	s21 =	sand.u32 $0xFFFFF80, s22  }
0x8c: {  	s23 =	rddreg [dreg:$0x12];
	s26 =	sshll.u32 s29, $0x4;
	s21 =	sadd.s32 s2, s21  }
0x8d: {  	(v2sf) =	vpush v61, $0x4;
	[tilespmem:s23], [sflag:$0x1] =	stream.linear.gather [hbm4b:s21+s1], $0x400, $0x38;
	[tilespmem:$0x18200] =	vst v63  }
0x8e: {  	s21 =	sand.u32 $0xFFFFF80, s26  }
0x8f: {  	s28 =	rddreg [dreg:$0x13];
	s21 =	sadd.s32 s2, s21  }
0x90: {  	[tilespmem:s28], [sflag:$0x1] =	stream.linear.gather [hbm4b:s21+s1], $0x400, $0x38;
	[tilespmem:$0x18200] =	vst v63  }
0x91: {  	s28 =	spop (v2sf);
	(v2sf) =	vpush v61, $0x5;
	_ =	sdelay $0x1  }
0x92: {  	s0 =	sshll.u32 s28, $0x4  }
0x93: {  	s21 =	sand.u32 $0xFFFFF80, s0  }
0x94: {  	s13 =	rddreg [dreg:$0x14];
	s21 =	sadd.s32 s2, s21  }
0x95: {  	[tilespmem:s13], [sflag:$0x1] =	stream.linear.gather [hbm4b:s21+s1], $0x400, $0x38;
	[tilespmem:$0x18200] =	vst v63  }
0x96: {  	s26 =	spop (v2sf);
	(v2sf) =	vpush v61, $0x6  }
0x97: {  	s22 =	sshll.u32 s26, $0x4  }
0x98: {  	s21 =	sand.u32 $0xFFFFF80, s22  }
0x99: {  	s23 =	rddreg [dreg:$0x15];
	s21 =	sadd.s32 s2, s21  }
0x9a: {  	[tilespmem:s23], [sflag:$0x1] =	stream.linear.gather [hbm4b:s21+s1], $0x400, $0x38;
	[tilespmem:$0x18200] =	vst v63  }
0x9b: {  	s23 =	spop (v2sf);
	(v2sf) =	vpush v61, $0x7;
	_ =	sdelay $0x2  }
0x9c: {  	s0 =	sshll.u32 s23, $0x4  }
0x9d: {  	s21 =	sand.u32 $0xFFFFF80, s0;
	s22 =	spop (v2sf)  }
0x9e: {  	s13 =	rddreg [dreg:$0x16];
	(v2sf) =	vpush v61, $0x8;
	s21 =	sadd.s32 s2, s21;
	s0 =	sshll.u32 s22, $0x4  }
0x9f: {  	[tilespmem:s13], [sflag:$0x1] =	stream.linear.gather [hbm4b:s21+s1], $0x400, $0x38;
	[tilespmem:$0x18200] =	vst v63  }
0xa0: {  	s21 =	sand.u32 $0xFFFFF80, s0  }
0xa1: {  	s13 =	rddreg [dreg:$0x17];
	s21 =	sadd.s32 s2, s21  }
0xa2: {  	[tilespmem:s13], [sflag:$0x1] =	stream.linear.gather [hbm4b:s21+s1], $0x400, $0x38;
	[tilespmem:$0x18200] =	vst v63  }
0xa3: {  	[smem:$0x7EF] =	sst s22;
	s22 =	spop (v2sf);
	(v2sf) =	vpush v61, $0x9  }
0xa4: {  	s0 =	sshll.u32 s22, $0x4  }
0xa5: {  	s21 =	sand.u32 $0xFFFFF80, s0  }
0xa6: {  	s13 =	rddreg [dreg:$0x18];
	s21 =	sadd.s32 s2, s21  }
0xa7: {  	[tilespmem:s13], [sflag:$0x1] =	stream.linear.gather [hbm4b:s21+s1], $0x400, $0x38;
	[tilespmem:$0x18200] =	vst v63  }
0xa8: {  	[smem:$0x7F0] =	sst s22;
	s22 =	spop (v2sf);
	(v2sf) =	vpush v61, $0xA  }
0xa9: {  	s0 =	sshll.u32 s22, $0x4  }
0xaa: {  	s21 =	sand.u32 $0xFFFFF80, s0  }
0xab: {  	s13 =	rddreg [dreg:$0x19];
	s21 =	sadd.s32 s2, s21  }
0xac: {  	[tilespmem:s13], [sflag:$0x1] =	stream.linear.gather [hbm4b:s21+s1], $0x400, $0x38;
	[tilespmem:$0x18200] =	vst v63  }
0xad: {  	s21 =	spop (v2sf);
	(v2sf) =	vpush v61, $0xB  }
0xae: {  	s0 =	sshll.u32 s21, $0x4  }
0xaf: {  	s0 =	sand.u32 $0xFFFFF80, s0  }
0xb0: {  	s13 =	rddreg [dreg:$0x1a];
	s0 =	sadd.s32 s2, s0  }
0xb1: {  	[tilespmem:s13], [sflag:$0x1] =	stream.linear.gather [hbm4b:s0+s1], $0x400, $0x38;
	[tilespmem:$0x18200] =	vst v63  }
0xb2: {  	(v2sf) =	vpush v61, $0xC;
	s13 =	spop (v2sf)  }
0xb3: {  	s0 =	sshll.u32 s13, $0x4  }
0xb4: {  	[smem:$0x7F1] =	sst s13;
	s0 =	sand.u32 $0xFFFFF80, s0  }
0xb5: {  	s13 =	rddreg [dreg:$0x1b];
	s0 =	sadd.s32 s2, s0  }
0xb6: {  	[tilespmem:s13], [sflag:$0x1] =	stream.linear.gather [hbm4b:s0+s1], $0x400, $0x38;
	[tilespmem:$0x18200] =	vst v63  }
0xb7: {  	(v2sf) =	vpush v61, $0xD;
	s13 =	spop (v2sf)  }
0xb8: {  	s0 =	sshll.u32 s13, $0x4  }
0xb9: {  	[smem:$0x7F2] =	sst s13;
	s0 =	sand.u32 $0xFFFFF80, s0  }
0xba: {  	s13 =	rddreg [dreg:$0x1c];
	s0 =	sadd.s32 s2, s0  }
0xbb: {  	[tilespmem:s13], [sflag:$0x1] =	stream.linear.gather [hbm4b:s0+s1], $0x400, $0x38;
	[tilespmem:$0x18200] =	vst v63  }
0xbc: {  	(v2sf) =	vpush v61, $0xE;
	s13 =	spop (v2sf)  }
0xbd: {  	s0 =	sshll.u32 s13, $0x4  }
0xbe: {  	[smem:$0x7F3] =	sst s13;
	s0 =	sand.u32 $0xFFFFF80, s0  }
0xbf: {  	s13 =	rddreg [dreg:$0x1d];
	s0 =	sadd.s32 s2, s0  }
0xc0: {  	[tilespmem:s13], [sflag:$0x1] =	stream.linear.gather [hbm4b:s0+s1], $0x400, $0x38;
	[tilespmem:$0x18200] =	vst v63  }
0xc1: {  	s13 =	spop (v2sf)  }
0xc2: {  	(v2sf) =	vpush v61, $0xF;
	s0 =	sshll.u32 s13, $0x4  }
0xc3: {  	[smem:$0x7F4] =	sst s13;
	s0 =	sand.u32 $0xFFFFF80, s0  }
0xc4: {  	s13 =	rddreg [dreg:$0x1e];
	s0 =	sadd.s32 s2, s0  }
0xc5: {  	[tilespmem:s13], [sflag:$0x1] =	stream.linear.gather [hbm4b:s0+s1], $0x400, $0x38;
	[tilespmem:$0x18200] =	vst v63  }
0xc6: {  	s13 =	spop (v2sf)  }
0xc7: {  	s0 =	sshll.u32 s13, $0x4  }
0xc8: {  	[smem:$0x7F5] =	sst s13;
	s0 =	sand.u32 $0xFFFFF80, s0  }
0xc9: {  	s13 =	rddreg [dreg:$0x1f];
	s0 =	sadd.s32 s2, s0  }
0xca: {  	[tilespmem:s13], [sflag:$0x1] =	stream.linear.gather [hbm4b:s0+s1], $0x400, $0x38;
	[tilespmem:$0x18200] =	vst v63  }
0xcb: {  	s13 =	spop (v2sf)  }
0xcc: {  	[smem:$0x7F6] =	sst s13  }
0xcd: {  	s0 =	sshll.u32 s13, $0x4;
	s13 =	sld [smem:$0x7FB]  }
0xce: {  	s0 =	sand.u32 $0xFFFFF80, s0  }
0xcf: {  	s0 =	sadd.s32 s2, s0  }
0xd0: {  	[tilespmem:s13], [sflag:$0x1] =	stream.linear.gather [hbm4b:s0+s1], $0x400, $0x38;
	[tilespmem:$0x18200] =	vst v63  }
0xd1: {  	s13 =	spop (v2sf)  }
0xd2: {  	[smem:$0x7F7] =	sst s13  }
0xd3: {  	s0 =	sshll.u32 s13, $0x4;
	s13 =	sld [smem:$0x7FD]  }
0xd4: {  	s0 =	sand.u32 $0xFFFFF80, s0  }
0xd5: {  	s0 =	sadd.s32 s2, s0  }
0xd6: {  	[tilespmem:s13], [sflag:$0x1] =	stream.linear.gather [hbm4b:s0+s1], $0x400, $0x38;
	[tilespmem:$0x18200] =	vst v63  }
0xd7: {  	_ =	swait.ge [sflag:s8], $0x400  }
0xd8: {  	[sflag:s8] =	ssyncset.done $0x0  }
0xd9: {  	[sflag:s8] =	ssyncadd.s32 $0xFFFFFC00  }
0xda: {  	_ =	swait.ge [sflag:s8], $0x400  }
0xdb: {  	[sflag:s8] =	ssyncset.done $0x0  }
0xdc: {  	[sflag:s8] =	ssyncadd.s32 $0xFFFFFC00  }
0xdd: {  	_ =	swait.ge [sflag:s8], $0x400  }
0xde: {  	[sflag:s8] =	ssyncset.done $0x0  }
0xdf: {  	[sflag:s8] =	ssyncadd.s32 $0xFFFFFC00  }
0xe0: {  	_ =	swait.ge [sflag:s8], $0x400  }
0xe1: {  	[sflag:s8] =	ssyncset.done $0x0  }
0xe2: {  	[sflag:s8] =	ssyncadd.s32 $0xFFFFFC00  }
0xe3: {  	_ =	swait.ge [sflag:s8], $0x400  }
0xe4: {  	[sflag:s8] =	ssyncset.done $0x0  }
0xe5: {  	[sflag:s8] =	ssyncadd.s32 $0xFFFFFC00  }
0xe6: {  	_ =	swait.ge [sflag:s8], $0x400  }
0xe7: {  	[sflag:s8] =	ssyncset.done $0x0  }
0xe8: {  	[sflag:s8] =	ssyncadd.s32 $0xFFFFFC00  }
0xe9: {  	_ =	swait.ge [sflag:s8], $0x400  }
0xea: {  	[sflag:s8] =	ssyncset.done $0x0  }
0xeb: {  	[sflag:s8] =	ssyncadd.s32 $0xFFFFFC00  }
0xec: {  	_ =	swait.ge [sflag:s8], $0x400  }
0xed: {  	[sflag:s8] =	ssyncset.done $0x0  }
0xee: {  	[sflag:s8] =	ssyncadd.s32 $0xFFFFFC00  }
0xef: {  	_ =	swait.ge [sflag:s8], $0x400  }
0xf0: {  	[sflag:s8] =	ssyncset.done $0x0  }
0xf1: {  	[sflag:s8] =	ssyncadd.s32 $0xFFFFFC00  }
0xf2: {  	_ =	swait.ge [sflag:s8], $0x400  }
0xf3: {  	[sflag:s8] =	ssyncset.done $0x0  }
0xf4: {  	[sflag:s8] =	ssyncadd.s32 $0xFFFFFC00  }
0xf5: {  	_ =	swait.ge [sflag:s8], $0x400  }
0xf6: {  	[sflag:s8] =	ssyncset.done $0x0  }
0xf7: {  	[sflag:s8] =	ssyncadd.s32 $0xFFFFFC00  }
0xf8: {  	_ =	swait.ge [sflag:s8], $0x400  }
0xf9: {  	[sflag:s8] =	ssyncset.done $0x0  }
0xfa: {  	[sflag:s8] =	ssyncadd.s32 $0xFFFFFC00  }
0xfb: {  	_ =	swait.ge [sflag:s8], $0x400  }
0xfc: {  	[sflag:s8] =	ssyncset.done $0x0  }
0xfd: {  	[sflag:s8] =	ssyncadd.s32 $0xFFFFFC00  }
0xfe: {  	_ =	swait.ge [sflag:s8], $0x400  }
0xff: {  	[sflag:s8] =	ssyncset.done $0x0  }
0x100: {  	[sflag:s8] =	ssyncadd.s32 $0xFFFFFC00  }
0x101: {  	_ =	swait.ge [sflag:s8], $0x400  }
0x102: {  	[sflag:s8] =	ssyncset.done $0x0  }
0x103: {  	[sflag:s8] =	ssyncadd.s32 $0xFFFFFC00  }
0x104: {  	_ =	swait.ge [sflag:s8], $0x400  }
0x105: {  	s24 =	sshll.u32 s24, $0x7;
	[sflag:s8] =	ssyncset.done $0x0  }
0x106: {  	s0 =	sand.u32 $0x380, s24;
	[sflag:s8] =	ssyncadd.s32 $0xFFFFFC00  }
0x107: {  	v62 =	vld [tilespmem:s0+$0x200];
	_ =	sdelay $0x4  }
0x108: {  	[tilespmem:s12+$0xFFFFF800] =	vst v62  }
0x109: {  	v0 =	vld [tilespmem:s0+$0x210];
	_ =	sdelay $0x4  }
0x10a: {  	[tilespmem:s12+$0xFFFFF810] =	vst v0  }
0x10b: {  	v0 =	vld [tilespmem:s0+$0x220];
	_ =	sdelay $0x4  }
0x10c: {  	[tilespmem:s12+$0xFFFFF820] =	vst v0  }
0x10d: {  	v0 =	vld [tilespmem:s0+$0x230];
	_ =	sdelay $0x3  }
0x10e: {  	s3 =	sshll.u32 s3, $0x7  }
0x10f: {  	s0 =	sand.u32 $0x380, s3;
	[tilespmem:s12+$0xFFFFF830] =	vst v0  }
0x110: {  	v0 =	vld [tilespmem:s0+$0x600];
	_ =	sdelay $0x4  }
0x111: {  	[tilespmem:s12+$0xFFFFF880] =	vst v0  }
0x112: {  	v0 =	vld [tilespmem:s0+$0x610];
	_ =	sdelay $0x4  }
0x113: {  	[tilespmem:s12+$0xFFFFF890] =	vst v0  }
0x114: {  	v0 =	vld [tilespmem:s0+$0x620];
	_ =	sdelay $0x4  }
0x115: {  	[tilespmem:s12+$0xFFFFF8A0] =	vst v0  }
0x116: {  	v0 =	vld [tilespmem:s0+$0x630];
	_ =	sdelay $0x3  }
0x117: {  	s4 =	sshll.u32 s4, $0x7  }
0x118: {  	s0 =	sand.u32 $0x380, s4;
	[tilespmem:s12+$0xFFFFF8B0] =	vst v0  }
0x119: {  	v0 =	vld [tilespmem:s0+$0xA00];
	_ =	sdelay $0x4  }
0x11a: {  	[tilespmem:s12+$0xFFFFF900] =	vst v0  }
0x11b: {  	v0 =	vld [tilespmem:s0+$0xA10];
	_ =	sdelay $0x4  }
0x11c: {  	[tilespmem:s12+$0xFFFFF910] =	vst v0  }
0x11d: {  	v0 =	vld [tilespmem:s0+$0xA20];
	_ =	sdelay $0x4  }
0x11e: {  	[tilespmem:s12+$0xFFFFF920] =	vst v0  }
0x11f: {  	v0 =	vld [tilespmem:s0+$0xA30];
	_ =	sdelay $0x3  }
0x120: {  	s5 =	sshll.u32 s5, $0x7  }
0x121: {  	s0 =	sand.u32 $0x380, s5;
	[tilespmem:s12+$0xFFFFF930] =	vst v0  }
0x122: {  	v0 =	vld [tilespmem:s0+$0xE00];
	_ =	sdelay $0x4  }
0x123: {  	[tilespmem:s12+$0xFFFFF980] =	vst v0  }
0x124: {  	v0 =	vld [tilespmem:s0+$0xE10];
	_ =	sdelay $0x4  }
0x125: {  	[tilespmem:s12+$0xFFFFF990] =	vst v0  }
0x126: {  	v0 =	vld [tilespmem:s0+$0xE20];
	_ =	sdelay $0x4  }
0x127: {  	[tilespmem:s12+$0xFFFFF9A0] =	vst v0  }
0x128: {  	v0 =	vld [tilespmem:s0+$0xE30];
	_ =	sdelay $0x3  }
0x129: {  	s6 =	sshll.u32 s6, $0x7  }
0x12a: {  	s0 =	sand.u32 $0x380, s6;
	[tilespmem:s12+$0xFFFFF9B0] =	vst v0  }
0x12b: {  	v0 =	vld [tilespmem:s0+$0x1200];
	_ =	sdelay $0x4  }
0x12c: {  	[tilespmem:s12+$0xFFFFFA00] =	vst v0  }
0x12d: {  	v0 =	vld [tilespmem:s0+$0x1210];
	_ =	sdelay $0x4  }
0x12e: {  	[tilespmem:s12+$0xFFFFFA10] =	vst v0  }
0x12f: {  	v0 =	vld [tilespmem:s0+$0x1220];
	_ =	sdelay $0x4  }
0x130: {  	[tilespmem:s12+$0xFFFFFA20] =	vst v0  }
0x131: {  	v0 =	vld [tilespmem:s0+$0x1230];
	_ =	sdelay $0x3  }
0x132: {  	s7 =	sshll.u32 s7, $0x7  }
0x133: {  	s0 =	sand.u32 $0x380, s7;
	[tilespmem:s12+$0xFFFFFA30] =	vst v0  }
0x134: {  	v0 =	vld [tilespmem:s0+$0x1600];
	_ =	sdelay $0x4  }
0x135: {  	[tilespmem:s12+$0xFFFFFA80] =	vst v0  }
0x136: {  	v0 =	vld [tilespmem:s0+$0x1610];
	_ =	sdelay $0x4  }
0x137: {  	[tilespmem:s12+$0xFFFFFA90] =	vst v0  }
0x138: {  	v0 =	vld [tilespmem:s0+$0x1620];
	_ =	sdelay $0x4  }
0x139: {  	[tilespmem:s12+$0xFFFFFAA0] =	vst v0  }
0x13a: {  	v0 =	vld [tilespmem:s0+$0x1630];
	_ =	sdelay $0x3  }
0x13b: {  	s9 =	sshll.u32 s9, $0x7  }
0x13c: {  	s0 =	sand.u32 $0x380, s9;
	[tilespmem:s12+$0xFFFFFAB0] =	vst v0  }
0x13d: {  	v0 =	vld [tilespmem:s0+$0x1A00];
	_ =	sdelay $0x4  }
0x13e: {  	[tilespmem:s12+$0xFFFFFB00] =	vst v0  }
0x13f: {  	v0 =	vld [tilespmem:s0+$0x1A10];
	_ =	sdelay $0x4  }
0x140: {  	[tilespmem:s12+$0xFFFFFB10] =	vst v0  }
0x141: {  	v0 =	vld [tilespmem:s0+$0x1A20];
	_ =	sdelay $0x4  }
0x142: {  	[tilespmem:s12+$0xFFFFFB20] =	vst v0  }
0x143: {  	v0 =	vld [tilespmem:s0+$0x1A30];
	_ =	sdelay $0x3  }
0x144: {  	s13 =	sshll.u32 s10, $0x7  }
0x145: {  	s0 =	sand.u32 $0x380, s13;
	[tilespmem:s12+$0xFFFFFB30] =	vst v0  }
0x146: {  	v0 =	vld [tilespmem:s0+$0x1E00];
	_ =	sdelay $0x4  }
0x147: {  	[tilespmem:s12+$0xFFFFFB80] =	vst v0  }
0x148: {  	v0 =	vld [tilespmem:s0+$0x1E10];
	_ =	sdelay $0x4  }
0x149: {  	[tilespmem:s12+$0xFFFFFB90] =	vst v0  }
0x14a: {  	v0 =	vld [tilespmem:s0+$0x1E20];
	_ =	sdelay $0x4  }
0x14b: {  	[tilespmem:s12+$0xFFFFFBA0] =	vst v0  }
0x14c: {  	v0 =	vld [tilespmem:s0+$0x1E30];
	_ =	sdelay $0x3  }
0x14d: {  	s24 =	sshll.u32 s14, $0x7  }
0x14e: {  	s0 =	sand.u32 $0x380, s24;
	[tilespmem:s12+$0xFFFFFBB0] =	vst v0  }
0x14f: {  	v0 =	vld [tilespmem:s0+$0x2200];
	_ =	sdelay $0x4  }
0x150: {  	[tilespmem:s12+$0xFFFFFC00] =	vst v0  }
0x151: {  	v0 =	vld [tilespmem:s0+$0x2210];
	_ =	sdelay $0x4  }
0x152: {  	[tilespmem:s12+$0xFFFFFC10] =	vst v0  }
0x153: {  	v0 =	vld [tilespmem:s0+$0x2220];
	_ =	sdelay $0x4  }
0x154: {  	[tilespmem:s12+$0xFFFFFC20] =	vst v0  }
0x155: {  	v0 =	vld [tilespmem:s0+$0x2230];
	_ =	sdelay $0x3  }
0x156: {  	s3 =	sshll.u32 s15, $0x7  }
0x157: {  	s0 =	sand.u32 $0x380, s3;
	[tilespmem:s12+$0xFFFFFC30] =	vst v0  }
0x158: {  	v0 =	vld [tilespmem:s0+$0x2600];
	_ =	sdelay $0x4  }
0x159: {  	[tilespmem:s12+$0xFFFFFC80] =	vst v0  }
0x15a: {  	v0 =	vld [tilespmem:s0+$0x2610];
	_ =	sdelay $0x4  }
0x15b: {  	[tilespmem:s12+$0xFFFFFC90] =	vst v0  }
0x15c: {  	v0 =	vld [tilespmem:s0+$0x2620];
	_ =	sdelay $0x4  }
0x15d: {  	[tilespmem:s12+$0xFFFFFCA0] =	vst v0  }
0x15e: {  	v0 =	vld [tilespmem:s0+$0x2630];
	_ =	sdelay $0x3  }
0x15f: {  	s4 =	sshll.u32 s16, $0x7  }
0x160: {  	s0 =	sand.u32 $0x380, s4;
	[tilespmem:s12+$0xFFFFFCB0] =	vst v0  }
0x161: {  	v0 =	vld [tilespmem:s0+$0x2A00];
	_ =	sdelay $0x4  }
0x162: {  	[tilespmem:s12+$0xFFFFFD00] =	vst v0  }
0x163: {  	v0 =	vld [tilespmem:s0+$0x2A10];
	_ =	sdelay $0x4  }
0x164: {  	[tilespmem:s12+$0xFFFFFD10] =	vst v0  }
0x165: {  	v0 =	vld [tilespmem:s0+$0x2A20];
	_ =	sdelay $0x4  }
0x166: {  	[tilespmem:s12+$0xFFFFFD20] =	vst v0  }
0x167: {  	v0 =	vld [tilespmem:s0+$0x2A30];
	_ =	sdelay $0x3  }
0x168: {  	s5 =	sshll.u32 s17, $0x7  }
0x169: {  	s0 =	sand.u32 $0x380, s5;
	[tilespmem:s12+$0xFFFFFD30] =	vst v0  }
0x16a: {  	v0 =	vld [tilespmem:s0+$0x2E00];
	_ =	sdelay $0x4  }
0x16b: {  	[tilespmem:s12+$0xFFFFFD80] =	vst v0  }
0x16c: {  	v0 =	vld [tilespmem:s0+$0x2E10];
	_ =	sdelay $0x4  }
0x16d: {  	[tilespmem:s12+$0xFFFFFD90] =	vst v0  }
0x16e: {  	v0 =	vld [tilespmem:s0+$0x2E20];
	_ =	sdelay $0x4  }
0x16f: {  	[tilespmem:s12+$0xFFFFFDA0] =	vst v0  }
0x170: {  	v0 =	vld [tilespmem:s0+$0x2E30];
	_ =	sdelay $0x3  }
0x171: {  	s6 =	sshll.u32 s18, $0x7  }
0x172: {  	s0 =	sand.u32 $0x380, s6;
	[tilespmem:s12+$0xFFFFFDB0] =	vst v0  }
0x173: {  	v0 =	vld [tilespmem:s0+$0x3200];
	_ =	sdelay $0x4  }
0x174: {  	[tilespmem:s12+$0xFFFFFE00] =	vst v0  }
0x175: {  	v0 =	vld [tilespmem:s0+$0x3210];
	_ =	sdelay $0x4  }
0x176: {  	[tilespmem:s12+$0xFFFFFE10] =	vst v0  }
0x177: {  	v0 =	vld [tilespmem:s0+$0x3220];
	_ =	sdelay $0x4  }
0x178: {  	[tilespmem:s12+$0xFFFFFE20] =	vst v0  }
0x179: {  	v0 =	vld [tilespmem:s0+$0x3230];
	_ =	sdelay $0x3  }
0x17a: {  	s7 =	sshll.u32 s19, $0x7  }
0x17b: {  	s0 =	sand.u32 $0x380, s7;
	[tilespmem:s12+$0xFFFFFE30] =	vst v0  }
0x17c: {  	v0 =	vld [tilespmem:s0+$0x3600];
	_ =	sdelay $0x4  }
0x17d: {  	[tilespmem:s12+$0xFFFFFE80] =	vst v0  }
0x17e: {  	v0 =	vld [tilespmem:s0+$0x3610];
	_ =	sdelay $0x4  }
0x17f: {  	[tilespmem:s12+$0xFFFFFE90] =	vst v0  }
0x180: {  	v0 =	vld [tilespmem:s0+$0x3620];
	_ =	sdelay $0x4  }
0x181: {  	[tilespmem:s12+$0xFFFFFEA0] =	vst v0  }
0x182: {  	v0 =	vld [tilespmem:s0+$0x3630];
	_ =	sdelay $0x3  }
0x183: {  	s9 =	sshll.u32 s20, $0x7  }
0x184: {  	s0 =	sand.u32 $0x380, s9;
	[tilespmem:s12+$0xFFFFFEB0] =	vst v0  }
0x185: {  	v0 =	vld [tilespmem:s0+$0x3A00];
	_ =	sdelay $0x4  }
0x186: {  	[tilespmem:s12+$0xFFFFFF00] =	vst v0  }
0x187: {  	v0 =	vld [tilespmem:s0+$0x3A10];
	_ =	sdelay $0x4  }
0x188: {  	[tilespmem:s12+$0xFFFFFF10] =	vst v0  }
0x189: {  	v0 =	vld [tilespmem:s0+$0x3A20];
	_ =	sdelay $0x4  }
0x18a: {  	[tilespmem:s12+$0xFFFFFF20] =	vst v0  }
0x18b: {  	v0 =	vld [tilespmem:s0+$0x3A30];
	_ =	sdelay $0x3  }
0x18c: {  	s10 =	sshll.u32 s31, $0x7  }
0x18d: {  	s0 =	sand.u32 $0x380, s10;
	[tilespmem:s12+$0xFFFFFF30] =	vst v0  }
0x18e: {  	v0 =	vld [tilespmem:s0+$0x3E00];
	_ =	sdelay $0x4  }
0x18f: {  	[tilespmem:s12+$0xFFFFFF80] =	vst v0  }
0x190: {  	v0 =	vld [tilespmem:s0+$0x3E10];
	_ =	sdelay $0x4  }
0x191: {  	[tilespmem:s12+$0xFFFFFF90] =	vst v0  }
0x192: {  	v0 =	vld [tilespmem:s0+$0x3E20];
	_ =	sdelay $0x4  }
0x193: {  	[tilespmem:s12+$0xFFFFFFA0] =	vst v0  }
0x194: {  	v0 =	vld [tilespmem:s0+$0x3E30];
	_ =	sdelay $0x4  }
0x195: {  	[tilespmem:s12+$0xFFFFFFB0] =	vst v0  }
0x196: {  	_ =	swait.ge [sflag:s8], $0x400  }
0x197: {  	[sflag:s8] =	ssyncset.done $0x0  }
0x198: {  	[sflag:s8] =	ssyncadd.s32 $0xFFFFFC00  }
0x199: {  	_ =	swait.ge [sflag:s8], $0x400  }
0x19a: {  	[sflag:s8] =	ssyncset.done $0x0  }
0x19b: {  	[sflag:s8] =	ssyncadd.s32 $0xFFFFFC00  }
0x19c: {  	_ =	swait.ge [sflag:s8], $0x400  }
0x19d: {  	[sflag:s8] =	ssyncset.done $0x0  }
0x19e: {  	[sflag:s8] =	ssyncadd.s32 $0xFFFFFC00  }
0x19f: {  	_ =	swait.ge [sflag:s8], $0x400  }
0x1a0: {  	[sflag:s8] =	ssyncset.done $0x0  }
0x1a1: {  	[sflag:s8] =	ssyncadd.s32 $0xFFFFFC00  }
0x1a2: {  	_ =	swait.ge [sflag:s8], $0x400  }
0x1a3: {  	[sflag:s8] =	ssyncset.done $0x0  }
0x1a4: {  	[sflag:s8] =	ssyncadd.s32 $0xFFFFFC00  }
0x1a5: {  	_ =	swait.ge [sflag:s8], $0x400  }
0x1a6: {  	[sflag:s8] =	ssyncset.done $0x0  }
0x1a7: {  	[sflag:s8] =	ssyncadd.s32 $0xFFFFFC00  }
0x1a8: {  	_ =	swait.ge [sflag:s8], $0x400  }
0x1a9: {  	[sflag:s8] =	ssyncset.done $0x0  }
0x1aa: {  	[sflag:s8] =	ssyncadd.s32 $0xFFFFFC00  }
0x1ab: {  	_ =	swait.ge [sflag:s8], $0x400  }
0x1ac: {  	[sflag:s8] =	ssyncset.done $0x0  }
0x1ad: {  	[sflag:s8] =	ssyncadd.s32 $0xFFFFFC00  }
0x1ae: {  	_ =	swait.ge [sflag:s8], $0x400  }
0x1af: {  	[sflag:s8] =	ssyncset.done $0x0  }
0x1b0: {  	[sflag:s8] =	ssyncadd.s32 $0xFFFFFC00  }
0x1b1: {  	_ =	swait.ge [sflag:s8], $0x400  }
0x1b2: {  	[sflag:s8] =	ssyncset.done $0x0  }
0x1b3: {  	[sflag:s8] =	ssyncadd.s32 $0xFFFFFC00  }
0x1b4: {  	_ =	swait.ge [sflag:s8], $0x400  }
0x1b5: {  	[sflag:s8] =	ssyncset.done $0x0  }
0x1b6: {  	[sflag:s8] =	ssyncadd.s32 $0xFFFFFC00  }
0x1b7: {  	_ =	swait.ge [sflag:s8], $0x400  }
0x1b8: {  	[sflag:s8] =	ssyncset.done $0x0  }
0x1b9: {  	[sflag:s8] =	ssyncadd.s32 $0xFFFFFC00  }
0x1ba: {  	_ =	swait.ge [sflag:s8], $0x400  }
0x1bb: {  	[sflag:s8] =	ssyncset.done $0x0  }
0x1bc: {  	[sflag:s8] =	ssyncadd.s32 $0xFFFFFC00  }
0x1bd: {  	_ =	swait.ge [sflag:s8], $0x400  }
0x1be: {  	[sflag:s8] =	ssyncset.done $0x0  }
0x1bf: {  	[sflag:s8] =	ssyncadd.s32 $0xFFFFFC00  }
0x1c0: {  	_ =	swait.ge [sflag:s8], $0x400  }
0x1c1: {  	[sflag:s8] =	ssyncset.done $0x0  }
0x1c2: {  	[sflag:s8] =	ssyncadd.s32 $0xFFFFFC00  }
0x1c3: {  	_ =	swait.ge [sflag:s8], $0x400  }
0x1c4: {  	s13 =	sshll.u32 s30, $0x7;
	[sflag:s8] =	ssyncset.done $0x0  }
0x1c5: {  	s0 =	sand.u32 $0x380, s13;
	[sflag:s8] =	ssyncadd.s32 $0xFFFFFC00  }
0x1c6: {  	v63 =	vld [tilespmem:s0+$0x4200];
	_ =	sdelay $0x4  }
0x1c7: {  	[tilespmem:s12+$0x0] =	vst v63  }
0x1c8: {  	v0 =	vld [tilespmem:s0+$0x4210];
	_ =	sdelay $0x4  }
0x1c9: {  	[tilespmem:s12+$0x10] =	vst v0  }
0x1ca: {  	v0 =	vld [tilespmem:s0+$0x4220];
	_ =	sdelay $0x4  }
0x1cb: {  	[tilespmem:s12+$0x20] =	vst v0  }
0x1cc: {  	v0 =	vld [tilespmem:s0+$0x4230];
	_ =	sdelay $0x3  }
0x1cd: {  	s14 =	sshll.u32 s29, $0x7  }
0x1ce: {  	s0 =	sand.u32 $0x380, s14;
	[tilespmem:s12+$0x30] =	vst v0  }
0x1cf: {  	v0 =	vld [tilespmem:s0+$0x4600];
	_ =	sdelay $0x4  }
0x1d0: {  	[tilespmem:s12+$0x80] =	vst v0  }
0x1d1: {  	v0 =	vld [tilespmem:s0+$0x4610];
	_ =	sdelay $0x4  }
0x1d2: {  	[tilespmem:s12+$0x90] =	vst v0  }
0x1d3: {  	v0 =	vld [tilespmem:s0+$0x4620];
	_ =	sdelay $0x4  }
0x1d4: {  	[tilespmem:s12+$0xA0] =	vst v0  }
0x1d5: {  	v0 =	vld [tilespmem:s0+$0x4630];
	_ =	sdelay $0x3  }
0x1d6: {  	s15 =	sshll.u32 s28, $0x7  }
0x1d7: {  	s0 =	sand.u32 $0x380, s15;
	[tilespmem:s12+$0xB0] =	vst v0  }
0x1d8: {  	v0 =	vld [tilespmem:s0+$0x4A00];
	_ =	sdelay $0x4  }
0x1d9: {  	[tilespmem:s12+$0x100] =	vst v0  }
0x1da: {  	v0 =	vld [tilespmem:s0+$0x4A10];
	_ =	sdelay $0x4  }
0x1db: {  	[tilespmem:s12+$0x110] =	vst v0  }
0x1dc: {  	v0 =	vld [tilespmem:s0+$0x4A20];
	_ =	sdelay $0x4  }
0x1dd: {  	[tilespmem:s12+$0x120] =	vst v0  }
0x1de: {  	v0 =	vld [tilespmem:s0+$0x4A30];
	_ =	sdelay $0x3  }
0x1df: {  	s16 =	sshll.u32 s26, $0x7  }
0x1e0: {  	s0 =	sand.u32 $0x380, s16;
	[tilespmem:s12+$0x130] =	vst v0  }
0x1e1: {  	v0 =	vld [tilespmem:s0+$0x4E00];
	_ =	sdelay $0x4  }
0x1e2: {  	[tilespmem:s12+$0x180] =	vst v0  }
0x1e3: {  	v0 =	vld [tilespmem:s0+$0x4E10];
	_ =	sdelay $0x4  }
0x1e4: {  	[tilespmem:s12+$0x190] =	vst v0  }
0x1e5: {  	v0 =	vld [tilespmem:s0+$0x4E20];
	_ =	sdelay $0x4  }
0x1e6: {  	[tilespmem:s12+$0x1A0] =	vst v0  }
0x1e7: {  	v0 =	vld [tilespmem:s0+$0x4E30];
	_ =	sdelay $0x3  }
0x1e8: {  	s17 =	sshll.u32 s23, $0x7  }
0x1e9: {  	s0 =	sand.u32 $0x380, s17;
	[tilespmem:s12+$0x1B0] =	vst v0  }
0x1ea: {  	v0 =	vld [tilespmem:s0+$0x5200];
	_ =	sdelay $0x4  }
0x1eb: {  	[tilespmem:s12+$0x200] =	vst v0  }
0x1ec: {  	v0 =	vld [tilespmem:s0+$0x5210];
	_ =	sdelay $0x4  }
0x1ed: {  	[tilespmem:s12+$0x210] =	vst v0  }
0x1ee: {  	v0 =	vld [tilespmem:s0+$0x5220];
	_ =	sdelay $0x4  }
0x1ef: {  	[tilespmem:s12+$0x220] =	vst v0  }
0x1f0: {  	v0 =	vld [tilespmem:s0+$0x5230]  }
0x1f1: {  	s18 =	sld [smem:$0x7EF];
	_ =	sdelay $0x2  }
0x1f2: {  	s0 =	sshll.u32 s18, $0x7  }
0x1f3: {  	s0 =	sand.u32 $0x380, s0;
	[tilespmem:s12+$0x230] =	vst v0  }
0x1f4: {  	v0 =	vld [tilespmem:s0+$0x5600];
	_ =	sdelay $0x4  }
0x1f5: {  	[tilespmem:s12+$0x280] =	vst v0  }
0x1f6: {  	v0 =	vld [tilespmem:s0+$0x5610];
	_ =	sdelay $0x4  }
0x1f7: {  	[tilespmem:s12+$0x290] =	vst v0  }
0x1f8: {  	v0 =	vld [tilespmem:s0+$0x5620];
	_ =	sdelay $0x4  }
0x1f9: {  	[tilespmem:s12+$0x2A0] =	vst v0  }
0x1fa: {  	v0 =	vld [tilespmem:s0+$0x5630]  }
0x1fb: {  	s19 =	sld [smem:$0x7F0];
	_ =	sdelay $0x2  }
0x1fc: {  	s0 =	sshll.u32 s19, $0x7  }
0x1fd: {  	s0 =	sand.u32 $0x380, s0;
	[tilespmem:s12+$0x2B0] =	vst v0  }
0x1fe: {  	v0 =	vld [tilespmem:s0+$0x5A00];
	_ =	sdelay $0x4  }
0x1ff: {  	[tilespmem:s12+$0x300] =	vst v0  }
0x200: {  	v0 =	vld [tilespmem:s0+$0x5A10];
	_ =	sdelay $0x4  }
0x201: {  	[tilespmem:s12+$0x310] =	vst v0  }
0x202: {  	v0 =	vld [tilespmem:s0+$0x5A20];
	_ =	sdelay $0x4  }
0x203: {  	[tilespmem:s12+$0x320] =	vst v0  }
0x204: {  	v0 =	vld [tilespmem:s0+$0x5A30];
	_ =	sdelay $0x3  }
0x205: {  	s20 =	sshll.u32 s22, $0x7  }
0x206: {  	s0 =	sand.u32 $0x380, s20;
	[tilespmem:s12+$0x330] =	vst v0  }
0x207: {  	v0 =	vld [tilespmem:s0+$0x5E00];
	_ =	sdelay $0x4  }
0x208: {  	[tilespmem:s12+$0x380] =	vst v0  }
0x209: {  	v0 =	vld [tilespmem:s0+$0x5E10];
	_ =	sdelay $0x4  }
0x20a: {  	[tilespmem:s12+$0x390] =	vst v0  }
0x20b: {  	v0 =	vld [tilespmem:s0+$0x5E20];
	_ =	sdelay $0x4  }
0x20c: {  	[tilespmem:s12+$0x3A0] =	vst v0  }
0x20d: {  	v0 =	vld [tilespmem:s0+$0x5E30];
	_ =	sdelay $0x3  }
0x20e: {  	s22 =	sshll.u32 s21, $0x7  }
0x20f: {  	s0 =	sand.u32 $0x380, s22;
	[tilespmem:s12+$0x3B0] =	vst v0  }
0x210: {  	v0 =	vld [tilespmem:s0+$0x6200];
	_ =	sdelay $0x4  }
0x211: {  	[tilespmem:s12+$0x400] =	vst v0  }
0x212: {  	v0 =	vld [tilespmem:s0+$0x6210];
	_ =	sdelay $0x4  }
0x213: {  	[tilespmem:s12+$0x410] =	vst v0  }
0x214: {  	v0 =	vld [tilespmem:s0+$0x6220];
	_ =	sdelay $0x4  }
0x215: {  	[tilespmem:s12+$0x420] =	vst v0  }
0x216: {  	v0 =	vld [tilespmem:s0+$0x6230]  }
0x217: {  	s23 =	sld [smem:$0x7F1];
	_ =	sdelay $0x2  }
0x218: {  	s0 =	sshll.u32 s23, $0x7  }
0x219: {  	s0 =	sand.u32 $0x380, s0;
	[tilespmem:s12+$0x430] =	vst v0  }
0x21a: {  	v0 =	vld [tilespmem:s0+$0x6600];
	_ =	sdelay $0x4  }
0x21b: {  	[tilespmem:s12+$0x480] =	vst v0  }
0x21c: {  	v0 =	vld [tilespmem:s0+$0x6610];
	_ =	sdelay $0x4  }
0x21d: {  	[tilespmem:s12+$0x490] =	vst v0  }
0x21e: {  	v0 =	vld [tilespmem:s0+$0x6620];
	_ =	sdelay $0x4  }
0x21f: {  	[tilespmem:s12+$0x4A0] =	vst v0  }
0x220: {  	v0 =	vld [tilespmem:s0+$0x6630]  }
0x221: {  	s24 =	sld [smem:$0x7F2];
	_ =	sdelay $0x2  }
0x222: {  	s0 =	sshll.u32 s24, $0x7  }
0x223: {  	s0 =	sand.u32 $0x380, s0;
	[tilespmem:s12+$0x4B0] =	vst v0  }
0x224: {  	v0 =	vld [tilespmem:s0+$0x6A00];
	_ =	sdelay $0x4  }
0x225: {  	[tilespmem:s12+$0x500] =	vst v0  }
0x226: {  	v0 =	vld [tilespmem:s0+$0x6A10];
	_ =	sdelay $0x4  }
0x227: {  	[tilespmem:s12+$0x510] =	vst v0  }
0x228: {  	v0 =	vld [tilespmem:s0+$0x6A20];
	_ =	sdelay $0x4  }
0x229: {  	[tilespmem:s12+$0x520] =	vst v0  }
0x22a: {  	v0 =	vld [tilespmem:s0+$0x6A30]  }
0x22b: {  	s26 =	sld [smem:$0x7F3];
	_ =	sdelay $0x2  }
0x22c: {  	s0 =	sshll.u32 s26, $0x7  }
0x22d: {  	s0 =	sand.u32 $0x380, s0;
	[tilespmem:s12+$0x530] =	vst v0  }
0x22e: {  	v0 =	vld [tilespmem:s0+$0x6E00];
	_ =	sdelay $0x4  }
0x22f: {  	[tilespmem:s12+$0x580] =	vst v0  }
0x230: {  	v0 =	vld [tilespmem:s0+$0x6E10];
	_ =	sdelay $0x4  }
0x231: {  	[tilespmem:s12+$0x590] =	vst v0  }
0x232: {  	v0 =	vld [tilespmem:s0+$0x6E20];
	_ =	sdelay $0x4  }
0x233: {  	[tilespmem:s12+$0x5A0] =	vst v0  }
0x234: {  	v0 =	vld [tilespmem:s0+$0x6E30]  }
0x235: {  	s28 =	sld [smem:$0x7F4];
	_ =	sdelay $0x2  }
0x236: {  	s0 =	sshll.u32 s28, $0x7  }
0x237: {  	s0 =	sand.u32 $0x380, s0;
	[tilespmem:s12+$0x5B0] =	vst v0  }
0x238: {  	v0 =	vld [tilespmem:s0+$0x7200];
	_ =	sdelay $0x4  }
0x239: {  	[tilespmem:s12+$0x600] =	vst v0  }
0x23a: {  	v0 =	vld [tilespmem:s0+$0x7210];
	_ =	sdelay $0x4  }
0x23b: {  	[tilespmem:s12+$0x610] =	vst v0  }
0x23c: {  	v0 =	vld [tilespmem:s0+$0x7220];
	_ =	sdelay $0x4  }
0x23d: {  	[tilespmem:s12+$0x620] =	vst v0  }
0x23e: {  	v0 =	vld [tilespmem:s0+$0x7230]  }
0x23f: {  	s29 =	sld [smem:$0x7F5];
	_ =	sdelay $0x2  }
0x240: {  	s0 =	sshll.u32 s29, $0x7  }
0x241: {  	s0 =	sand.u32 $0x380, s0;
	[tilespmem:s12+$0x630] =	vst v0  }
0x242: {  	v0 =	vld [tilespmem:s0+$0x7600];
	_ =	sdelay $0x4  }
0x243: {  	[tilespmem:s12+$0x680] =	vst v0  }
0x244: {  	v0 =	vld [tilespmem:s0+$0x7610];
	_ =	sdelay $0x4  }
0x245: {  	[tilespmem:s12+$0x690] =	vst v0  }
0x246: {  	v0 =	vld [tilespmem:s0+$0x7620];
	_ =	sdelay $0x4  }
0x247: {  	[tilespmem:s12+$0x6A0] =	vst v0  }
0x248: {  	v0 =	vld [tilespmem:s0+$0x7630]  }
0x249: {  	s30 =	sld [smem:$0x7F6];
	_ =	sdelay $0x2  }
0x24a: {  	s0 =	sshll.u32 s30, $0x7  }
0x24b: {  	s0 =	sand.u32 $0x380, s0;
	[tilespmem:s12+$0x6B0] =	vst v0  }
0x24c: {  	v0 =	vld [tilespmem:s0+$0x7A00];
	_ =	sdelay $0x4  }
0x24d: {  	[tilespmem:s12+$0x700] =	vst v0  }
0x24e: {  	v0 =	vld [tilespmem:s0+$0x7A10];
	_ =	sdelay $0x4  }
0x24f: {  	[tilespmem:s12+$0x710] =	vst v0  }
0x250: {  	v0 =	vld [tilespmem:s0+$0x7A20];
	_ =	sdelay $0x4  }
0x251: {  	[tilespmem:s12+$0x720] =	vst v0  }
0x252: {  	v0 =	vld [tilespmem:s0+$0x7A30]  }
0x253: {  	s31 =	sld [smem:$0x7F7];
	_ =	sdelay $0x2  }
0x254: {  	s0 =	sshll.u32 s31, $0x7  }
0x255: {  	s0 =	sand.u32 $0x380, s0;
	[tilespmem:s12+$0x730] =	vst v0  }
0x256: {  	v0 =	vld [tilespmem:s0+$0x7E00];
	_ =	sdelay $0x4  }
0x257: {  	[tilespmem:s12+$0x780] =	vst v0  }
0x258: {  	v0 =	vld [tilespmem:s0+$0x7E10];
	_ =	sdelay $0x4  }
0x259: {  	[tilespmem:s12+$0x790] =	vst v0  }
0x25a: {  	v0 =	vld [tilespmem:s0+$0x7E20];
	_ =	sdelay $0x4  }
0x25b: {  	[tilespmem:s12+$0x7A0] =	vst v0  }
0x25c: {  	p0 =	sne.s32 s11, $0x1F0;
	v0 =	vld [tilespmem:s0+$0x7E30]  }
.Ltmp0:
0x25d: {  	_ = 	snop;
	(pc) =	sbr.rel @p0 .LBB2_2-.Ltmp0, $2  }
0x25e: {  	_ =	sdelay $0x2  }
0x25f: {  	s25 =	sadd.s32 $0x80, s25;
	s11 =	sadd.s32 $0x20, s11;
	[tilespmem:s12+$0x7B0] =	vst v0;
	s12 =	sadd.s32 $0x1000, s12  }
0x260: {  	s0 =	sld [smem:$0x7FA];
	_ =	sdelay $0x1  }
0x261: {  	s3 =	simm.s32 $0x8200  }
0x262: {  	[hbm4b:s0+s1] =	stream.linear.scatter [tilespmem:s3], [sflag:$0x2], $0x10000, $0x38;
	[tilespmem:$0x18200] =	vst v63  }
0x263: {  	s3 =	simm.s32 $0x2  }
0x264: {  	_ =	swait.ge [sflag:s3], $0x10000  }
0x265: {  	s4 =	sld [smem:$0x7F8]  }
0x266: {  	s31 =	sld [smem:$0x7FC];
	_ =	sdelay $0x1  }
0x267: {  	s4 =	sadd.s32 $0x1, s4  }
0x268: {  	p0 =	sne.s32 s4, s31  }
.Ltmp1:
0x269: {  	_ = 	snop;
	(pc) =	sbr.rel @p0 .LBB2_1-.Ltmp1, $3  }
0x26a: {  	_ =	sdelay $0x1  }
0x26b: {  	[sflag:s3] =	ssyncset.done $0x0  }
0x26c: {  	[sflag:s3] =	ssyncadd.s32 $0xFFFF0000  }
0x26d: {  	_ =	sfence.sel $0x180000  }
0x26e: {  	[bflag:$0x0] =	sbarrier.arrive $0xFFFF  }
0x26f: {  	_ =	strace $0x9000004A  }
0x270: {  	s0 =	stileid.u32;
	[bflag:$0x2] =	sbarrier.arrive $0xFFFF  }
0x271: {  	p0 =	sne.s32 s0, $0x0;
	s0 =	rddreg [dreg:$0x1]  }
0x272: {  	s0 =	sadd.s32 @!p0 $0x100000, s0  }
0x273: {  	[sflag:s0] =	ssyncadd.tile.s32 @!p0 $0x1;
	_ =	shalt  }
.Lfunc_end2:
_tile_overlayer_lowered:
.L_overlay_start_2:
0x274: {  	(tag) =	ssettag $0x2  }
0x275: {  	s0 =	rddreg [dreg:$0x0];
	s2 =	stileid.u32  }
0x276: {  	s1 =	rddreg [dreg:$0x1];
	p0 =	sne.s32 s2, $0x0  }
0x277: {  	s3 =	rddreg [dreg:$0x2];
	[bflag:$0x3] =	sbarrier.arrive $0xFFFF;
	s2 =	simm.s32 @!p0 $0x1C02  }
0x278: {  	[timem:s3], [sflag:s2] =	dma.local @!p0 [hbm:s0], s1  }
0x279: {  	s0 =	simm.s32 @!p0 $0x2  }
0x27a: {  	_ =	swait.ge @!p0 [sflag:s0], s1  }
0x27b: {  	s1 =	ssub.s32 @!p0 $0x0, s1;
	[sflag:s0] =	ssyncset.done @!p0 $0x0  }
0x27c: {  	[sflag:s0] =	ssyncadd.s32 @!p0 s1  }
0x27d: {  	[bflag:$0x3] =	sbarrier.arrive $0xFFFF  }
0x27e: {  	_ =	shalt  }

// kernel: kernel.8.cloned.1.call-start
scs
__scs_entry_jumppad:
0x0: {  	(pc) =	sbr.rel $0x88, $3  }
0x1: {  	(tag) =	ssettag $0x0;
	lr =	simm.s32 $0x1  }
0x2: {  	[smem:$0x3F93] =	sst lr;
	_ =	strace $0xD0000000  }
0x3: {  	_ = 	snop  }
0x4: {  	_ = 	snop  }
0x5: {  	_ = 	snop  }
0x6: {  	_ = 	snop  }
0x7: {  	_ = 	snop  }
__scs_overlays_trampoline_lowered:
0x8: {  	[smem:$0x3FA2] =	sst s0  }
0x9: {  	[smem:$0x3FA3] =	sst s1  }
0xa: {  	[smem:$0x3FA4] =	sst s2  }
0xb: {  	[smem:$0x3FA5] =	sst s3  }
0xc: {  	[smem:$0x3FA6] =	sst s4  }
0xd: {  	[smem:$0x3FA7] =	sst s5  }
0xe: {  	[smem:$0x3FA8] =	sst s6  }
0xf: {  	[smem:$0x3FA9] =	sst s7  }
0x10: {  	[smem:$0x3FAA] =	sst s8  }
0x11: {  	[smem:$0x3FAB] =	sst s9;
	s0 =	simm.s32 @!p0 $0x0  }
0x12: {  	s1 =	sld [smem:$0x3F91];
	s0 =	simm.s32 @p0 $0x1  }
0x13: {  	[smem:$0x3FAC] =	sst s0;
	s0 =	simm.s32 @!p1 $0x0  }
0x14: {  	s2 =	sld [smem:$0x3F90];
	s0 =	simm.s32 @p1 $0x1  }
0x15: {  	[smem:$0x3FAD] =	sst s0;
	s0 =	simm.s32 @!p2 $0x0  }
0x16: {  	s3 =	sld [smem:$0x3FDB];
	s0 =	simm.s32 @p2 $0x1  }
0x17: {  	s4 =	simm.s32 $0x1BF5;
	[smem:$0x3FAF] =	sst s0  }
0x18: {  	s0 =	sld [smem:$0x3F92];
	_ =	swait.ge [sflag:s4], $0x0  }
0x19: {  	s7 =	sld [smem:$0x3F93]  }
0x1a: {  	s8 =	sadd.s32 $0xFFFFE003, lr  }
0x1b: {  	s9 =	sadd.s32 $0xFFFFFEF7, lr;
	s5 =	simm.s32 $0xFFFFFFFF;
	p2 =	slt.u32 s8, $0xFFFFF086  }
0x1c: {  	p1 =	slt.u32 s9, $0xF7A;
	s5 =	simm.s32 @!p2 $0x0  }
0x1d: {  	s5 =	simm.s32 @p1 $0x1;
	p0 =	seq.s32 s7, s2  }
0x1e: {  	s7 =	smul.u32 @!p0 $0xF7A, s2;
	p2 =	seq.s32 @!p0 s5, $0x0  }
0x1f: {  	s9 =	smul.u32 $0xF7A, s1;
	s8 =	simm.s32 @!p0 $0x1BF5;
	p2 =	por !p2, p0  }
0x20: {  	[sflag:s8] =	ssyncset.s32 @!p0 $0xFFFFF086;
	s6 =	sadd.s32 @!p0 s3, s7;
	s7 =	simm.s32 @!p0 $0x108  }
0x21: {  	s3 =	sadd.s32 s3, s9;
	s6 =	sadd.s32 @!p0 $0x88, s6;
	s7 =	simm.s32 @p2 $0x1082  }
0x22: {  	[simem:s7], [sflag:s8] =	dma.local @!p0 [hbm:s6], $0xF7A  }
0x23: {  	s9 =	sor.u32 $0xD0000000, s2;
	s6 =	simm.s32 $0x108;
	_ =	swait.ge @!p0 [sflag:s8], $0x0  }
0x24: {  	s3 =	sadd.s32 $0x88, s3;
	s6 =	simm.s32 @!p1 $0x1082;
	[sflag:s4] =	ssyncset.s32 $0xFFFFF086  }
0x25: {  	[simem:s6], [sflag:s4] =	dma.local [hbm:s3], $0xF7A  }
0x26: {  	[smem:$0x3F93] =	sst s1;
	(tag) =	ssettag s2;
	_ =	strace s9  }
0x27: {  	s1 =	sld [smem:$0x3FA3]  }
0x28: {  	s2 =	sld [smem:$0x3FA4]  }
0x29: {  	s4 =	sld [smem:$0x3FA6]  }
0x2a: {  	p0 =	seq.s32 s5, $0x0;
	s5 =	sld [smem:$0x3FA7]  }
0x2b: {  	s6 =	sld [smem:$0x3FA8]  }
0x2c: {  	s7 =	sld [smem:$0x3FA9]  }
0x2d: {  	s3 =	simm.s32 $0x108;
	s8 =	sld [smem:$0x3FAA]  }
0x2e: {  	s3 =	simm.s32 @!p0 $0x1082;
	s9 =	sld [smem:$0x3FAB]  }
0x2f: {  	lr =	sadd.s32 s0, s3;
	s0 =	sld [smem:$0x3FA2]  }
0x30: {  	s3 =	sld [smem:$0x3FA5]  }
0x31: {  	[smem:$0x3FAE] =	sst s10  }
0x32: {  	s10 =	sld [smem:$0x3FAC];
	_ =	sdelay $0x3  }
0x33: {  	p0 =	seq.s32 s10, $0x1;
	s10 =	sld [smem:$0x3FAE];
	_ =	sdelay $0x3  }
0x34: {  	[smem:$0x3FAE] =	sst s10  }
0x35: {  	s10 =	sld [smem:$0x3FAD];
	_ =	sdelay $0x3  }
0x36: {  	p1 =	seq.s32 s10, $0x1;
	s10 =	sld [smem:$0x3FAE];
	_ =	sdelay $0x3  }
0x37: {  	[smem:$0x3FAE] =	sst s10  }
0x38: {  	s10 =	sld [smem:$0x3FAF]  }
0x39: {  	_ = 	snop;
	(pc) =	sbr.ind lr, $3  }
0x3a: {  	_ = 	snop  }
0x3b: {  	_ = 	snop  }
0x3c: {  	p2 =	seq.s32 s10, $0x1;
	s10 =	sld [smem:$0x3FAE]  }
0x3d: {  	_ =	shalt  }
0x3e: {  	_ =	shalt  }
0x3f: {  	_ =	shalt  }
0x40: {  	_ =	shalt  }
0x41: {  	_ =	shalt  }
0x42: {  	_ =	shalt  }
0x43: {  	_ =	shalt  }
0x44: {  	_ =	shalt  }
0x45: {  	_ =	shalt  }
0x46: {  	_ =	shalt  }
0x47: {  	_ =	shalt  }
0x48: {  	_ =	shalt  }
0x49: {  	_ =	shalt  }
0x4a: {  	_ =	shalt  }
0x4b: {  	_ =	shalt  }
0x4c: {  	_ =	shalt  }
0x4d: {  	_ =	shalt  }
0x4e: {  	_ =	shalt  }
0x4f: {  	_ =	shalt  }
0x50: {  	_ =	shalt  }
0x51: {  	_ =	shalt  }
0x52: {  	_ =	shalt  }
0x53: {  	_ =	shalt  }
0x54: {  	_ =	shalt  }
0x55: {  	_ =	shalt  }
0x56: {  	_ =	shalt  }
0x57: {  	_ =	shalt  }
0x58: {  	_ =	shalt  }
0x59: {  	_ =	shalt  }
0x5a: {  	_ =	shalt  }
0x5b: {  	_ =	shalt  }
0x5c: {  	_ =	shalt  }
0x5d: {  	_ =	shalt  }
0x5e: {  	_ =	shalt  }
0x5f: {  	_ =	shalt  }
0x60: {  	_ =	shalt  }
0x61: {  	_ =	shalt  }
0x62: {  	_ =	shalt  }
0x63: {  	_ =	shalt  }
0x64: {  	_ =	shalt  }
0x65: {  	_ =	shalt  }
0x66: {  	_ =	shalt  }
0x67: {  	_ =	shalt  }
0x68: {  	_ =	shalt  }
0x69: {  	_ =	shalt  }
0x6a: {  	_ =	shalt  }
0x6b: {  	_ =	shalt  }
0x6c: {  	_ =	shalt  }
0x6d: {  	_ =	shalt  }
0x6e: {  	_ =	shalt  }
0x6f: {  	_ =	shalt  }
0x70: {  	_ =	shalt  }
0x71: {  	_ =	shalt  }
0x72: {  	_ =	shalt  }
0x73: {  	_ =	shalt  }
0x74: {  	_ =	shalt  }
0x75: {  	_ =	shalt  }
0x76: {  	_ =	shalt  }
0x77: {  	_ =	shalt  }
0x78: {  	_ =	shalt  }
0x79: {  	_ =	shalt  }
0x7a: {  	_ =	shalt  }
0x7b: {  	_ =	shalt  }
0x7c: {  	_ =	shalt  }
0x7d: {  	_ =	shalt  }
0x7e: {  	_ =	shalt  }
0x7f: {  	_ =	shalt  }
0x80: {  	_ =	shalt  }
0x81: {  	_ =	shalt  }
0x82: {  	_ =	shalt  }
0x83: {  	_ =	shalt  }
0x84: {  	_ =	shalt  }
0x85: {  	_ =	shalt  }
0x86: {  	_ =	shalt  }
0x87: {  	_ =	shalt  }
.Lfunc_end0:
.L_simem_size_0:
called_computation.1_lowered:
.L_overlay_start_0:
0x88: {  	s2 =	sld [smem:$0x3FD9]  }
0x89: {  	s3 =	sld [smem:$0x3FFE];
	_ =	sdelay $0x1  }
0x8a: {  	s1 =	srdreg.scid  }
0x8b: {  	s0 =	sand.u32 $0x1, s1  }
0x8c: {  	s17 =	sshll.u32 s0, $0xA;
	s2 =	sadd.s32 s3, s2  }
0x8d: {  	s2 =	sadd.s32 s2, s17  }
0x8e: {  	[smem:$0x3FBA] =	sst s2  }
0x8f: {  	_ = 	snop  }
0x90: {  	s2 =	sld [smem:$0x3FD0];
	(tm) =	ssettm $0x1  }
0x91: {  	s18 =	sld [smem:$0x3FFB];
	_ =	sdelay $0x3  }
0x92: {  	_ =	strace s18  }
0x93: {  	s3 =	sld [smem:$0x3FFC];
	_ =	sdelay $0x3  }
0x94: {  	_ =	strace s3  }
0x95: {  	s3 =	sld [smem:$0x3FFD];
	_ =	sdelay $0x3  }
0x96: {  	_ =	strace s3  }
0x97: {  	_ =	strace $0x8FFFFFFF  }
0x98: {  	s19 =	sld [smem:$0x3FDB];
	_ =	sdelay $0x1  }
0x99: {  	s4 =	simm.s32 $_scs_section_size  }
0x9a: {  	s5 =	simm.s32 $_size__tile_overlayer_lowered;
	s6 =	simm.s32 $_tile_overlayer_lowered  }
0x9b: {  	s22 =	simm.s32 $0x1BFF;
	s21 =	sshll.u32 s6, $0x1;
	s3 =	sadd.s32 s4, s19  }
0x9c: {  	s7 =	simm.s32 $0x0;
	s20 =	sshll.u32 s5, $0x1;
	s5 =	sadd.s32 s21, s3  }
0x9d: {  	[timem:s7], [sflag:s22] =	dma.local [hbm:s5], s20  }
0x9e: {  	_ =	swait.ge [sflag:s22], s20  }
0x9f: {  	s4 =	ssub.s32 $0x0, s20;
	[sflag:s22] =	ssyncset.done $0x0  }
0xa0: {  	[sflag:s22] =	ssyncadd.s32 s4;
	_ =	sdelay $0x1  }
0xa1: {  	s23 =	simm.s32 $0x1B8B  }
0xa2: {  	_ =	swait.ge [sflag:s23], $0x1  }
0xa3: {  	[sflag:s23] =	ssyncset.done $0x0  }
0xa4: {  	s25 =	simm.s32 $0x1B8E;
	s24 =	sld [smem:$0x3FFE];
	[sflag:s23] =	ssyncadd.s32 $0xFFFFFFFF  }
0xa5: {  	s26 =	simm.s32 $execute0_lowered;
	[smem:$0x3FD2] =	sst s25  }
0xa6: {  	s5 =	sshll.u32 s26, $0x1;
	_ =	strace $0x80000046;
	[dreg:$0x1] =	wrdreg $0xFFFFFFFF  }
0xa7: {  	s28 =	simm.s32 $_size_execute0_lowered;
	s3 =	sadd.s32 s3, s5;
	[dreg:$0x0] =	wrdreg $0x0  }
0xa8: {  	s5 =	sshll.u32 s28, $0x1;
	[dreg:$0x2] =	wrdreg s3  }
0xa9: {  	[dreg:$0x3] =	wrdreg s5  }
0xaa: {  	[dreg:$0x4] =	wrdreg $0xC0  }
0xab: {  	_ =	task [dreg:s7], $0x5FFFF  }
0xac: {  	[dreg:$0x1] =	wrdreg $0xFFFFFFFF  }
0xad: {  	[dreg:$0x0] =	wrdreg $0x60  }
0xae: {  	[dreg:$0x2] =	wrdreg s24  }
0xaf: {  	[dreg:$0x3] =	wrdreg s2  }
0xb0: {  	[dreg:$0x4] =	wrdreg $0xA  }
0xb1: {  	_ =	task.clear_ibuf [dreg:s7], $0x5FFFF;
	_ =	strace $0x90000046  }
0xb2: {  	s29 =	simm.s32 $0xA;
	_ =	strace $0x80000048  }
0xb3: {  	_ =	swait.ge [sflag:s29], $0x1  }
0xb4: {  	[sflag:s29] =	ssyncadd.s32 $0xFFFFFFFF  }
0xb5: {  	_ =	strace $0x90000048  }
0xb6: {  	_ =	sfence  }
0xb7: {  	s30 =	sld [smem:$0x0];
	_ =	sdelay $0x2  }
0xb8: {  	s31 =	sshll.u32 s1, $0xD;
	s1 =	sshrl.u32 s1, $0x2  }
0xb9: {  	s3 =	sand.u32 $0x4000, s31;
	s1 =	sadd.s32 s1, s30  }
0xba: {  	s0 =	sor.u32 s3, s0;
	s1 =	sshll.u32 s1, $0x11  }
0xbb: {  	s0 =	sor.u32 s1, s0  }
0xbc: {  	s0 =	sadd.s32 $0x8F2B, s0  }
0xbd: {  	[sflag:s0] =	ssyncadd.remote.s32 $0x1  }
0xbe: {  	_ =	sfence.sel $0xFFFF  }
0xbf: {  	[dreg:$0x0] =	wrdreg $0xFFFFFFFF;
	(pc) =	sbr.abs _section_cstart, $3  }
0xc0: {  	[dreg:$0x1] =	wrdreg $0xFFFFFFFF  }
0xc1: {  	_ =	task.clear_ibuf [dreg:s7], $0x2FFFF;
	_ =	strace $0x9FFFFFFF  }
0xc2: {  	(tm) =	ssettm $0x7FFFFFFF  }
0xc3: {  	_ =	shalt  }
tec
execute0_lowered:
.L_overlay_start_1:
0x0: {  	(tag) =	ssettag $0x1  }
0x1: {  	s1 =	srdreg.scid;
	s0 =	stileid.u32  }
0x2: {  	s25 =	rddreg [dreg:$0x0];
	s24 =	sand.u32 $0x1, s1;
	s30 =	sshll.u32 s0, $0x1  }
0x3: {  	s5 =	rddreg [dreg:$0x1];
	s26 =	sor.u32 s24, s30  }
0x4: {  	s2 =	simm.s32 $0x0;
	s1 =	rddreg [dreg:$0x2];
	s6 =	sshll.u32 s26, $0x6  }
0x5: {  	[smem:$0x7FF] =	sst s2;
	s3 =	sadd.s32 s6, s25  }
0x6: {  	_ =	strace $0x80000047;
	s4 =	sadd.s32 $0x2800, s3;
	s3 =	simm.s32 $0x2  }
0x7: {  	[tilespmem:s2], [sflag:$0x2] =	stream.linear.gather [hbm4b:s4+s2], $0x200, $0x38;
	[tilespmem:$0x10400] =	vst v63  }
0x8: {  	_ =	swait.ge [sflag:s3], $0x200  }
0x9: {  	[sflag:s3] =	ssyncset.done $0x0  }
0xa: {  	s5 =	sadd.s32 s5, s6;
	s6 =	simm.s32 $0x200;
	[sflag:s3] =	ssyncadd.s32 $0xFFFFFE00  }
0xb: {  	[tilespmem:s6], [sflag:$0x2] =	stream.linear.gather [hbm4b:s5+s2], $0x200, $0x38;
	[tilespmem:$0x10400] =	vst v63  }
0xc: {  	_ =	swait.ge [sflag:s3], $0x200  }
0xd: {  	s8 =	simm.s32 $0x80;
	[sflag:s3] =	ssyncset.done $0x0  }
0xe: {  	s9 =	simm.s32 $0x400;
	s7 =	sadd.s32 $0x18A200, s25;
	[sflag:s3] =	ssyncadd.s32 $0xFFFFFE00  }
0xf: {  	[tilespmem:s9], [sflag:$0x1] =	stream.indirect.gather [hbm4b:s7+s8], $0x40, s2, s8, $0xb8;
	[tilespmem:$0x10400] =	vst v63  }
0x10: {  	s10 =	simm.s32 $0x2400  }
0x11: {  	[tilespmem:s10], [sflag:$0x1] =	stream.indirect.gather [hbm4b:s7+s8], $0x40, s8, s8, $0xb8;
	[tilespmem:$0x10400] =	vst v63  }
0x12: {  	s11 =	simm.s32 $0x100;
	s12 =	simm.s32 $0x4400  }
0x13: {  	[tilespmem:s12], [sflag:$0x1] =	stream.indirect.gather [hbm4b:s7+s8], $0x40, s11, s8, $0xb8;
	[tilespmem:$0x10400] =	vst v63  }
0x14: {  	s13 =	simm.s32 $0x180;
	s14 =	simm.s32 $0x6400  }
0x15: {  	[tilespmem:s14], [sflag:$0x1] =	stream.indirect.gather [hbm4b:s7+s8], $0x40, s13, s8, $0xb8;
	[tilespmem:$0x10400] =	vst v63  }
0x16: {  	s16 =	simm.s32 $0x8400;
	s15 =	sadd.s32 $0x3800, s25  }
0x17: {  	[tilespmem:s16], [sflag:$0x1] =	stream.indirect.gather [hbm4b:s15+s8], $0x40, s6, s8, $0xb8;
	[tilespmem:$0x10400] =	vst v63  }
0x18: {  	s17 =	simm.s32 $0x280;
	s18 =	simm.s32 $0xA400  }
0x19: {  	[tilespmem:s18], [sflag:$0x1] =	stream.indirect.gather [hbm4b:s15+s8], $0x40, s17, s8, $0xb8;
	[tilespmem:$0x10400] =	vst v63  }
0x1a: {  	s19 =	simm.s32 $0x300;
	s20 =	simm.s32 $0xC400  }
0x1b: {  	[tilespmem:s20], [sflag:$0x1] =	stream.indirect.gather [hbm4b:s15+s8], $0x40, s19, s8, $0xb8;
	[tilespmem:$0x10400] =	vst v63  }
0x1c: {  	s21 =	simm.s32 $0x380;
	s22 =	simm.s32 $0xE400;
	s23 =	simm.s32 $0x1  }
0x1d: {  	[tilespmem:s22], [sflag:$0x1] =	stream.indirect.gather [hbm4b:s15+s8], $0x40, s21, s8, $0xb8;
	[tilespmem:$0x10400] =	vst v63  }
0x1e: {  	_ =	swait.ge [sflag:s23], $0x2000  }
0x1f: {  	[sflag:s23] =	ssyncset.done $0x0  }
0x20: {  	[sflag:s23] =	ssyncadd.s32 $0xFFFFE000  }
0x21: {  	_ =	swait.ge [sflag:s23], $0x2000  }
0x22: {  	[sflag:s23] =	ssyncset.done $0x0  }
0x23: {  	[sflag:s23] =	ssyncadd.s32 $0xFFFFE000  }
0x24: {  	_ =	swait.ge [sflag:s23], $0x2000  }
0x25: {  	[sflag:s23] =	ssyncset.done $0x0  }
0x26: {  	[sflag:s23] =	ssyncadd.s32 $0xFFFFE000  }
0x27: {  	_ =	swait.ge [sflag:s23], $0x2000  }
0x28: {  	[sflag:s23] =	ssyncset.done $0x0  }
0x29: {  	[sflag:s23] =	ssyncadd.s32 $0xFFFFE000  }
0x2a: {  	_ =	swait.ge [sflag:s23], $0x2000  }
0x2b: {  	[sflag:s23] =	ssyncset.done $0x0  }
0x2c: {  	[sflag:s23] =	ssyncadd.s32 $0xFFFFE000  }
0x2d: {  	_ =	swait.ge [sflag:s23], $0x2000  }
0x2e: {  	[sflag:s23] =	ssyncset.done $0x0  }
0x2f: {  	[sflag:s23] =	ssyncadd.s32 $0xFFFFE000  }
0x30: {  	_ =	swait.ge [sflag:s23], $0x2000  }
0x31: {  	[sflag:s23] =	ssyncset.done $0x0  }
0x32: {  	s31 =	ssub.s32 $0x2, s24;
	[sflag:s23] =	ssyncadd.s32 $0xFFFFE000  }
0x33: {  	s26 =	sshll.u32 s26, $0xC;
	s28 =	sshrl.u32 s31, $0x1;
	_ =	swait.ge [sflag:s23], $0x2000  }
0x34: {  	s25 =	sadd.s32 s26, s25;
	s26 =	ssub.s32 s31, s28;
	[sflag:s23] =	ssyncset.done $0x0  }
0x35: {  	s24 =	sadd.s32 $0x5800, s25;
	s26 =	smax.u32 s26, $0x1;
	[sflag:s23] =	ssyncadd.s32 $0xFFFFE000  }
0x36: {  	[hbm4b:s24+s2] =	stream.linear.scatter [tilespmem:s9], [sflag:$0x2], $0x8000, $0x38;
	[tilespmem:$0x10400] =	vst v63  }
0x37: {  	p0 =	sne.s32 s26, $0x1;
	_ =	swait.ge [sflag:s3], $0x8000  }
.Ltmp0:
0x38: {  	[sflag:s3] =	ssyncset.done $0x0;
	(pc) =	sbr.rel @!p0 .LBB2_2-.Ltmp0, $4  }
0x39: {  	s25 =	sadd.s32 $0x25800, s25;
	[sflag:s3] =	ssyncadd.s32 $0xFFFF8000  }
0x3a: {  	[hbm4b:s25+s2] =	stream.linear.scatter [tilespmem:s16], [sflag:$0x2], $0x8000, $0x38;
	[tilespmem:$0x10400] =	vst v63  }
0x3b: {  	_ =	swait.ge [sflag:s3], $0x8000  }
0x3c: {  	s26 =	sadd.s32 $0xFFFFFFFF, s26;
	[sflag:s3] =	ssyncset.done $0x0  }
.LBB2_1:
0x3d: {  	p0 =	sne.s32 s26, $0x1;
	s26 =	sadd.s32 $0xFFFFFFFF, s26;
	[sflag:s3] =	ssyncadd.s32 $0xFFFF8000  }
0x3e: {  	[tilespmem:s2], [sflag:$0x2] =	stream.linear.gather [hbm4b:s4+s2], $0x200, $0x38;
	[tilespmem:$0x10400] =	vst v63  }
0x3f: {  	_ =	swait.ge [sflag:s3], $0x200  }
0x40: {  	[sflag:s3] =	ssyncset.done $0x0  }
0x41: {  	[sflag:s3] =	ssyncadd.s32 $0xFFFFFE00  }
0x42: {  	[tilespmem:s6], [sflag:$0x2] =	stream.linear.gather [hbm4b:s5+s2], $0x200, $0x38;
	[tilespmem:$0x10400] =	vst v63  }
0x43: {  	_ =	swait.ge [sflag:s3], $0x200  }
0x44: {  	[sflag:s3] =	ssyncset.done $0x0  }
0x45: {  	[sflag:s3] =	ssyncadd.s32 $0xFFFFFE00  }
0x46: {  	[tilespmem:s9], [sflag:$0x1] =	stream.indirect.gather [hbm4b:s7+s8], $0x40, s2, s8, $0xb8;
	[tilespmem:$0x10400] =	vst v63  }
0x47: {  	_ = 	snop  }
0x48: {  	[tilespmem:s10], [sflag:$0x1] =	stream.indirect.gather [hbm4b:s7+s8], $0x40, s8, s8, $0xb8;
	[tilespmem:$0x10400] =	vst v63  }
0x49: {  	_ = 	snop  }
0x4a: {  	[tilespmem:s12], [sflag:$0x1] =	stream.indirect.gather [hbm4b:s7+s8], $0x40, s11, s8, $0xb8;
	[tilespmem:$0x10400] =	vst v63  }
0x4b: {  	_ = 	snop  }
0x4c: {  	[tilespmem:s14], [sflag:$0x1] =	stream.indirect.gather [hbm4b:s7+s8], $0x40, s13, s8, $0xb8;
	[tilespmem:$0x10400] =	vst v63  }
0x4d: {  	_ = 	snop  }
0x4e: {  	[tilespmem:s16], [sflag:$0x1] =	stream.indirect.gather [hbm4b:s15+s8], $0x40, s6, s8, $0xb8;
	[tilespmem:$0x10400] =	vst v63  }
0x4f: {  	_ = 	snop  }
0x50: {  	[tilespmem:s18], [sflag:$0x1] =	stream.indirect.gather [hbm4b:s15+s8], $0x40, s17, s8, $0xb8;
	[tilespmem:$0x10400] =	vst v63  }
0x51: {  	_ = 	snop  }
0x52: {  	[tilespmem:s20], [sflag:$0x1] =	stream.indirect.gather [hbm4b:s15+s8], $0x40, s19, s8, $0xb8;
	[tilespmem:$0x10400] =	vst v63  }
0x53: {  	_ = 	snop  }
0x54: {  	[tilespmem:s22], [sflag:$0x1] =	stream.indirect.gather [hbm4b:s15+s8], $0x40, s21, s8, $0xb8;
	[tilespmem:$0x10400] =	vst v63  }
0x55: {  	_ =	swait.ge [sflag:s23], $0x2000  }
0x56: {  	[sflag:s23] =	ssyncset.done $0x0  }
0x57: {  	[sflag:s23] =	ssyncadd.s32 $0xFFFFE000  }
0x58: {  	_ =	swait.ge [sflag:s23], $0x2000  }
0x59: {  	[sflag:s23] =	ssyncset.done $0x0  }
0x5a: {  	[sflag:s23] =	ssyncadd.s32 $0xFFFFE000  }
0x5b: {  	_ =	swait.ge [sflag:s23], $0x2000  }
0x5c: {  	[sflag:s23] =	ssyncset.done $0x0  }
0x5d: {  	[sflag:s23] =	ssyncadd.s32 $0xFFFFE000  }
0x5e: {  	_ =	swait.ge [sflag:s23], $0x2000  }
0x5f: {  	[sflag:s23] =	ssyncset.done $0x0  }
0x60: {  	[sflag:s23] =	ssyncadd.s32 $0xFFFFE000  }
0x61: {  	_ =	swait.ge [sflag:s23], $0x2000  }
0x62: {  	[sflag:s23] =	ssyncset.done $0x0  }
0x63: {  	[sflag:s23] =	ssyncadd.s32 $0xFFFFE000  }
0x64: {  	_ =	swait.ge [sflag:s23], $0x2000  }
0x65: {  	[sflag:s23] =	ssyncset.done $0x0  }
0x66: {  	[sflag:s23] =	ssyncadd.s32 $0xFFFFE000  }
0x67: {  	_ =	swait.ge [sflag:s23], $0x2000  }
0x68: {  	[sflag:s23] =	ssyncset.done $0x0  }
0x69: {  	[sflag:s23] =	ssyncadd.s32 $0xFFFFE000  }
0x6a: {  	_ =	swait.ge [sflag:s23], $0x2000  }
0x6b: {  	[sflag:s23] =	ssyncset.done $0x0  }
0x6c: {  	[sflag:s23] =	ssyncadd.s32 $0xFFFFE000  }
0x6d: {  	[hbm4b:s24+s2] =	stream.linear.scatter [tilespmem:s9], [sflag:$0x2], $0x8000, $0x38;
	[tilespmem:$0x10400] =	vst v63  }
0x6e: {  	_ =	swait.ge [sflag:s3], $0x8000  }
.Ltmp1:
0x6f: {  	[sflag:s3] =	ssyncset.done $0x0;
	(pc) =	sbr.rel @p0 .LBB2_1-.Ltmp1, $4  }
0x70: {  	[sflag:s3] =	ssyncadd.s32 $0xFFFF8000  }
0x71: {  	[hbm4b:s25+s2] =	stream.linear.scatter [tilespmem:s16], [sflag:$0x2], $0x8000, $0x38;
	[tilespmem:$0x10400] =	vst v63  }
0x72: {  	_ =	swait.ge [sflag:s3], $0x8000  }
0x73: {  	[sflag:s3] =	ssyncset.done $0x0  }
.LBB2_2:
0x74: {  	[sflag:s3] =	ssyncadd.s32 $0xFFFF8000  }
0x75: {  	_ =	sfence.sel $0x180000  }
0x76: {  	[bflag:$0x0] =	sbarrier.arrive $0xFFFF  }
0x77: {  	p0 =	sne.s32 s0, $0x0;
	_ =	strace $0x90000047  }
0x78: {  	s0 =	sadd.s32 @!p0 $0x100000, s1;
	[bflag:$0x2] =	sbarrier.arrive $0xFFFF  }
0x79: {  	[sflag:s0] =	ssyncadd.tile.s32 @!p0 $0x1;
	_ =	shalt  }
.Lfunc_end2:
_tile_overlayer_lowered:
.L_overlay_start_2:
0x7a: {  	(tag) =	ssettag $0x2  }
0x7b: {  	s0 =	rddreg [dreg:$0x0];
	s2 =	stileid.u32  }
0x7c: {  	s1 =	rddreg [dreg:$0x1];
	p0 =	sne.s32 s2, $0x0  }
0x7d: {  	s3 =	rddreg [dreg:$0x2];
	[bflag:$0x3] =	sbarrier.arrive $0xFFFF;
	s2 =	simm.s32 @!p0 $0x1C02  }
0x7e: {  	[timem:s3], [sflag:s2] =	dma.local @!p0 [hbm:s0], s1  }
0x7f: {  	s0 =	simm.s32 @!p0 $0x2  }
0x80: {  	_ =	swait.ge @!p0 [sflag:s0], s1  }
0x81: {  	s1 =	ssub.s32 @!p0 $0x0, s1;
	[sflag:s0] =	ssyncset.done @!p0 $0x0  }
0x82: {  	[sflag:s0] =	ssyncadd.s32 @!p0 s1  }
0x83: {  	[bflag:$0x3] =	sbarrier.arrive $0xFFFF  }
0x84: {  	_ =	shalt  }

</sc_bundles>
